<compile_context>
chip_gen: v7x
topology: tpu7x:2x2x1
jax: 0.10.2.dev20260603
libtpu: 0.0.44.dev20260713+nightly
codegen_flags: <defaults>
</compile_context>

<pallas_src>
import functools

import jax
import jax.numpy as jnp
from jax import lax
from jax.experimental import pallas as pl
from jax.experimental.pallas import tpu as pltpu
from jax.experimental.pallas import tpu_sc as plsc

L = 2048
D = 1024
H = 16
DH = 64
KB = 4096
ED = 2048
TOPK = 100
KPAD = 128
THETA = 1000000.0
NEG = -1e9
SCALE = 0.125

RB = 256
NRB = L // RB
KBB = 512
NKBB = KB // KBB

NW = 16
PER_W = KB // NW


def _tile16(x):
    for _ in range(4):
        x = jnp.concatenate([x, x], axis=1)
    return x


def _proj_body(hs_ref, wq_ref, bq_ref, wk_ref, bk_ref, wv_ref, bv_ref,
               wqn_ref, bqn_ref, c_ref, s_ref,
               qr_ref, kr_ref, v_ref, qn_ref, qsum_ref):
    x = hs_ref[...]
    q = jnp.dot(x, wq_ref[...], preferred_element_type=jnp.float32) + bq_ref[...]
    k = jnp.dot(x, wk_ref[...], preferred_element_type=jnp.float32) + bk_ref[...]
    v = jnp.dot(x, wv_ref[...], preferred_element_type=jnp.float32) + bv_ref[...]
    qn = jnp.dot(x, wqn_ref[...], preferred_element_type=jnp.float32) + bqn_ref[...]
    c = c_ref[...]
    s = s_ref[...]
    z = jnp.zeros_like(s)
    cos = _tile16(jnp.concatenate([c, c], axis=1))
    s1 = _tile16(jnp.concatenate([-s, z], axis=1))
    s2 = _tile16(jnp.concatenate([z, s], axis=1))

    def rope(t):
        lro = jnp.concatenate([t[:, 32:], t[:, :32]], axis=1)
        rro = jnp.concatenate([t[:, -32:], t[:, :-32]], axis=1)
        return t * cos + lro * s1 + rro * s2

    qr_ref[...] = rope(q)
    kr_ref[...] = rope(k)
    v_ref[...] = v
    qn_ref[...] = qn

    @pl.when(pl.program_id(0) == 0)
    def _():
        qsum_ref[...] = jnp.zeros_like(qsum_ref)

    qn_r = qn.astype(jnp.bfloat16).astype(jnp.float32)
    qsum_ref[...] += jnp.sum(qn_r, axis=0, keepdims=True)


def _scores_body(ek_ref, wkn_ref, bkn_ref, qsum_ref, kbk_ref, sc_ref):
    y = jnp.dot(ek_ref[...], wkn_ref[...], preferred_element_type=jnp.float32)
    y = y + bkn_ref[...]
    mu = jnp.mean(y, axis=1, keepdims=True)
    yc = y - mu
    var = jnp.mean(yc * yc, axis=1, keepdims=True)
    kbk = yc * lax.rsqrt(var + 1e-5)
    kbk_ref[...] = kbk
    kbk_r = kbk.astype(jnp.bfloat16).astype(jnp.float32)
    sc_ref[...] = (SCALE * jnp.sum(kbk_r * qsum_ref[...], axis=1))[None, None, :]


def _kbv_body(vr_ref, w_ref, b_ref, o_ref):
    o_ref[...] = (jnp.dot(vr_ref[...], w_ref[...],
                          preferred_element_type=jnp.float32) + b_ref[...])


def _attn_body(qn_ref, qr_ref, kr_ref, v_ref, kbk_ref, kbv_ref, o_ref):
    rb = pl.program_id(1)
    bf = jnp.bfloat16
    f32 = jnp.float32
    dn = (((1,), (1,)), ((), ()))
    qn = qn_ref[0].astype(bf)
    qr = qr_ref[0].astype(bf)
    lkb = lax.dot_general(qn, kbk_ref[0].astype(bf), dn,
                          preferred_element_type=f32) * SCALE
    colk = lax.broadcasted_iota(jnp.int32, (RB, KPAD), 1)
    lkb = jnp.where(colk >= TOPK, NEG, lkb)
    ls = lax.dot_general(qr, kr_ref[0].astype(bf), dn,
                         preferred_element_type=f32) * SCALE
    rows = rb * RB + lax.broadcasted_iota(jnp.int32, (RB, L), 0)
    cols = lax.broadcasted_iota(jnp.int32, (RB, L), 1)
    ls = jnp.where(cols > rows, NEG, ls)
    m = jnp.maximum(jnp.max(lkb, axis=1), jnp.max(ls, axis=1))[:, None]
    ekb = jnp.exp(lkb - m)
    es = jnp.exp(ls - m)
    den = (jnp.sum(ekb, axis=1) + jnp.sum(es, axis=1))[:, None]
    o = (lax.dot_general(ekb.astype(bf), kbv_ref[0].astype(bf),
                         (((1,), (0,)), ((), ())),
                         preferred_element_type=f32) +
         lax.dot_general(es.astype(bf), v_ref[0].astype(bf),
                         (((1,), (0,)), ((), ())),
                         preferred_element_type=f32))
    o_ref[0] = o / den


def _wo_body(x_ref, wo_ref, o_ref):
    o_ref[...] = jnp.dot(x_ref[...], wo_ref[...],
                         preferred_element_type=jnp.float32)


def _lane_sum(v):
    s = v[0]
    for i in range(1, 16):
        s = s + v[i]
    return s


def _sc_body(scores_hbm, kbk_hbm, ev_hbm, kbkt_hbm, vrows_hbm, svec, keys):
    cid = lax.axis_index("c")
    sid = lax.axis_index("s")
    wid = cid * 16 + sid
    U = 8
    nvo = KB // 16 // U

    pltpu.sync_copy(scores_hbm, svec)

    def mk(jo, _):
        for u in range(U):
            j = jo * U + u
            b = lax.bitcast_convert_type(svec[pl.ds(j * 16, 16)], jnp.int32)
            keys[pl.ds(j * 16, 16)] = b ^ jnp.where(
                b < 0, jnp.int32(0x7FFFFFFF), jnp.int32(0))
        return 0

    lax.fori_loop(0, nvo, mk, 0)

    lane = lax.iota(jnp.int32, 16)

    def bis(_, carry):
        lo, hi = carry
        mid = (lo >> 1) + (hi >> 1) + ((lo | hi) & jnp.int32(1))

        def cb(jo, acc):
            for u in range(U):
                kv = keys[pl.ds((jo * U + u) * 16, 16)]
                acc = acc + jnp.where(kv >= mid, 1, 0).astype(jnp.int32)
            return acc

        acc = lax.fori_loop(0, nvo, cb, jnp.zeros((16,), jnp.int32))
        ge = _lane_sum(acc) >= TOPK
        return jnp.where(ge, mid, lo), jnp.where(ge, hi, mid - 1)

    kth, _ = lax.fori_loop(
        0, 32, bis, (jnp.int32(-2147483647 - 1), jnp.int32(2147483647)))

    def cgt(jo, acc):
        for u in range(U):
            kv = keys[pl.ds((jo * U + u) * 16, 16)]
            acc = acc + jnp.where(kv > kth, 1, 0).astype(jnp.int32)
        return acc

    n_gt = _lane_sum(lax.fori_loop(0, nvo, cgt, jnp.zeros((16,), jnp.int32)))
    quota = jnp.int32(TOPK) - n_gt

    def bis2(_, carry):
        lo, hi = carry
        mid = (lo + hi) >> 1

        def cb(jo, acc):
            for u in range(U):
                j = jo * U + u
                kv = keys[pl.ds(j * 16, 16)]
                gidx = lane + j * 16
                acc = acc + jnp.where(
                    kv == kth,
                    jnp.where(gidx <= mid, 1, 0), 0).astype(jnp.int32)
            return acc

        acc = lax.fori_loop(0, nvo, cb, jnp.zeros((16,), jnp.int32))
        ge = _lane_sum(acc) >= quota
        return jnp.where(ge, lo, mid + 1), jnp.where(ge, mid, hi)

    tlo, _ = lax.fori_loop(0, 12, bis2, (jnp.int32(0), jnp.int32(KB - 1)))
    tidx = tlo
    has_q = quota > 0
    hq_i = jnp.where(has_q, jnp.int32(1), jnp.int32(0))

    def selv(kv, gidx):
        s1 = jnp.where(kv > kth, 1, 0).astype(jnp.int32)
        s2 = jnp.where(kv == kth,
                       jnp.where(gidx <= tidx, hq_i, 0), 0).astype(jnp.int32)
        return s1 + s2

    def cb0(jo, acc):
        for u in range(U):
            j = jo * U + u
            kv = keys[pl.ds(j * 16, 16)]
            gidx = lane + j * 16
            acc = acc + selv(kv, gidx)
        return acc

    base = _lane_sum(
        lax.fori_loop(0, wid, cb0, jnp.zeros((16,), jnp.int32)))

    def outer(j, cnt):
        vj = wid * 8 + j
        kv = keys[pl.ds(vj * 16, 16)]
        for ln in range(16):
            ks = kv[ln]
            gi = vj * 16 + ln
            s_i = (jnp.where(ks > kth, 1, 0).astype(jnp.int32) +
                   jnp.where(ks == kth,
                             jnp.where(gi <= tidx, hq_i, 0),
                             0).astype(jnp.int32))
            p = base + cnt

            @pl.when(s_i > 0)
            def _(gi=gi, p=p):
                pltpu.sync_copy(kbk_hbm.at[pl.ds(gi, 1)],
                                kbkt_hbm.at[pl.ds(p, 1)])
                pltpu.sync_copy(ev_hbm.at[pl.ds(gi, 1)],
                                vrows_hbm.at[pl.ds(p, 1)])

            cnt = cnt + s_i
        return cnt

    lax.fori_loop(0, 8, outer, jnp.int32(0))


def _sc_topk_gather(scores, kbk, ev):
    mesh = plsc.VectorSubcoreMesh(core_axis_name="c", subcore_axis_name="s")
    f = functools.partial(
        pl.kernel, mesh=mesh,
        out_type=[
            jax.ShapeDtypeStruct((KPAD, D), jnp.float32),
            jax.ShapeDtypeStruct((KPAD, ED), jnp.float32),
        ],
        scratch_types=[
            pltpu.VMEM((KB,), jnp.float32),
            pltpu.VMEM((KB,), jnp.int32),
        ],
    )(_sc_body)
    return f(scores, kbk, ev)


def kernel(hidden_states, key_embds, value_embds, position_ids,
           Wq, bq, Wk, bk, Wv, bv, Wo,
           Wq_new, bq_new, Wk_new, bk_new, Wv_new, bv_new):
    f32 = jnp.float32
    hs = hidden_states[0]
    ek = key_embds[0]
    ev = value_embds[0]
    pos = position_ids[0].astype(f32)

    inv_freq = 1.0 / (THETA ** (jnp.arange(0, DH, 2, dtype=f32) / DH))
    fr = pos[:, None] * inv_freq[None, :]
    c, s = jnp.cos(fr), jnp.sin(fr)

    b2 = lambda b: b.reshape(1, D)

    row_spec = pl.BlockSpec((RB, D), lambda i: (i, 0))
    w_spec = pl.BlockSpec((D, D), lambda i: (0, 0))
    b_spec = pl.BlockSpec((1, D), lambda i: (0, 0))
    cs_spec = pl.BlockSpec((RB, DH // 2), lambda i: (i, 0))
    qr, kr, v, qn, qsum = pl.pallas_call(
        _proj_body,
        grid=(NRB,),
        in_specs=[row_spec, w_spec, b_spec, w_spec, b_spec, w_spec, b_spec,
                  w_spec, b_spec, cs_spec, cs_spec],
        out_specs=[row_spec, row_spec, row_spec, row_spec,
                   pl.BlockSpec((1, D), lambda i: (0, 0))],
        out_shape=[jax.ShapeDtypeStruct((L, D), f32)] * 4 +
                  [jax.ShapeDtypeStruct((1, D), f32)],
    )(hs, Wq, b2(bq), Wk, b2(bk), Wv, b2(bv), Wq_new, b2(bq_new),
      c, s)

    kbk, sc2d = pl.pallas_call(
        _scores_body,
        grid=(NKBB,),
        in_specs=[pl.BlockSpec((KBB, ED), lambda i: (i, 0)),
                  pl.BlockSpec((ED, D), lambda i: (0, 0)),
                  pl.BlockSpec((1, D), lambda i: (0, 0)),
                  pl.BlockSpec((1, D), lambda i: (0, 0))],
        out_specs=[pl.BlockSpec((KBB, D), lambda i: (i, 0)),
                   pl.BlockSpec((1, 1, KBB), lambda i: (i, 0, 0))],
        out_shape=[jax.ShapeDtypeStruct((KB, D), f32),
                   jax.ShapeDtypeStruct((NKBB, 1, KBB), f32)],
    )(ek, Wk_new, b2(bk_new), qsum)
    scores = sc2d.reshape(KB)

    kbkt, vrows = _sc_topk_gather(scores, kbk, ev)

    kbv = pl.pallas_call(
        _kbv_body,
        grid=(1,),
        in_specs=[pl.BlockSpec((KPAD, ED), lambda i: (0, 0)),
                  pl.BlockSpec((ED, D), lambda i: (0, 0)),
                  pl.BlockSpec((1, D), lambda i: (0, 0))],
        out_specs=pl.BlockSpec((KPAD, D), lambda i: (0, 0)),
        out_shape=jax.ShapeDtypeStruct((KPAD, D), f32),
    )(vrows, Wv_new, b2(bv_new))

    hm = lambda x: x.reshape(-1, H, DH).transpose(1, 0, 2)
    qn3, qr3, kr3, v3 = hm(qn), hm(qr), hm(kr), hm(v)
    kbk3, kbv3 = hm(kbkt), hm(kbv)

    hb_spec = pl.BlockSpec((1, RB, DH), lambda h, rb: (h, rb, 0))
    full_spec = pl.BlockSpec((1, L, DH), lambda h, rb: (h, 0, 0))
    kb_spec = pl.BlockSpec((1, KPAD, DH), lambda h, rb: (h, 0, 0))
    attno3 = pl.pallas_call(
        _attn_body,
        grid=(H, NRB),
        in_specs=[hb_spec, hb_spec, full_spec, full_spec, kb_spec, kb_spec],
        out_specs=hb_spec,
        out_shape=jax.ShapeDtypeStruct((H, L, DH), f32),
    )(qn3, qr3, kr3, v3, kbk3, kbv3)
    attno = attno3.transpose(1, 0, 2).reshape(L, D)

    out = pl.pallas_call(
        _wo_body,
        grid=(NRB,),
        in_specs=[row_spec, w_spec],
        out_specs=row_spec,
        out_shape=jax.ShapeDtypeStruct((L, D), f32),
    )(attno, Wo)

    return out[None]

# --- scband reference (transcript-rebuilt; emitter-appended) ---
"""Pipeline reference for scband-srkiqwen2-attention-7808250544181 (READ-ONLY COPY).

The authoritative reference and input builder live on the scoring server;
editing this copy changes nothing except your own understanding.
"""

import jax, jax.numpy as jnp
import numpy as np

B, L, D = 1, 2048, 1024
H, DH = 16, 64
KB, ED = 4096, 2048
TOPK = 100
THETA = 1000000.0
NEG = -1e9


def setup_inputs(seed: int = 0) -> dict:
    key = jax.random.key(seed)
    ks = jax.random.split(key, 20)
    s = 0.02
    inp = {
        'hidden_states': jax.random.normal(ks[0], (B, L, D), jnp.float32),
        'key_embds': jax.random.normal(ks[1], (B, KB, ED), jnp.float32),
        'value_embds': jax.random.normal(ks[2], (B, KB, ED), jnp.float32),
        'position_ids': jnp.broadcast_to(jnp.arange(L, dtype=jnp.int32)[None, :], (B, L)),
        'Wq': jax.random.normal(ks[3], (D, D), jnp.float32) * s,
        'bq': jnp.zeros((D,), jnp.float32),
        'Wk': jax.random.normal(ks[4], (D, D), jnp.float32) * s,
        'bk': jnp.zeros((D,), jnp.float32),
        'Wv': jax.random.normal(ks[5], (D, D), jnp.float32) * s,
        'bv': jnp.zeros((D,), jnp.float32),
        'Wo': jax.random.normal(ks[6], (D, D), jnp.float32) * s,
        'Wq_new': jax.random.normal(ks[7], (D, D), jnp.float32) * s,
        'bq_new': jnp.zeros((D,), jnp.float32),
        'Wk_new': jax.random.normal(ks[8], (ED, D), jnp.float32) * s,
        'bk_new': jnp.zeros((D,), jnp.float32),
        'Wv_new': jax.random.normal(ks[9], (ED, D), jnp.float32) * s,
        'bv_new': jnp.zeros((D,), jnp.float32),
    }
    return inp


def _rotate_half(x):
    x1, x2 = jnp.split(x, 2, axis=-1)
    return jnp.concatenate([-x2, x1], axis=-1)


def reference(hidden_states, key_embds, value_embds, position_ids, Wq, bq, Wk, bk, Wv, bv, Wo, Wq_new, bq_new, Wk_new, bk_new, Wv_new, bv_new):
    # self-attention projections
    q = (hidden_states @ Wq + bq).reshape(B, L, H, DH).transpose(0, 2, 1, 3)
    k = (hidden_states @ Wk + bk).reshape(B, L, H, DH).transpose(0, 2, 1, 3)
    v = (hidden_states @ Wv + bv).reshape(B, L, H, DH).transpose(0, 2, 1, 3)
    # rotary embedding (applied only to positional self-attention q/k)
    pos = position_ids.astype(jnp.float32)
    inv_freq = 1.0 / (THETA ** (jnp.arange(0, DH, 2, dtype=jnp.float32) / DH))
    freqs = pos[:, :, None] * inv_freq[None, None, :]
    emb = jnp.concatenate([freqs, freqs], axis=-1)
    cos = jnp.cos(emb)[:, None, :, :]
    sin = jnp.sin(emb)[:, None, :, :]
    q = q * cos + _rotate_half(q) * sin
    k = k * cos + _rotate_half(k) * sin
    # separate query head for KB retrieval (no rotary: KB entries are positionless)
    q_new = (hidden_states @ Wq_new + bq_new).reshape(B, L, H, DH).transpose(0, 2, 1, 3)
    # KB key/value projectors
    kbk = key_embds @ Wk_new + bk_new  # [B, KB, D]
    mu = kbk.mean(-1, keepdims=True)
    var = ((kbk - mu) ** 2).mean(-1, keepdims=True)
    kbk = (kbk - mu) / jnp.sqrt(var + 1e-5)  # LayerNorm, no affine
    kbk = kbk.reshape(B, KB, H, DH).transpose(0, 2, 1, 3)  # [B,H,KB,DH]
    kbv = (value_embds @ Wv_new + bv_new).reshape(B, KB, H, DH).transpose(0, 2, 1, 3)
    scale = 1.0 / jnp.sqrt(jnp.float32(DH))
    # prune_key_value: retrieval scores + top-k over KB entries
    aw_kb = jnp.einsum('bhld,bhkd->bhlk', q_new, kbk) * scale  # [B,H,L,KB]
    scores = aw_kb.sum(axis=(1, 2))  # [B, KB]
    _, top_idx = jax.lax.top_k(scores, TOPK)
    top_idx = jnp.sort(top_idx, axis=-1)  # [B, TOPK]
    idx_kv = jnp.broadcast_to(top_idx[:, None, :, None], (B, H, TOPK, DH))
    kbk_t = jnp.take_along_axis(kbk, idx_kv, axis=2)
    kbv_t = jnp.take_along_axis(kbv, idx_kv, axis=2)
    idx_aw = jnp.broadcast_to(top_idx[:, None, None, :], (B, H, L, TOPK))
    aw_kb_t = jnp.take_along_axis(aw_kb, idx_aw, axis=3)
    # causal self-attention logits
    aw_self = jnp.einsum('bhld,bhkd->bhlk', q, k) * scale
    causal = jnp.where(jnp.tril(jnp.ones((L, L), bool)), 0.0, NEG)
    aw_self = aw_self + causal[None, None, :, :]
    # rectangular softmax over [KB-topk | self]
    aw = jax.nn.softmax(jnp.concatenate([aw_kb_t, aw_self], axis=-1), axis=-1)
    out = jnp.einsum('bhlk,bhkd->bhld', aw[..., :TOPK], kbv_t) + jnp.einsum('bhlk,bhkd->bhld', aw[..., TOPK:], v)
    out = out.transpose(0, 2, 1, 3).reshape(B, L, D)
    attn_output = out @ Wo
    return attn_output

if __name__ == "__main__":
    import jax
    _d = setup_inputs()
    print(jax.jit(kernel)(*tuple(_d.values())))

</pallas_src>

<mosaic_0001>
#map = affine_map<(d0, d1) -> (0)>
#map1 = affine_map<(d0, d1) -> (0, 0)>
module attributes {stable_mosaic.version = 14 : i64} {
  func.func @_sc_body(%arg0: i32, %arg1: i32, %arg2: memref<4096xf32, #tpu.memory_space<hbm>>, %arg3: memref<4096x1024xf32, #tpu.memory_space<hbm>>, %arg4: memref<4096x2048xf32, #tpu.memory_space<hbm>>, %arg5: memref<128x1024xf32, #tpu.memory_space<hbm>>, %arg6: memref<128x2048xf32, #tpu.memory_space<hbm>>, %arg7: memref<4096xf32, #tpu.memory_space<vmem>>, %arg8: memref<4096xi32, #tpu.memory_space<vmem>>) attributes {dimension_semantics = [#tpu.dimension_semantics<core_parallel>, #tpu.dimension_semantics<subcore_parallel>], iteration_bounds = array<i64: 2, 16>, scalar_prefetch = 0 : i64, scratch_operands = 2 : i64, tpu.core_type = #tpu.core_type<sc_vector_subcore>, window_params = [{transform_indices = #map}, {transform_indices = #map1}, {transform_indices = #map1}, {transform_indices = #map1}, {transform_indices = #map1}]} {
    %mul3A = arith.constant 16 : i32
    %mul3A_0 = arith.muli %arg0, %mul3A : i32
    %add3A = arith.addi %mul3A_0, %arg1 : i32
    "tpu.region"() ({
      %run_scoped3A = tpu.sem_alloc : memref<!tpu.dma_semaphore, #tpu.memory_space<semaphore_mem>>
      tpu.enqueue_dma source(%arg2 : memref<4096xf32, #tpu.memory_space<hbm>>) target(%arg7 : memref<4096xf32, #tpu.memory_space<vmem>>) target_semaphore(%run_scoped3A : memref<!tpu.dma_semaphore, #tpu.memory_space<semaphore_mem>>)
      tpu.wait_dma2 semaphore(%run_scoped3A : memref<!tpu.dma_semaphore, #tpu.memory_space<semaphore_mem>>) src(%arg2 : memref<4096xf32, #tpu.memory_space<hbm>>) dst(%arg7 : memref<4096xf32, #tpu.memory_space<vmem>>)
      tpu.yield
    }) : () -> ()
    %scan3A = arith.constant 0 : i32
    %scan3A_1 = arith.constant 0 : i32
    %scan3A_2 = arith.constant 32 : i32
    %scan3A_3 = arith.addi %scan3A_1, %scan3A_2 : i32
    %scan3A_4 = arith.constant 1 : i32
    %scan3A_5 = scf.for %scan3A_144 = %scan3A_1 to %scan3A_3 step %scan3A_4 iter_args(%scan3A_145 = %scan3A) -> (i32)  : i32 {
      %mul3A_146 = arith.constant 8 : i32
      %mul3A_147 = arith.muli %scan3A_144, %mul3A_146 : i32
      %add3A_148 = arith.constant 0 : i32
      %add3A_149 = arith.addi %mul3A_147, %add3A_148 : i32
      %mul3A_150 = arith.constant 16 : i32
      %mul3A_151 = arith.muli %add3A_149, %mul3A_150 : i32
      %get3A = arith.index_cast %mul3A_151 : i32 to index
      %get3A_152 = tpu.vector_load %arg7[%get3A] {strides = array<i32>} : memref<4096xf32, #tpu.memory_space<vmem>>, vector<16xf32>,
      %get3A_153 = vector.shape_cast %get3A_152 : vector<16xf32> to vector<16xf32>
      %bitcast_convert_type3A = tpu.bitcast %get3A_153 : vector<16xf32> -> vector<16xi32>
      %lt3A = arith.constant 0 : i32
      %lt3A_154 = vector.broadcast %lt3A : i32 to vector<16xi32>
      %lt3A_155 = arith.cmpi slt, %bitcast_convert_type3A, %lt3A_154 : vector<16xi32>
      %jit3A_156 = arith.constant 2147483647 : i32
      %jit3A_157 = arith.constant 0 : i32
      %broadcast_in_dim3A_158 = vector.broadcast %jit3A_156 : i32 to vector<16xi32>
      %broadcast_in_dim3A_159 = vector.broadcast %jit3A_157 : i32 to vector<16xi32>
      %select_n3A_160 = arith.select %lt3A_155, %broadcast_in_dim3A_158, %broadcast_in_dim3A_159 : vector<16xi1>, vector<16xi32>
      %xor3A = arith.xori %bitcast_convert_type3A, %select_n3A_160 : vector<16xi32>
      %mul3A_161 = arith.constant 16 : i32
      %mul3A_162 = arith.muli %add3A_149, %mul3A_161 : i32
      %swap3A = arith.index_cast %mul3A_162 : i32 to index
      %swap3A_163 = tpu.vector_load %arg8[%swap3A] {strides = array<i32>} : memref<4096xi32, #tpu.memory_space<vmem>>, vector<16xi32>,
      %swap3A_164 = vector.shape_cast %swap3A_163 : vector<16xi32> to vector<16xi32>
      %swap3A_165 = vector.shape_cast %xor3A : vector<16xi32> to vector<16xi32>
      tpu.vector_store %arg8[%swap3A], %swap3A_165 {strides = array<i32>} : memref<4096xi32, #tpu.memory_space<vmem>>, vector<16xi32>,
      %mul3A_166 = arith.constant 8 : i32
      %mul3A_167 = arith.muli %scan3A_144, %mul3A_166 : i32
      %add3A_168 = arith.constant 1 : i32
      %add3A_169 = arith.addi %mul3A_167, %add3A_168 : i32
      %mul3A_170 = arith.constant 16 : i32
      %mul3A_171 = arith.muli %add3A_169, %mul3A_170 : i32
      %get3A_172 = arith.index_cast %mul3A_171 : i32 to index
      %get3A_173 = tpu.vector_load %arg7[%get3A_172] {strides = array<i32>} : memref<4096xf32, #tpu.memory_space<vmem>>, vector<16xf32>,
      %get3A_174 = vector.shape_cast %get3A_173 : vector<16xf32> to vector<16xf32>
      %bitcast_convert_type3A_175 = tpu.bitcast %get3A_174 : vector<16xf32> -> vector<16xi32>
      %lt3A_176 = arith.constant 0 : i32
      %lt3A_177 = vector.broadcast %lt3A_176 : i32 to vector<16xi32>
      %lt3A_178 = arith.cmpi slt, %bitcast_convert_type3A_175, %lt3A_177 : vector<16xi32>
      %jit3A_179 = arith.constant 2147483647 : i32
      %jit3A_180 = arith.constant 0 : i32
      %broadcast_in_dim3A_181 = vector.broadcast %jit3A_179 : i32 to vector<16xi32>
      %broadcast_in_dim3A_182 = vector.broadcast %jit3A_180 : i32 to vector<16xi32>
      %select_n3A_183 = arith.select %lt3A_178, %broadcast_in_dim3A_181, %broadcast_in_dim3A_182 : vector<16xi1>, vector<16xi32>
      %xor3A_184 = arith.xori %bitcast_convert_type3A_175, %select_n3A_183 : vector<16xi32>
      %mul3A_185 = arith.constant 16 : i32
      %mul3A_186 = arith.muli %add3A_169, %mul3A_185 : i32
      %swap3A_187 = arith.index_cast %mul3A_186 : i32 to index
      %swap3A_188 = tpu.vector_load %arg8[%swap3A_187] {strides = array<i32>} : memref<4096xi32, #tpu.memory_space<vmem>>, vector<16xi32>,
      %swap3A_189 = vector.shape_cast %swap3A_188 : vector<16xi32> to vector<16xi32>
      %swap3A_190 = vector.shape_cast %xor3A_184 : vector<16xi32> to vector<16xi32>
      tpu.vector_store %arg8[%swap3A_187], %swap3A_190 {strides = array<i32>} : memref<4096xi32, #tpu.memory_space<vmem>>, vector<16xi32>,
      %mul3A_191 = arith.constant 8 : i32
      %mul3A_192 = arith.muli %scan3A_144, %mul3A_191 : i32
      %add3A_193 = arith.constant 2 : i32
      %add3A_194 = arith.addi %mul3A_192, %add3A_193 : i32
      %mul3A_195 = arith.constant 16 : i32
      %mul3A_196 = arith.muli %add3A_194, %mul3A_195 : i32
      %get3A_197 = arith.index_cast %mul3A_196 : i32 to index
      %get3A_198 = tpu.vector_load %arg7[%get3A_197] {strides = array<i32>} : memref<4096xf32, #tpu.memory_space<vmem>>, vector<16xf32>,
      %get3A_199 = vector.shape_cast %get3A_198 : vector<16xf32> to vector<16xf32>
      %bitcast_convert_type3A_200 = tpu.bitcast %get3A_199 : vector<16xf32> -> vector<16xi32>
      %lt3A_201 = arith.constant 0 : i32
      %lt3A_202 = vector.broadcast %lt3A_201 : i32 to vector<16xi32>
      %lt3A_203 = arith.cmpi slt, %bitcast_convert_type3A_200, %lt3A_202 : vector<16xi32>
      %jit3A_204 = arith.constant 2147483647 : i32
      %jit3A_205 = arith.constant 0 : i32
      %broadcast_in_dim3A_206 = vector.broadcast %jit3A_204 : i32 to vector<16xi32>
      %broadcast_in_dim3A_207 = vector.broadcast %jit3A_205 : i32 to vector<16xi32>
      %select_n3A_208 = arith.select %lt3A_203, %broadcast_in_dim3A_206, %broadcast_in_dim3A_207 : vector<16xi1>, vector<16xi32>
      %xor3A_209 = arith.xori %bitcast_convert_type3A_200, %select_n3A_208 : vector<16xi32>
      %mul3A_210 = arith.constant 16 : i32
      %mul3A_211 = arith.muli %add3A_194, %mul3A_210 : i32
      %swap3A_212 = arith.index_cast %mul3A_211 : i32 to index
      %swap3A_213 = tpu.vector_load %arg8[%swap3A_212] {strides = array<i32>} : memref<4096xi32, #tpu.memory_space<vmem>>, vector<16xi32>,
      %swap3A_214 = vector.shape_cast %swap3A_213 : vector<16xi32> to vector<16xi32>
      %swap3A_215 = vector.shape_cast %xor3A_209 : vector<16xi32> to vector<16xi32>
      tpu.vector_store %arg8[%swap3A_212], %swap3A_215 {strides = array<i32>} : memref<4096xi32, #tpu.memory_space<vmem>>, vector<16xi32>,
      %mul3A_216 = arith.constant 8 : i32
      %mul3A_217 = arith.muli %scan3A_144, %mul3A_216 : i32
      %add3A_218 = arith.constant 3 : i32
      %add3A_219 = arith.addi %mul3A_217, %add3A_218 : i32
      %mul3A_220 = arith.constant 16 : i32
      %mul3A_221 = arith.muli %add3A_219, %mul3A_220 : i32
      %get3A_222 = arith.index_cast %mul3A_221 : i32 to index
      %get3A_223 = tpu.vector_load %arg7[%get3A_222] {strides = array<i32>} : memref<4096xf32, #tpu.memory_space<vmem>>, vector<16xf32>,
      %get3A_224 = vector.shape_cast %get3A_223 : vector<16xf32> to vector<16xf32>
      %bitcast_convert_type3A_225 = tpu.bitcast %get3A_224 : vector<16xf32> -> vector<16xi32>
      %lt3A_226 = arith.constant 0 : i32
      %lt3A_227 = vector.broadcast %lt3A_226 : i32 to vector<16xi32>
      %lt3A_228 = arith.cmpi slt, %bitcast_convert_type3A_225, %lt3A_227 : vector<16xi32>
      %jit3A_229 = arith.constant 2147483647 : i32
      %jit3A_230 = arith.constant 0 : i32
      %broadcast_in_dim3A_231 = vector.broadcast %jit3A_229 : i32 to vector<16xi32>
      %broadcast_in_dim3A_232 = vector.broadcast %jit3A_230 : i32 to vector<16xi32>
      %select_n3A_233 = arith.select %lt3A_228, %broadcast_in_dim3A_231, %broadcast_in_dim3A_232 : vector<16xi1>, vector<16xi32>
      %xor3A_234 = arith.xori %bitcast_convert_type3A_225, %select_n3A_233 : vector<16xi32>
      %mul3A_235 = arith.constant 16 : i32
      %mul3A_236 = arith.muli %add3A_219, %mul3A_235 : i32
      %swap3A_237 = arith.index_cast %mul3A_236 : i32 to index
      %swap3A_238 = tpu.vector_load %arg8[%swap3A_237] {strides = array<i32>} : memref<4096xi32, #tpu.memory_space<vmem>>, vector<16xi32>,
      %swap3A_239 = vector.shape_cast %swap3A_238 : vector<16xi32> to vector<16xi32>
      %swap3A_240 = vector.shape_cast %xor3A_234 : vector<16xi32> to vector<16xi32>
      tpu.vector_store %arg8[%swap3A_237], %swap3A_240 {strides = array<i32>} : memref<4096xi32, #tpu.memory_space<vmem>>, vector<16xi32>,
      %mul3A_241 = arith.constant 8 : i32
      %mul3A_242 = arith.muli %scan3A_144, %mul3A_241 : i32
      %add3A_243 = arith.constant 4 : i32
      %add3A_244 = arith.addi %mul3A_242, %add3A_243 : i32
      %mul3A_245 = arith.constant 16 : i32
      %mul3A_246 = arith.muli %add3A_244, %mul3A_245 : i32
      %get3A_247 = arith.index_cast %mul3A_246 : i32 to index
      %get3A_248 = tpu.vector_load %arg7[%get3A_247] {strides = array<i32>} : memref<4096xf32, #tpu.memory_space<vmem>>, vector<16xf32>,
      %get3A_249 = vector.shape_cast %get3A_248 : vector<16xf32> to vector<16xf32>
      %bitcast_convert_type3A_250 = tpu.bitcast %get3A_249 : vector<16xf32> -> vector<16xi32>
      %lt3A_251 = arith.constant 0 : i32
      %lt3A_252 = vector.broadcast %lt3A_251 : i32 to vector<16xi32>
      %lt3A_253 = arith.cmpi slt, %bitcast_convert_type3A_250, %lt3A_252 : vector<16xi32>
      %jit3A_254 = arith.constant 2147483647 : i32
      %jit3A_255 = arith.constant 0 : i32
      %broadcast_in_dim3A_256 = vector.broadcast %jit3A_254 : i32 to vector<16xi32>
      %broadcast_in_dim3A_257 = vector.broadcast %jit3A_255 : i32 to vector<16xi32>
      %select_n3A_258 = arith.select %lt3A_253, %broadcast_in_dim3A_256, %broadcast_in_dim3A_257 : vector<16xi1>, vector<16xi32>
      %xor3A_259 = arith.xori %bitcast_convert_type3A_250, %select_n3A_258 : vector<16xi32>
      %mul3A_260 = arith.constant 16 : i32
      %mul3A_261 = arith.muli %add3A_244, %mul3A_260 : i32
      %swap3A_262 = arith.index_cast %mul3A_261 : i32 to index
      %swap3A_263 = tpu.vector_load %arg8[%swap3A_262] {strides = array<i32>} : memref<4096xi32, #tpu.memory_space<vmem>>, vector<16xi32>,
      %swap3A_264 = vector.shape_cast %swap3A_263 : vector<16xi32> to vector<16xi32>
      %swap3A_265 = vector.shape_cast %xor3A_259 : vector<16xi32> to vector<16xi32>
      tpu.vector_store %arg8[%swap3A_262], %swap3A_265 {strides = array<i32>} : memref<4096xi32, #tpu.memory_space<vmem>>, vector<16xi32>,
      %mul3A_266 = arith.constant 8 : i32
      %mul3A_267 = arith.muli %scan3A_144, %mul3A_266 : i32
      %add3A_268 = arith.constant 5 : i32
      %add3A_269 = arith.addi %mul3A_267, %add3A_268 : i32
      %mul3A_270 = arith.constant 16 : i32
      %mul3A_271 = arith.muli %add3A_269, %mul3A_270 : i32
      %get3A_272 = arith.index_cast %mul3A_271 : i32 to index
      %get3A_273 = tpu.vector_load %arg7[%get3A_272] {strides = array<i32>} : memref<4096xf32, #tpu.memory_space<vmem>>, vector<16xf32>,
      %get3A_274 = vector.shape_cast %get3A_273 : vector<16xf32> to vector<16xf32>
      %bitcast_convert_type3A_275 = tpu.bitcast %get3A_274 : vector<16xf32> -> vector<16xi32>
      %lt3A_276 = arith.constant 0 : i32
      %lt3A_277 = vector.broadcast %lt3A_276 : i32 to vector<16xi32>
      %lt3A_278 = arith.cmpi slt, %bitcast_convert_type3A_275, %lt3A_277 : vector<16xi32>
      %jit3A_279 = arith.constant 2147483647 : i32
      %jit3A_280 = arith.constant 0 : i32
      %broadcast_in_dim3A_281 = vector.broadcast %jit3A_279 : i32 to vector<16xi32>
      %broadcast_in_dim3A_282 = vector.broadcast %jit3A_280 : i32 to vector<16xi32>
      %select_n3A_283 = arith.select %lt3A_278, %broadcast_in_dim3A_281, %broadcast_in_dim3A_282 : vector<16xi1>, vector<16xi32>
      %xor3A_284 = arith.xori %bitcast_convert_type3A_275, %select_n3A_283 : vector<16xi32>
      %mul3A_285 = arith.constant 16 : i32
      %mul3A_286 = arith.muli %add3A_269, %mul3A_285 : i32
      %swap3A_287 = arith.index_cast %mul3A_286 : i32 to index
      %swap3A_288 = tpu.vector_load %arg8[%swap3A_287] {strides = array<i32>} : memref<4096xi32, #tpu.memory_space<vmem>>, vector<16xi32>,
      %swap3A_289 = vector.shape_cast %swap3A_288 : vector<16xi32> to vector<16xi32>
      %swap3A_290 = vector.shape_cast %xor3A_284 : vector<16xi32> to vector<16xi32>
      tpu.vector_store %arg8[%swap3A_287], %swap3A_290 {strides = array<i32>} : memref<4096xi32, #tpu.memory_space<vmem>>, vector<16xi32>,
      %mul3A_291 = arith.constant 8 : i32
      %mul3A_292 = arith.muli %scan3A_144, %mul3A_291 : i32
      %add3A_293 = arith.constant 6 : i32
      %add3A_294 = arith.addi %mul3A_292, %add3A_293 : i32
      %mul3A_295 = arith.constant 16 : i32
      %mul3A_296 = arith.muli %add3A_294, %mul3A_295 : i32
      %get3A_297 = arith.index_cast %mul3A_296 : i32 to index
      %get3A_298 = tpu.vector_load %arg7[%get3A_297] {strides = array<i32>} : memref<4096xf32, #tpu.memory_space<vmem>>, vector<16xf32>,
      %get3A_299 = vector.shape_cast %get3A_298 : vector<16xf32> to vector<16xf32>
      %bitcast_convert_type3A_300 = tpu.bitcast %get3A_299 : vector<16xf32> -> vector<16xi32>
      %lt3A_301 = arith.constant 0 : i32
      %lt3A_302 = vector.broadcast %lt3A_301 : i32 to vector<16xi32>
      %lt3A_303 = arith.cmpi slt, %bitcast_convert_type3A_300, %lt3A_302 : vector<16xi32>
      %jit3A_304 = arith.constant 2147483647 : i32
      %jit3A_305 = arith.constant 0 : i32
      %broadcast_in_dim3A_306 = vector.broadcast %jit3A_304 : i32 to vector<16xi32>
      %broadcast_in_dim3A_307 = vector.broadcast %jit3A_305 : i32 to vector<16xi32>
      %select_n3A_308 = arith.select %lt3A_303, %broadcast_in_dim3A_306, %broadcast_in_dim3A_307 : vector<16xi1>, vector<16xi32>
      %xor3A_309 = arith.xori %bitcast_convert_type3A_300, %select_n3A_308 : vector<16xi32>
      %mul3A_310 = arith.constant 16 : i32
      %mul3A_311 = arith.muli %add3A_294, %mul3A_310 : i32
      %swap3A_312 = arith.index_cast %mul3A_311 : i32 to index
      %swap3A_313 = tpu.vector_load %arg8[%swap3A_312] {strides = array<i32>} : memref<4096xi32, #tpu.memory_space<vmem>>, vector<16xi32>,
      %swap3A_314 = vector.shape_cast %swap3A_313 : vector<16xi32> to vector<16xi32>
      %swap3A_315 = vector.shape_cast %xor3A_309 : vector<16xi32> to vector<16xi32>
      tpu.vector_store %arg8[%swap3A_312], %swap3A_315 {strides = array<i32>} : memref<4096xi32, #tpu.memory_space<vmem>>, vector<16xi32>,
      %mul3A_316 = arith.constant 8 : i32
      %mul3A_317 = arith.muli %scan3A_144, %mul3A_316 : i32
      %add3A_318 = arith.constant 7 : i32
      %add3A_319 = arith.addi %mul3A_317, %add3A_318 : i32
      %mul3A_320 = arith.constant 16 : i32
      %mul3A_321 = arith.muli %add3A_319, %mul3A_320 : i32
      %get3A_322 = arith.index_cast %mul3A_321 : i32 to index
      %get3A_323 = tpu.vector_load %arg7[%get3A_322] {strides = array<i32>} : memref<4096xf32, #tpu.memory_space<vmem>>, vector<16xf32>,
      %get3A_324 = vector.shape_cast %get3A_323 : vector<16xf32> to vector<16xf32>
      %bitcast_convert_type3A_325 = tpu.bitcast %get3A_324 : vector<16xf32> -> vector<16xi32>
      %lt3A_326 = arith.constant 0 : i32
      %lt3A_327 = vector.broadcast %lt3A_326 : i32 to vector<16xi32>
      %lt3A_328 = arith.cmpi slt, %bitcast_convert_type3A_325, %lt3A_327 : vector<16xi32>
      %jit3A_329 = arith.constant 2147483647 : i32
      %jit3A_330 = arith.constant 0 : i32
      %broadcast_in_dim3A_331 = vector.broadcast %jit3A_329 : i32 to vector<16xi32>
      %broadcast_in_dim3A_332 = vector.broadcast %jit3A_330 : i32 to vector<16xi32>
      %select_n3A_333 = arith.select %lt3A_328, %broadcast_in_dim3A_331, %broadcast_in_dim3A_332 : vector<16xi1>, vector<16xi32>
      %xor3A_334 = arith.xori %bitcast_convert_type3A_325, %select_n3A_333 : vector<16xi32>
      %mul3A_335 = arith.constant 16 : i32
      %mul3A_336 = arith.muli %add3A_319, %mul3A_335 : i32
      %swap3A_337 = arith.index_cast %mul3A_336 : i32 to index
      %swap3A_338 = tpu.vector_load %arg8[%swap3A_337] {strides = array<i32>} : memref<4096xi32, #tpu.memory_space<vmem>>, vector<16xi32>,
      %swap3A_339 = vector.shape_cast %swap3A_338 : vector<16xi32> to vector<16xi32>
      %swap3A_340 = vector.shape_cast %xor3A_334 : vector<16xi32> to vector<16xi32>
      tpu.vector_store %arg8[%swap3A_337], %swap3A_340 {strides = array<i32>} : memref<4096xi32, #tpu.memory_space<vmem>>, vector<16xi32>,
      %scan3A_341 = arith.constant 0 : i32
      scf.yield %scan3A_341 : i32
    }
    %scan3A_6 = arith.constant 32 : i32
    %iota3A = tpu.iota {dimensions = array<i32: 0>} : vector<16xi32>
    %scan3A_7 = arith.constant -2147483648 : i32
    %scan3A_8 = arith.constant 2147483647 : i32
    %scan3A_9 = arith.constant 0 : i32
    %scan3A_10 = arith.constant 32 : i32
    %scan3A_11 = arith.addi %scan3A_9, %scan3A_10 : i32
    %scan3A_12 = arith.constant 1 : i32
    %scan3A_13:2 = scf.for %scan3A_144 = %scan3A_9 to %scan3A_11 step %scan3A_12 iter_args(%scan3A_145 = %scan3A_7, %scan3A_146 = %scan3A_8) -> (i32, i32)  : i32 {
      %shift_right_arithmetic3A = arith.constant 1 : i32
      %shift_right_arithmetic3A_147 = arith.shrsi %scan3A_145, %shift_right_arithmetic3A : i32
      %shift_right_arithmetic3A_148 = arith.constant 1 : i32
      %shift_right_arithmetic3A_149 = arith.shrsi %scan3A_146, %shift_right_arithmetic3A_148 : i32
      %add3A_150 = arith.addi %shift_right_arithmetic3A_147, %shift_right_arithmetic3A_149 : i32
      %or3A = arith.ori %scan3A_145, %scan3A_146 : i32
      %and3A = arith.constant 1 : i32
      %and3A_151 = arith.andi %or3A, %and3A : i32
      %add3A_152 = arith.addi %add3A_150, %and3A_151 : i32
      %broadcast_in_dim3A_153 = arith.constant 0 : i32
      %broadcast_in_dim3A_154 = vector.broadcast %broadcast_in_dim3A_153 : i32 to vector<16xi32>
      %scan3A_155 = arith.constant 0 : i32
      %scan3A_156 = arith.constant 32 : i32
      %scan3A_157 = arith.addi %scan3A_155, %scan3A_156 : i32
      %scan3A_158 = arith.constant 1 : i32
      %scan3A_159 = scf.for %scan3A_213 = %scan3A_155 to %scan3A_157 step %scan3A_158 iter_args(%scan3A_214 = %broadcast_in_dim3A_154) -> (vector<16xi32>)  : i32 {
        %mul3A_215 = arith.constant 8 : i32
        %mul3A_216 = arith.muli %scan3A_213, %mul3A_215 : i32
        %add3A_217 = arith.constant 0 : i32
        %add3A_218 = arith.addi %mul3A_216, %add3A_217 : i32
        %mul3A_219 = arith.constant 16 : i32
        %mul3A_220 = arith.muli %add3A_218, %mul3A_219 : i32
        %get3A = arith.index_cast %mul3A_220 : i32 to index
        %get3A_221 = tpu.vector_load %arg8[%get3A] {strides = array<i32>} : memref<4096xi32, #tpu.memory_space<vmem>>, vector<16xi32>,
        %get3A_222 = vector.shape_cast %get3A_221 : vector<16xi32> to vector<16xi32>
        %ge3A_223 = vector.broadcast %add3A_152 : i32 to vector<16xi32>
        %ge3A_224 = arith.cmpi sge, %get3A_222, %ge3A_223 : vector<16xi32>
        %jit3A_225 = arith.constant 1 : i32
        %jit3A_226 = arith.constant 0 : i32
        %broadcast_in_dim3A_227 = vector.broadcast %jit3A_225 : i32 to vector<16xi32>
        %broadcast_in_dim3A_228 = vector.broadcast %jit3A_226 : i32 to vector<16xi32>
        %select_n3A_229 = arith.select %ge3A_224, %broadcast_in_dim3A_227, %broadcast_in_dim3A_228 : vector<16xi1>, vector<16xi32>
        %add3A_230 = arith.addi %scan3A_214, %select_n3A_229 : vector<16xi32>
        %mul3A_231 = arith.constant 8 : i32
        %mul3A_232 = arith.muli %scan3A_213, %mul3A_231 : i32
        %add3A_233 = arith.constant 1 : i32
        %add3A_234 = arith.addi %mul3A_232, %add3A_233 : i32
        %mul3A_235 = arith.constant 16 : i32
        %mul3A_236 = arith.muli %add3A_234, %mul3A_235 : i32
        %get3A_237 = arith.index_cast %mul3A_236 : i32 to index
        %get3A_238 = tpu.vector_load %arg8[%get3A_237] {strides = array<i32>} : memref<4096xi32, #tpu.memory_space<vmem>>, vector<16xi32>,
        %get3A_239 = vector.shape_cast %get3A_238 : vector<16xi32> to vector<16xi32>
        %ge3A_240 = vector.broadcast %add3A_152 : i32 to vector<16xi32>
        %ge3A_241 = arith.cmpi sge, %get3A_239, %ge3A_240 : vector<16xi32>
        %jit3A_242 = arith.constant 1 : i32
        %jit3A_243 = arith.constant 0 : i32
        %broadcast_in_dim3A_244 = vector.broadcast %jit3A_242 : i32 to vector<16xi32>
        %broadcast_in_dim3A_245 = vector.broadcast %jit3A_243 : i32 to vector<16xi32>
        %select_n3A_246 = arith.select %ge3A_241, %broadcast_in_dim3A_244, %broadcast_in_dim3A_245 : vector<16xi1>, vector<16xi32>
        %add3A_247 = arith.addi %add3A_230, %select_n3A_246 : vector<16xi32>
        %mul3A_248 = arith.constant 8 : i32
        %mul3A_249 = arith.muli %scan3A_213, %mul3A_248 : i32
        %add3A_250 = arith.constant 2 : i32
        %add3A_251 = arith.addi %mul3A_249, %add3A_250 : i32
        %mul3A_252 = arith.constant 16 : i32
        %mul3A_253 = arith.muli %add3A_251, %mul3A_252 : i32
        %get3A_254 = arith.index_cast %mul3A_253 : i32 to index
        %get3A_255 = tpu.vector_load %arg8[%get3A_254] {strides = array<i32>} : memref<4096xi32, #tpu.memory_space<vmem>>, vector<16xi32>,
        %get3A_256 = vector.shape_cast %get3A_255 : vector<16xi32> to vector<16xi32>
        %ge3A_257 = vector.broadcast %add3A_152 : i32 to vector<16xi32>
        %ge3A_258 = arith.cmpi sge, %get3A_256, %ge3A_257 : vector<16xi32>
        %jit3A_259 = arith.constant 1 : i32
        %jit3A_260 = arith.constant 0 : i32
        %broadcast_in_dim3A_261 = vector.broadcast %jit3A_259 : i32 to vector<16xi32>
        %broadcast_in_dim3A_262 = vector.broadcast %jit3A_260 : i32 to vector<16xi32>
        %select_n3A_263 = arith.select %ge3A_258, %broadcast_in_dim3A_261, %broadcast_in_dim3A_262 : vector<16xi1>, vector<16xi32>
        %add3A_264 = arith.addi %add3A_247, %select_n3A_263 : vector<16xi32>
        %mul3A_265 = arith.constant 8 : i32
        %mul3A_266 = arith.muli %scan3A_213, %mul3A_265 : i32
        %add3A_267 = arith.constant 3 : i32
        %add3A_268 = arith.addi %mul3A_266, %add3A_267 : i32
        %mul3A_269 = arith.constant 16 : i32
        %mul3A_270 = arith.muli %add3A_268, %mul3A_269 : i32
        %get3A_271 = arith.index_cast %mul3A_270 : i32 to index
        %get3A_272 = tpu.vector_load %arg8[%get3A_271] {strides = array<i32>} : memref<4096xi32, #tpu.memory_space<vmem>>, vector<16xi32>,
        %get3A_273 = vector.shape_cast %get3A_272 : vector<16xi32> to vector<16xi32>
        %ge3A_274 = vector.broadcast %add3A_152 : i32 to vector<16xi32>
        %ge3A_275 = arith.cmpi sge, %get3A_273, %ge3A_274 : vector<16xi32>
        %jit3A_276 = arith.constant 1 : i32
        %jit3A_277 = arith.constant 0 : i32
        %broadcast_in_dim3A_278 = vector.broadcast %jit3A_276 : i32 to vector<16xi32>
        %broadcast_in_dim3A_279 = vector.broadcast %jit3A_277 : i32 to vector<16xi32>
        %select_n3A_280 = arith.select %ge3A_275, %broadcast_in_dim3A_278, %broadcast_in_dim3A_279 : vector<16xi1>, vector<16xi32>
        %add3A_281 = arith.addi %add3A_264, %select_n3A_280 : vector<16xi32>
        %mul3A_282 = arith.constant 8 : i32
        %mul3A_283 = arith.muli %scan3A_213, %mul3A_282 : i32
        %add3A_284 = arith.constant 4 : i32
        %add3A_285 = arith.addi %mul3A_283, %add3A_284 : i32
        %mul3A_286 = arith.constant 16 : i32
        %mul3A_287 = arith.muli %add3A_285, %mul3A_286 : i32
        %get3A_288 = arith.index_cast %mul3A_287 : i32 to index
        %get3A_289 = tpu.vector_load %arg8[%get3A_288] {strides = array<i32>} : memref<4096xi32, #tpu.memory_space<vmem>>, vector<16xi32>,
        %get3A_290 = vector.shape_cast %get3A_289 : vector<16xi32> to vector<16xi32>
        %ge3A_291 = vector.broadcast %add3A_152 : i32 to vector<16xi32>
        %ge3A_292 = arith.cmpi sge, %get3A_290, %ge3A_291 : vector<16xi32>
        %jit3A_293 = arith.constant 1 : i32
        %jit3A_294 = arith.constant 0 : i32
        %broadcast_in_dim3A_295 = vector.broadcast %jit3A_293 : i32 to vector<16xi32>
        %broadcast_in_dim3A_296 = vector.broadcast %jit3A_294 : i32 to vector<16xi32>
        %select_n3A_297 = arith.select %ge3A_292, %broadcast_in_dim3A_295, %broadcast_in_dim3A_296 : vector<16xi1>, vector<16xi32>
        %add3A_298 = arith.addi %add3A_281, %select_n3A_297 : vector<16xi32>
        %mul3A_299 = arith.constant 8 : i32
        %mul3A_300 = arith.muli %scan3A_213, %mul3A_299 : i32
        %add3A_301 = arith.constant 5 : i32
        %add3A_302 = arith.addi %mul3A_300, %add3A_301 : i32
        %mul3A_303 = arith.constant 16 : i32
        %mul3A_304 = arith.muli %add3A_302, %mul3A_303 : i32
        %get3A_305 = arith.index_cast %mul3A_304 : i32 to index
        %get3A_306 = tpu.vector_load %arg8[%get3A_305] {strides = array<i32>} : memref<4096xi32, #tpu.memory_space<vmem>>, vector<16xi32>,
        %get3A_307 = vector.shape_cast %get3A_306 : vector<16xi32> to vector<16xi32>
        %ge3A_308 = vector.broadcast %add3A_152 : i32 to vector<16xi32>
        %ge3A_309 = arith.cmpi sge, %get3A_307, %ge3A_308 : vector<16xi32>
        %jit3A_310 = arith.constant 1 : i32
        %jit3A_311 = arith.constant 0 : i32
        %broadcast_in_dim3A_312 = vector.broadcast %jit3A_310 : i32 to vector<16xi32>
        %broadcast_in_dim3A_313 = vector.broadcast %jit3A_311 : i32 to vector<16xi32>
        %select_n3A_314 = arith.select %ge3A_309, %broadcast_in_dim3A_312, %broadcast_in_dim3A_313 : vector<16xi1>, vector<16xi32>
        %add3A_315 = arith.addi %add3A_298, %select_n3A_314 : vector<16xi32>
        %mul3A_316 = arith.constant 8 : i32
        %mul3A_317 = arith.muli %scan3A_213, %mul3A_316 : i32
        %add3A_318 = arith.constant 6 : i32
        %add3A_319 = arith.addi %mul3A_317, %add3A_318 : i32
        %mul3A_320 = arith.constant 16 : i32
        %mul3A_321 = arith.muli %add3A_319, %mul3A_320 : i32
        %get3A_322 = arith.index_cast %mul3A_321 : i32 to index
        %get3A_323 = tpu.vector_load %arg8[%get3A_322] {strides = array<i32>} : memref<4096xi32, #tpu.memory_space<vmem>>, vector<16xi32>,
        %get3A_324 = vector.shape_cast %get3A_323 : vector<16xi32> to vector<16xi32>
        %ge3A_325 = vector.broadcast %add3A_152 : i32 to vector<16xi32>
        %ge3A_326 = arith.cmpi sge, %get3A_324, %ge3A_325 : vector<16xi32>
        %jit3A_327 = arith.constant 1 : i32
        %jit3A_328 = arith.constant 0 : i32
        %broadcast_in_dim3A_329 = vector.broadcast %jit3A_327 : i32 to vector<16xi32>
        %broadcast_in_dim3A_330 = vector.broadcast %jit3A_328 : i32 to vector<16xi32>
        %select_n3A_331 = arith.select %ge3A_326, %broadcast_in_dim3A_329, %broadcast_in_dim3A_330 : vector<16xi1>, vector<16xi32>
        %add3A_332 = arith.addi %add3A_315, %select_n3A_331 : vector<16xi32>
        %mul3A_333 = arith.constant 8 : i32
        %mul3A_334 = arith.muli %scan3A_213, %mul3A_333 : i32
        %add3A_335 = arith.constant 7 : i32
        %add3A_336 = arith.addi %mul3A_334, %add3A_335 : i32
        %mul3A_337 = arith.constant 16 : i32
        %mul3A_338 = arith.muli %add3A_336, %mul3A_337 : i32
        %get3A_339 = arith.index_cast %mul3A_338 : i32 to index
        %get3A_340 = tpu.vector_load %arg8[%get3A_339] {strides = array<i32>} : memref<4096xi32, #tpu.memory_space<vmem>>, vector<16xi32>,
        %get3A_341 = vector.shape_cast %get3A_340 : vector<16xi32> to vector<16xi32>
        %ge3A_342 = vector.broadcast %add3A_152 : i32 to vector<16xi32>
        %ge3A_343 = arith.cmpi sge, %get3A_341, %ge3A_342 : vector<16xi32>
        %jit3A_344 = arith.constant 1 : i32
        %jit3A_345 = arith.constant 0 : i32
        %broadcast_in_dim3A_346 = vector.broadcast %jit3A_344 : i32 to vector<16xi32>
        %broadcast_in_dim3A_347 = vector.broadcast %jit3A_345 : i32 to vector<16xi32>
        %select_n3A_348 = arith.select %ge3A_343, %broadcast_in_dim3A_346, %broadcast_in_dim3A_347 : vector<16xi1>, vector<16xi32>
        %add3A_349 = arith.addi %add3A_332, %select_n3A_348 : vector<16xi32>
        scf.yield %add3A_349 : vector<16xi32>
      }
      %scan3A_160 = arith.constant 32 : i32
      %slice3A_161 = vector.extract_strided_slice %scan3A_159 {offsets = [0], sizes = [1], strides = [1]} : vector<16xi32> to vector<1xi32>
      %squeeze3A_162 = vector.extract %slice3A_161[0] : i32 from vector<1xi32>
      %slice3A_163 = vector.extract_strided_slice %scan3A_159 {offsets = [1], sizes = [1], strides = [1]} : vector<16xi32> to vector<1xi32>
      %squeeze3A_164 = vector.extract %slice3A_163[0] : i32 from vector<1xi32>
      %add3A_165 = arith.addi %squeeze3A_162, %squeeze3A_164 : i32
      %slice3A_166 = vector.extract_strided_slice %scan3A_159 {offsets = [2], sizes = [1], strides = [1]} : vector<16xi32> to vector<1xi32>
      %squeeze3A_167 = vector.extract %slice3A_166[0] : i32 from vector<1xi32>
      %add3A_168 = arith.addi %add3A_165, %squeeze3A_167 : i32
      %slice3A_169 = vector.extract_strided_slice %scan3A_159 {offsets = [3], sizes = [1], strides = [1]} : vector<16xi32> to vector<1xi32>
      %squeeze3A_170 = vector.extract %slice3A_169[0] : i32 from vector<1xi32>
      %add3A_171 = arith.addi %add3A_168, %squeeze3A_170 : i32
      %slice3A_172 = vector.extract_strided_slice %scan3A_159 {offsets = [4], sizes = [1], strides = [1]} : vector<16xi32> to vector<1xi32>
      %squeeze3A_173 = vector.extract %slice3A_172[0] : i32 from vector<1xi32>
      %add3A_174 = arith.addi %add3A_171, %squeeze3A_173 : i32
      %slice3A_175 = vector.extract_strided_slice %scan3A_159 {offsets = [5], sizes = [1], strides = [1]} : vector<16xi32> to vector<1xi32>
      %squeeze3A_176 = vector.extract %slice3A_175[0] : i32 from vector<1xi32>
      %add3A_177 = arith.addi %add3A_174, %squeeze3A_176 : i32
      %slice3A_178 = vector.extract_strided_slice %scan3A_159 {offsets = [6], sizes = [1], strides = [1]} : vector<16xi32> to vector<1xi32>
      %squeeze3A_179 = vector.extract %slice3A_178[0] : i32 from vector<1xi32>
      %add3A_180 = arith.addi %add3A_177, %squeeze3A_179 : i32
      %slice3A_181 = vector.extract_strided_slice %scan3A_159 {offsets = [7], sizes = [1], strides = [1]} : vector<16xi32> to vector<1xi32>
      %squeeze3A_182 = vector.extract %slice3A_181[0] : i32 from vector<1xi32>
      %add3A_183 = arith.addi %add3A_180, %squeeze3A_182 : i32
      %slice3A_184 = vector.extract_strided_slice %scan3A_159 {offsets = [8], sizes = [1], strides = [1]} : vector<16xi32> to vector<1xi32>
      %squeeze3A_185 = vector.extract %slice3A_184[0] : i32 from vector<1xi32>
      %add3A_186 = arith.addi %add3A_183, %squeeze3A_185 : i32
      %slice3A_187 = vector.extract_strided_slice %scan3A_159 {offsets = [9], sizes = [1], strides = [1]} : vector<16xi32> to vector<1xi32>
      %squeeze3A_188 = vector.extract %slice3A_187[0] : i32 from vector<1xi32>
      %add3A_189 = arith.addi %add3A_186, %squeeze3A_188 : i32
      %slice3A_190 = vector.extract_strided_slice %scan3A_159 {offsets = [10], sizes = [1], strides = [1]} : vector<16xi32> to vector<1xi32>
      %squeeze3A_191 = vector.extract %slice3A_190[0] : i32 from vector<1xi32>
      %add3A_192 = arith.addi %add3A_189, %squeeze3A_191 : i32
      %slice3A_193 = vector.extract_strided_slice %scan3A_159 {offsets = [11], sizes = [1], strides = [1]} : vector<16xi32> to vector<1xi32>
      %squeeze3A_194 = vector.extract %slice3A_193[0] : i32 from vector<1xi32>
      %add3A_195 = arith.addi %add3A_192, %squeeze3A_194 : i32
      %slice3A_196 = vector.extract_strided_slice %scan3A_159 {offsets = [12], sizes = [1], strides = [1]} : vector<16xi32> to vector<1xi32>
      %squeeze3A_197 = vector.extract %slice3A_196[0] : i32 from vector<1xi32>
      %add3A_198 = arith.addi %add3A_195, %squeeze3A_197 : i32
      %slice3A_199 = vector.extract_strided_slice %scan3A_159 {offsets = [13], sizes = [1], strides = [1]} : vector<16xi32> to vector<1xi32>
      %squeeze3A_200 = vector.extract %slice3A_199[0] : i32 from vector<1xi32>
      %add3A_201 = arith.addi %add3A_198, %squeeze3A_200 : i32
      %slice3A_202 = vector.extract_strided_slice %scan3A_159 {offsets = [14], sizes = [1], strides = [1]} : vector<16xi32> to vector<1xi32>
      %squeeze3A_203 = vector.extract %slice3A_202[0] : i32 from vector<1xi32>
      %add3A_204 = arith.addi %add3A_201, %squeeze3A_203 : i32
      %slice3A_205 = vector.extract_strided_slice %scan3A_159 {offsets = [15], sizes = [1], strides = [1]} : vector<16xi32> to vector<1xi32>
      %squeeze3A_206 = vector.extract %slice3A_205[0] : i32 from vector<1xi32>
      %add3A_207 = arith.addi %add3A_204, %squeeze3A_206 : i32
      %ge3A = arith.constant 100 : i32
      %ge3A_208 = arith.cmpi sge, %add3A_207, %ge3A : i32
      %select_n3A_209 = arith.select %ge3A_208, %add3A_152, %scan3A_145 : i32
      %sub3A_210 = arith.constant 1 : i32
      %sub3A_211 = arith.subi %add3A_152, %sub3A_210 : i32
      %select_n3A_212 = arith.select %ge3A_208, %scan3A_146, %sub3A_211 : i32
      scf.yield %select_n3A_209, %select_n3A_212 : i32, i32
    }
    %scan3A_14 = arith.constant 32 : i32
    %broadcast_in_dim3A = arith.constant 0 : i32
    %broadcast_in_dim3A_15 = vector.broadcast %broadcast_in_dim3A : i32 to vector<16xi32>
    %scan3A_16 = arith.constant 0 : i32
    %scan3A_17 = arith.constant 32 : i32
    %scan3A_18 = arith.addi %scan3A_16, %scan3A_17 : i32
    %scan3A_19 = arith.constant 1 : i32
    %scan3A_20 = scf.for %scan3A_144 = %scan3A_16 to %scan3A_18 step %scan3A_19 iter_args(%scan3A_145 = %broadcast_in_dim3A_15) -> (vector<16xi32>)  : i32 {
      %mul3A_146 = arith.constant 8 : i32
      %mul3A_147 = arith.muli %scan3A_144, %mul3A_146 : i32
      %add3A_148 = arith.constant 0 : i32
      %add3A_149 = arith.addi %mul3A_147, %add3A_148 : i32
      %mul3A_150 = arith.constant 16 : i32
      %mul3A_151 = arith.muli %add3A_149, %mul3A_150 : i32
      %get3A = arith.index_cast %mul3A_151 : i32 to index
      %get3A_152 = tpu.vector_load %arg8[%get3A] {strides = array<i32>} : memref<4096xi32, #tpu.memory_space<vmem>>, vector<16xi32>,
      %get3A_153 = vector.shape_cast %get3A_152 : vector<16xi32> to vector<16xi32>
      %gt3A_154 = vector.broadcast %scan3A_13#0 : i32 to vector<16xi32>
      %gt3A_155 = arith.cmpi sgt, %get3A_153, %gt3A_154 : vector<16xi32>
      %jit3A_156 = arith.constant 1 : i32
      %jit3A_157 = arith.constant 0 : i32
      %broadcast_in_dim3A_158 = vector.broadcast %jit3A_156 : i32 to vector<16xi32>
      %broadcast_in_dim3A_159 = vector.broadcast %jit3A_157 : i32 to vector<16xi32>
      %select_n3A_160 = arith.select %gt3A_155, %broadcast_in_dim3A_158, %broadcast_in_dim3A_159 : vector<16xi1>, vector<16xi32>
      %add3A_161 = arith.addi %scan3A_145, %select_n3A_160 : vector<16xi32>
      %mul3A_162 = arith.constant 8 : i32
      %mul3A_163 = arith.muli %scan3A_144, %mul3A_162 : i32
      %add3A_164 = arith.constant 1 : i32
      %add3A_165 = arith.addi %mul3A_163, %add3A_164 : i32
      %mul3A_166 = arith.constant 16 : i32
      %mul3A_167 = arith.muli %add3A_165, %mul3A_166 : i32
      %get3A_168 = arith.index_cast %mul3A_167 : i32 to index
      %get3A_169 = tpu.vector_load %arg8[%get3A_168] {strides = array<i32>} : memref<4096xi32, #tpu.memory_space<vmem>>, vector<16xi32>,
      %get3A_170 = vector.shape_cast %get3A_169 : vector<16xi32> to vector<16xi32>
      %gt3A_171 = vector.broadcast %scan3A_13#0 : i32 to vector<16xi32>
      %gt3A_172 = arith.cmpi sgt, %get3A_170, %gt3A_171 : vector<16xi32>
      %jit3A_173 = arith.constant 1 : i32
      %jit3A_174 = arith.constant 0 : i32
      %broadcast_in_dim3A_175 = vector.broadcast %jit3A_173 : i32 to vector<16xi32>
      %broadcast_in_dim3A_176 = vector.broadcast %jit3A_174 : i32 to vector<16xi32>
      %select_n3A_177 = arith.select %gt3A_172, %broadcast_in_dim3A_175, %broadcast_in_dim3A_176 : vector<16xi1>, vector<16xi32>
      %add3A_178 = arith.addi %add3A_161, %select_n3A_177 : vector<16xi32>
      %mul3A_179 = arith.constant 8 : i32
      %mul3A_180 = arith.muli %scan3A_144, %mul3A_179 : i32
      %add3A_181 = arith.constant 2 : i32
      %add3A_182 = arith.addi %mul3A_180, %add3A_181 : i32
      %mul3A_183 = arith.constant 16 : i32
      %mul3A_184 = arith.muli %add3A_182, %mul3A_183 : i32
      %get3A_185 = arith.index_cast %mul3A_184 : i32 to index
      %get3A_186 = tpu.vector_load %arg8[%get3A_185] {strides = array<i32>} : memref<4096xi32, #tpu.memory_space<vmem>>, vector<16xi32>,
      %get3A_187 = vector.shape_cast %get3A_186 : vector<16xi32> to vector<16xi32>
      %gt3A_188 = vector.broadcast %scan3A_13#0 : i32 to vector<16xi32>
      %gt3A_189 = arith.cmpi sgt, %get3A_187, %gt3A_188 : vector<16xi32>
      %jit3A_190 = arith.constant 1 : i32
      %jit3A_191 = arith.constant 0 : i32
      %broadcast_in_dim3A_192 = vector.broadcast %jit3A_190 : i32 to vector<16xi32>
      %broadcast_in_dim3A_193 = vector.broadcast %jit3A_191 : i32 to vector<16xi32>
      %select_n3A_194 = arith.select %gt3A_189, %broadcast_in_dim3A_192, %broadcast_in_dim3A_193 : vector<16xi1>, vector<16xi32>
      %add3A_195 = arith.addi %add3A_178, %select_n3A_194 : vector<16xi32>
      %mul3A_196 = arith.constant 8 : i32
      %mul3A_197 = arith.muli %scan3A_144, %mul3A_196 : i32
      %add3A_198 = arith.constant 3 : i32
      %add3A_199 = arith.addi %mul3A_197, %add3A_198 : i32
      %mul3A_200 = arith.constant 16 : i32
      %mul3A_201 = arith.muli %add3A_199, %mul3A_200 : i32
      %get3A_202 = arith.index_cast %mul3A_201 : i32 to index
      %get3A_203 = tpu.vector_load %arg8[%get3A_202] {strides = array<i32>} : memref<4096xi32, #tpu.memory_space<vmem>>, vector<16xi32>,
      %get3A_204 = vector.shape_cast %get3A_203 : vector<16xi32> to vector<16xi32>
      %gt3A_205 = vector.broadcast %scan3A_13#0 : i32 to vector<16xi32>
      %gt3A_206 = arith.cmpi sgt, %get3A_204, %gt3A_205 : vector<16xi32>
      %jit3A_207 = arith.constant 1 : i32
      %jit3A_208 = arith.constant 0 : i32
      %broadcast_in_dim3A_209 = vector.broadcast %jit3A_207 : i32 to vector<16xi32>
      %broadcast_in_dim3A_210 = vector.broadcast %jit3A_208 : i32 to vector<16xi32>
      %select_n3A_211 = arith.select %gt3A_206, %broadcast_in_dim3A_209, %broadcast_in_dim3A_210 : vector<16xi1>, vector<16xi32>
      %add3A_212 = arith.addi %add3A_195, %select_n3A_211 : vector<16xi32>
      %mul3A_213 = arith.constant 8 : i32
      %mul3A_214 = arith.muli %scan3A_144, %mul3A_213 : i32
      %add3A_215 = arith.constant 4 : i32
      %add3A_216 = arith.addi %mul3A_214, %add3A_215 : i32
      %mul3A_217 = arith.constant 16 : i32
      %mul3A_218 = arith.muli %add3A_216, %mul3A_217 : i32
      %get3A_219 = arith.index_cast %mul3A_218 : i32 to index
      %get3A_220 = tpu.vector_load %arg8[%get3A_219] {strides = array<i32>} : memref<4096xi32, #tpu.memory_space<vmem>>, vector<16xi32>,
      %get3A_221 = vector.shape_cast %get3A_220 : vector<16xi32> to vector<16xi32>
      %gt3A_222 = vector.broadcast %scan3A_13#0 : i32 to vector<16xi32>
      %gt3A_223 = arith.cmpi sgt, %get3A_221, %gt3A_222 : vector<16xi32>
      %jit3A_224 = arith.constant 1 : i32
      %jit3A_225 = arith.constant 0 : i32
      %broadcast_in_dim3A_226 = vector.broadcast %jit3A_224 : i32 to vector<16xi32>
      %broadcast_in_dim3A_227 = vector.broadcast %jit3A_225 : i32 to vector<16xi32>
      %select_n3A_228 = arith.select %gt3A_223, %broadcast_in_dim3A_226, %broadcast_in_dim3A_227 : vector<16xi1>, vector<16xi32>
      %add3A_229 = arith.addi %add3A_212, %select_n3A_228 : vector<16xi32>
      %mul3A_230 = arith.constant 8 : i32
      %mul3A_231 = arith.muli %scan3A_144, %mul3A_230 : i32
      %add3A_232 = arith.constant 5 : i32
      %add3A_233 = arith.addi %mul3A_231, %add3A_232 : i32
      %mul3A_234 = arith.constant 16 : i32
      %mul3A_235 = arith.muli %add3A_233, %mul3A_234 : i32
      %get3A_236 = arith.index_cast %mul3A_235 : i32 to index
      %get3A_237 = tpu.vector_load %arg8[%get3A_236] {strides = array<i32>} : memref<4096xi32, #tpu.memory_space<vmem>>, vector<16xi32>,
      %get3A_238 = vector.shape_cast %get3A_237 : vector<16xi32> to vector<16xi32>
      %gt3A_239 = vector.broadcast %scan3A_13#0 : i32 to vector<16xi32>
      %gt3A_240 = arith.cmpi sgt, %get3A_238, %gt3A_239 : vector<16xi32>
      %jit3A_241 = arith.constant 1 : i32
      %jit3A_242 = arith.constant 0 : i32
      %broadcast_in_dim3A_243 = vector.broadcast %jit3A_241 : i32 to vector<16xi32>
      %broadcast_in_dim3A_244 = vector.broadcast %jit3A_242 : i32 to vector<16xi32>
      %select_n3A_245 = arith.select %gt3A_240, %broadcast_in_dim3A_243, %broadcast_in_dim3A_244 : vector<16xi1>, vector<16xi32>
      %add3A_246 = arith.addi %add3A_229, %select_n3A_245 : vector<16xi32>
      %mul3A_247 = arith.constant 8 : i32
      %mul3A_248 = arith.muli %scan3A_144, %mul3A_247 : i32
      %add3A_249 = arith.constant 6 : i32
      %add3A_250 = arith.addi %mul3A_248, %add3A_249 : i32
      %mul3A_251 = arith.constant 16 : i32
      %mul3A_252 = arith.muli %add3A_250, %mul3A_251 : i32
      %get3A_253 = arith.index_cast %mul3A_252 : i32 to index
      %get3A_254 = tpu.vector_load %arg8[%get3A_253] {strides = array<i32>} : memref<4096xi32, #tpu.memory_space<vmem>>, vector<16xi32>,
      %get3A_255 = vector.shape_cast %get3A_254 : vector<16xi32> to vector<16xi32>
      %gt3A_256 = vector.broadcast %scan3A_13#0 : i32 to vector<16xi32>
      %gt3A_257 = arith.cmpi sgt, %get3A_255, %gt3A_256 : vector<16xi32>
      %jit3A_258 = arith.constant 1 : i32
      %jit3A_259 = arith.constant 0 : i32
      %broadcast_in_dim3A_260 = vector.broadcast %jit3A_258 : i32 to vector<16xi32>
      %broadcast_in_dim3A_261 = vector.broadcast %jit3A_259 : i32 to vector<16xi32>
      %select_n3A_262 = arith.select %gt3A_257, %broadcast_in_dim3A_260, %broadcast_in_dim3A_261 : vector<16xi1>, vector<16xi32>
      %add3A_263 = arith.addi %add3A_246, %select_n3A_262 : vector<16xi32>
      %mul3A_264 = arith.constant 8 : i32
      %mul3A_265 = arith.muli %scan3A_144, %mul3A_264 : i32
      %add3A_266 = arith.constant 7 : i32
      %add3A_267 = arith.addi %mul3A_265, %add3A_266 : i32
      %mul3A_268 = arith.constant 16 : i32
      %mul3A_269 = arith.muli %add3A_267, %mul3A_268 : i32
      %get3A_270 = arith.index_cast %mul3A_269 : i32 to index
      %get3A_271 = tpu.vector_load %arg8[%get3A_270] {strides = array<i32>} : memref<4096xi32, #tpu.memory_space<vmem>>, vector<16xi32>,
      %get3A_272 = vector.shape_cast %get3A_271 : vector<16xi32> to vector<16xi32>
      %gt3A_273 = vector.broadcast %scan3A_13#0 : i32 to vector<16xi32>
      %gt3A_274 = arith.cmpi sgt, %get3A_272, %gt3A_273 : vector<16xi32>
      %jit3A_275 = arith.constant 1 : i32
      %jit3A_276 = arith.constant 0 : i32
      %broadcast_in_dim3A_277 = vector.broadcast %jit3A_275 : i32 to vector<16xi32>
      %broadcast_in_dim3A_278 = vector.broadcast %jit3A_276 : i32 to vector<16xi32>
      %select_n3A_279 = arith.select %gt3A_274, %broadcast_in_dim3A_277, %broadcast_in_dim3A_278 : vector<16xi1>, vector<16xi32>
      %add3A_280 = arith.addi %add3A_263, %select_n3A_279 : vector<16xi32>
      scf.yield %add3A_280 : vector<16xi32>
    }
    %scan3A_21 = arith.constant 32 : i32
    %slice3A = vector.extract_strided_slice %scan3A_20 {offsets = [0], sizes = [1], strides = [1]} : vector<16xi32> to vector<1xi32>
    %squeeze3A = vector.extract %slice3A[0] : i32 from vector<1xi32>
    %slice3A_22 = vector.extract_strided_slice %scan3A_20 {offsets = [1], sizes = [1], strides = [1]} : vector<16xi32> to vector<1xi32>
    %squeeze3A_23 = vector.extract %slice3A_22[0] : i32 from vector<1xi32>
    %add3A_24 = arith.addi %squeeze3A, %squeeze3A_23 : i32
    %slice3A_25 = vector.extract_strided_slice %scan3A_20 {offsets = [2], sizes = [1], strides = [1]} : vector<16xi32> to vector<1xi32>
    %squeeze3A_26 = vector.extract %slice3A_25[0] : i32 from vector<1xi32>
    %add3A_27 = arith.addi %add3A_24, %squeeze3A_26 : i32
    %slice3A_28 = vector.extract_strided_slice %scan3A_20 {offsets = [3], sizes = [1], strides = [1]} : vector<16xi32> to vector<1xi32>
    %squeeze3A_29 = vector.extract %slice3A_28[0] : i32 from vector<1xi32>
    %add3A_30 = arith.addi %add3A_27, %squeeze3A_29 : i32
    %slice3A_31 = vector.extract_strided_slice %scan3A_20 {offsets = [4], sizes = [1], strides = [1]} : vector<16xi32> to vector<1xi32>
    %squeeze3A_32 = vector.extract %slice3A_31[0] : i32 from vector<1xi32>
    %add3A_33 = arith.addi %add3A_30, %squeeze3A_32 : i32
    %slice3A_34 = vector.extract_strided_slice %scan3A_20 {offsets = [5], sizes = [1], strides = [1]} : vector<16xi32> to vector<1xi32>
    %squeeze3A_35 = vector.extract %slice3A_34[0] : i32 from vector<1xi32>
    %add3A_36 = arith.addi %add3A_33, %squeeze3A_35 : i32
    %slice3A_37 = vector.extract_strided_slice %scan3A_20 {offsets = [6], sizes = [1], strides = [1]} : vector<16xi32> to vector<1xi32>
    %squeeze3A_38 = vector.extract %slice3A_37[0] : i32 from vector<1xi32>
    %add3A_39 = arith.addi %add3A_36, %squeeze3A_38 : i32
    %slice3A_40 = vector.extract_strided_slice %scan3A_20 {offsets = [7], sizes = [1], strides = [1]} : vector<16xi32> to vector<1xi32>
    %squeeze3A_41 = vector.extract %slice3A_40[0] : i32 from vector<1xi32>
    %add3A_42 = arith.addi %add3A_39, %squeeze3A_41 : i32
    %slice3A_43 = vector.extract_strided_slice %scan3A_20 {offsets = [8], sizes = [1], strides = [1]} : vector<16xi32> to vector<1xi32>
    %squeeze3A_44 = vector.extract %slice3A_43[0] : i32 from vector<1xi32>
    %add3A_45 = arith.addi %add3A_42, %squeeze3A_44 : i32
    %slice3A_46 = vector.extract_strided_slice %scan3A_20 {offsets = [9], sizes = [1], strides = [1]} : vector<16xi32> to vector<1xi32>
    %squeeze3A_47 = vector.extract %slice3A_46[0] : i32 from vector<1xi32>
    %add3A_48 = arith.addi %add3A_45, %squeeze3A_47 : i32
    %slice3A_49 = vector.extract_strided_slice %scan3A_20 {offsets = [10], sizes = [1], strides = [1]} : vector<16xi32> to vector<1xi32>
    %squeeze3A_50 = vector.extract %slice3A_49[0] : i32 from vector<1xi32>
    %add3A_51 = arith.addi %add3A_48, %squeeze3A_50 : i32
    %slice3A_52 = vector.extract_strided_slice %scan3A_20 {offsets = [11], sizes = [1], strides = [1]} : vector<16xi32> to vector<1xi32>
    %squeeze3A_53 = vector.extract %slice3A_52[0] : i32 from vector<1xi32>
    %add3A_54 = arith.addi %add3A_51, %squeeze3A_53 : i32
    %slice3A_55 = vector.extract_strided_slice %scan3A_20 {offsets = [12], sizes = [1], strides = [1]} : vector<16xi32> to vector<1xi32>
    %squeeze3A_56 = vector.extract %slice3A_55[0] : i32 from vector<1xi32>
    %add3A_57 = arith.addi %add3A_54, %squeeze3A_56 : i32
    %slice3A_58 = vector.extract_strided_slice %scan3A_20 {offsets = [13], sizes = [1], strides = [1]} : vector<16xi32> to vector<1xi32>
    %squeeze3A_59 = vector.extract %slice3A_58[0] : i32 from vector<1xi32>
    %add3A_60 = arith.addi %add3A_57, %squeeze3A_59 : i32
    %slice3A_61 = vector.extract_strided_slice %scan3A_20 {offsets = [14], sizes = [1], strides = [1]} : vector<16xi32> to vector<1xi32>
    %squeeze3A_62 = vector.extract %slice3A_61[0] : i32 from vector<1xi32>
    %add3A_63 = arith.addi %add3A_60, %squeeze3A_62 : i32
    %slice3A_64 = vector.extract_strided_slice %scan3A_20 {offsets = [15], sizes = [1], strides = [1]} : vector<16xi32> to vector<1xi32>
    %squeeze3A_65 = vector.extract %slice3A_64[0] : i32 from vector<1xi32>
    %add3A_66 = arith.addi %add3A_63, %squeeze3A_65 : i32
    %sub3A = arith.constant 100 : i32
    %sub3A_67 = arith.subi %sub3A, %add3A_66 : i32
    %scan3A_68 = arith.constant 0 : i32
    %scan3A_69 = arith.constant 4095 : i32
    %scan3A_70 = arith.constant 0 : i32
    %scan3A_71 = arith.constant 12 : i32
    %scan3A_72 = arith.addi %scan3A_70, %scan3A_71 : i32
    %scan3A_73 = arith.constant 1 : i32
    %scan3A_74:2 = scf.for %scan3A_144 = %scan3A_70 to %scan3A_72 step %scan3A_73 iter_args(%scan3A_145 = %scan3A_68, %scan3A_146 = %scan3A_69) -> (i32, i32)  : i32 {
      %add3A_147 = arith.addi %scan3A_145, %scan3A_146 : i32
      %shift_right_arithmetic3A = arith.constant 1 : i32
      %shift_right_arithmetic3A_148 = arith.shrsi %add3A_147, %shift_right_arithmetic3A : i32
      %broadcast_in_dim3A_149 = arith.constant 0 : i32
      %broadcast_in_dim3A_150 = vector.broadcast %broadcast_in_dim3A_149 : i32 to vector<16xi32>
      %scan3A_151 = arith.constant 0 : i32
      %scan3A_152 = arith.constant 32 : i32
      %scan3A_153 = arith.addi %scan3A_151, %scan3A_152 : i32
      %scan3A_154 = arith.constant 1 : i32
      %scan3A_155 = scf.for %scan3A_208 = %scan3A_151 to %scan3A_153 step %scan3A_154 iter_args(%scan3A_209 = %broadcast_in_dim3A_150) -> (vector<16xi32>)  : i32 {
        %mul3A_210 = arith.constant 8 : i32
        %mul3A_211 = arith.muli %scan3A_208, %mul3A_210 : i32
        %add3A_212 = arith.constant 0 : i32
        %add3A_213 = arith.addi %mul3A_211, %add3A_212 : i32
        %mul3A_214 = arith.constant 16 : i32
        %mul3A_215 = arith.muli %add3A_213, %mul3A_214 : i32
        %get3A = arith.index_cast %mul3A_215 : i32 to index
        %get3A_216 = tpu.vector_load %arg8[%get3A] {strides = array<i32>} : memref<4096xi32, #tpu.memory_space<vmem>>, vector<16xi32>,
        %get3A_217 = vector.shape_cast %get3A_216 : vector<16xi32> to vector<16xi32>
        %mul3A_218 = arith.constant 16 : i32
        %mul3A_219 = arith.muli %add3A_213, %mul3A_218 : i32
        %add3A_220 = vector.broadcast %mul3A_219 : i32 to vector<16xi32>
        %add3A_221 = arith.addi %iota3A, %add3A_220 : vector<16xi32>
        %eq3A = vector.broadcast %scan3A_13#0 : i32 to vector<16xi32>
        %eq3A_222 = arith.cmpi eq, %get3A_217, %eq3A : vector<16xi32>
        %le3A = vector.broadcast %shift_right_arithmetic3A_148 : i32 to vector<16xi32>
        %le3A_223 = arith.cmpi sle, %add3A_221, %le3A : vector<16xi32>
        %jit3A_224 = arith.constant 1 : i32
        %jit3A_225 = arith.constant 0 : i32
        %broadcast_in_dim3A_226 = vector.broadcast %jit3A_224 : i32 to vector<16xi32>
        %broadcast_in_dim3A_227 = vector.broadcast %jit3A_225 : i32 to vector<16xi32>
        %select_n3A_228 = arith.select %le3A_223, %broadcast_in_dim3A_226, %broadcast_in_dim3A_227 : vector<16xi1>, vector<16xi32>
        %jit3A_229 = arith.constant 0 : i32
        %broadcast_in_dim3A_230 = vector.broadcast %jit3A_229 : i32 to vector<16xi32>
        %select_n3A_231 = arith.select %eq3A_222, %select_n3A_228, %broadcast_in_dim3A_230 : vector<16xi1>, vector<16xi32>
        %add3A_232 = arith.addi %scan3A_209, %select_n3A_231 : vector<16xi32>
        %mul3A_233 = arith.constant 8 : i32
        %mul3A_234 = arith.muli %scan3A_208, %mul3A_233 : i32
        %add3A_235 = arith.constant 1 : i32
        %add3A_236 = arith.addi %mul3A_234, %add3A_235 : i32
        %mul3A_237 = arith.constant 16 : i32
        %mul3A_238 = arith.muli %add3A_236, %mul3A_237 : i32
        %get3A_239 = arith.index_cast %mul3A_238 : i32 to index
        %get3A_240 = tpu.vector_load %arg8[%get3A_239] {strides = array<i32>} : memref<4096xi32, #tpu.memory_space<vmem>>, vector<16xi32>,
        %get3A_241 = vector.shape_cast %get3A_240 : vector<16xi32> to vector<16xi32>
        %mul3A_242 = arith.constant 16 : i32
        %mul3A_243 = arith.muli %add3A_236, %mul3A_242 : i32
        %add3A_244 = vector.broadcast %mul3A_243 : i32 to vector<16xi32>
        %add3A_245 = arith.addi %iota3A, %add3A_244 : vector<16xi32>
        %eq3A_246 = vector.broadcast %scan3A_13#0 : i32 to vector<16xi32>
        %eq3A_247 = arith.cmpi eq, %get3A_241, %eq3A_246 : vector<16xi32>
        %le3A_248 = vector.broadcast %shift_right_arithmetic3A_148 : i32 to vector<16xi32>
        %le3A_249 = arith.cmpi sle, %add3A_245, %le3A_248 : vector<16xi32>
        %jit3A_250 = arith.constant 1 : i32
        %jit3A_251 = arith.constant 0 : i32
        %broadcast_in_dim3A_252 = vector.broadcast %jit3A_250 : i32 to vector<16xi32>
        %broadcast_in_dim3A_253 = vector.broadcast %jit3A_251 : i32 to vector<16xi32>
        %select_n3A_254 = arith.select %le3A_249, %broadcast_in_dim3A_252, %broadcast_in_dim3A_253 : vector<16xi1>, vector<16xi32>
        %jit3A_255 = arith.constant 0 : i32
        %broadcast_in_dim3A_256 = vector.broadcast %jit3A_255 : i32 to vector<16xi32>
        %select_n3A_257 = arith.select %eq3A_247, %select_n3A_254, %broadcast_in_dim3A_256 : vector<16xi1>, vector<16xi32>
        %add3A_258 = arith.addi %add3A_232, %select_n3A_257 : vector<16xi32>
        %mul3A_259 = arith.constant 8 : i32
        %mul3A_260 = arith.muli %scan3A_208, %mul3A_259 : i32
        %add3A_261 = arith.constant 2 : i32
        %add3A_262 = arith.addi %mul3A_260, %add3A_261 : i32
        %mul3A_263 = arith.constant 16 : i32
        %mul3A_264 = arith.muli %add3A_262, %mul3A_263 : i32
        %get3A_265 = arith.index_cast %mul3A_264 : i32 to index
        %get3A_266 = tpu.vector_load %arg8[%get3A_265] {strides = array<i32>} : memref<4096xi32, #tpu.memory_space<vmem>>, vector<16xi32>,
        %get3A_267 = vector.shape_cast %get3A_266 : vector<16xi32> to vector<16xi32>
        %mul3A_268 = arith.constant 16 : i32
        %mul3A_269 = arith.muli %add3A_262, %mul3A_268 : i32
        %add3A_270 = vector.broadcast %mul3A_269 : i32 to vector<16xi32>
        %add3A_271 = arith.addi %iota3A, %add3A_270 : vector<16xi32>
        %eq3A_272 = vector.broadcast %scan3A_13#0 : i32 to vector<16xi32>
        %eq3A_273 = arith.cmpi eq, %get3A_267, %eq3A_272 : vector<16xi32>
        %le3A_274 = vector.broadcast %shift_right_arithmetic3A_148 : i32 to vector<16xi32>
        %le3A_275 = arith.cmpi sle, %add3A_271, %le3A_274 : vector<16xi32>
        %jit3A_276 = arith.constant 1 : i32
        %jit3A_277 = arith.constant 0 : i32
        %broadcast_in_dim3A_278 = vector.broadcast %jit3A_276 : i32 to vector<16xi32>
        %broadcast_in_dim3A_279 = vector.broadcast %jit3A_277 : i32 to vector<16xi32>
        %select_n3A_280 = arith.select %le3A_275, %broadcast_in_dim3A_278, %broadcast_in_dim3A_279 : vector<16xi1>, vector<16xi32>
        %jit3A_281 = arith.constant 0 : i32
        %broadcast_in_dim3A_282 = vector.broadcast %jit3A_281 : i32 to vector<16xi32>
        %select_n3A_283 = arith.select %eq3A_273, %select_n3A_280, %broadcast_in_dim3A_282 : vector<16xi1>, vector<16xi32>
        %add3A_284 = arith.addi %add3A_258, %select_n3A_283 : vector<16xi32>
        %mul3A_285 = arith.constant 8 : i32
        %mul3A_286 = arith.muli %scan3A_208, %mul3A_285 : i32
        %add3A_287 = arith.constant 3 : i32
        %add3A_288 = arith.addi %mul3A_286, %add3A_287 : i32
        %mul3A_289 = arith.constant 16 : i32
        %mul3A_290 = arith.muli %add3A_288, %mul3A_289 : i32
        %get3A_291 = arith.index_cast %mul3A_290 : i32 to index
        %get3A_292 = tpu.vector_load %arg8[%get3A_291] {strides = array<i32>} : memref<4096xi32, #tpu.memory_space<vmem>>, vector<16xi32>,
        %get3A_293 = vector.shape_cast %get3A_292 : vector<16xi32> to vector<16xi32>
        %mul3A_294 = arith.constant 16 : i32
        %mul3A_295 = arith.muli %add3A_288, %mul3A_294 : i32
        %add3A_296 = vector.broadcast %mul3A_295 : i32 to vector<16xi32>
        %add3A_297 = arith.addi %iota3A, %add3A_296 : vector<16xi32>
        %eq3A_298 = vector.broadcast %scan3A_13#0 : i32 to vector<16xi32>
        %eq3A_299 = arith.cmpi eq, %get3A_293, %eq3A_298 : vector<16xi32>
        %le3A_300 = vector.broadcast %shift_right_arithmetic3A_148 : i32 to vector<16xi32>
        %le3A_301 = arith.cmpi sle, %add3A_297, %le3A_300 : vector<16xi32>
        %jit3A_302 = arith.constant 1 : i32
        %jit3A_303 = arith.constant 0 : i32
        %broadcast_in_dim3A_304 = vector.broadcast %jit3A_302 : i32 to vector<16xi32>
        %broadcast_in_dim3A_305 = vector.broadcast %jit3A_303 : i32 to vector<16xi32>
        %select_n3A_306 = arith.select %le3A_301, %broadcast_in_dim3A_304, %broadcast_in_dim3A_305 : vector<16xi1>, vector<16xi32>
        %jit3A_307 = arith.constant 0 : i32
        %broadcast_in_dim3A_308 = vector.broadcast %jit3A_307 : i32 to vector<16xi32>
        %select_n3A_309 = arith.select %eq3A_299, %select_n3A_306, %broadcast_in_dim3A_308 : vector<16xi1>, vector<16xi32>
        %add3A_310 = arith.addi %add3A_284, %select_n3A_309 : vector<16xi32>
        %mul3A_311 = arith.constant 8 : i32
        %mul3A_312 = arith.muli %scan3A_208, %mul3A_311 : i32
        %add3A_313 = arith.constant 4 : i32
        %add3A_314 = arith.addi %mul3A_312, %add3A_313 : i32
        %mul3A_315 = arith.constant 16 : i32
        %mul3A_316 = arith.muli %add3A_314, %mul3A_315 : i32
        %get3A_317 = arith.index_cast %mul3A_316 : i32 to index
        %get3A_318 = tpu.vector_load %arg8[%get3A_317] {strides = array<i32>} : memref<4096xi32, #tpu.memory_space<vmem>>, vector<16xi32>,
        %get3A_319 = vector.shape_cast %get3A_318 : vector<16xi32> to vector<16xi32>
        %mul3A_320 = arith.constant 16 : i32
        %mul3A_321 = arith.muli %add3A_314, %mul3A_320 : i32
        %add3A_322 = vector.broadcast %mul3A_321 : i32 to vector<16xi32>
        %add3A_323 = arith.addi %iota3A, %add3A_322 : vector<16xi32>
        %eq3A_324 = vector.broadcast %scan3A_13#0 : i32 to vector<16xi32>
        %eq3A_325 = arith.cmpi eq, %get3A_319, %eq3A_324 : vector<16xi32>
        %le3A_326 = vector.broadcast %shift_right_arithmetic3A_148 : i32 to vector<16xi32>
        %le3A_327 = arith.cmpi sle, %add3A_323, %le3A_326 : vector<16xi32>
        %jit3A_328 = arith.constant 1 : i32
        %jit3A_329 = arith.constant 0 : i32
        %broadcast_in_dim3A_330 = vector.broadcast %jit3A_328 : i32 to vector<16xi32>
        %broadcast_in_dim3A_331 = vector.broadcast %jit3A_329 : i32 to vector<16xi32>
        %select_n3A_332 = arith.select %le3A_327, %broadcast_in_dim3A_330, %broadcast_in_dim3A_331 : vector<16xi1>, vector<16xi32>
        %jit3A_333 = arith.constant 0 : i32
        %broadcast_in_dim3A_334 = vector.broadcast %jit3A_333 : i32 to vector<16xi32>
        %select_n3A_335 = arith.select %eq3A_325, %select_n3A_332, %broadcast_in_dim3A_334 : vector<16xi1>, vector<16xi32>
        %add3A_336 = arith.addi %add3A_310, %select_n3A_335 : vector<16xi32>
        %mul3A_337 = arith.constant 8 : i32
        %mul3A_338 = arith.muli %scan3A_208, %mul3A_337 : i32
        %add3A_339 = arith.constant 5 : i32
        %add3A_340 = arith.addi %mul3A_338, %add3A_339 : i32
        %mul3A_341 = arith.constant 16 : i32
        %mul3A_342 = arith.muli %add3A_340, %mul3A_341 : i32
        %get3A_343 = arith.index_cast %mul3A_342 : i32 to index
        %get3A_344 = tpu.vector_load %arg8[%get3A_343] {strides = array<i32>} : memref<4096xi32, #tpu.memory_space<vmem>>, vector<16xi32>,
        %get3A_345 = vector.shape_cast %get3A_344 : vector<16xi32> to vector<16xi32>
        %mul3A_346 = arith.constant 16 : i32
        %mul3A_347 = arith.muli %add3A_340, %mul3A_346 : i32
        %add3A_348 = vector.broadcast %mul3A_347 : i32 to vector<16xi32>
        %add3A_349 = arith.addi %iota3A, %add3A_348 : vector<16xi32>
        %eq3A_350 = vector.broadcast %scan3A_13#0 : i32 to vector<16xi32>
        %eq3A_351 = arith.cmpi eq, %get3A_345, %eq3A_350 : vector<16xi32>
        %le3A_352 = vector.broadcast %shift_right_arithmetic3A_148 : i32 to vector<16xi32>
        %le3A_353 = arith.cmpi sle, %add3A_349, %le3A_352 : vector<16xi32>
        %jit3A_354 = arith.constant 1 : i32
        %jit3A_355 = arith.constant 0 : i32
        %broadcast_in_dim3A_356 = vector.broadcast %jit3A_354 : i32 to vector<16xi32>
        %broadcast_in_dim3A_357 = vector.broadcast %jit3A_355 : i32 to vector<16xi32>
        %select_n3A_358 = arith.select %le3A_353, %broadcast_in_dim3A_356, %broadcast_in_dim3A_357 : vector<16xi1>, vector<16xi32>
        %jit3A_359 = arith.constant 0 : i32
        %broadcast_in_dim3A_360 = vector.broadcast %jit3A_359 : i32 to vector<16xi32>
        %select_n3A_361 = arith.select %eq3A_351, %select_n3A_358, %broadcast_in_dim3A_360 : vector<16xi1>, vector<16xi32>
        %add3A_362 = arith.addi %add3A_336, %select_n3A_361 : vector<16xi32>
        %mul3A_363 = arith.constant 8 : i32
        %mul3A_364 = arith.muli %scan3A_208, %mul3A_363 : i32
        %add3A_365 = arith.constant 6 : i32
        %add3A_366 = arith.addi %mul3A_364, %add3A_365 : i32
        %mul3A_367 = arith.constant 16 : i32
        %mul3A_368 = arith.muli %add3A_366, %mul3A_367 : i32
        %get3A_369 = arith.index_cast %mul3A_368 : i32 to index
        %get3A_370 = tpu.vector_load %arg8[%get3A_369] {strides = array<i32>} : memref<4096xi32, #tpu.memory_space<vmem>>, vector<16xi32>,
        %get3A_371 = vector.shape_cast %get3A_370 : vector<16xi32> to vector<16xi32>
        %mul3A_372 = arith.constant 16 : i32
        %mul3A_373 = arith.muli %add3A_366, %mul3A_372 : i32
        %add3A_374 = vector.broadcast %mul3A_373 : i32 to vector<16xi32>
        %add3A_375 = arith.addi %iota3A, %add3A_374 : vector<16xi32>
        %eq3A_376 = vector.broadcast %scan3A_13#0 : i32 to vector<16xi32>
        %eq3A_377 = arith.cmpi eq, %get3A_371, %eq3A_376 : vector<16xi32>
        %le3A_378 = vector.broadcast %shift_right_arithmetic3A_148 : i32 to vector<16xi32>
        %le3A_379 = arith.cmpi sle, %add3A_375, %le3A_378 : vector<16xi32>
        %jit3A_380 = arith.constant 1 : i32
        %jit3A_381 = arith.constant 0 : i32
        %broadcast_in_dim3A_382 = vector.broadcast %jit3A_380 : i32 to vector<16xi32>
        %broadcast_in_dim3A_383 = vector.broadcast %jit3A_381 : i32 to vector<16xi32>
        %select_n3A_384 = arith.select %le3A_379, %broadcast_in_dim3A_382, %broadcast_in_dim3A_383 : vector<16xi1>, vector<16xi32>
        %jit3A_385 = arith.constant 0 : i32
        %broadcast_in_dim3A_386 = vector.broadcast %jit3A_385 : i32 to vector<16xi32>
        %select_n3A_387 = arith.select %eq3A_377, %select_n3A_384, %broadcast_in_dim3A_386 : vector<16xi1>, vector<16xi32>
        %add3A_388 = arith.addi %add3A_362, %select_n3A_387 : vector<16xi32>
        %mul3A_389 = arith.constant 8 : i32
        %mul3A_390 = arith.muli %scan3A_208, %mul3A_389 : i32
        %add3A_391 = arith.constant 7 : i32
        %add3A_392 = arith.addi %mul3A_390, %add3A_391 : i32
        %mul3A_393 = arith.constant 16 : i32
        %mul3A_394 = arith.muli %add3A_392, %mul3A_393 : i32
        %get3A_395 = arith.index_cast %mul3A_394 : i32 to index
        %get3A_396 = tpu.vector_load %arg8[%get3A_395] {strides = array<i32>} : memref<4096xi32, #tpu.memory_space<vmem>>, vector<16xi32>,
        %get3A_397 = vector.shape_cast %get3A_396 : vector<16xi32> to vector<16xi32>
        %mul3A_398 = arith.constant 16 : i32
        %mul3A_399 = arith.muli %add3A_392, %mul3A_398 : i32
        %add3A_400 = vector.broadcast %mul3A_399 : i32 to vector<16xi32>
        %add3A_401 = arith.addi %iota3A, %add3A_400 : vector<16xi32>
        %eq3A_402 = vector.broadcast %scan3A_13#0 : i32 to vector<16xi32>
        %eq3A_403 = arith.cmpi eq, %get3A_397, %eq3A_402 : vector<16xi32>
        %le3A_404 = vector.broadcast %shift_right_arithmetic3A_148 : i32 to vector<16xi32>
        %le3A_405 = arith.cmpi sle, %add3A_401, %le3A_404 : vector<16xi32>
        %jit3A_406 = arith.constant 1 : i32
        %jit3A_407 = arith.constant 0 : i32
        %broadcast_in_dim3A_408 = vector.broadcast %jit3A_406 : i32 to vector<16xi32>
        %broadcast_in_dim3A_409 = vector.broadcast %jit3A_407 : i32 to vector<16xi32>
        %select_n3A_410 = arith.select %le3A_405, %broadcast_in_dim3A_408, %broadcast_in_dim3A_409 : vector<16xi1>, vector<16xi32>
        %jit3A_411 = arith.constant 0 : i32
        %broadcast_in_dim3A_412 = vector.broadcast %jit3A_411 : i32 to vector<16xi32>
        %select_n3A_413 = arith.select %eq3A_403, %select_n3A_410, %broadcast_in_dim3A_412 : vector<16xi1>, vector<16xi32>
        %add3A_414 = arith.addi %add3A_388, %select_n3A_413 : vector<16xi32>
        scf.yield %add3A_414 : vector<16xi32>
      }
      %scan3A_156 = arith.constant 32 : i32
      %slice3A_157 = vector.extract_strided_slice %scan3A_155 {offsets = [0], sizes = [1], strides = [1]} : vector<16xi32> to vector<1xi32>
      %squeeze3A_158 = vector.extract %slice3A_157[0] : i32 from vector<1xi32>
      %slice3A_159 = vector.extract_strided_slice %scan3A_155 {offsets = [1], sizes = [1], strides = [1]} : vector<16xi32> to vector<1xi32>
      %squeeze3A_160 = vector.extract %slice3A_159[0] : i32 from vector<1xi32>
      %add3A_161 = arith.addi %squeeze3A_158, %squeeze3A_160 : i32
      %slice3A_162 = vector.extract_strided_slice %scan3A_155 {offsets = [2], sizes = [1], strides = [1]} : vector<16xi32> to vector<1xi32>
      %squeeze3A_163 = vector.extract %slice3A_162[0] : i32 from vector<1xi32>
      %add3A_164 = arith.addi %add3A_161, %squeeze3A_163 : i32
      %slice3A_165 = vector.extract_strided_slice %scan3A_155 {offsets = [3], sizes = [1], strides = [1]} : vector<16xi32> to vector<1xi32>
      %squeeze3A_166 = vector.extract %slice3A_165[0] : i32 from vector<1xi32>
      %add3A_167 = arith.addi %add3A_164, %squeeze3A_166 : i32
      %slice3A_168 = vector.extract_strided_slice %scan3A_155 {offsets = [4], sizes = [1], strides = [1]} : vector<16xi32> to vector<1xi32>
      %squeeze3A_169 = vector.extract %slice3A_168[0] : i32 from vector<1xi32>
      %add3A_170 = arith.addi %add3A_167, %squeeze3A_169 : i32
      %slice3A_171 = vector.extract_strided_slice %scan3A_155 {offsets = [5], sizes = [1], strides = [1]} : vector<16xi32> to vector<1xi32>
      %squeeze3A_172 = vector.extract %slice3A_171[0] : i32 from vector<1xi32>
      %add3A_173 = arith.addi %add3A_170, %squeeze3A_172 : i32
      %slice3A_174 = vector.extract_strided_slice %scan3A_155 {offsets = [6], sizes = [1], strides = [1]} : vector<16xi32> to vector<1xi32>
      %squeeze3A_175 = vector.extract %slice3A_174[0] : i32 from vector<1xi32>
      %add3A_176 = arith.addi %add3A_173, %squeeze3A_175 : i32
      %slice3A_177 = vector.extract_strided_slice %scan3A_155 {offsets = [7], sizes = [1], strides = [1]} : vector<16xi32> to vector<1xi32>
      %squeeze3A_178 = vector.extract %slice3A_177[0] : i32 from vector<1xi32>
      %add3A_179 = arith.addi %add3A_176, %squeeze3A_178 : i32
      %slice3A_180 = vector.extract_strided_slice %scan3A_155 {offsets = [8], sizes = [1], strides = [1]} : vector<16xi32> to vector<1xi32>
      %squeeze3A_181 = vector.extract %slice3A_180[0] : i32 from vector<1xi32>
      %add3A_182 = arith.addi %add3A_179, %squeeze3A_181 : i32
      %slice3A_183 = vector.extract_strided_slice %scan3A_155 {offsets = [9], sizes = [1], strides = [1]} : vector<16xi32> to vector<1xi32>
      %squeeze3A_184 = vector.extract %slice3A_183[0] : i32 from vector<1xi32>
      %add3A_185 = arith.addi %add3A_182, %squeeze3A_184 : i32
      %slice3A_186 = vector.extract_strided_slice %scan3A_155 {offsets = [10], sizes = [1], strides = [1]} : vector<16xi32> to vector<1xi32>
      %squeeze3A_187 = vector.extract %slice3A_186[0] : i32 from vector<1xi32>
      %add3A_188 = arith.addi %add3A_185, %squeeze3A_187 : i32
      %slice3A_189 = vector.extract_strided_slice %scan3A_155 {offsets = [11], sizes = [1], strides = [1]} : vector<16xi32> to vector<1xi32>
      %squeeze3A_190 = vector.extract %slice3A_189[0] : i32 from vector<1xi32>
      %add3A_191 = arith.addi %add3A_188, %squeeze3A_190 : i32
      %slice3A_192 = vector.extract_strided_slice %scan3A_155 {offsets = [12], sizes = [1], strides = [1]} : vector<16xi32> to vector<1xi32>
      %squeeze3A_193 = vector.extract %slice3A_192[0] : i32 from vector<1xi32>
      %add3A_194 = arith.addi %add3A_191, %squeeze3A_193 : i32
      %slice3A_195 = vector.extract_strided_slice %scan3A_155 {offsets = [13], sizes = [1], strides = [1]} : vector<16xi32> to vector<1xi32>
      %squeeze3A_196 = vector.extract %slice3A_195[0] : i32 from vector<1xi32>
      %add3A_197 = arith.addi %add3A_194, %squeeze3A_196 : i32
      %slice3A_198 = vector.extract_strided_slice %scan3A_155 {offsets = [14], sizes = [1], strides = [1]} : vector<16xi32> to vector<1xi32>
      %squeeze3A_199 = vector.extract %slice3A_198[0] : i32 from vector<1xi32>
      %add3A_200 = arith.addi %add3A_197, %squeeze3A_199 : i32
      %slice3A_201 = vector.extract_strided_slice %scan3A_155 {offsets = [15], sizes = [1], strides = [1]} : vector<16xi32> to vector<1xi32>
      %squeeze3A_202 = vector.extract %slice3A_201[0] : i32 from vector<1xi32>
      %add3A_203 = arith.addi %add3A_200, %squeeze3A_202 : i32
      %ge3A = arith.cmpi sge, %add3A_203, %sub3A_67 : i32
      %add3A_204 = arith.constant 1 : i32
      %add3A_205 = arith.addi %shift_right_arithmetic3A_148, %add3A_204 : i32
      %select_n3A_206 = arith.select %ge3A, %scan3A_145, %add3A_205 : i32
      %select_n3A_207 = arith.select %ge3A, %shift_right_arithmetic3A_148, %scan3A_146 : i32
      scf.yield %select_n3A_206, %select_n3A_207 : i32, i32
    }
    %scan3A_75 = arith.constant 12 : i32
    %gt3A = arith.constant 0 : i32
    %gt3A_76 = arith.cmpi sgt, %sub3A_67, %gt3A : i32
    %jit3A = arith.constant 1 : i32
    %jit3A_77 = arith.constant 0 : i32
    %select_n3A = arith.select %gt3A_76, %jit3A, %jit3A_77 : i32
    %broadcast_in_dim3A_78 = arith.constant 0 : i32
    %broadcast_in_dim3A_79 = vector.broadcast %broadcast_in_dim3A_78 : i32 to vector<16xi32>
    %while3A = arith.constant 0 : i32
    %while3A_80 = arith.subi %add3A, %while3A : i32
    %while3A_81 = arith.addi %while3A, %while3A_80 : i32
    %while3A_82 = arith.constant 1 : i32
    %while3A_83 = arith.divsi %while3A_80, %while3A_82 : i32
    %while3A_84 = arith.muli %while3A_83, %while3A_82 : i32
    %while3A_85 = arith.addi %while3A, %while3A_84 : i32
    %while3A_86 = arith.constant 1 : i32
    %while3A_87 = scf.for %while3A_144 = %while3A to %while3A_85 step %while3A_86 iter_args(%while3A_145 = %broadcast_in_dim3A_79) -> (vector<16xi32>)  : i32 {
      %mul3A_146 = arith.constant 8 : i32
      %mul3A_147 = arith.muli %while3A_144, %mul3A_146 : i32
      %add3A_148 = arith.constant 0 : i32
      %add3A_149 = arith.addi %mul3A_147, %add3A_148 : i32
      %mul3A_150 = arith.constant 16 : i32
      %mul3A_151 = arith.muli %add3A_149, %mul3A_150 : i32
      %get3A = arith.index_cast %mul3A_151 : i32 to index
      %get3A_152 = tpu.vector_load %arg8[%get3A] {strides = array<i32>} : memref<4096xi32, #tpu.memory_space<vmem>>, vector<16xi32>,
      %get3A_153 = vector.shape_cast %get3A_152 : vector<16xi32> to vector<16xi32>
      %mul3A_154 = arith.constant 16 : i32
      %mul3A_155 = arith.muli %add3A_149, %mul3A_154 : i32
      %add3A_156 = vector.broadcast %mul3A_155 : i32 to vector<16xi32>
      %add3A_157 = arith.addi %iota3A, %add3A_156 : vector<16xi32>
      %gt3A_158 = vector.broadcast %scan3A_13#0 : i32 to vector<16xi32>
      %gt3A_159 = arith.cmpi sgt, %get3A_153, %gt3A_158 : vector<16xi32>
      %jit3A_160 = arith.constant 1 : i32
      %jit3A_161 = arith.constant 0 : i32
      %broadcast_in_dim3A_162 = vector.broadcast %jit3A_160 : i32 to vector<16xi32>
      %broadcast_in_dim3A_163 = vector.broadcast %jit3A_161 : i32 to vector<16xi32>
      %select_n3A_164 = arith.select %gt3A_159, %broadcast_in_dim3A_162, %broadcast_in_dim3A_163 : vector<16xi1>, vector<16xi32>
      %eq3A = vector.broadcast %scan3A_13#0 : i32 to vector<16xi32>
      %eq3A_165 = arith.cmpi eq, %get3A_153, %eq3A : vector<16xi32>
      %le3A = vector.broadcast %scan3A_74#0 : i32 to vector<16xi32>
      %le3A_166 = arith.cmpi sle, %add3A_157, %le3A : vector<16xi32>
      %jit3A_167 = arith.constant 0 : i32
      %broadcast_in_dim3A_168 = vector.broadcast %select_n3A : i32 to vector<16xi32>
      %broadcast_in_dim3A_169 = vector.broadcast %jit3A_167 : i32 to vector<16xi32>
      %select_n3A_170 = arith.select %le3A_166, %broadcast_in_dim3A_168, %broadcast_in_dim3A_169 : vector<16xi1>, vector<16xi32>
      %jit3A_171 = arith.constant 0 : i32
      %broadcast_in_dim3A_172 = vector.broadcast %jit3A_171 : i32 to vector<16xi32>
      %select_n3A_173 = arith.select %eq3A_165, %select_n3A_170, %broadcast_in_dim3A_172 : vector<16xi1>, vector<16xi32>
      %add3A_174 = arith.addi %select_n3A_164, %select_n3A_173 : vector<16xi32>
      %add3A_175 = arith.addi %while3A_145, %add3A_174 : vector<16xi32>
      %mul3A_176 = arith.constant 8 : i32
      %mul3A_177 = arith.muli %while3A_144, %mul3A_176 : i32
      %add3A_178 = arith.constant 1 : i32
      %add3A_179 = arith.addi %mul3A_177, %add3A_178 : i32
      %mul3A_180 = arith.constant 16 : i32
      %mul3A_181 = arith.muli %add3A_179, %mul3A_180 : i32
      %get3A_182 = arith.index_cast %mul3A_181 : i32 to index
      %get3A_183 = tpu.vector_load %arg8[%get3A_182] {strides = array<i32>} : memref<4096xi32, #tpu.memory_space<vmem>>, vector<16xi32>,
      %get3A_184 = vector.shape_cast %get3A_183 : vector<16xi32> to vector<16xi32>
      %mul3A_185 = arith.constant 16 : i32
      %mul3A_186 = arith.muli %add3A_179, %mul3A_185 : i32
      %add3A_187 = vector.broadcast %mul3A_186 : i32 to vector<16xi32>
      %add3A_188 = arith.addi %iota3A, %add3A_187 : vector<16xi32>
      %gt3A_189 = vector.broadcast %scan3A_13#0 : i32 to vector<16xi32>
      %gt3A_190 = arith.cmpi sgt, %get3A_184, %gt3A_189 : vector<16xi32>
      %jit3A_191 = arith.constant 1 : i32
      %jit3A_192 = arith.constant 0 : i32
      %broadcast_in_dim3A_193 = vector.broadcast %jit3A_191 : i32 to vector<16xi32>
      %broadcast_in_dim3A_194 = vector.broadcast %jit3A_192 : i32 to vector<16xi32>
      %select_n3A_195 = arith.select %gt3A_190, %broadcast_in_dim3A_193, %broadcast_in_dim3A_194 : vector<16xi1>, vector<16xi32>
      %eq3A_196 = vector.broadcast %scan3A_13#0 : i32 to vector<16xi32>
      %eq3A_197 = arith.cmpi eq, %get3A_184, %eq3A_196 : vector<16xi32>
      %le3A_198 = vector.broadcast %scan3A_74#0 : i32 to vector<16xi32>
      %le3A_199 = arith.cmpi sle, %add3A_188, %le3A_198 : vector<16xi32>
      %jit3A_200 = arith.constant 0 : i32
      %broadcast_in_dim3A_201 = vector.broadcast %select_n3A : i32 to vector<16xi32>
      %broadcast_in_dim3A_202 = vector.broadcast %jit3A_200 : i32 to vector<16xi32>
      %select_n3A_203 = arith.select %le3A_199, %broadcast_in_dim3A_201, %broadcast_in_dim3A_202 : vector<16xi1>, vector<16xi32>
      %jit3A_204 = arith.constant 0 : i32
      %broadcast_in_dim3A_205 = vector.broadcast %jit3A_204 : i32 to vector<16xi32>
      %select_n3A_206 = arith.select %eq3A_197, %select_n3A_203, %broadcast_in_dim3A_205 : vector<16xi1>, vector<16xi32>
      %add3A_207 = arith.addi %select_n3A_195, %select_n3A_206 : vector<16xi32>
      %add3A_208 = arith.addi %add3A_175, %add3A_207 : vector<16xi32>
      %mul3A_209 = arith.constant 8 : i32
      %mul3A_210 = arith.muli %while3A_144, %mul3A_209 : i32
      %add3A_211 = arith.constant 2 : i32
      %add3A_212 = arith.addi %mul3A_210, %add3A_211 : i32
      %mul3A_213 = arith.constant 16 : i32
      %mul3A_214 = arith.muli %add3A_212, %mul3A_213 : i32
      %get3A_215 = arith.index_cast %mul3A_214 : i32 to index
      %get3A_216 = tpu.vector_load %arg8[%get3A_215] {strides = array<i32>} : memref<4096xi32, #tpu.memory_space<vmem>>, vector<16xi32>,
      %get3A_217 = vector.shape_cast %get3A_216 : vector<16xi32> to vector<16xi32>
      %mul3A_218 = arith.constant 16 : i32
      %mul3A_219 = arith.muli %add3A_212, %mul3A_218 : i32
      %add3A_220 = vector.broadcast %mul3A_219 : i32 to vector<16xi32>
      %add3A_221 = arith.addi %iota3A, %add3A_220 : vector<16xi32>
      %gt3A_222 = vector.broadcast %scan3A_13#0 : i32 to vector<16xi32>
      %gt3A_223 = arith.cmpi sgt, %get3A_217, %gt3A_222 : vector<16xi32>
      %jit3A_224 = arith.constant 1 : i32
      %jit3A_225 = arith.constant 0 : i32
      %broadcast_in_dim3A_226 = vector.broadcast %jit3A_224 : i32 to vector<16xi32>
      %broadcast_in_dim3A_227 = vector.broadcast %jit3A_225 : i32 to vector<16xi32>
      %select_n3A_228 = arith.select %gt3A_223, %broadcast_in_dim3A_226, %broadcast_in_dim3A_227 : vector<16xi1>, vector<16xi32>
      %eq3A_229 = vector.broadcast %scan3A_13#0 : i32 to vector<16xi32>
      %eq3A_230 = arith.cmpi eq, %get3A_217, %eq3A_229 : vector<16xi32>
      %le3A_231 = vector.broadcast %scan3A_74#0 : i32 to vector<16xi32>
      %le3A_232 = arith.cmpi sle, %add3A_221, %le3A_231 : vector<16xi32>
      %jit3A_233 = arith.constant 0 : i32
      %broadcast_in_dim3A_234 = vector.broadcast %select_n3A : i32 to vector<16xi32>
      %broadcast_in_dim3A_235 = vector.broadcast %jit3A_233 : i32 to vector<16xi32>
      %select_n3A_236 = arith.select %le3A_232, %broadcast_in_dim3A_234, %broadcast_in_dim3A_235 : vector<16xi1>, vector<16xi32>
      %jit3A_237 = arith.constant 0 : i32
      %broadcast_in_dim3A_238 = vector.broadcast %jit3A_237 : i32 to vector<16xi32>
      %select_n3A_239 = arith.select %eq3A_230, %select_n3A_236, %broadcast_in_dim3A_238 : vector<16xi1>, vector<16xi32>
      %add3A_240 = arith.addi %select_n3A_228, %select_n3A_239 : vector<16xi32>
      %add3A_241 = arith.addi %add3A_208, %add3A_240 : vector<16xi32>
      %mul3A_242 = arith.constant 8 : i32
      %mul3A_243 = arith.muli %while3A_144, %mul3A_242 : i32
      %add3A_244 = arith.constant 3 : i32
      %add3A_245 = arith.addi %mul3A_243, %add3A_244 : i32
      %mul3A_246 = arith.constant 16 : i32
      %mul3A_247 = arith.muli %add3A_245, %mul3A_246 : i32
      %get3A_248 = arith.index_cast %mul3A_247 : i32 to index
      %get3A_249 = tpu.vector_load %arg8[%get3A_248] {strides = array<i32>} : memref<4096xi32, #tpu.memory_space<vmem>>, vector<16xi32>,
      %get3A_250 = vector.shape_cast %get3A_249 : vector<16xi32> to vector<16xi32>
      %mul3A_251 = arith.constant 16 : i32
      %mul3A_252 = arith.muli %add3A_245, %mul3A_251 : i32
      %add3A_253 = vector.broadcast %mul3A_252 : i32 to vector<16xi32>
      %add3A_254 = arith.addi %iota3A, %add3A_253 : vector<16xi32>
      %gt3A_255 = vector.broadcast %scan3A_13#0 : i32 to vector<16xi32>
      %gt3A_256 = arith.cmpi sgt, %get3A_250, %gt3A_255 : vector<16xi32>
      %jit3A_257 = arith.constant 1 : i32
      %jit3A_258 = arith.constant 0 : i32
      %broadcast_in_dim3A_259 = vector.broadcast %jit3A_257 : i32 to vector<16xi32>
      %broadcast_in_dim3A_260 = vector.broadcast %jit3A_258 : i32 to vector<16xi32>
      %select_n3A_261 = arith.select %gt3A_256, %broadcast_in_dim3A_259, %broadcast_in_dim3A_260 : vector<16xi1>, vector<16xi32>
      %eq3A_262 = vector.broadcast %scan3A_13#0 : i32 to vector<16xi32>
      %eq3A_263 = arith.cmpi eq, %get3A_250, %eq3A_262 : vector<16xi32>
      %le3A_264 = vector.broadcast %scan3A_74#0 : i32 to vector<16xi32>
      %le3A_265 = arith.cmpi sle, %add3A_254, %le3A_264 : vector<16xi32>
      %jit3A_266 = arith.constant 0 : i32
      %broadcast_in_dim3A_267 = vector.broadcast %select_n3A : i32 to vector<16xi32>
      %broadcast_in_dim3A_268 = vector.broadcast %jit3A_266 : i32 to vector<16xi32>
      %select_n3A_269 = arith.select %le3A_265, %broadcast_in_dim3A_267, %broadcast_in_dim3A_268 : vector<16xi1>, vector<16xi32>
      %jit3A_270 = arith.constant 0 : i32
      %broadcast_in_dim3A_271 = vector.broadcast %jit3A_270 : i32 to vector<16xi32>
      %select_n3A_272 = arith.select %eq3A_263, %select_n3A_269, %broadcast_in_dim3A_271 : vector<16xi1>, vector<16xi32>
      %add3A_273 = arith.addi %select_n3A_261, %select_n3A_272 : vector<16xi32>
      %add3A_274 = arith.addi %add3A_241, %add3A_273 : vector<16xi32>
      %mul3A_275 = arith.constant 8 : i32
      %mul3A_276 = arith.muli %while3A_144, %mul3A_275 : i32
      %add3A_277 = arith.constant 4 : i32
      %add3A_278 = arith.addi %mul3A_276, %add3A_277 : i32
      %mul3A_279 = arith.constant 16 : i32
      %mul3A_280 = arith.muli %add3A_278, %mul3A_279 : i32
      %get3A_281 = arith.index_cast %mul3A_280 : i32 to index
      %get3A_282 = tpu.vector_load %arg8[%get3A_281] {strides = array<i32>} : memref<4096xi32, #tpu.memory_space<vmem>>, vector<16xi32>,
      %get3A_283 = vector.shape_cast %get3A_282 : vector<16xi32> to vector<16xi32>
      %mul3A_284 = arith.constant 16 : i32
      %mul3A_285 = arith.muli %add3A_278, %mul3A_284 : i32
      %add3A_286 = vector.broadcast %mul3A_285 : i32 to vector<16xi32>
      %add3A_287 = arith.addi %iota3A, %add3A_286 : vector<16xi32>
      %gt3A_288 = vector.broadcast %scan3A_13#0 : i32 to vector<16xi32>
      %gt3A_289 = arith.cmpi sgt, %get3A_283, %gt3A_288 : vector<16xi32>
      %jit3A_290 = arith.constant 1 : i32
      %jit3A_291 = arith.constant 0 : i32
      %broadcast_in_dim3A_292 = vector.broadcast %jit3A_290 : i32 to vector<16xi32>
      %broadcast_in_dim3A_293 = vector.broadcast %jit3A_291 : i32 to vector<16xi32>
      %select_n3A_294 = arith.select %gt3A_289, %broadcast_in_dim3A_292, %broadcast_in_dim3A_293 : vector<16xi1>, vector<16xi32>
      %eq3A_295 = vector.broadcast %scan3A_13#0 : i32 to vector<16xi32>
      %eq3A_296 = arith.cmpi eq, %get3A_283, %eq3A_295 : vector<16xi32>
      %le3A_297 = vector.broadcast %scan3A_74#0 : i32 to vector<16xi32>
      %le3A_298 = arith.cmpi sle, %add3A_287, %le3A_297 : vector<16xi32>
      %jit3A_299 = arith.constant 0 : i32
      %broadcast_in_dim3A_300 = vector.broadcast %select_n3A : i32 to vector<16xi32>
      %broadcast_in_dim3A_301 = vector.broadcast %jit3A_299 : i32 to vector<16xi32>
      %select_n3A_302 = arith.select %le3A_298, %broadcast_in_dim3A_300, %broadcast_in_dim3A_301 : vector<16xi1>, vector<16xi32>
      %jit3A_303 = arith.constant 0 : i32
      %broadcast_in_dim3A_304 = vector.broadcast %jit3A_303 : i32 to vector<16xi32>
      %select_n3A_305 = arith.select %eq3A_296, %select_n3A_302, %broadcast_in_dim3A_304 : vector<16xi1>, vector<16xi32>
      %add3A_306 = arith.addi %select_n3A_294, %select_n3A_305 : vector<16xi32>
      %add3A_307 = arith.addi %add3A_274, %add3A_306 : vector<16xi32>
      %mul3A_308 = arith.constant 8 : i32
      %mul3A_309 = arith.muli %while3A_144, %mul3A_308 : i32
      %add3A_310 = arith.constant 5 : i32
      %add3A_311 = arith.addi %mul3A_309, %add3A_310 : i32
      %mul3A_312 = arith.constant 16 : i32
      %mul3A_313 = arith.muli %add3A_311, %mul3A_312 : i32
      %get3A_314 = arith.index_cast %mul3A_313 : i32 to index
      %get3A_315 = tpu.vector_load %arg8[%get3A_314] {strides = array<i32>} : memref<4096xi32, #tpu.memory_space<vmem>>, vector<16xi32>,
      %get3A_316 = vector.shape_cast %get3A_315 : vector<16xi32> to vector<16xi32>
      %mul3A_317 = arith.constant 16 : i32
      %mul3A_318 = arith.muli %add3A_311, %mul3A_317 : i32
      %add3A_319 = vector.broadcast %mul3A_318 : i32 to vector<16xi32>
      %add3A_320 = arith.addi %iota3A, %add3A_319 : vector<16xi32>
      %gt3A_321 = vector.broadcast %scan3A_13#0 : i32 to vector<16xi32>
      %gt3A_322 = arith.cmpi sgt, %get3A_316, %gt3A_321 : vector<16xi32>
      %jit3A_323 = arith.constant 1 : i32
      %jit3A_324 = arith.constant 0 : i32
      %broadcast_in_dim3A_325 = vector.broadcast %jit3A_323 : i32 to vector<16xi32>
      %broadcast_in_dim3A_326 = vector.broadcast %jit3A_324 : i32 to vector<16xi32>
      %select_n3A_327 = arith.select %gt3A_322, %broadcast_in_dim3A_325, %broadcast_in_dim3A_326 : vector<16xi1>, vector<16xi32>
      %eq3A_328 = vector.broadcast %scan3A_13#0 : i32 to vector<16xi32>
      %eq3A_329 = arith.cmpi eq, %get3A_316, %eq3A_328 : vector<16xi32>
      %le3A_330 = vector.broadcast %scan3A_74#0 : i32 to vector<16xi32>
      %le3A_331 = arith.cmpi sle, %add3A_320, %le3A_330 : vector<16xi32>
      %jit3A_332 = arith.constant 0 : i32
      %broadcast_in_dim3A_333 = vector.broadcast %select_n3A : i32 to vector<16xi32>
      %broadcast_in_dim3A_334 = vector.broadcast %jit3A_332 : i32 to vector<16xi32>
      %select_n3A_335 = arith.select %le3A_331, %broadcast_in_dim3A_333, %broadcast_in_dim3A_334 : vector<16xi1>, vector<16xi32>
      %jit3A_336 = arith.constant 0 : i32
      %broadcast_in_dim3A_337 = vector.broadcast %jit3A_336 : i32 to vector<16xi32>
      %select_n3A_338 = arith.select %eq3A_329, %select_n3A_335, %broadcast_in_dim3A_337 : vector<16xi1>, vector<16xi32>
      %add3A_339 = arith.addi %select_n3A_327, %select_n3A_338 : vector<16xi32>
      %add3A_340 = arith.addi %add3A_307, %add3A_339 : vector<16xi32>
      %mul3A_341 = arith.constant 8 : i32
      %mul3A_342 = arith.muli %while3A_144, %mul3A_341 : i32
      %add3A_343 = arith.constant 6 : i32
      %add3A_344 = arith.addi %mul3A_342, %add3A_343 : i32
      %mul3A_345 = arith.constant 16 : i32
      %mul3A_346 = arith.muli %add3A_344, %mul3A_345 : i32
      %get3A_347 = arith.index_cast %mul3A_346 : i32 to index
      %get3A_348 = tpu.vector_load %arg8[%get3A_347] {strides = array<i32>} : memref<4096xi32, #tpu.memory_space<vmem>>, vector<16xi32>,
      %get3A_349 = vector.shape_cast %get3A_348 : vector<16xi32> to vector<16xi32>
      %mul3A_350 = arith.constant 16 : i32
      %mul3A_351 = arith.muli %add3A_344, %mul3A_350 : i32
      %add3A_352 = vector.broadcast %mul3A_351 : i32 to vector<16xi32>
      %add3A_353 = arith.addi %iota3A, %add3A_352 : vector<16xi32>
      %gt3A_354 = vector.broadcast %scan3A_13#0 : i32 to vector<16xi32>
      %gt3A_355 = arith.cmpi sgt, %get3A_349, %gt3A_354 : vector<16xi32>
      %jit3A_356 = arith.constant 1 : i32
      %jit3A_357 = arith.constant 0 : i32
      %broadcast_in_dim3A_358 = vector.broadcast %jit3A_356 : i32 to vector<16xi32>
      %broadcast_in_dim3A_359 = vector.broadcast %jit3A_357 : i32 to vector<16xi32>
      %select_n3A_360 = arith.select %gt3A_355, %broadcast_in_dim3A_358, %broadcast_in_dim3A_359 : vector<16xi1>, vector<16xi32>
      %eq3A_361 = vector.broadcast %scan3A_13#0 : i32 to vector<16xi32>
      %eq3A_362 = arith.cmpi eq, %get3A_349, %eq3A_361 : vector<16xi32>
      %le3A_363 = vector.broadcast %scan3A_74#0 : i32 to vector<16xi32>
      %le3A_364 = arith.cmpi sle, %add3A_353, %le3A_363 : vector<16xi32>
      %jit3A_365 = arith.constant 0 : i32
      %broadcast_in_dim3A_366 = vector.broadcast %select_n3A : i32 to vector<16xi32>
      %broadcast_in_dim3A_367 = vector.broadcast %jit3A_365 : i32 to vector<16xi32>
      %select_n3A_368 = arith.select %le3A_364, %broadcast_in_dim3A_366, %broadcast_in_dim3A_367 : vector<16xi1>, vector<16xi32>
      %jit3A_369 = arith.constant 0 : i32
      %broadcast_in_dim3A_370 = vector.broadcast %jit3A_369 : i32 to vector<16xi32>
      %select_n3A_371 = arith.select %eq3A_362, %select_n3A_368, %broadcast_in_dim3A_370 : vector<16xi1>, vector<16xi32>
      %add3A_372 = arith.addi %select_n3A_360, %select_n3A_371 : vector<16xi32>
      %add3A_373 = arith.addi %add3A_340, %add3A_372 : vector<16xi32>
      %mul3A_374 = arith.constant 8 : i32
      %mul3A_375 = arith.muli %while3A_144, %mul3A_374 : i32
      %add3A_376 = arith.constant 7 : i32
      %add3A_377 = arith.addi %mul3A_375, %add3A_376 : i32
      %mul3A_378 = arith.constant 16 : i32
      %mul3A_379 = arith.muli %add3A_377, %mul3A_378 : i32
      %get3A_380 = arith.index_cast %mul3A_379 : i32 to index
      %get3A_381 = tpu.vector_load %arg8[%get3A_380] {strides = array<i32>} : memref<4096xi32, #tpu.memory_space<vmem>>, vector<16xi32>,
      %get3A_382 = vector.shape_cast %get3A_381 : vector<16xi32> to vector<16xi32>
      %mul3A_383 = arith.constant 16 : i32
      %mul3A_384 = arith.muli %add3A_377, %mul3A_383 : i32
      %add3A_385 = vector.broadcast %mul3A_384 : i32 to vector<16xi32>
      %add3A_386 = arith.addi %iota3A, %add3A_385 : vector<16xi32>
      %gt3A_387 = vector.broadcast %scan3A_13#0 : i32 to vector<16xi32>
      %gt3A_388 = arith.cmpi sgt, %get3A_382, %gt3A_387 : vector<16xi32>
      %jit3A_389 = arith.constant 1 : i32
      %jit3A_390 = arith.constant 0 : i32
      %broadcast_in_dim3A_391 = vector.broadcast %jit3A_389 : i32 to vector<16xi32>
      %broadcast_in_dim3A_392 = vector.broadcast %jit3A_390 : i32 to vector<16xi32>
      %select_n3A_393 = arith.select %gt3A_388, %broadcast_in_dim3A_391, %broadcast_in_dim3A_392 : vector<16xi1>, vector<16xi32>
      %eq3A_394 = vector.broadcast %scan3A_13#0 : i32 to vector<16xi32>
      %eq3A_395 = arith.cmpi eq, %get3A_382, %eq3A_394 : vector<16xi32>
      %le3A_396 = vector.broadcast %scan3A_74#0 : i32 to vector<16xi32>
      %le3A_397 = arith.cmpi sle, %add3A_386, %le3A_396 : vector<16xi32>
      %jit3A_398 = arith.constant 0 : i32
      %broadcast_in_dim3A_399 = vector.broadcast %select_n3A : i32 to vector<16xi32>
      %broadcast_in_dim3A_400 = vector.broadcast %jit3A_398 : i32 to vector<16xi32>
      %select_n3A_401 = arith.select %le3A_397, %broadcast_in_dim3A_399, %broadcast_in_dim3A_400 : vector<16xi1>, vector<16xi32>
      %jit3A_402 = arith.constant 0 : i32
      %broadcast_in_dim3A_403 = vector.broadcast %jit3A_402 : i32 to vector<16xi32>
      %select_n3A_404 = arith.select %eq3A_395, %select_n3A_401, %broadcast_in_dim3A_403 : vector<16xi1>, vector<16xi32>
      %add3A_405 = arith.addi %select_n3A_393, %select_n3A_404 : vector<16xi32>
      %add3A_406 = arith.addi %add3A_373, %add3A_405 : vector<16xi32>
      scf.yield %add3A_406 : vector<16xi32>
    }
    %while3A_88 = arith.constant 1 : i32
    %while3A_89 = scf.for %while3A_144 = %while3A_85 to %while3A_81 step %while3A_88 iter_args(%while3A_145 = %while3A_87) -> (vector<16xi32>)  : i32 {
      %mul3A_146 = arith.constant 8 : i32
      %mul3A_147 = arith.muli %while3A_144, %mul3A_146 : i32
      %add3A_148 = arith.constant 0 : i32
      %add3A_149 = arith.addi %mul3A_147, %add3A_148 : i32
      %mul3A_150 = arith.constant 16 : i32
      %mul3A_151 = arith.muli %add3A_149, %mul3A_150 : i32
      %get3A = arith.index_cast %mul3A_151 : i32 to index
      %get3A_152 = tpu.vector_load %arg8[%get3A] {strides = array<i32>} : memref<4096xi32, #tpu.memory_space<vmem>>, vector<16xi32>,
      %get3A_153 = vector.shape_cast %get3A_152 : vector<16xi32> to vector<16xi32>
      %mul3A_154 = arith.constant 16 : i32
      %mul3A_155 = arith.muli %add3A_149, %mul3A_154 : i32
      %add3A_156 = vector.broadcast %mul3A_155 : i32 to vector<16xi32>
      %add3A_157 = arith.addi %iota3A, %add3A_156 : vector<16xi32>
      %gt3A_158 = vector.broadcast %scan3A_13#0 : i32 to vector<16xi32>
      %gt3A_159 = arith.cmpi sgt, %get3A_153, %gt3A_158 : vector<16xi32>
      %jit3A_160 = arith.constant 1 : i32
      %jit3A_161 = arith.constant 0 : i32
      %broadcast_in_dim3A_162 = vector.broadcast %jit3A_160 : i32 to vector<16xi32>
      %broadcast_in_dim3A_163 = vector.broadcast %jit3A_161 : i32 to vector<16xi32>
      %select_n3A_164 = arith.select %gt3A_159, %broadcast_in_dim3A_162, %broadcast_in_dim3A_163 : vector<16xi1>, vector<16xi32>
      %eq3A = vector.broadcast %scan3A_13#0 : i32 to vector<16xi32>
      %eq3A_165 = arith.cmpi eq, %get3A_153, %eq3A : vector<16xi32>
      %le3A = vector.broadcast %scan3A_74#0 : i32 to vector<16xi32>
      %le3A_166 = arith.cmpi sle, %add3A_157, %le3A : vector<16xi32>
      %jit3A_167 = arith.constant 0 : i32
      %broadcast_in_dim3A_168 = vector.broadcast %select_n3A : i32 to vector<16xi32>
      %broadcast_in_dim3A_169 = vector.broadcast %jit3A_167 : i32 to vector<16xi32>
      %select_n3A_170 = arith.select %le3A_166, %broadcast_in_dim3A_168, %broadcast_in_dim3A_169 : vector<16xi1>, vector<16xi32>
      %jit3A_171 = arith.constant 0 : i32
      %broadcast_in_dim3A_172 = vector.broadcast %jit3A_171 : i32 to vector<16xi32>
      %select_n3A_173 = arith.select %eq3A_165, %select_n3A_170, %broadcast_in_dim3A_172 : vector<16xi1>, vector<16xi32>
      %add3A_174 = arith.addi %select_n3A_164, %select_n3A_173 : vector<16xi32>
      %add3A_175 = arith.addi %while3A_145, %add3A_174 : vector<16xi32>
      %mul3A_176 = arith.constant 8 : i32
      %mul3A_177 = arith.muli %while3A_144, %mul3A_176 : i32
      %add3A_178 = arith.constant 1 : i32
      %add3A_179 = arith.addi %mul3A_177, %add3A_178 : i32
      %mul3A_180 = arith.constant 16 : i32
      %mul3A_181 = arith.muli %add3A_179, %mul3A_180 : i32
      %get3A_182 = arith.index_cast %mul3A_181 : i32 to index
      %get3A_183 = tpu.vector_load %arg8[%get3A_182] {strides = array<i32>} : memref<4096xi32, #tpu.memory_space<vmem>>, vector<16xi32>,
      %get3A_184 = vector.shape_cast %get3A_183 : vector<16xi32> to vector<16xi32>
      %mul3A_185 = arith.constant 16 : i32
      %mul3A_186 = arith.muli %add3A_179, %mul3A_185 : i32
      %add3A_187 = vector.broadcast %mul3A_186 : i32 to vector<16xi32>
      %add3A_188 = arith.addi %iota3A, %add3A_187 : vector<16xi32>
      %gt3A_189 = vector.broadcast %scan3A_13#0 : i32 to vector<16xi32>
      %gt3A_190 = arith.cmpi sgt, %get3A_184, %gt3A_189 : vector<16xi32>
      %jit3A_191 = arith.constant 1 : i32
      %jit3A_192 = arith.constant 0 : i32
      %broadcast_in_dim3A_193 = vector.broadcast %jit3A_191 : i32 to vector<16xi32>
      %broadcast_in_dim3A_194 = vector.broadcast %jit3A_192 : i32 to vector<16xi32>
      %select_n3A_195 = arith.select %gt3A_190, %broadcast_in_dim3A_193, %broadcast_in_dim3A_194 : vector<16xi1>, vector<16xi32>
      %eq3A_196 = vector.broadcast %scan3A_13#0 : i32 to vector<16xi32>
      %eq3A_197 = arith.cmpi eq, %get3A_184, %eq3A_196 : vector<16xi32>
      %le3A_198 = vector.broadcast %scan3A_74#0 : i32 to vector<16xi32>
      %le3A_199 = arith.cmpi sle, %add3A_188, %le3A_198 : vector<16xi32>
      %jit3A_200 = arith.constant 0 : i32
      %broadcast_in_dim3A_201 = vector.broadcast %select_n3A : i32 to vector<16xi32>
      %broadcast_in_dim3A_202 = vector.broadcast %jit3A_200 : i32 to vector<16xi32>
      %select_n3A_203 = arith.select %le3A_199, %broadcast_in_dim3A_201, %broadcast_in_dim3A_202 : vector<16xi1>, vector<16xi32>
      %jit3A_204 = arith.constant 0 : i32
      %broadcast_in_dim3A_205 = vector.broadcast %jit3A_204 : i32 to vector<16xi32>
      %select_n3A_206 = arith.select %eq3A_197, %select_n3A_203, %broadcast_in_dim3A_205 : vector<16xi1>, vector<16xi32>
      %add3A_207 = arith.addi %select_n3A_195, %select_n3A_206 : vector<16xi32>
      %add3A_208 = arith.addi %add3A_175, %add3A_207 : vector<16xi32>
      %mul3A_209 = arith.constant 8 : i32
      %mul3A_210 = arith.muli %while3A_144, %mul3A_209 : i32
      %add3A_211 = arith.constant 2 : i32
      %add3A_212 = arith.addi %mul3A_210, %add3A_211 : i32
      %mul3A_213 = arith.constant 16 : i32
      %mul3A_214 = arith.muli %add3A_212, %mul3A_213 : i32
      %get3A_215 = arith.index_cast %mul3A_214 : i32 to index
      %get3A_216 = tpu.vector_load %arg8[%get3A_215] {strides = array<i32>} : memref<4096xi32, #tpu.memory_space<vmem>>, vector<16xi32>,
      %get3A_217 = vector.shape_cast %get3A_216 : vector<16xi32> to vector<16xi32>
      %mul3A_218 = arith.constant 16 : i32
      %mul3A_219 = arith.muli %add3A_212, %mul3A_218 : i32
      %add3A_220 = vector.broadcast %mul3A_219 : i32 to vector<16xi32>
      %add3A_221 = arith.addi %iota3A, %add3A_220 : vector<16xi32>
      %gt3A_222 = vector.broadcast %scan3A_13#0 : i32 to vector<16xi32>
      %gt3A_223 = arith.cmpi sgt, %get3A_217, %gt3A_222 : vector<16xi32>
      %jit3A_224 = arith.constant 1 : i32
      %jit3A_225 = arith.constant 0 : i32
      %broadcast_in_dim3A_226 = vector.broadcast %jit3A_224 : i32 to vector<16xi32>
      %broadcast_in_dim3A_227 = vector.broadcast %jit3A_225 : i32 to vector<16xi32>
      %select_n3A_228 = arith.select %gt3A_223, %broadcast_in_dim3A_226, %broadcast_in_dim3A_227 : vector<16xi1>, vector<16xi32>
      %eq3A_229 = vector.broadcast %scan3A_13#0 : i32 to vector<16xi32>
      %eq3A_230 = arith.cmpi eq, %get3A_217, %eq3A_229 : vector<16xi32>
      %le3A_231 = vector.broadcast %scan3A_74#0 : i32 to vector<16xi32>
      %le3A_232 = arith.cmpi sle, %add3A_221, %le3A_231 : vector<16xi32>
      %jit3A_233 = arith.constant 0 : i32
      %broadcast_in_dim3A_234 = vector.broadcast %select_n3A : i32 to vector<16xi32>
      %broadcast_in_dim3A_235 = vector.broadcast %jit3A_233 : i32 to vector<16xi32>
      %select_n3A_236 = arith.select %le3A_232, %broadcast_in_dim3A_234, %broadcast_in_dim3A_235 : vector<16xi1>, vector<16xi32>
      %jit3A_237 = arith.constant 0 : i32
      %broadcast_in_dim3A_238 = vector.broadcast %jit3A_237 : i32 to vector<16xi32>
      %select_n3A_239 = arith.select %eq3A_230, %select_n3A_236, %broadcast_in_dim3A_238 : vector<16xi1>, vector<16xi32>
      %add3A_240 = arith.addi %select_n3A_228, %select_n3A_239 : vector<16xi32>
      %add3A_241 = arith.addi %add3A_208, %add3A_240 : vector<16xi32>
      %mul3A_242 = arith.constant 8 : i32
      %mul3A_243 = arith.muli %while3A_144, %mul3A_242 : i32
      %add3A_244 = arith.constant 3 : i32
      %add3A_245 = arith.addi %mul3A_243, %add3A_244 : i32
      %mul3A_246 = arith.constant 16 : i32
      %mul3A_247 = arith.muli %add3A_245, %mul3A_246 : i32
      %get3A_248 = arith.index_cast %mul3A_247 : i32 to index
      %get3A_249 = tpu.vector_load %arg8[%get3A_248] {strides = array<i32>} : memref<4096xi32, #tpu.memory_space<vmem>>, vector<16xi32>,
      %get3A_250 = vector.shape_cast %get3A_249 : vector<16xi32> to vector<16xi32>
      %mul3A_251 = arith.constant 16 : i32
      %mul3A_252 = arith.muli %add3A_245, %mul3A_251 : i32
      %add3A_253 = vector.broadcast %mul3A_252 : i32 to vector<16xi32>
      %add3A_254 = arith.addi %iota3A, %add3A_253 : vector<16xi32>
      %gt3A_255 = vector.broadcast %scan3A_13#0 : i32 to vector<16xi32>
      %gt3A_256 = arith.cmpi sgt, %get3A_250, %gt3A_255 : vector<16xi32>
      %jit3A_257 = arith.constant 1 : i32
      %jit3A_258 = arith.constant 0 : i32
      %broadcast_in_dim3A_259 = vector.broadcast %jit3A_257 : i32 to vector<16xi32>
      %broadcast_in_dim3A_260 = vector.broadcast %jit3A_258 : i32 to vector<16xi32>
      %select_n3A_261 = arith.select %gt3A_256, %broadcast_in_dim3A_259, %broadcast_in_dim3A_260 : vector<16xi1>, vector<16xi32>
      %eq3A_262 = vector.broadcast %scan3A_13#0 : i32 to vector<16xi32>
      %eq3A_263 = arith.cmpi eq, %get3A_250, %eq3A_262 : vector<16xi32>
      %le3A_264 = vector.broadcast %scan3A_74#0 : i32 to vector<16xi32>
      %le3A_265 = arith.cmpi sle, %add3A_254, %le3A_264 : vector<16xi32>
      %jit3A_266 = arith.constant 0 : i32
      %broadcast_in_dim3A_267 = vector.broadcast %select_n3A : i32 to vector<16xi32>
      %broadcast_in_dim3A_268 = vector.broadcast %jit3A_266 : i32 to vector<16xi32>
      %select_n3A_269 = arith.select %le3A_265, %broadcast_in_dim3A_267, %broadcast_in_dim3A_268 : vector<16xi1>, vector<16xi32>
      %jit3A_270 = arith.constant 0 : i32
      %broadcast_in_dim3A_271 = vector.broadcast %jit3A_270 : i32 to vector<16xi32>
      %select_n3A_272 = arith.select %eq3A_263, %select_n3A_269, %broadcast_in_dim3A_271 : vector<16xi1>, vector<16xi32>
      %add3A_273 = arith.addi %select_n3A_261, %select_n3A_272 : vector<16xi32>
      %add3A_274 = arith.addi %add3A_241, %add3A_273 : vector<16xi32>
      %mul3A_275 = arith.constant 8 : i32
      %mul3A_276 = arith.muli %while3A_144, %mul3A_275 : i32
      %add3A_277 = arith.constant 4 : i32
      %add3A_278 = arith.addi %mul3A_276, %add3A_277 : i32
      %mul3A_279 = arith.constant 16 : i32
      %mul3A_280 = arith.muli %add3A_278, %mul3A_279 : i32
      %get3A_281 = arith.index_cast %mul3A_280 : i32 to index
      %get3A_282 = tpu.vector_load %arg8[%get3A_281] {strides = array<i32>} : memref<4096xi32, #tpu.memory_space<vmem>>, vector<16xi32>,
      %get3A_283 = vector.shape_cast %get3A_282 : vector<16xi32> to vector<16xi32>
      %mul3A_284 = arith.constant 16 : i32
      %mul3A_285 = arith.muli %add3A_278, %mul3A_284 : i32
      %add3A_286 = vector.broadcast %mul3A_285 : i32 to vector<16xi32>
      %add3A_287 = arith.addi %iota3A, %add3A_286 : vector<16xi32>
      %gt3A_288 = vector.broadcast %scan3A_13#0 : i32 to vector<16xi32>
      %gt3A_289 = arith.cmpi sgt, %get3A_283, %gt3A_288 : vector<16xi32>
      %jit3A_290 = arith.constant 1 : i32
      %jit3A_291 = arith.constant 0 : i32
      %broadcast_in_dim3A_292 = vector.broadcast %jit3A_290 : i32 to vector<16xi32>
      %broadcast_in_dim3A_293 = vector.broadcast %jit3A_291 : i32 to vector<16xi32>
      %select_n3A_294 = arith.select %gt3A_289, %broadcast_in_dim3A_292, %broadcast_in_dim3A_293 : vector<16xi1>, vector<16xi32>
      %eq3A_295 = vector.broadcast %scan3A_13#0 : i32 to vector<16xi32>
      %eq3A_296 = arith.cmpi eq, %get3A_283, %eq3A_295 : vector<16xi32>
      %le3A_297 = vector.broadcast %scan3A_74#0 : i32 to vector<16xi32>
      %le3A_298 = arith.cmpi sle, %add3A_287, %le3A_297 : vector<16xi32>
      %jit3A_299 = arith.constant 0 : i32
      %broadcast_in_dim3A_300 = vector.broadcast %select_n3A : i32 to vector<16xi32>
      %broadcast_in_dim3A_301 = vector.broadcast %jit3A_299 : i32 to vector<16xi32>
      %select_n3A_302 = arith.select %le3A_298, %broadcast_in_dim3A_300, %broadcast_in_dim3A_301 : vector<16xi1>, vector<16xi32>
      %jit3A_303 = arith.constant 0 : i32
      %broadcast_in_dim3A_304 = vector.broadcast %jit3A_303 : i32 to vector<16xi32>
      %select_n3A_305 = arith.select %eq3A_296, %select_n3A_302, %broadcast_in_dim3A_304 : vector<16xi1>, vector<16xi32>
      %add3A_306 = arith.addi %select_n3A_294, %select_n3A_305 : vector<16xi32>
      %add3A_307 = arith.addi %add3A_274, %add3A_306 : vector<16xi32>
      %mul3A_308 = arith.constant 8 : i32
      %mul3A_309 = arith.muli %while3A_144, %mul3A_308 : i32
      %add3A_310 = arith.constant 5 : i32
      %add3A_311 = arith.addi %mul3A_309, %add3A_310 : i32
      %mul3A_312 = arith.constant 16 : i32
      %mul3A_313 = arith.muli %add3A_311, %mul3A_312 : i32
      %get3A_314 = arith.index_cast %mul3A_313 : i32 to index
      %get3A_315 = tpu.vector_load %arg8[%get3A_314] {strides = array<i32>} : memref<4096xi32, #tpu.memory_space<vmem>>, vector<16xi32>,
      %get3A_316 = vector.shape_cast %get3A_315 : vector<16xi32> to vector<16xi32>
      %mul3A_317 = arith.constant 16 : i32
      %mul3A_318 = arith.muli %add3A_311, %mul3A_317 : i32
      %add3A_319 = vector.broadcast %mul3A_318 : i32 to vector<16xi32>
      %add3A_320 = arith.addi %iota3A, %add3A_319 : vector<16xi32>
      %gt3A_321 = vector.broadcast %scan3A_13#0 : i32 to vector<16xi32>
      %gt3A_322 = arith.cmpi sgt, %get3A_316, %gt3A_321 : vector<16xi32>
      %jit3A_323 = arith.constant 1 : i32
      %jit3A_324 = arith.constant 0 : i32
      %broadcast_in_dim3A_325 = vector.broadcast %jit3A_323 : i32 to vector<16xi32>
      %broadcast_in_dim3A_326 = vector.broadcast %jit3A_324 : i32 to vector<16xi32>
      %select_n3A_327 = arith.select %gt3A_322, %broadcast_in_dim3A_325, %broadcast_in_dim3A_326 : vector<16xi1>, vector<16xi32>
      %eq3A_328 = vector.broadcast %scan3A_13#0 : i32 to vector<16xi32>
      %eq3A_329 = arith.cmpi eq, %get3A_316, %eq3A_328 : vector<16xi32>
      %le3A_330 = vector.broadcast %scan3A_74#0 : i32 to vector<16xi32>
      %le3A_331 = arith.cmpi sle, %add3A_320, %le3A_330 : vector<16xi32>
      %jit3A_332 = arith.constant 0 : i32
      %broadcast_in_dim3A_333 = vector.broadcast %select_n3A : i32 to vector<16xi32>
      %broadcast_in_dim3A_334 = vector.broadcast %jit3A_332 : i32 to vector<16xi32>
      %select_n3A_335 = arith.select %le3A_331, %broadcast_in_dim3A_333, %broadcast_in_dim3A_334 : vector<16xi1>, vector<16xi32>
      %jit3A_336 = arith.constant 0 : i32
      %broadcast_in_dim3A_337 = vector.broadcast %jit3A_336 : i32 to vector<16xi32>
      %select_n3A_338 = arith.select %eq3A_329, %select_n3A_335, %broadcast_in_dim3A_337 : vector<16xi1>, vector<16xi32>
      %add3A_339 = arith.addi %select_n3A_327, %select_n3A_338 : vector<16xi32>
      %add3A_340 = arith.addi %add3A_307, %add3A_339 : vector<16xi32>
      %mul3A_341 = arith.constant 8 : i32
      %mul3A_342 = arith.muli %while3A_144, %mul3A_341 : i32
      %add3A_343 = arith.constant 6 : i32
      %add3A_344 = arith.addi %mul3A_342, %add3A_343 : i32
      %mul3A_345 = arith.constant 16 : i32
      %mul3A_346 = arith.muli %add3A_344, %mul3A_345 : i32
      %get3A_347 = arith.index_cast %mul3A_346 : i32 to index
      %get3A_348 = tpu.vector_load %arg8[%get3A_347] {strides = array<i32>} : memref<4096xi32, #tpu.memory_space<vmem>>, vector<16xi32>,
      %get3A_349 = vector.shape_cast %get3A_348 : vector<16xi32> to vector<16xi32>
      %mul3A_350 = arith.constant 16 : i32
      %mul3A_351 = arith.muli %add3A_344, %mul3A_350 : i32
      %add3A_352 = vector.broadcast %mul3A_351 : i32 to vector<16xi32>
      %add3A_353 = arith.addi %iota3A, %add3A_352 : vector<16xi32>
      %gt3A_354 = vector.broadcast %scan3A_13#0 : i32 to vector<16xi32>
      %gt3A_355 = arith.cmpi sgt, %get3A_349, %gt3A_354 : vector<16xi32>
      %jit3A_356 = arith.constant 1 : i32
      %jit3A_357 = arith.constant 0 : i32
      %broadcast_in_dim3A_358 = vector.broadcast %jit3A_356 : i32 to vector<16xi32>
      %broadcast_in_dim3A_359 = vector.broadcast %jit3A_357 : i32 to vector<16xi32>
      %select_n3A_360 = arith.select %gt3A_355, %broadcast_in_dim3A_358, %broadcast_in_dim3A_359 : vector<16xi1>, vector<16xi32>
      %eq3A_361 = vector.broadcast %scan3A_13#0 : i32 to vector<16xi32>
      %eq3A_362 = arith.cmpi eq, %get3A_349, %eq3A_361 : vector<16xi32>
      %le3A_363 = vector.broadcast %scan3A_74#0 : i32 to vector<16xi32>
      %le3A_364 = arith.cmpi sle, %add3A_353, %le3A_363 : vector<16xi32>
      %jit3A_365 = arith.constant 0 : i32
      %broadcast_in_dim3A_366 = vector.broadcast %select_n3A : i32 to vector<16xi32>
      %broadcast_in_dim3A_367 = vector.broadcast %jit3A_365 : i32 to vector<16xi32>
      %select_n3A_368 = arith.select %le3A_364, %broadcast_in_dim3A_366, %broadcast_in_dim3A_367 : vector<16xi1>, vector<16xi32>
      %jit3A_369 = arith.constant 0 : i32
      %broadcast_in_dim3A_370 = vector.broadcast %jit3A_369 : i32 to vector<16xi32>
      %select_n3A_371 = arith.select %eq3A_362, %select_n3A_368, %broadcast_in_dim3A_370 : vector<16xi1>, vector<16xi32>
      %add3A_372 = arith.addi %select_n3A_360, %select_n3A_371 : vector<16xi32>
      %add3A_373 = arith.addi %add3A_340, %add3A_372 : vector<16xi32>
      %mul3A_374 = arith.constant 8 : i32
      %mul3A_375 = arith.muli %while3A_144, %mul3A_374 : i32
      %add3A_376 = arith.constant 7 : i32
      %add3A_377 = arith.addi %mul3A_375, %add3A_376 : i32
      %mul3A_378 = arith.constant 16 : i32
      %mul3A_379 = arith.muli %add3A_377, %mul3A_378 : i32
      %get3A_380 = arith.index_cast %mul3A_379 : i32 to index
      %get3A_381 = tpu.vector_load %arg8[%get3A_380] {strides = array<i32>} : memref<4096xi32, #tpu.memory_space<vmem>>, vector<16xi32>,
      %get3A_382 = vector.shape_cast %get3A_381 : vector<16xi32> to vector<16xi32>
      %mul3A_383 = arith.constant 16 : i32
      %mul3A_384 = arith.muli %add3A_377, %mul3A_383 : i32
      %add3A_385 = vector.broadcast %mul3A_384 : i32 to vector<16xi32>
      %add3A_386 = arith.addi %iota3A, %add3A_385 : vector<16xi32>
      %gt3A_387 = vector.broadcast %scan3A_13#0 : i32 to vector<16xi32>
      %gt3A_388 = arith.cmpi sgt, %get3A_382, %gt3A_387 : vector<16xi32>
      %jit3A_389 = arith.constant 1 : i32
      %jit3A_390 = arith.constant 0 : i32
      %broadcast_in_dim3A_391 = vector.broadcast %jit3A_389 : i32 to vector<16xi32>
      %broadcast_in_dim3A_392 = vector.broadcast %jit3A_390 : i32 to vector<16xi32>
      %select_n3A_393 = arith.select %gt3A_388, %broadcast_in_dim3A_391, %broadcast_in_dim3A_392 : vector<16xi1>, vector<16xi32>
      %eq3A_394 = vector.broadcast %scan3A_13#0 : i32 to vector<16xi32>
      %eq3A_395 = arith.cmpi eq, %get3A_382, %eq3A_394 : vector<16xi32>
      %le3A_396 = vector.broadcast %scan3A_74#0 : i32 to vector<16xi32>
      %le3A_397 = arith.cmpi sle, %add3A_386, %le3A_396 : vector<16xi32>
      %jit3A_398 = arith.constant 0 : i32
      %broadcast_in_dim3A_399 = vector.broadcast %select_n3A : i32 to vector<16xi32>
      %broadcast_in_dim3A_400 = vector.broadcast %jit3A_398 : i32 to vector<16xi32>
      %select_n3A_401 = arith.select %le3A_397, %broadcast_in_dim3A_399, %broadcast_in_dim3A_400 : vector<16xi1>, vector<16xi32>
      %jit3A_402 = arith.constant 0 : i32
      %broadcast_in_dim3A_403 = vector.broadcast %jit3A_402 : i32 to vector<16xi32>
      %select_n3A_404 = arith.select %eq3A_395, %select_n3A_401, %broadcast_in_dim3A_403 : vector<16xi1>, vector<16xi32>
      %add3A_405 = arith.addi %select_n3A_393, %select_n3A_404 : vector<16xi32>
      %add3A_406 = arith.addi %add3A_373, %add3A_405 : vector<16xi32>
      scf.yield %add3A_406 : vector<16xi32>
    }
    %slice3A_90 = vector.extract_strided_slice %while3A_89 {offsets = [0], sizes = [1], strides = [1]} : vector<16xi32> to vector<1xi32>
    %squeeze3A_91 = vector.extract %slice3A_90[0] : i32 from vector<1xi32>
    %slice3A_92 = vector.extract_strided_slice %while3A_89 {offsets = [1], sizes = [1], strides = [1]} : vector<16xi32> to vector<1xi32>
    %squeeze3A_93 = vector.extract %slice3A_92[0] : i32 from vector<1xi32>
    %add3A_94 = arith.addi %squeeze3A_91, %squeeze3A_93 : i32
    %slice3A_95 = vector.extract_strided_slice %while3A_89 {offsets = [2], sizes = [1], strides = [1]} : vector<16xi32> to vector<1xi32>
    %squeeze3A_96 = vector.extract %slice3A_95[0] : i32 from vector<1xi32>
    %add3A_97 = arith.addi %add3A_94, %squeeze3A_96 : i32
    %slice3A_98 = vector.extract_strided_slice %while3A_89 {offsets = [3], sizes = [1], strides = [1]} : vector<16xi32> to vector<1xi32>
    %squeeze3A_99 = vector.extract %slice3A_98[0] : i32 from vector<1xi32>
    %add3A_100 = arith.addi %add3A_97, %squeeze3A_99 : i32
    %slice3A_101 = vector.extract_strided_slice %while3A_89 {offsets = [4], sizes = [1], strides = [1]} : vector<16xi32> to vector<1xi32>
    %squeeze3A_102 = vector.extract %slice3A_101[0] : i32 from vector<1xi32>
    %add3A_103 = arith.addi %add3A_100, %squeeze3A_102 : i32
    %slice3A_104 = vector.extract_strided_slice %while3A_89 {offsets = [5], sizes = [1], strides = [1]} : vector<16xi32> to vector<1xi32>
    %squeeze3A_105 = vector.extract %slice3A_104[0] : i32 from vector<1xi32>
    %add3A_106 = arith.addi %add3A_103, %squeeze3A_105 : i32
    %slice3A_107 = vector.extract_strided_slice %while3A_89 {offsets = [6], sizes = [1], strides = [1]} : vector<16xi32> to vector<1xi32>
    %squeeze3A_108 = vector.extract %slice3A_107[0] : i32 from vector<1xi32>
    %add3A_109 = arith.addi %add3A_106, %squeeze3A_108 : i32
    %slice3A_110 = vector.extract_strided_slice %while3A_89 {offsets = [7], sizes = [1], strides = [1]} : vector<16xi32> to vector<1xi32>
    %squeeze3A_111 = vector.extract %slice3A_110[0] : i32 from vector<1xi32>
    %add3A_112 = arith.addi %add3A_109, %squeeze3A_111 : i32
    %slice3A_113 = vector.extract_strided_slice %while3A_89 {offsets = [8], sizes = [1], strides = [1]} : vector<16xi32> to vector<1xi32>
    %squeeze3A_114 = vector.extract %slice3A_113[0] : i32 from vector<1xi32>
    %add3A_115 = arith.addi %add3A_112, %squeeze3A_114 : i32
    %slice3A_116 = vector.extract_strided_slice %while3A_89 {offsets = [9], sizes = [1], strides = [1]} : vector<16xi32> to vector<1xi32>
    %squeeze3A_117 = vector.extract %slice3A_116[0] : i32 from vector<1xi32>
    %add3A_118 = arith.addi %add3A_115, %squeeze3A_117 : i32
    %slice3A_119 = vector.extract_strided_slice %while3A_89 {offsets = [10], sizes = [1], strides = [1]} : vector<16xi32> to vector<1xi32>
    %squeeze3A_120 = vector.extract %slice3A_119[0] : i32 from vector<1xi32>
    %add3A_121 = arith.addi %add3A_118, %squeeze3A_120 : i32
    %slice3A_122 = vector.extract_strided_slice %while3A_89 {offsets = [11], sizes = [1], strides = [1]} : vector<16xi32> to vector<1xi32>
    %squeeze3A_123 = vector.extract %slice3A_122[0] : i32 from vector<1xi32>
    %add3A_124 = arith.addi %add3A_121, %squeeze3A_123 : i32
    %slice3A_125 = vector.extract_strided_slice %while3A_89 {offsets = [12], sizes = [1], strides = [1]} : vector<16xi32> to vector<1xi32>
    %squeeze3A_126 = vector.extract %slice3A_125[0] : i32 from vector<1xi32>
    %add3A_127 = arith.addi %add3A_124, %squeeze3A_126 : i32
    %slice3A_128 = vector.extract_strided_slice %while3A_89 {offsets = [13], sizes = [1], strides = [1]} : vector<16xi32> to vector<1xi32>
    %squeeze3A_129 = vector.extract %slice3A_128[0] : i32 from vector<1xi32>
    %add3A_130 = arith.addi %add3A_127, %squeeze3A_129 : i32
    %slice3A_131 = vector.extract_strided_slice %while3A_89 {offsets = [14], sizes = [1], strides = [1]} : vector<16xi32> to vector<1xi32>
    %squeeze3A_132 = vector.extract %slice3A_131[0] : i32 from vector<1xi32>
    %add3A_133 = arith.addi %add3A_130, %squeeze3A_132 : i32
    %slice3A_134 = vector.extract_strided_slice %while3A_89 {offsets = [15], sizes = [1], strides = [1]} : vector<16xi32> to vector<1xi32>
    %squeeze3A_135 = vector.extract %slice3A_134[0] : i32 from vector<1xi32>
    %add3A_136 = arith.addi %add3A_133, %squeeze3A_135 : i32
    %scan3A_137 = arith.constant 0 : i32
    %scan3A_138 = arith.constant 0 : i32
    %scan3A_139 = arith.constant 8 : i32
    %scan3A_140 = arith.addi %scan3A_138, %scan3A_139 : i32
    %scan3A_141 = arith.constant 1 : i32
    %scan3A_142 = scf.for %scan3A_144 = %scan3A_138 to %scan3A_140 step %scan3A_141 iter_args(%scan3A_145 = %scan3A_137) -> (i32)  : i32 {
      %mul3A_146 = arith.constant 8 : i32
      %mul3A_147 = arith.muli %add3A, %mul3A_146 : i32
      %add3A_148 = arith.addi %mul3A_147, %scan3A_144 : i32
      %mul3A_149 = arith.constant 16 : i32
      %mul3A_150 = arith.muli %add3A_148, %mul3A_149 : i32
      %get3A = arith.index_cast %mul3A_150 : i32 to index
      %get3A_151 = tpu.vector_load %arg8[%get3A] {strides = array<i32>} : memref<4096xi32, #tpu.memory_space<vmem>>, vector<16xi32>,
      %get3A_152 = vector.shape_cast %get3A_151 : vector<16xi32> to vector<16xi32>
      %slice3A_153 = vector.extract_strided_slice %get3A_152 {offsets = [0], sizes = [1], strides = [1]} : vector<16xi32> to vector<1xi32>
      %squeeze3A_154 = vector.extract %slice3A_153[0] : i32 from vector<1xi32>
      %mul3A_155 = arith.constant 16 : i32
      %mul3A_156 = arith.muli %add3A_148, %mul3A_155 : i32
      %add3A_157 = arith.constant 0 : i32
      %add3A_158 = arith.addi %mul3A_156, %add3A_157 : i32
      %gt3A_159 = arith.cmpi sgt, %squeeze3A_154, %scan3A_13#0 : i32
      %jit3A_160 = arith.constant 1 : i32
      %jit3A_161 = arith.constant 0 : i32
      %select_n3A_162 = arith.select %gt3A_159, %jit3A_160, %jit3A_161 : i32
      %eq3A = arith.cmpi eq, %squeeze3A_154, %scan3A_13#0 : i32
      %le3A = arith.cmpi sle, %add3A_158, %scan3A_74#0 : i32
      %jit3A_163 = arith.constant 0 : i32
      %select_n3A_164 = arith.select %le3A, %select_n3A, %jit3A_163 : i32
      %jit3A_165 = arith.constant 0 : i32
      %select_n3A_166 = arith.select %eq3A, %select_n3A_164, %jit3A_165 : i32
      %add3A_167 = arith.addi %select_n3A_162, %select_n3A_166 : i32
      %add3A_168 = arith.addi %add3A_136, %scan3A_145 : i32
      %gt3A_169 = arith.constant 0 : i32
      %gt3A_170 = arith.cmpi sgt, %add3A_167, %gt3A_169 : i32
      %convert_element_type3A = arith.extui %gt3A_170 : i1 to i32
      %cond3A = arith.constant 0 : i32
      %cond3A_171 = arith.cmpi ne, %convert_element_type3A, %cond3A : i32
      scf.if %cond3A_171 {
        "tpu.region"() ({
          %run_scoped3A = tpu.sem_alloc : memref<!tpu.dma_semaphore, #tpu.memory_space<semaphore_mem>>
          %dma_start3A = arith.constant 0 : i32
          %dma_start3A_533 = tpu.memref_slice %arg5[%add3A_168, %dma_start3A] : memref<128x1024xf32, #tpu.memory_space<hbm>> -> memref<1x1024xf32, #tpu.memory_space<hbm>>
          %dma_start3A_534 = arith.constant 0 : i32
          %dma_start3A_535 = tpu.memref_slice %arg3[%add3A_158, %dma_start3A_534] : memref<4096x1024xf32, #tpu.memory_space<hbm>> -> memref<1x1024xf32, #tpu.memory_space<hbm>>
          tpu.enqueue_dma source(%dma_start3A_535 : memref<1x1024xf32, #tpu.memory_space<hbm>>) target(%dma_start3A_533 : memref<1x1024xf32, #tpu.memory_space<hbm>>) target_semaphore(%run_scoped3A : memref<!tpu.dma_semaphore, #tpu.memory_space<semaphore_mem>>)
          %dma_wait3A = arith.constant 0 : i32
          %dma_wait3A_536 = tpu.memref_slice %arg5[%add3A_168, %dma_wait3A] : memref<128x1024xf32, #tpu.memory_space<hbm>> -> memref<1x1024xf32, #tpu.memory_space<hbm>>
          %dma_wait3A_537 = arith.constant 0 : i32
          %dma_wait3A_538 = tpu.memref_slice %arg3[%add3A_158, %dma_wait3A_537] : memref<4096x1024xf32, #tpu.memory_space<hbm>> -> memref<1x1024xf32, #tpu.memory_space<hbm>>
          tpu.wait_dma2 semaphore(%run_scoped3A : memref<!tpu.dma_semaphore, #tpu.memory_space<semaphore_mem>>) src(%dma_wait3A_538 : memref<1x1024xf32, #tpu.memory_space<hbm>>) dst(%dma_wait3A_536 : memref<1x1024xf32, #tpu.memory_space<hbm>>)
          tpu.yield
        }) : () -> ()
        "tpu.region"() ({
          %run_scoped3A = tpu.sem_alloc : memref<!tpu.dma_semaphore, #tpu.memory_space<semaphore_mem>>
          %dma_start3A = arith.constant 0 : i32
          %dma_start3A_533 = tpu.memref_slice %arg6[%add3A_168, %dma_start3A] : memref<128x2048xf32, #tpu.memory_space<hbm>> -> memref<1x2048xf32, #tpu.memory_space<hbm>>
          %dma_start3A_534 = arith.constant 0 : i32
          %dma_start3A_535 = tpu.memref_slice %arg4[%add3A_158, %dma_start3A_534] : memref<4096x2048xf32, #tpu.memory_space<hbm>> -> memref<1x2048xf32, #tpu.memory_space<hbm>>
          tpu.enqueue_dma source(%dma_start3A_535 : memref<1x2048xf32, #tpu.memory_space<hbm>>) target(%dma_start3A_533 : memref<1x2048xf32, #tpu.memory_space<hbm>>) target_semaphore(%run_scoped3A : memref<!tpu.dma_semaphore, #tpu.memory_space<semaphore_mem>>)
          %dma_wait3A = arith.constant 0 : i32
          %dma_wait3A_536 = tpu.memref_slice %arg6[%add3A_168, %dma_wait3A] : memref<128x2048xf32, #tpu.memory_space<hbm>> -> memref<1x2048xf32, #tpu.memory_space<hbm>>
          %dma_wait3A_537 = arith.constant 0 : i32
          %dma_wait3A_538 = tpu.memref_slice %arg4[%add3A_158, %dma_wait3A_537] : memref<4096x2048xf32, #tpu.memory_space<hbm>> -> memref<1x2048xf32, #tpu.memory_space<hbm>>
          tpu.wait_dma2 semaphore(%run_scoped3A : memref<!tpu.dma_semaphore, #tpu.memory_space<semaphore_mem>>) src(%dma_wait3A_538 : memref<1x2048xf32, #tpu.memory_space<hbm>>) dst(%dma_wait3A_536 : memref<1x2048xf32, #tpu.memory_space<hbm>>)
          tpu.yield
        }) : () -> ()
      } else {
      }
      %add3A_172 = arith.addi %scan3A_145, %add3A_167 : i32
      %slice3A_173 = vector.extract_strided_slice %get3A_152 {offsets = [1], sizes = [1], strides = [1]} : vector<16xi32> to vector<1xi32>
      %squeeze3A_174 = vector.extract %slice3A_173[0] : i32 from vector<1xi32>
      %mul3A_175 = arith.constant 16 : i32
      %mul3A_176 = arith.muli %add3A_148, %mul3A_175 : i32
      %add3A_177 = arith.constant 1 : i32
      %add3A_178 = arith.addi %mul3A_176, %add3A_177 : i32
      %gt3A_179 = arith.cmpi sgt, %squeeze3A_174, %scan3A_13#0 : i32
      %jit3A_180 = arith.constant 1 : i32
      %jit3A_181 = arith.constant 0 : i32
      %select_n3A_182 = arith.select %gt3A_179, %jit3A_180, %jit3A_181 : i32
      %eq3A_183 = arith.cmpi eq, %squeeze3A_174, %scan3A_13#0 : i32
      %le3A_184 = arith.cmpi sle, %add3A_178, %scan3A_74#0 : i32
      %jit3A_185 = arith.constant 0 : i32
      %select_n3A_186 = arith.select %le3A_184, %select_n3A, %jit3A_185 : i32
      %jit3A_187 = arith.constant 0 : i32
      %select_n3A_188 = arith.select %eq3A_183, %select_n3A_186, %jit3A_187 : i32
      %add3A_189 = arith.addi %select_n3A_182, %select_n3A_188 : i32
      %add3A_190 = arith.addi %add3A_136, %add3A_172 : i32
      %gt3A_191 = arith.constant 0 : i32
      %gt3A_192 = arith.cmpi sgt, %add3A_189, %gt3A_191 : i32
      %convert_element_type3A_193 = arith.extui %gt3A_192 : i1 to i32
      %cond3A_194 = arith.constant 0 : i32
      %cond3A_195 = arith.cmpi ne, %convert_element_type3A_193, %cond3A_194 : i32
      scf.if %cond3A_195 {
        "tpu.region"() ({
          %run_scoped3A = tpu.sem_alloc : memref<!tpu.dma_semaphore, #tpu.memory_space<semaphore_mem>>
          %dma_start3A = arith.constant 0 : i32
          %dma_start3A_533 = tpu.memref_slice %arg5[%add3A_190, %dma_start3A] : memref<128x1024xf32, #tpu.memory_space<hbm>> -> memref<1x1024xf32, #tpu.memory_space<hbm>>
          %dma_start3A_534 = arith.constant 0 : i32
          %dma_start3A_535 = tpu.memref_slice %arg3[%add3A_178, %dma_start3A_534] : memref<4096x1024xf32, #tpu.memory_space<hbm>> -> memref<1x1024xf32, #tpu.memory_space<hbm>>
          tpu.enqueue_dma source(%dma_start3A_535 : memref<1x1024xf32, #tpu.memory_space<hbm>>) target(%dma_start3A_533 : memref<1x1024xf32, #tpu.memory_space<hbm>>) target_semaphore(%run_scoped3A : memref<!tpu.dma_semaphore, #tpu.memory_space<semaphore_mem>>)
          %dma_wait3A = arith.constant 0 : i32
          %dma_wait3A_536 = tpu.memref_slice %arg5[%add3A_190, %dma_wait3A] : memref<128x1024xf32, #tpu.memory_space<hbm>> -> memref<1x1024xf32, #tpu.memory_space<hbm>>
          %dma_wait3A_537 = arith.constant 0 : i32
          %dma_wait3A_538 = tpu.memref_slice %arg3[%add3A_178, %dma_wait3A_537] : memref<4096x1024xf32, #tpu.memory_space<hbm>> -> memref<1x1024xf32, #tpu.memory_space<hbm>>
          tpu.wait_dma2 semaphore(%run_scoped3A : memref<!tpu.dma_semaphore, #tpu.memory_space<semaphore_mem>>) src(%dma_wait3A_538 : memref<1x1024xf32, #tpu.memory_space<hbm>>) dst(%dma_wait3A_536 : memref<1x1024xf32, #tpu.memory_space<hbm>>)
          tpu.yield
        }) : () -> ()
        "tpu.region"() ({
          %run_scoped3A = tpu.sem_alloc : memref<!tpu.dma_semaphore, #tpu.memory_space<semaphore_mem>>
          %dma_start3A = arith.constant 0 : i32
          %dma_start3A_533 = tpu.memref_slice %arg6[%add3A_190, %dma_start3A] : memref<128x2048xf32, #tpu.memory_space<hbm>> -> memref<1x2048xf32, #tpu.memory_space<hbm>>
          %dma_start3A_534 = arith.constant 0 : i32
          %dma_start3A_535 = tpu.memref_slice %arg4[%add3A_178, %dma_start3A_534] : memref<4096x2048xf32, #tpu.memory_space<hbm>> -> memref<1x2048xf32, #tpu.memory_space<hbm>>
          tpu.enqueue_dma source(%dma_start3A_535 : memref<1x2048xf32, #tpu.memory_space<hbm>>) target(%dma_start3A_533 : memref<1x2048xf32, #tpu.memory_space<hbm>>) target_semaphore(%run_scoped3A : memref<!tpu.dma_semaphore, #tpu.memory_space<semaphore_mem>>)
          %dma_wait3A = arith.constant 0 : i32
          %dma_wait3A_536 = tpu.memref_slice %arg6[%add3A_190, %dma_wait3A] : memref<128x2048xf32, #tpu.memory_space<hbm>> -> memref<1x2048xf32, #tpu.memory_space<hbm>>
          %dma_wait3A_537 = arith.constant 0 : i32
          %dma_wait3A_538 = tpu.memref_slice %arg4[%add3A_178, %dma_wait3A_537] : memref<4096x2048xf32, #tpu.memory_space<hbm>> -> memref<1x2048xf32, #tpu.memory_space<hbm>>
          tpu.wait_dma2 semaphore(%run_scoped3A : memref<!tpu.dma_semaphore, #tpu.memory_space<semaphore_mem>>) src(%dma_wait3A_538 : memref<1x2048xf32, #tpu.memory_space<hbm>>) dst(%dma_wait3A_536 : memref<1x2048xf32, #tpu.memory_space<hbm>>)
          tpu.yield
        }) : () -> ()
      } else {
      }
      %add3A_196 = arith.addi %add3A_172, %add3A_189 : i32
      %slice3A_197 = vector.extract_strided_slice %get3A_152 {offsets = [2], sizes = [1], strides = [1]} : vector<16xi32> to vector<1xi32>
      %squeeze3A_198 = vector.extract %slice3A_197[0] : i32 from vector<1xi32>
      %mul3A_199 = arith.constant 16 : i32
      %mul3A_200 = arith.muli %add3A_148, %mul3A_199 : i32
      %add3A_201 = arith.constant 2 : i32
      %add3A_202 = arith.addi %mul3A_200, %add3A_201 : i32
      %gt3A_203 = arith.cmpi sgt, %squeeze3A_198, %scan3A_13#0 : i32
      %jit3A_204 = arith.constant 1 : i32
      %jit3A_205 = arith.constant 0 : i32
      %select_n3A_206 = arith.select %gt3A_203, %jit3A_204, %jit3A_205 : i32
      %eq3A_207 = arith.cmpi eq, %squeeze3A_198, %scan3A_13#0 : i32
      %le3A_208 = arith.cmpi sle, %add3A_202, %scan3A_74#0 : i32
      %jit3A_209 = arith.constant 0 : i32
      %select_n3A_210 = arith.select %le3A_208, %select_n3A, %jit3A_209 : i32
      %jit3A_211 = arith.constant 0 : i32
      %select_n3A_212 = arith.select %eq3A_207, %select_n3A_210, %jit3A_211 : i32
      %add3A_213 = arith.addi %select_n3A_206, %select_n3A_212 : i32
      %add3A_214 = arith.addi %add3A_136, %add3A_196 : i32
      %gt3A_215 = arith.constant 0 : i32
      %gt3A_216 = arith.cmpi sgt, %add3A_213, %gt3A_215 : i32
      %convert_element_type3A_217 = arith.extui %gt3A_216 : i1 to i32
      %cond3A_218 = arith.constant 0 : i32
      %cond3A_219 = arith.cmpi ne, %convert_element_type3A_217, %cond3A_218 : i32
      scf.if %cond3A_219 {
        "tpu.region"() ({
          %run_scoped3A = tpu.sem_alloc : memref<!tpu.dma_semaphore, #tpu.memory_space<semaphore_mem>>
          %dma_start3A = arith.constant 0 : i32
          %dma_start3A_533 = tpu.memref_slice %arg5[%add3A_214, %dma_start3A] : memref<128x1024xf32, #tpu.memory_space<hbm>> -> memref<1x1024xf32, #tpu.memory_space<hbm>>
          %dma_start3A_534 = arith.constant 0 : i32
          %dma_start3A_535 = tpu.memref_slice %arg3[%add3A_202, %dma_start3A_534] : memref<4096x1024xf32, #tpu.memory_space<hbm>> -> memref<1x1024xf32, #tpu.memory_space<hbm>>
          tpu.enqueue_dma source(%dma_start3A_535 : memref<1x1024xf32, #tpu.memory_space<hbm>>) target(%dma_start3A_533 : memref<1x1024xf32, #tpu.memory_space<hbm>>) target_semaphore(%run_scoped3A : memref<!tpu.dma_semaphore, #tpu.memory_space<semaphore_mem>>)
          %dma_wait3A = arith.constant 0 : i32
          %dma_wait3A_536 = tpu.memref_slice %arg5[%add3A_214, %dma_wait3A] : memref<128x1024xf32, #tpu.memory_space<hbm>> -> memref<1x1024xf32, #tpu.memory_space<hbm>>
          %dma_wait3A_537 = arith.constant 0 : i32
          %dma_wait3A_538 = tpu.memref_slice %arg3[%add3A_202, %dma_wait3A_537] : memref<4096x1024xf32, #tpu.memory_space<hbm>> -> memref<1x1024xf32, #tpu.memory_space<hbm>>
          tpu.wait_dma2 semaphore(%run_scoped3A : memref<!tpu.dma_semaphore, #tpu.memory_space<semaphore_mem>>) src(%dma_wait3A_538 : memref<1x1024xf32, #tpu.memory_space<hbm>>) dst(%dma_wait3A_536 : memref<1x1024xf32, #tpu.memory_space<hbm>>)
          tpu.yield
        }) : () -> ()
        "tpu.region"() ({
          %run_scoped3A = tpu.sem_alloc : memref<!tpu.dma_semaphore, #tpu.memory_space<semaphore_mem>>
          %dma_start3A = arith.constant 0 : i32
          %dma_start3A_533 = tpu.memref_slice %arg6[%add3A_214, %dma_start3A] : memref<128x2048xf32, #tpu.memory_space<hbm>> -> memref<1x2048xf32, #tpu.memory_space<hbm>>
          %dma_start3A_534 = arith.constant 0 : i32
          %dma_start3A_535 = tpu.memref_slice %arg4[%add3A_202, %dma_start3A_534] : memref<4096x2048xf32, #tpu.memory_space<hbm>> -> memref<1x2048xf32, #tpu.memory_space<hbm>>
          tpu.enqueue_dma source(%dma_start3A_535 : memref<1x2048xf32, #tpu.memory_space<hbm>>) target(%dma_start3A_533 : memref<1x2048xf32, #tpu.memory_space<hbm>>) target_semaphore(%run_scoped3A : memref<!tpu.dma_semaphore, #tpu.memory_space<semaphore_mem>>)
          %dma_wait3A = arith.constant 0 : i32
          %dma_wait3A_536 = tpu.memref_slice %arg6[%add3A_214, %dma_wait3A] : memref<128x2048xf32, #tpu.memory_space<hbm>> -> memref<1x2048xf32, #tpu.memory_space<hbm>>
          %dma_wait3A_537 = arith.constant 0 : i32
          %dma_wait3A_538 = tpu.memref_slice %arg4[%add3A_202, %dma_wait3A_537] : memref<4096x2048xf32, #tpu.memory_space<hbm>> -> memref<1x2048xf32, #tpu.memory_space<hbm>>
          tpu.wait_dma2 semaphore(%run_scoped3A : memref<!tpu.dma_semaphore, #tpu.memory_space<semaphore_mem>>) src(%dma_wait3A_538 : memref<1x2048xf32, #tpu.memory_space<hbm>>) dst(%dma_wait3A_536 : memref<1x2048xf32, #tpu.memory_space<hbm>>)
          tpu.yield
        }) : () -> ()
      } else {
      }
      %add3A_220 = arith.addi %add3A_196, %add3A_213 : i32
      %slice3A_221 = vector.extract_strided_slice %get3A_152 {offsets = [3], sizes = [1], strides = [1]} : vector<16xi32> to vector<1xi32>
      %squeeze3A_222 = vector.extract %slice3A_221[0] : i32 from vector<1xi32>
      %mul3A_223 = arith.constant 16 : i32
      %mul3A_224 = arith.muli %add3A_148, %mul3A_223 : i32
      %add3A_225 = arith.constant 3 : i32
      %add3A_226 = arith.addi %mul3A_224, %add3A_225 : i32
      %gt3A_227 = arith.cmpi sgt, %squeeze3A_222, %scan3A_13#0 : i32
      %jit3A_228 = arith.constant 1 : i32
      %jit3A_229 = arith.constant 0 : i32
      %select_n3A_230 = arith.select %gt3A_227, %jit3A_228, %jit3A_229 : i32
      %eq3A_231 = arith.cmpi eq, %squeeze3A_222, %scan3A_13#0 : i32
      %le3A_232 = arith.cmpi sle, %add3A_226, %scan3A_74#0 : i32
      %jit3A_233 = arith.constant 0 : i32
      %select_n3A_234 = arith.select %le3A_232, %select_n3A, %jit3A_233 : i32
      %jit3A_235 = arith.constant 0 : i32
      %select_n3A_236 = arith.select %eq3A_231, %select_n3A_234, %jit3A_235 : i32
      %add3A_237 = arith.addi %select_n3A_230, %select_n3A_236 : i32
      %add3A_238 = arith.addi %add3A_136, %add3A_220 : i32
      %gt3A_239 = arith.constant 0 : i32
      %gt3A_240 = arith.cmpi sgt, %add3A_237, %gt3A_239 : i32
      %convert_element_type3A_241 = arith.extui %gt3A_240 : i1 to i32
      %cond3A_242 = arith.constant 0 : i32
      %cond3A_243 = arith.cmpi ne, %convert_element_type3A_241, %cond3A_242 : i32
      scf.if %cond3A_243 {
        "tpu.region"() ({
          %run_scoped3A = tpu.sem_alloc : memref<!tpu.dma_semaphore, #tpu.memory_space<semaphore_mem>>
          %dma_start3A = arith.constant 0 : i32
          %dma_start3A_533 = tpu.memref_slice %arg5[%add3A_238, %dma_start3A] : memref<128x1024xf32, #tpu.memory_space<hbm>> -> memref<1x1024xf32, #tpu.memory_space<hbm>>
          %dma_start3A_534 = arith.constant 0 : i32
          %dma_start3A_535 = tpu.memref_slice %arg3[%add3A_226, %dma_start3A_534] : memref<4096x1024xf32, #tpu.memory_space<hbm>> -> memref<1x1024xf32, #tpu.memory_space<hbm>>
          tpu.enqueue_dma source(%dma_start3A_535 : memref<1x1024xf32, #tpu.memory_space<hbm>>) target(%dma_start3A_533 : memref<1x1024xf32, #tpu.memory_space<hbm>>) target_semaphore(%run_scoped3A : memref<!tpu.dma_semaphore, #tpu.memory_space<semaphore_mem>>)
          %dma_wait3A = arith.constant 0 : i32
          %dma_wait3A_536 = tpu.memref_slice %arg5[%add3A_238, %dma_wait3A] : memref<128x1024xf32, #tpu.memory_space<hbm>> -> memref<1x1024xf32, #tpu.memory_space<hbm>>
          %dma_wait3A_537 = arith.constant 0 : i32
          %dma_wait3A_538 = tpu.memref_slice %arg3[%add3A_226, %dma_wait3A_537] : memref<4096x1024xf32, #tpu.memory_space<hbm>> -> memref<1x1024xf32, #tpu.memory_space<hbm>>
          tpu.wait_dma2 semaphore(%run_scoped3A : memref<!tpu.dma_semaphore, #tpu.memory_space<semaphore_mem>>) src(%dma_wait3A_538 : memref<1x1024xf32, #tpu.memory_space<hbm>>) dst(%dma_wait3A_536 : memref<1x1024xf32, #tpu.memory_space<hbm>>)
          tpu.yield
        }) : () -> ()
        "tpu.region"() ({
          %run_scoped3A = tpu.sem_alloc : memref<!tpu.dma_semaphore, #tpu.memory_space<semaphore_mem>>
          %dma_start3A = arith.constant 0 : i32
          %dma_start3A_533 = tpu.memref_slice %arg6[%add3A_238, %dma_start3A] : memref<128x2048xf32, #tpu.memory_space<hbm>> -> memref<1x2048xf32, #tpu.memory_space<hbm>>
          %dma_start3A_534 = arith.constant 0 : i32
          %dma_start3A_535 = tpu.memref_slice %arg4[%add3A_226, %dma_start3A_534] : memref<4096x2048xf32, #tpu.memory_space<hbm>> -> memref<1x2048xf32, #tpu.memory_space<hbm>>
          tpu.enqueue_dma source(%dma_start3A_535 : memref<1x2048xf32, #tpu.memory_space<hbm>>) target(%dma_start3A_533 : memref<1x2048xf32, #tpu.memory_space<hbm>>) target_semaphore(%run_scoped3A : memref<!tpu.dma_semaphore, #tpu.memory_space<semaphore_mem>>)
          %dma_wait3A = arith.constant 0 : i32
          %dma_wait3A_536 = tpu.memref_slice %arg6[%add3A_238, %dma_wait3A] : memref<128x2048xf32, #tpu.memory_space<hbm>> -> memref<1x2048xf32, #tpu.memory_space<hbm>>
          %dma_wait3A_537 = arith.constant 0 : i32
          %dma_wait3A_538 = tpu.memref_slice %arg4[%add3A_226, %dma_wait3A_537] : memref<4096x2048xf32, #tpu.memory_space<hbm>> -> memref<1x2048xf32, #tpu.memory_space<hbm>>
          tpu.wait_dma2 semaphore(%run_scoped3A : memref<!tpu.dma_semaphore, #tpu.memory_space<semaphore_mem>>) src(%dma_wait3A_538 : memref<1x2048xf32, #tpu.memory_space<hbm>>) dst(%dma_wait3A_536 : memref<1x2048xf32, #tpu.memory_space<hbm>>)
          tpu.yield
        }) : () -> ()
      } else {
      }
      %add3A_244 = arith.addi %add3A_220, %add3A_237 : i32
      %slice3A_245 = vector.extract_strided_slice %get3A_152 {offsets = [4], sizes = [1], strides = [1]} : vector<16xi32> to vector<1xi32>
      %squeeze3A_246 = vector.extract %slice3A_245[0] : i32 from vector<1xi32>
      %mul3A_247 = arith.constant 16 : i32
      %mul3A_248 = arith.muli %add3A_148, %mul3A_247 : i32
      %add3A_249 = arith.constant 4 : i32
      %add3A_250 = arith.addi %mul3A_248, %add3A_249 : i32
      %gt3A_251 = arith.cmpi sgt, %squeeze3A_246, %scan3A_13#0 : i32
      %jit3A_252 = arith.constant 1 : i32
      %jit3A_253 = arith.constant 0 : i32
      %select_n3A_254 = arith.select %gt3A_251, %jit3A_252, %jit3A_253 : i32
      %eq3A_255 = arith.cmpi eq, %squeeze3A_246, %scan3A_13#0 : i32
      %le3A_256 = arith.cmpi sle, %add3A_250, %scan3A_74#0 : i32
      %jit3A_257 = arith.constant 0 : i32
      %select_n3A_258 = arith.select %le3A_256, %select_n3A, %jit3A_257 : i32
      %jit3A_259 = arith.constant 0 : i32
      %select_n3A_260 = arith.select %eq3A_255, %select_n3A_258, %jit3A_259 : i32
      %add3A_261 = arith.addi %select_n3A_254, %select_n3A_260 : i32
      %add3A_262 = arith.addi %add3A_136, %add3A_244 : i32
      %gt3A_263 = arith.constant 0 : i32
      %gt3A_264 = arith.cmpi sgt, %add3A_261, %gt3A_263 : i32
      %convert_element_type3A_265 = arith.extui %gt3A_264 : i1 to i32
      %cond3A_266 = arith.constant 0 : i32
      %cond3A_267 = arith.cmpi ne, %convert_element_type3A_265, %cond3A_266 : i32
      scf.if %cond3A_267 {
        "tpu.region"() ({
          %run_scoped3A = tpu.sem_alloc : memref<!tpu.dma_semaphore, #tpu.memory_space<semaphore_mem>>
          %dma_start3A = arith.constant 0 : i32
          %dma_start3A_533 = tpu.memref_slice %arg5[%add3A_262, %dma_start3A] : memref<128x1024xf32, #tpu.memory_space<hbm>> -> memref<1x1024xf32, #tpu.memory_space<hbm>>
          %dma_start3A_534 = arith.constant 0 : i32
          %dma_start3A_535 = tpu.memref_slice %arg3[%add3A_250, %dma_start3A_534] : memref<4096x1024xf32, #tpu.memory_space<hbm>> -> memref<1x1024xf32, #tpu.memory_space<hbm>>
          tpu.enqueue_dma source(%dma_start3A_535 : memref<1x1024xf32, #tpu.memory_space<hbm>>) target(%dma_start3A_533 : memref<1x1024xf32, #tpu.memory_space<hbm>>) target_semaphore(%run_scoped3A : memref<!tpu.dma_semaphore, #tpu.memory_space<semaphore_mem>>)
          %dma_wait3A = arith.constant 0 : i32
          %dma_wait3A_536 = tpu.memref_slice %arg5[%add3A_262, %dma_wait3A] : memref<128x1024xf32, #tpu.memory_space<hbm>> -> memref<1x1024xf32, #tpu.memory_space<hbm>>
          %dma_wait3A_537 = arith.constant 0 : i32
          %dma_wait3A_538 = tpu.memref_slice %arg3[%add3A_250, %dma_wait3A_537] : memref<4096x1024xf32, #tpu.memory_space<hbm>> -> memref<1x1024xf32, #tpu.memory_space<hbm>>
          tpu.wait_dma2 semaphore(%run_scoped3A : memref<!tpu.dma_semaphore, #tpu.memory_space<semaphore_mem>>) src(%dma_wait3A_538 : memref<1x1024xf32, #tpu.memory_space<hbm>>) dst(%dma_wait3A_536 : memref<1x1024xf32, #tpu.memory_space<hbm>>)
          tpu.yield
        }) : () -> ()
        "tpu.region"() ({
          %run_scoped3A = tpu.sem_alloc : memref<!tpu.dma_semaphore, #tpu.memory_space<semaphore_mem>>
          %dma_start3A = arith.constant 0 : i32
          %dma_start3A_533 = tpu.memref_slice %arg6[%add3A_262, %dma_start3A] : memref<128x2048xf32, #tpu.memory_space<hbm>> -> memref<1x2048xf32, #tpu.memory_space<hbm>>
          %dma_start3A_534 = arith.constant 0 : i32
          %dma_start3A_535 = tpu.memref_slice %arg4[%add3A_250, %dma_start3A_534] : memref<4096x2048xf32, #tpu.memory_space<hbm>> -> memref<1x2048xf32, #tpu.memory_space<hbm>>
          tpu.enqueue_dma source(%dma_start3A_535 : memref<1x2048xf32, #tpu.memory_space<hbm>>) target(%dma_start3A_533 : memref<1x2048xf32, #tpu.memory_space<hbm>>) target_semaphore(%run_scoped3A : memref<!tpu.dma_semaphore, #tpu.memory_space<semaphore_mem>>)
          %dma_wait3A = arith.constant 0 : i32
          %dma_wait3A_536 = tpu.memref_slice %arg6[%add3A_262, %dma_wait3A] : memref<128x2048xf32, #tpu.memory_space<hbm>> -> memref<1x2048xf32, #tpu.memory_space<hbm>>
          %dma_wait3A_537 = arith.constant 0 : i32
          %dma_wait3A_538 = tpu.memref_slice %arg4[%add3A_250, %dma_wait3A_537] : memref<4096x2048xf32, #tpu.memory_space<hbm>> -> memref<1x2048xf32, #tpu.memory_space<hbm>>
          tpu.wait_dma2 semaphore(%run_scoped3A : memref<!tpu.dma_semaphore, #tpu.memory_space<semaphore_mem>>) src(%dma_wait3A_538 : memref<1x2048xf32, #tpu.memory_space<hbm>>) dst(%dma_wait3A_536 : memref<1x2048xf32, #tpu.memory_space<hbm>>)
          tpu.yield
        }) : () -> ()
      } else {
      }
      %add3A_268 = arith.addi %add3A_244, %add3A_261 : i32
      %slice3A_269 = vector.extract_strided_slice %get3A_152 {offsets = [5], sizes = [1], strides = [1]} : vector<16xi32> to vector<1xi32>
      %squeeze3A_270 = vector.extract %slice3A_269[0] : i32 from vector<1xi32>
      %mul3A_271 = arith.constant 16 : i32
      %mul3A_272 = arith.muli %add3A_148, %mul3A_271 : i32
      %add3A_273 = arith.constant 5 : i32
      %add3A_274 = arith.addi %mul3A_272, %add3A_273 : i32
      %gt3A_275 = arith.cmpi sgt, %squeeze3A_270, %scan3A_13#0 : i32
      %jit3A_276 = arith.constant 1 : i32
      %jit3A_277 = arith.constant 0 : i32
      %select_n3A_278 = arith.select %gt3A_275, %jit3A_276, %jit3A_277 : i32
      %eq3A_279 = arith.cmpi eq, %squeeze3A_270, %scan3A_13#0 : i32
      %le3A_280 = arith.cmpi sle, %add3A_274, %scan3A_74#0 : i32
      %jit3A_281 = arith.constant 0 : i32
      %select_n3A_282 = arith.select %le3A_280, %select_n3A, %jit3A_281 : i32
      %jit3A_283 = arith.constant 0 : i32
      %select_n3A_284 = arith.select %eq3A_279, %select_n3A_282, %jit3A_283 : i32
      %add3A_285 = arith.addi %select_n3A_278, %select_n3A_284 : i32
      %add3A_286 = arith.addi %add3A_136, %add3A_268 : i32
      %gt3A_287 = arith.constant 0 : i32
      %gt3A_288 = arith.cmpi sgt, %add3A_285, %gt3A_287 : i32
      %convert_element_type3A_289 = arith.extui %gt3A_288 : i1 to i32
      %cond3A_290 = arith.constant 0 : i32
      %cond3A_291 = arith.cmpi ne, %convert_element_type3A_289, %cond3A_290 : i32
      scf.if %cond3A_291 {
        "tpu.region"() ({
          %run_scoped3A = tpu.sem_alloc : memref<!tpu.dma_semaphore, #tpu.memory_space<semaphore_mem>>
          %dma_start3A = arith.constant 0 : i32
          %dma_start3A_533 = tpu.memref_slice %arg5[%add3A_286, %dma_start3A] : memref<128x1024xf32, #tpu.memory_space<hbm>> -> memref<1x1024xf32, #tpu.memory_space<hbm>>
          %dma_start3A_534 = arith.constant 0 : i32
          %dma_start3A_535 = tpu.memref_slice %arg3[%add3A_274, %dma_start3A_534] : memref<4096x1024xf32, #tpu.memory_space<hbm>> -> memref<1x1024xf32, #tpu.memory_space<hbm>>
          tpu.enqueue_dma source(%dma_start3A_535 : memref<1x1024xf32, #tpu.memory_space<hbm>>) target(%dma_start3A_533 : memref<1x1024xf32, #tpu.memory_space<hbm>>) target_semaphore(%run_scoped3A : memref<!tpu.dma_semaphore, #tpu.memory_space<semaphore_mem>>)
          %dma_wait3A = arith.constant 0 : i32
          %dma_wait3A_536 = tpu.memref_slice %arg5[%add3A_286, %dma_wait3A] : memref<128x1024xf32, #tpu.memory_space<hbm>> -> memref<1x1024xf32, #tpu.memory_space<hbm>>
          %dma_wait3A_537 = arith.constant 0 : i32
          %dma_wait3A_538 = tpu.memref_slice %arg3[%add3A_274, %dma_wait3A_537] : memref<4096x1024xf32, #tpu.memory_space<hbm>> -> memref<1x1024xf32, #tpu.memory_space<hbm>>
          tpu.wait_dma2 semaphore(%run_scoped3A : memref<!tpu.dma_semaphore, #tpu.memory_space<semaphore_mem>>) src(%dma_wait3A_538 : memref<1x1024xf32, #tpu.memory_space<hbm>>) dst(%dma_wait3A_536 : memref<1x1024xf32, #tpu.memory_space<hbm>>)
          tpu.yield
        }) : () -> ()
        "tpu.region"() ({
          %run_scoped3A = tpu.sem_alloc : memref<!tpu.dma_semaphore, #tpu.memory_space<semaphore_mem>>
          %dma_start3A = arith.constant 0 : i32
          %dma_start3A_533 = tpu.memref_slice %arg6[%add3A_286, %dma_start3A] : memref<128x2048xf32, #tpu.memory_space<hbm>> -> memref<1x2048xf32, #tpu.memory_space<hbm>>
          %dma_start3A_534 = arith.constant 0 : i32
          %dma_start3A_535 = tpu.memref_slice %arg4[%add3A_274, %dma_start3A_534] : memref<4096x2048xf32, #tpu.memory_space<hbm>> -> memref<1x2048xf32, #tpu.memory_space<hbm>>
          tpu.enqueue_dma source(%dma_start3A_535 : memref<1x2048xf32, #tpu.memory_space<hbm>>) target(%dma_start3A_533 : memref<1x2048xf32, #tpu.memory_space<hbm>>) target_semaphore(%run_scoped3A : memref<!tpu.dma_semaphore, #tpu.memory_space<semaphore_mem>>)
          %dma_wait3A = arith.constant 0 : i32
          %dma_wait3A_536 = tpu.memref_slice %arg6[%add3A_286, %dma_wait3A] : memref<128x2048xf32, #tpu.memory_space<hbm>> -> memref<1x2048xf32, #tpu.memory_space<hbm>>
          %dma_wait3A_537 = arith.constant 0 : i32
          %dma_wait3A_538 = tpu.memref_slice %arg4[%add3A_274, %dma_wait3A_537] : memref<4096x2048xf32, #tpu.memory_space<hbm>> -> memref<1x2048xf32, #tpu.memory_space<hbm>>
          tpu.wait_dma2 semaphore(%run_scoped3A : memref<!tpu.dma_semaphore, #tpu.memory_space<semaphore_mem>>) src(%dma_wait3A_538 : memref<1x2048xf32, #tpu.memory_space<hbm>>) dst(%dma_wait3A_536 : memref<1x2048xf32, #tpu.memory_space<hbm>>)
          tpu.yield
        }) : () -> ()
      } else {
      }
      %add3A_292 = arith.addi %add3A_268, %add3A_285 : i32
      %slice3A_293 = vector.extract_strided_slice %get3A_152 {offsets = [6], sizes = [1], strides = [1]} : vector<16xi32> to vector<1xi32>
      %squeeze3A_294 = vector.extract %slice3A_293[0] : i32 from vector<1xi32>
      %mul3A_295 = arith.constant 16 : i32
      %mul3A_296 = arith.muli %add3A_148, %mul3A_295 : i32
      %add3A_297 = arith.constant 6 : i32
      %add3A_298 = arith.addi %mul3A_296, %add3A_297 : i32
      %gt3A_299 = arith.cmpi sgt, %squeeze3A_294, %scan3A_13#0 : i32
      %jit3A_300 = arith.constant 1 : i32
      %jit3A_301 = arith.constant 0 : i32
      %select_n3A_302 = arith.select %gt3A_299, %jit3A_300, %jit3A_301 : i32
      %eq3A_303 = arith.cmpi eq, %squeeze3A_294, %scan3A_13#0 : i32
      %le3A_304 = arith.cmpi sle, %add3A_298, %scan3A_74#0 : i32
      %jit3A_305 = arith.constant 0 : i32
      %select_n3A_306 = arith.select %le3A_304, %select_n3A, %jit3A_305 : i32
      %jit3A_307 = arith.constant 0 : i32
      %select_n3A_308 = arith.select %eq3A_303, %select_n3A_306, %jit3A_307 : i32
      %add3A_309 = arith.addi %select_n3A_302, %select_n3A_308 : i32
      %add3A_310 = arith.addi %add3A_136, %add3A_292 : i32
      %gt3A_311 = arith.constant 0 : i32
      %gt3A_312 = arith.cmpi sgt, %add3A_309, %gt3A_311 : i32
      %convert_element_type3A_313 = arith.extui %gt3A_312 : i1 to i32
      %cond3A_314 = arith.constant 0 : i32
      %cond3A_315 = arith.cmpi ne, %convert_element_type3A_313, %cond3A_314 : i32
      scf.if %cond3A_315 {
        "tpu.region"() ({
          %run_scoped3A = tpu.sem_alloc : memref<!tpu.dma_semaphore, #tpu.memory_space<semaphore_mem>>
          %dma_start3A = arith.constant 0 : i32
          %dma_start3A_533 = tpu.memref_slice %arg5[%add3A_310, %dma_start3A] : memref<128x1024xf32, #tpu.memory_space<hbm>> -> memref<1x1024xf32, #tpu.memory_space<hbm>>
          %dma_start3A_534 = arith.constant 0 : i32
          %dma_start3A_535 = tpu.memref_slice %arg3[%add3A_298, %dma_start3A_534] : memref<4096x1024xf32, #tpu.memory_space<hbm>> -> memref<1x1024xf32, #tpu.memory_space<hbm>>
          tpu.enqueue_dma source(%dma_start3A_535 : memref<1x1024xf32, #tpu.memory_space<hbm>>) target(%dma_start3A_533 : memref<1x1024xf32, #tpu.memory_space<hbm>>) target_semaphore(%run_scoped3A : memref<!tpu.dma_semaphore, #tpu.memory_space<semaphore_mem>>)
          %dma_wait3A = arith.constant 0 : i32
          %dma_wait3A_536 = tpu.memref_slice %arg5[%add3A_310, %dma_wait3A] : memref<128x1024xf32, #tpu.memory_space<hbm>> -> memref<1x1024xf32, #tpu.memory_space<hbm>>
          %dma_wait3A_537 = arith.constant 0 : i32
          %dma_wait3A_538 = tpu.memref_slice %arg3[%add3A_298, %dma_wait3A_537] : memref<4096x1024xf32, #tpu.memory_space<hbm>> -> memref<1x1024xf32, #tpu.memory_space<hbm>>
          tpu.wait_dma2 semaphore(%run_scoped3A : memref<!tpu.dma_semaphore, #tpu.memory_space<semaphore_mem>>) src(%dma_wait3A_538 : memref<1x1024xf32, #tpu.memory_space<hbm>>) dst(%dma_wait3A_536 : memref<1x1024xf32, #tpu.memory_space<hbm>>)
          tpu.yield
        }) : () -> ()
        "tpu.region"() ({
          %run_scoped3A = tpu.sem_alloc : memref<!tpu.dma_semaphore, #tpu.memory_space<semaphore_mem>>
          %dma_start3A = arith.constant 0 : i32
          %dma_start3A_533 = tpu.memref_slice %arg6[%add3A_310, %dma_start3A] : memref<128x2048xf32, #tpu.memory_space<hbm>> -> memref<1x2048xf32, #tpu.memory_space<hbm>>
          %dma_start3A_534 = arith.constant 0 : i32
          %dma_start3A_535 = tpu.memref_slice %arg4[%add3A_298, %dma_start3A_534] : memref<4096x2048xf32, #tpu.memory_space<hbm>> -> memref<1x2048xf32, #tpu.memory_space<hbm>>
          tpu.enqueue_dma source(%dma_start3A_535 : memref<1x2048xf32, #tpu.memory_space<hbm>>) target(%dma_start3A_533 : memref<1x2048xf32, #tpu.memory_space<hbm>>) target_semaphore(%run_scoped3A : memref<!tpu.dma_semaphore, #tpu.memory_space<semaphore_mem>>)
          %dma_wait3A = arith.constant 0 : i32
          %dma_wait3A_536 = tpu.memref_slice %arg6[%add3A_310, %dma_wait3A] : memref<128x2048xf32, #tpu.memory_space<hbm>> -> memref<1x2048xf32, #tpu.memory_space<hbm>>
          %dma_wait3A_537 = arith.constant 0 : i32
          %dma_wait3A_538 = tpu.memref_slice %arg4[%add3A_298, %dma_wait3A_537] : memref<4096x2048xf32, #tpu.memory_space<hbm>> -> memref<1x2048xf32, #tpu.memory_space<hbm>>
          tpu.wait_dma2 semaphore(%run_scoped3A : memref<!tpu.dma_semaphore, #tpu.memory_space<semaphore_mem>>) src(%dma_wait3A_538 : memref<1x2048xf32, #tpu.memory_space<hbm>>) dst(%dma_wait3A_536 : memref<1x2048xf32, #tpu.memory_space<hbm>>)
          tpu.yield
        }) : () -> ()
      } else {
      }
      %add3A_316 = arith.addi %add3A_292, %add3A_309 : i32
      %slice3A_317 = vector.extract_strided_slice %get3A_152 {offsets = [7], sizes = [1], strides = [1]} : vector<16xi32> to vector<1xi32>
      %squeeze3A_318 = vector.extract %slice3A_317[0] : i32 from vector<1xi32>
      %mul3A_319 = arith.constant 16 : i32
      %mul3A_320 = arith.muli %add3A_148, %mul3A_319 : i32
      %add3A_321 = arith.constant 7 : i32
      %add3A_322 = arith.addi %mul3A_320, %add3A_321 : i32
      %gt3A_323 = arith.cmpi sgt, %squeeze3A_318, %scan3A_13#0 : i32
      %jit3A_324 = arith.constant 1 : i32
      %jit3A_325 = arith.constant 0 : i32
      %select_n3A_326 = arith.select %gt3A_323, %jit3A_324, %jit3A_325 : i32
      %eq3A_327 = arith.cmpi eq, %squeeze3A_318, %scan3A_13#0 : i32
      %le3A_328 = arith.cmpi sle, %add3A_322, %scan3A_74#0 : i32
      %jit3A_329 = arith.constant 0 : i32
      %select_n3A_330 = arith.select %le3A_328, %select_n3A, %jit3A_329 : i32
      %jit3A_331 = arith.constant 0 : i32
      %select_n3A_332 = arith.select %eq3A_327, %select_n3A_330, %jit3A_331 : i32
      %add3A_333 = arith.addi %select_n3A_326, %select_n3A_332 : i32
      %add3A_334 = arith.addi %add3A_136, %add3A_316 : i32
      %gt3A_335 = arith.constant 0 : i32
      %gt3A_336 = arith.cmpi sgt, %add3A_333, %gt3A_335 : i32
      %convert_element_type3A_337 = arith.extui %gt3A_336 : i1 to i32
      %cond3A_338 = arith.constant 0 : i32
      %cond3A_339 = arith.cmpi ne, %convert_element_type3A_337, %cond3A_338 : i32
      scf.if %cond3A_339 {
        "tpu.region"() ({
          %run_scoped3A = tpu.sem_alloc : memref<!tpu.dma_semaphore, #tpu.memory_space<semaphore_mem>>
          %dma_start3A = arith.constant 0 : i32
          %dma_start3A_533 = tpu.memref_slice %arg5[%add3A_334, %dma_start3A] : memref<128x1024xf32, #tpu.memory_space<hbm>> -> memref<1x1024xf32, #tpu.memory_space<hbm>>
          %dma_start3A_534 = arith.constant 0 : i32
          %dma_start3A_535 = tpu.memref_slice %arg3[%add3A_322, %dma_start3A_534] : memref<4096x1024xf32, #tpu.memory_space<hbm>> -> memref<1x1024xf32, #tpu.memory_space<hbm>>
          tpu.enqueue_dma source(%dma_start3A_535 : memref<1x1024xf32, #tpu.memory_space<hbm>>) target(%dma_start3A_533 : memref<1x1024xf32, #tpu.memory_space<hbm>>) target_semaphore(%run_scoped3A : memref<!tpu.dma_semaphore, #tpu.memory_space<semaphore_mem>>)
          %dma_wait3A = arith.constant 0 : i32
          %dma_wait3A_536 = tpu.memref_slice %arg5[%add3A_334, %dma_wait3A] : memref<128x1024xf32, #tpu.memory_space<hbm>> -> memref<1x1024xf32, #tpu.memory_space<hbm>>
          %dma_wait3A_537 = arith.constant 0 : i32
          %dma_wait3A_538 = tpu.memref_slice %arg3[%add3A_322, %dma_wait3A_537] : memref<4096x1024xf32, #tpu.memory_space<hbm>> -> memref<1x1024xf32, #tpu.memory_space<hbm>>
          tpu.wait_dma2 semaphore(%run_scoped3A : memref<!tpu.dma_semaphore, #tpu.memory_space<semaphore_mem>>) src(%dma_wait3A_538 : memref<1x1024xf32, #tpu.memory_space<hbm>>) dst(%dma_wait3A_536 : memref<1x1024xf32, #tpu.memory_space<hbm>>)
          tpu.yield
        }) : () -> ()
        "tpu.region"() ({
          %run_scoped3A = tpu.sem_alloc : memref<!tpu.dma_semaphore, #tpu.memory_space<semaphore_mem>>
          %dma_start3A = arith.constant 0 : i32
          %dma_start3A_533 = tpu.memref_slice %arg6[%add3A_334, %dma_start3A] : memref<128x2048xf32, #tpu.memory_space<hbm>> -> memref<1x2048xf32, #tpu.memory_space<hbm>>
          %dma_start3A_534 = arith.constant 0 : i32
          %dma_start3A_535 = tpu.memref_slice %arg4[%add3A_322, %dma_start3A_534] : memref<4096x2048xf32, #tpu.memory_space<hbm>> -> memref<1x2048xf32, #tpu.memory_space<hbm>>
          tpu.enqueue_dma source(%dma_start3A_535 : memref<1x2048xf32, #tpu.memory_space<hbm>>) target(%dma_start3A_533 : memref<1x2048xf32, #tpu.memory_space<hbm>>) target_semaphore(%run_scoped3A : memref<!tpu.dma_semaphore, #tpu.memory_space<semaphore_mem>>)
          %dma_wait3A = arith.constant 0 : i32
          %dma_wait3A_536 = tpu.memref_slice %arg6[%add3A_334, %dma_wait3A] : memref<128x2048xf32, #tpu.memory_space<hbm>> -> memref<1x2048xf32, #tpu.memory_space<hbm>>
          %dma_wait3A_537 = arith.constant 0 : i32
          %dma_wait3A_538 = tpu.memref_slice %arg4[%add3A_322, %dma_wait3A_537] : memref<4096x2048xf32, #tpu.memory_space<hbm>> -> memref<1x2048xf32, #tpu.memory_space<hbm>>
          tpu.wait_dma2 semaphore(%run_scoped3A : memref<!tpu.dma_semaphore, #tpu.memory_space<semaphore_mem>>) src(%dma_wait3A_538 : memref<1x2048xf32, #tpu.memory_space<hbm>>) dst(%dma_wait3A_536 : memref<1x2048xf32, #tpu.memory_space<hbm>>)
          tpu.yield
        }) : () -> ()
      } else {
      }
      %add3A_340 = arith.addi %add3A_316, %add3A_333 : i32
      %slice3A_341 = vector.extract_strided_slice %get3A_152 {offsets = [8], sizes = [1], strides = [1]} : vector<16xi32> to vector<1xi32>
      %squeeze3A_342 = vector.extract %slice3A_341[0] : i32 from vector<1xi32>
      %mul3A_343 = arith.constant 16 : i32
      %mul3A_344 = arith.muli %add3A_148, %mul3A_343 : i32
      %add3A_345 = arith.constant 8 : i32
      %add3A_346 = arith.addi %mul3A_344, %add3A_345 : i32
      %gt3A_347 = arith.cmpi sgt, %squeeze3A_342, %scan3A_13#0 : i32
      %jit3A_348 = arith.constant 1 : i32
      %jit3A_349 = arith.constant 0 : i32
      %select_n3A_350 = arith.select %gt3A_347, %jit3A_348, %jit3A_349 : i32
      %eq3A_351 = arith.cmpi eq, %squeeze3A_342, %scan3A_13#0 : i32
      %le3A_352 = arith.cmpi sle, %add3A_346, %scan3A_74#0 : i32
      %jit3A_353 = arith.constant 0 : i32
      %select_n3A_354 = arith.select %le3A_352, %select_n3A, %jit3A_353 : i32
      %jit3A_355 = arith.constant 0 : i32
      %select_n3A_356 = arith.select %eq3A_351, %select_n3A_354, %jit3A_355 : i32
      %add3A_357 = arith.addi %select_n3A_350, %select_n3A_356 : i32
      %add3A_358 = arith.addi %add3A_136, %add3A_340 : i32
      %gt3A_359 = arith.constant 0 : i32
      %gt3A_360 = arith.cmpi sgt, %add3A_357, %gt3A_359 : i32
      %convert_element_type3A_361 = arith.extui %gt3A_360 : i1 to i32
      %cond3A_362 = arith.constant 0 : i32
      %cond3A_363 = arith.cmpi ne, %convert_element_type3A_361, %cond3A_362 : i32
      scf.if %cond3A_363 {
        "tpu.region"() ({
          %run_scoped3A = tpu.sem_alloc : memref<!tpu.dma_semaphore, #tpu.memory_space<semaphore_mem>>
          %dma_start3A = arith.constant 0 : i32
          %dma_start3A_533 = tpu.memref_slice %arg5[%add3A_358, %dma_start3A] : memref<128x1024xf32, #tpu.memory_space<hbm>> -> memref<1x1024xf32, #tpu.memory_space<hbm>>
          %dma_start3A_534 = arith.constant 0 : i32
          %dma_start3A_535 = tpu.memref_slice %arg3[%add3A_346, %dma_start3A_534] : memref<4096x1024xf32, #tpu.memory_space<hbm>> -> memref<1x1024xf32, #tpu.memory_space<hbm>>
          tpu.enqueue_dma source(%dma_start3A_535 : memref<1x1024xf32, #tpu.memory_space<hbm>>) target(%dma_start3A_533 : memref<1x1024xf32, #tpu.memory_space<hbm>>) target_semaphore(%run_scoped3A : memref<!tpu.dma_semaphore, #tpu.memory_space<semaphore_mem>>)
          %dma_wait3A = arith.constant 0 : i32
          %dma_wait3A_536 = tpu.memref_slice %arg5[%add3A_358, %dma_wait3A] : memref<128x1024xf32, #tpu.memory_space<hbm>> -> memref<1x1024xf32, #tpu.memory_space<hbm>>
          %dma_wait3A_537 = arith.constant 0 : i32
          %dma_wait3A_538 = tpu.memref_slice %arg3[%add3A_346, %dma_wait3A_537] : memref<4096x1024xf32, #tpu.memory_space<hbm>> -> memref<1x1024xf32, #tpu.memory_space<hbm>>
          tpu.wait_dma2 semaphore(%run_scoped3A : memref<!tpu.dma_semaphore, #tpu.memory_space<semaphore_mem>>) src(%dma_wait3A_538 : memref<1x1024xf32, #tpu.memory_space<hbm>>) dst(%dma_wait3A_536 : memref<1x1024xf32, #tpu.memory_space<hbm>>)
          tpu.yield
        }) : () -> ()
        "tpu.region"() ({
          %run_scoped3A = tpu.sem_alloc : memref<!tpu.dma_semaphore, #tpu.memory_space<semaphore_mem>>
          %dma_start3A = arith.constant 0 : i32
          %dma_start3A_533 = tpu.memref_slice %arg6[%add3A_358, %dma_start3A] : memref<128x2048xf32, #tpu.memory_space<hbm>> -> memref<1x2048xf32, #tpu.memory_space<hbm>>
          %dma_start3A_534 = arith.constant 0 : i32
          %dma_start3A_535 = tpu.memref_slice %arg4[%add3A_346, %dma_start3A_534] : memref<4096x2048xf32, #tpu.memory_space<hbm>> -> memref<1x2048xf32, #tpu.memory_space<hbm>>
          tpu.enqueue_dma source(%dma_start3A_535 : memref<1x2048xf32, #tpu.memory_space<hbm>>) target(%dma_start3A_533 : memref<1x2048xf32, #tpu.memory_space<hbm>>) target_semaphore(%run_scoped3A : memref<!tpu.dma_semaphore, #tpu.memory_space<semaphore_mem>>)
          %dma_wait3A = arith.constant 0 : i32
          %dma_wait3A_536 = tpu.memref_slice %arg6[%add3A_358, %dma_wait3A] : memref<128x2048xf32, #tpu.memory_space<hbm>> -> memref<1x2048xf32, #tpu.memory_space<hbm>>
          %dma_wait3A_537 = arith.constant 0 : i32
          %dma_wait3A_538 = tpu.memref_slice %arg4[%add3A_346, %dma_wait3A_537] : memref<4096x2048xf32, #tpu.memory_space<hbm>> -> memref<1x2048xf32, #tpu.memory_space<hbm>>
          tpu.wait_dma2 semaphore(%run_scoped3A : memref<!tpu.dma_semaphore, #tpu.memory_space<semaphore_mem>>) src(%dma_wait3A_538 : memref<1x2048xf32, #tpu.memory_space<hbm>>) dst(%dma_wait3A_536 : memref<1x2048xf32, #tpu.memory_space<hbm>>)
          tpu.yield
        }) : () -> ()
      } else {
      }
      %add3A_364 = arith.addi %add3A_340, %add3A_357 : i32
      %slice3A_365 = vector.extract_strided_slice %get3A_152 {offsets = [9], sizes = [1], strides = [1]} : vector<16xi32> to vector<1xi32>
      %squeeze3A_366 = vector.extract %slice3A_365[0] : i32 from vector<1xi32>
      %mul3A_367 = arith.constant 16 : i32
      %mul3A_368 = arith.muli %add3A_148, %mul3A_367 : i32
      %add3A_369 = arith.constant 9 : i32
      %add3A_370 = arith.addi %mul3A_368, %add3A_369 : i32
      %gt3A_371 = arith.cmpi sgt, %squeeze3A_366, %scan3A_13#0 : i32
      %jit3A_372 = arith.constant 1 : i32
      %jit3A_373 = arith.constant 0 : i32
      %select_n3A_374 = arith.select %gt3A_371, %jit3A_372, %jit3A_373 : i32
      %eq3A_375 = arith.cmpi eq, %squeeze3A_366, %scan3A_13#0 : i32
      %le3A_376 = arith.cmpi sle, %add3A_370, %scan3A_74#0 : i32
      %jit3A_377 = arith.constant 0 : i32
      %select_n3A_378 = arith.select %le3A_376, %select_n3A, %jit3A_377 : i32
      %jit3A_379 = arith.constant 0 : i32
      %select_n3A_380 = arith.select %eq3A_375, %select_n3A_378, %jit3A_379 : i32
      %add3A_381 = arith.addi %select_n3A_374, %select_n3A_380 : i32
      %add3A_382 = arith.addi %add3A_136, %add3A_364 : i32
      %gt3A_383 = arith.constant 0 : i32
      %gt3A_384 = arith.cmpi sgt, %add3A_381, %gt3A_383 : i32
      %convert_element_type3A_385 = arith.extui %gt3A_384 : i1 to i32
      %cond3A_386 = arith.constant 0 : i32
      %cond3A_387 = arith.cmpi ne, %convert_element_type3A_385, %cond3A_386 : i32
      scf.if %cond3A_387 {
        "tpu.region"() ({
          %run_scoped3A = tpu.sem_alloc : memref<!tpu.dma_semaphore, #tpu.memory_space<semaphore_mem>>
          %dma_start3A = arith.constant 0 : i32
          %dma_start3A_533 = tpu.memref_slice %arg5[%add3A_382, %dma_start3A] : memref<128x1024xf32, #tpu.memory_space<hbm>> -> memref<1x1024xf32, #tpu.memory_space<hbm>>
          %dma_start3A_534 = arith.constant 0 : i32
          %dma_start3A_535 = tpu.memref_slice %arg3[%add3A_370, %dma_start3A_534] : memref<4096x1024xf32, #tpu.memory_space<hbm>> -> memref<1x1024xf32, #tpu.memory_space<hbm>>
          tpu.enqueue_dma source(%dma_start3A_535 : memref<1x1024xf32, #tpu.memory_space<hbm>>) target(%dma_start3A_533 : memref<1x1024xf32, #tpu.memory_space<hbm>>) target_semaphore(%run_scoped3A : memref<!tpu.dma_semaphore, #tpu.memory_space<semaphore_mem>>)
          %dma_wait3A = arith.constant 0 : i32
          %dma_wait3A_536 = tpu.memref_slice %arg5[%add3A_382, %dma_wait3A] : memref<128x1024xf32, #tpu.memory_space<hbm>> -> memref<1x1024xf32, #tpu.memory_space<hbm>>
          %dma_wait3A_537 = arith.constant 0 : i32
          %dma_wait3A_538 = tpu.memref_slice %arg3[%add3A_370, %dma_wait3A_537] : memref<4096x1024xf32, #tpu.memory_space<hbm>> -> memref<1x1024xf32, #tpu.memory_space<hbm>>
          tpu.wait_dma2 semaphore(%run_scoped3A : memref<!tpu.dma_semaphore, #tpu.memory_space<semaphore_mem>>) src(%dma_wait3A_538 : memref<1x1024xf32, #tpu.memory_space<hbm>>) dst(%dma_wait3A_536 : memref<1x1024xf32, #tpu.memory_space<hbm>>)
          tpu.yield
        }) : () -> ()
        "tpu.region"() ({
          %run_scoped3A = tpu.sem_alloc : memref<!tpu.dma_semaphore, #tpu.memory_space<semaphore_mem>>
          %dma_start3A = arith.constant 0 : i32
          %dma_start3A_533 = tpu.memref_slice %arg6[%add3A_382, %dma_start3A] : memref<128x2048xf32, #tpu.memory_space<hbm>> -> memref<1x2048xf32, #tpu.memory_space<hbm>>
          %dma_start3A_534 = arith.constant 0 : i32
          %dma_start3A_535 = tpu.memref_slice %arg4[%add3A_370, %dma_start3A_534] : memref<4096x2048xf32, #tpu.memory_space<hbm>> -> memref<1x2048xf32, #tpu.memory_space<hbm>>
          tpu.enqueue_dma source(%dma_start3A_535 : memref<1x2048xf32, #tpu.memory_space<hbm>>) target(%dma_start3A_533 : memref<1x2048xf32, #tpu.memory_space<hbm>>) target_semaphore(%run_scoped3A : memref<!tpu.dma_semaphore, #tpu.memory_space<semaphore_mem>>)
          %dma_wait3A = arith.constant 0 : i32
          %dma_wait3A_536 = tpu.memref_slice %arg6[%add3A_382, %dma_wait3A] : memref<128x2048xf32, #tpu.memory_space<hbm>> -> memref<1x2048xf32, #tpu.memory_space<hbm>>
          %dma_wait3A_537 = arith.constant 0 : i32
          %dma_wait3A_538 = tpu.memref_slice %arg4[%add3A_370, %dma_wait3A_537] : memref<4096x2048xf32, #tpu.memory_space<hbm>> -> memref<1x2048xf32, #tpu.memory_space<hbm>>
          tpu.wait_dma2 semaphore(%run_scoped3A : memref<!tpu.dma_semaphore, #tpu.memory_space<semaphore_mem>>) src(%dma_wait3A_538 : memref<1x2048xf32, #tpu.memory_space<hbm>>) dst(%dma_wait3A_536 : memref<1x2048xf32, #tpu.memory_space<hbm>>)
          tpu.yield
        }) : () -> ()
      } else {
      }
      %add3A_388 = arith.addi %add3A_364, %add3A_381 : i32
      %slice3A_389 = vector.extract_strided_slice %get3A_152 {offsets = [10], sizes = [1], strides = [1]} : vector<16xi32> to vector<1xi32>
      %squeeze3A_390 = vector.extract %slice3A_389[0] : i32 from vector<1xi32>
      %mul3A_391 = arith.constant 16 : i32
      %mul3A_392 = arith.muli %add3A_148, %mul3A_391 : i32
      %add3A_393 = arith.constant 10 : i32
      %add3A_394 = arith.addi %mul3A_392, %add3A_393 : i32
      %gt3A_395 = arith.cmpi sgt, %squeeze3A_390, %scan3A_13#0 : i32
      %jit3A_396 = arith.constant 1 : i32
      %jit3A_397 = arith.constant 0 : i32
      %select_n3A_398 = arith.select %gt3A_395, %jit3A_396, %jit3A_397 : i32
      %eq3A_399 = arith.cmpi eq, %squeeze3A_390, %scan3A_13#0 : i32
      %le3A_400 = arith.cmpi sle, %add3A_394, %scan3A_74#0 : i32
      %jit3A_401 = arith.constant 0 : i32
      %select_n3A_402 = arith.select %le3A_400, %select_n3A, %jit3A_401 : i32
      %jit3A_403 = arith.constant 0 : i32
      %select_n3A_404 = arith.select %eq3A_399, %select_n3A_402, %jit3A_403 : i32
      %add3A_405 = arith.addi %select_n3A_398, %select_n3A_404 : i32
      %add3A_406 = arith.addi %add3A_136, %add3A_388 : i32
      %gt3A_407 = arith.constant 0 : i32
      %gt3A_408 = arith.cmpi sgt, %add3A_405, %gt3A_407 : i32
      %convert_element_type3A_409 = arith.extui %gt3A_408 : i1 to i32
      %cond3A_410 = arith.constant 0 : i32
      %cond3A_411 = arith.cmpi ne, %convert_element_type3A_409, %cond3A_410 : i32
      scf.if %cond3A_411 {
        "tpu.region"() ({
          %run_scoped3A = tpu.sem_alloc : memref<!tpu.dma_semaphore, #tpu.memory_space<semaphore_mem>>
          %dma_start3A = arith.constant 0 : i32
          %dma_start3A_533 = tpu.memref_slice %arg5[%add3A_406, %dma_start3A] : memref<128x1024xf32, #tpu.memory_space<hbm>> -> memref<1x1024xf32, #tpu.memory_space<hbm>>
          %dma_start3A_534 = arith.constant 0 : i32
          %dma_start3A_535 = tpu.memref_slice %arg3[%add3A_394, %dma_start3A_534] : memref<4096x1024xf32, #tpu.memory_space<hbm>> -> memref<1x1024xf32, #tpu.memory_space<hbm>>
          tpu.enqueue_dma source(%dma_start3A_535 : memref<1x1024xf32, #tpu.memory_space<hbm>>) target(%dma_start3A_533 : memref<1x1024xf32, #tpu.memory_space<hbm>>) target_semaphore(%run_scoped3A : memref<!tpu.dma_semaphore, #tpu.memory_space<semaphore_mem>>)
          %dma_wait3A = arith.constant 0 : i32
          %dma_wait3A_536 = tpu.memref_slice %arg5[%add3A_406, %dma_wait3A] : memref<128x1024xf32, #tpu.memory_space<hbm>> -> memref<1x1024xf32, #tpu.memory_space<hbm>>
          %dma_wait3A_537 = arith.constant 0 : i32
          %dma_wait3A_538 = tpu.memref_slice %arg3[%add3A_394, %dma_wait3A_537] : memref<4096x1024xf32, #tpu.memory_space<hbm>> -> memref<1x1024xf32, #tpu.memory_space<hbm>>
          tpu.wait_dma2 semaphore(%run_scoped3A : memref<!tpu.dma_semaphore, #tpu.memory_space<semaphore_mem>>) src(%dma_wait3A_538 : memref<1x1024xf32, #tpu.memory_space<hbm>>) dst(%dma_wait3A_536 : memref<1x1024xf32, #tpu.memory_space<hbm>>)
          tpu.yield
        }) : () -> ()
        "tpu.region"() ({
          %run_scoped3A = tpu.sem_alloc : memref<!tpu.dma_semaphore, #tpu.memory_space<semaphore_mem>>
          %dma_start3A = arith.constant 0 : i32
          %dma_start3A_533 = tpu.memref_slice %arg6[%add3A_406, %dma_start3A] : memref<128x2048xf32, #tpu.memory_space<hbm>> -> memref<1x2048xf32, #tpu.memory_space<hbm>>
          %dma_start3A_534 = arith.constant 0 : i32
          %dma_start3A_535 = tpu.memref_slice %arg4[%add3A_394, %dma_start3A_534] : memref<4096x2048xf32, #tpu.memory_space<hbm>> -> memref<1x2048xf32, #tpu.memory_space<hbm>>
          tpu.enqueue_dma source(%dma_start3A_535 : memref<1x2048xf32, #tpu.memory_space<hbm>>) target(%dma_start3A_533 : memref<1x2048xf32, #tpu.memory_space<hbm>>) target_semaphore(%run_scoped3A : memref<!tpu.dma_semaphore, #tpu.memory_space<semaphore_mem>>)
          %dma_wait3A = arith.constant 0 : i32
          %dma_wait3A_536 = tpu.memref_slice %arg6[%add3A_406, %dma_wait3A] : memref<128x2048xf32, #tpu.memory_space<hbm>> -> memref<1x2048xf32, #tpu.memory_space<hbm>>
          %dma_wait3A_537 = arith.constant 0 : i32
          %dma_wait3A_538 = tpu.memref_slice %arg4[%add3A_394, %dma_wait3A_537] : memref<4096x2048xf32, #tpu.memory_space<hbm>> -> memref<1x2048xf32, #tpu.memory_space<hbm>>
          tpu.wait_dma2 semaphore(%run_scoped3A : memref<!tpu.dma_semaphore, #tpu.memory_space<semaphore_mem>>) src(%dma_wait3A_538 : memref<1x2048xf32, #tpu.memory_space<hbm>>) dst(%dma_wait3A_536 : memref<1x2048xf32, #tpu.memory_space<hbm>>)
          tpu.yield
        }) : () -> ()
      } else {
      }
      %add3A_412 = arith.addi %add3A_388, %add3A_405 : i32
      %slice3A_413 = vector.extract_strided_slice %get3A_152 {offsets = [11], sizes = [1], strides = [1]} : vector<16xi32> to vector<1xi32>
      %squeeze3A_414 = vector.extract %slice3A_413[0] : i32 from vector<1xi32>
      %mul3A_415 = arith.constant 16 : i32
      %mul3A_416 = arith.muli %add3A_148, %mul3A_415 : i32
      %add3A_417 = arith.constant 11 : i32
      %add3A_418 = arith.addi %mul3A_416, %add3A_417 : i32
      %gt3A_419 = arith.cmpi sgt, %squeeze3A_414, %scan3A_13#0 : i32
      %jit3A_420 = arith.constant 1 : i32
      %jit3A_421 = arith.constant 0 : i32
      %select_n3A_422 = arith.select %gt3A_419, %jit3A_420, %jit3A_421 : i32
      %eq3A_423 = arith.cmpi eq, %squeeze3A_414, %scan3A_13#0 : i32
      %le3A_424 = arith.cmpi sle, %add3A_418, %scan3A_74#0 : i32
      %jit3A_425 = arith.constant 0 : i32
      %select_n3A_426 = arith.select %le3A_424, %select_n3A, %jit3A_425 : i32
      %jit3A_427 = arith.constant 0 : i32
      %select_n3A_428 = arith.select %eq3A_423, %select_n3A_426, %jit3A_427 : i32
      %add3A_429 = arith.addi %select_n3A_422, %select_n3A_428 : i32
      %add3A_430 = arith.addi %add3A_136, %add3A_412 : i32
      %gt3A_431 = arith.constant 0 : i32
      %gt3A_432 = arith.cmpi sgt, %add3A_429, %gt3A_431 : i32
      %convert_element_type3A_433 = arith.extui %gt3A_432 : i1 to i32
      %cond3A_434 = arith.constant 0 : i32
      %cond3A_435 = arith.cmpi ne, %convert_element_type3A_433, %cond3A_434 : i32
      scf.if %cond3A_435 {
        "tpu.region"() ({
          %run_scoped3A = tpu.sem_alloc : memref<!tpu.dma_semaphore, #tpu.memory_space<semaphore_mem>>
          %dma_start3A = arith.constant 0 : i32
          %dma_start3A_533 = tpu.memref_slice %arg5[%add3A_430, %dma_start3A] : memref<128x1024xf32, #tpu.memory_space<hbm>> -> memref<1x1024xf32, #tpu.memory_space<hbm>>
          %dma_start3A_534 = arith.constant 0 : i32
          %dma_start3A_535 = tpu.memref_slice %arg3[%add3A_418, %dma_start3A_534] : memref<4096x1024xf32, #tpu.memory_space<hbm>> -> memref<1x1024xf32, #tpu.memory_space<hbm>>
          tpu.enqueue_dma source(%dma_start3A_535 : memref<1x1024xf32, #tpu.memory_space<hbm>>) target(%dma_start3A_533 : memref<1x1024xf32, #tpu.memory_space<hbm>>) target_semaphore(%run_scoped3A : memref<!tpu.dma_semaphore, #tpu.memory_space<semaphore_mem>>)
          %dma_wait3A = arith.constant 0 : i32
          %dma_wait3A_536 = tpu.memref_slice %arg5[%add3A_430, %dma_wait3A] : memref<128x1024xf32, #tpu.memory_space<hbm>> -> memref<1x1024xf32, #tpu.memory_space<hbm>>
          %dma_wait3A_537 = arith.constant 0 : i32
          %dma_wait3A_538 = tpu.memref_slice %arg3[%add3A_418, %dma_wait3A_537] : memref<4096x1024xf32, #tpu.memory_space<hbm>> -> memref<1x1024xf32, #tpu.memory_space<hbm>>
          tpu.wait_dma2 semaphore(%run_scoped3A : memref<!tpu.dma_semaphore, #tpu.memory_space<semaphore_mem>>) src(%dma_wait3A_538 : memref<1x1024xf32, #tpu.memory_space<hbm>>) dst(%dma_wait3A_536 : memref<1x1024xf32, #tpu.memory_space<hbm>>)
          tpu.yield
        }) : () -> ()
        "tpu.region"() ({
          %run_scoped3A = tpu.sem_alloc : memref<!tpu.dma_semaphore, #tpu.memory_space<semaphore_mem>>
          %dma_start3A = arith.constant 0 : i32
          %dma_start3A_533 = tpu.memref_slice %arg6[%add3A_430, %dma_start3A] : memref<128x2048xf32, #tpu.memory_space<hbm>> -> memref<1x2048xf32, #tpu.memory_space<hbm>>
          %dma_start3A_534 = arith.constant 0 : i32
          %dma_start3A_535 = tpu.memref_slice %arg4[%add3A_418, %dma_start3A_534] : memref<4096x2048xf32, #tpu.memory_space<hbm>> -> memref<1x2048xf32, #tpu.memory_space<hbm>>
          tpu.enqueue_dma source(%dma_start3A_535 : memref<1x2048xf32, #tpu.memory_space<hbm>>) target(%dma_start3A_533 : memref<1x2048xf32, #tpu.memory_space<hbm>>) target_semaphore(%run_scoped3A : memref<!tpu.dma_semaphore, #tpu.memory_space<semaphore_mem>>)
          %dma_wait3A = arith.constant 0 : i32
          %dma_wait3A_536 = tpu.memref_slice %arg6[%add3A_430, %dma_wait3A] : memref<128x2048xf32, #tpu.memory_space<hbm>> -> memref<1x2048xf32, #tpu.memory_space<hbm>>
          %dma_wait3A_537 = arith.constant 0 : i32
          %dma_wait3A_538 = tpu.memref_slice %arg4[%add3A_418, %dma_wait3A_537] : memref<4096x2048xf32, #tpu.memory_space<hbm>> -> memref<1x2048xf32, #tpu.memory_space<hbm>>
          tpu.wait_dma2 semaphore(%run_scoped3A : memref<!tpu.dma_semaphore, #tpu.memory_space<semaphore_mem>>) src(%dma_wait3A_538 : memref<1x2048xf32, #tpu.memory_space<hbm>>) dst(%dma_wait3A_536 : memref<1x2048xf32, #tpu.memory_space<hbm>>)
          tpu.yield
        }) : () -> ()
      } else {
      }
      %add3A_436 = arith.addi %add3A_412, %add3A_429 : i32
      %slice3A_437 = vector.extract_strided_slice %get3A_152 {offsets = [12], sizes = [1], strides = [1]} : vector<16xi32> to vector<1xi32>
      %squeeze3A_438 = vector.extract %slice3A_437[0] : i32 from vector<1xi32>
      %mul3A_439 = arith.constant 16 : i32
      %mul3A_440 = arith.muli %add3A_148, %mul3A_439 : i32
      %add3A_441 = arith.constant 12 : i32
      %add3A_442 = arith.addi %mul3A_440, %add3A_441 : i32
      %gt3A_443 = arith.cmpi sgt, %squeeze3A_438, %scan3A_13#0 : i32
      %jit3A_444 = arith.constant 1 : i32
      %jit3A_445 = arith.constant 0 : i32
      %select_n3A_446 = arith.select %gt3A_443, %jit3A_444, %jit3A_445 : i32
      %eq3A_447 = arith.cmpi eq, %squeeze3A_438, %scan3A_13#0 : i32
      %le3A_448 = arith.cmpi sle, %add3A_442, %scan3A_74#0 : i32
      %jit3A_449 = arith.constant 0 : i32
      %select_n3A_450 = arith.select %le3A_448, %select_n3A, %jit3A_449 : i32
      %jit3A_451 = arith.constant 0 : i32
      %select_n3A_452 = arith.select %eq3A_447, %select_n3A_450, %jit3A_451 : i32
      %add3A_453 = arith.addi %select_n3A_446, %select_n3A_452 : i32
      %add3A_454 = arith.addi %add3A_136, %add3A_436 : i32
      %gt3A_455 = arith.constant 0 : i32
      %gt3A_456 = arith.cmpi sgt, %add3A_453, %gt3A_455 : i32
      %convert_element_type3A_457 = arith.extui %gt3A_456 : i1 to i32
      %cond3A_458 = arith.constant 0 : i32
      %cond3A_459 = arith.cmpi ne, %convert_element_type3A_457, %cond3A_458 : i32
      scf.if %cond3A_459 {
        "tpu.region"() ({
          %run_scoped3A = tpu.sem_alloc : memref<!tpu.dma_semaphore, #tpu.memory_space<semaphore_mem>>
          %dma_start3A = arith.constant 0 : i32
          %dma_start3A_533 = tpu.memref_slice %arg5[%add3A_454, %dma_start3A] : memref<128x1024xf32, #tpu.memory_space<hbm>> -> memref<1x1024xf32, #tpu.memory_space<hbm>>
          %dma_start3A_534 = arith.constant 0 : i32
          %dma_start3A_535 = tpu.memref_slice %arg3[%add3A_442, %dma_start3A_534] : memref<4096x1024xf32, #tpu.memory_space<hbm>> -> memref<1x1024xf32, #tpu.memory_space<hbm>>
          tpu.enqueue_dma source(%dma_start3A_535 : memref<1x1024xf32, #tpu.memory_space<hbm>>) target(%dma_start3A_533 : memref<1x1024xf32, #tpu.memory_space<hbm>>) target_semaphore(%run_scoped3A : memref<!tpu.dma_semaphore, #tpu.memory_space<semaphore_mem>>)
          %dma_wait3A = arith.constant 0 : i32
          %dma_wait3A_536 = tpu.memref_slice %arg5[%add3A_454, %dma_wait3A] : memref<128x1024xf32, #tpu.memory_space<hbm>> -> memref<1x1024xf32, #tpu.memory_space<hbm>>
          %dma_wait3A_537 = arith.constant 0 : i32
          %dma_wait3A_538 = tpu.memref_slice %arg3[%add3A_442, %dma_wait3A_537] : memref<4096x1024xf32, #tpu.memory_space<hbm>> -> memref<1x1024xf32, #tpu.memory_space<hbm>>
          tpu.wait_dma2 semaphore(%run_scoped3A : memref<!tpu.dma_semaphore, #tpu.memory_space<semaphore_mem>>) src(%dma_wait3A_538 : memref<1x1024xf32, #tpu.memory_space<hbm>>) dst(%dma_wait3A_536 : memref<1x1024xf32, #tpu.memory_space<hbm>>)
          tpu.yield
        }) : () -> ()
        "tpu.region"() ({
          %run_scoped3A = tpu.sem_alloc : memref<!tpu.dma_semaphore, #tpu.memory_space<semaphore_mem>>
          %dma_start3A = arith.constant 0 : i32
          %dma_start3A_533 = tpu.memref_slice %arg6[%add3A_454, %dma_start3A] : memref<128x2048xf32, #tpu.memory_space<hbm>> -> memref<1x2048xf32, #tpu.memory_space<hbm>>
          %dma_start3A_534 = arith.constant 0 : i32
          %dma_start3A_535 = tpu.memref_slice %arg4[%add3A_442, %dma_start3A_534] : memref<4096x2048xf32, #tpu.memory_space<hbm>> -> memref<1x2048xf32, #tpu.memory_space<hbm>>
          tpu.enqueue_dma source(%dma_start3A_535 : memref<1x2048xf32, #tpu.memory_space<hbm>>) target(%dma_start3A_533 : memref<1x2048xf32, #tpu.memory_space<hbm>>) target_semaphore(%run_scoped3A : memref<!tpu.dma_semaphore, #tpu.memory_space<semaphore_mem>>)
          %dma_wait3A = arith.constant 0 : i32
          %dma_wait3A_536 = tpu.memref_slice %arg6[%add3A_454, %dma_wait3A] : memref<128x2048xf32, #tpu.memory_space<hbm>> -> memref<1x2048xf32, #tpu.memory_space<hbm>>
          %dma_wait3A_537 = arith.constant 0 : i32
          %dma_wait3A_538 = tpu.memref_slice %arg4[%add3A_442, %dma_wait3A_537] : memref<4096x2048xf32, #tpu.memory_space<hbm>> -> memref<1x2048xf32, #tpu.memory_space<hbm>>
          tpu.wait_dma2 semaphore(%run_scoped3A : memref<!tpu.dma_semaphore, #tpu.memory_space<semaphore_mem>>) src(%dma_wait3A_538 : memref<1x2048xf32, #tpu.memory_space<hbm>>) dst(%dma_wait3A_536 : memref<1x2048xf32, #tpu.memory_space<hbm>>)
          tpu.yield
        }) : () -> ()
      } else {
      }
      %add3A_460 = arith.addi %add3A_436, %add3A_453 : i32
      %slice3A_461 = vector.extract_strided_slice %get3A_152 {offsets = [13], sizes = [1], strides = [1]} : vector<16xi32> to vector<1xi32>
      %squeeze3A_462 = vector.extract %slice3A_461[0] : i32 from vector<1xi32>
      %mul3A_463 = arith.constant 16 : i32
      %mul3A_464 = arith.muli %add3A_148, %mul3A_463 : i32
      %add3A_465 = arith.constant 13 : i32
      %add3A_466 = arith.addi %mul3A_464, %add3A_465 : i32
      %gt3A_467 = arith.cmpi sgt, %squeeze3A_462, %scan3A_13#0 : i32
      %jit3A_468 = arith.constant 1 : i32
      %jit3A_469 = arith.constant 0 : i32
      %select_n3A_470 = arith.select %gt3A_467, %jit3A_468, %jit3A_469 : i32
      %eq3A_471 = arith.cmpi eq, %squeeze3A_462, %scan3A_13#0 : i32
      %le3A_472 = arith.cmpi sle, %add3A_466, %scan3A_74#0 : i32
      %jit3A_473 = arith.constant 0 : i32
      %select_n3A_474 = arith.select %le3A_472, %select_n3A, %jit3A_473 : i32
      %jit3A_475 = arith.constant 0 : i32
      %select_n3A_476 = arith.select %eq3A_471, %select_n3A_474, %jit3A_475 : i32
      %add3A_477 = arith.addi %select_n3A_470, %select_n3A_476 : i32
      %add3A_478 = arith.addi %add3A_136, %add3A_460 : i32
      %gt3A_479 = arith.constant 0 : i32
      %gt3A_480 = arith.cmpi sgt, %add3A_477, %gt3A_479 : i32
      %convert_element_type3A_481 = arith.extui %gt3A_480 : i1 to i32
      %cond3A_482 = arith.constant 0 : i32
      %cond3A_483 = arith.cmpi ne, %convert_element_type3A_481, %cond3A_482 : i32
      scf.if %cond3A_483 {
        "tpu.region"() ({
          %run_scoped3A = tpu.sem_alloc : memref<!tpu.dma_semaphore, #tpu.memory_space<semaphore_mem>>
          %dma_start3A = arith.constant 0 : i32
          %dma_start3A_533 = tpu.memref_slice %arg5[%add3A_478, %dma_start3A] : memref<128x1024xf32, #tpu.memory_space<hbm>> -> memref<1x1024xf32, #tpu.memory_space<hbm>>
          %dma_start3A_534 = arith.constant 0 : i32
          %dma_start3A_535 = tpu.memref_slice %arg3[%add3A_466, %dma_start3A_534] : memref<4096x1024xf32, #tpu.memory_space<hbm>> -> memref<1x1024xf32, #tpu.memory_space<hbm>>
          tpu.enqueue_dma source(%dma_start3A_535 : memref<1x1024xf32, #tpu.memory_space<hbm>>) target(%dma_start3A_533 : memref<1x1024xf32, #tpu.memory_space<hbm>>) target_semaphore(%run_scoped3A : memref<!tpu.dma_semaphore, #tpu.memory_space<semaphore_mem>>)
          %dma_wait3A = arith.constant 0 : i32
          %dma_wait3A_536 = tpu.memref_slice %arg5[%add3A_478, %dma_wait3A] : memref<128x1024xf32, #tpu.memory_space<hbm>> -> memref<1x1024xf32, #tpu.memory_space<hbm>>
          %dma_wait3A_537 = arith.constant 0 : i32
          %dma_wait3A_538 = tpu.memref_slice %arg3[%add3A_466, %dma_wait3A_537] : memref<4096x1024xf32, #tpu.memory_space<hbm>> -> memref<1x1024xf32, #tpu.memory_space<hbm>>
          tpu.wait_dma2 semaphore(%run_scoped3A : memref<!tpu.dma_semaphore, #tpu.memory_space<semaphore_mem>>) src(%dma_wait3A_538 : memref<1x1024xf32, #tpu.memory_space<hbm>>) dst(%dma_wait3A_536 : memref<1x1024xf32, #tpu.memory_space<hbm>>)
          tpu.yield
        }) : () -> ()
        "tpu.region"() ({
          %run_scoped3A = tpu.sem_alloc : memref<!tpu.dma_semaphore, #tpu.memory_space<semaphore_mem>>
          %dma_start3A = arith.constant 0 : i32
          %dma_start3A_533 = tpu.memref_slice %arg6[%add3A_478, %dma_start3A] : memref<128x2048xf32, #tpu.memory_space<hbm>> -> memref<1x2048xf32, #tpu.memory_space<hbm>>
          %dma_start3A_534 = arith.constant 0 : i32
          %dma_start3A_535 = tpu.memref_slice %arg4[%add3A_466, %dma_start3A_534] : memref<4096x2048xf32, #tpu.memory_space<hbm>> -> memref<1x2048xf32, #tpu.memory_space<hbm>>
          tpu.enqueue_dma source(%dma_start3A_535 : memref<1x2048xf32, #tpu.memory_space<hbm>>) target(%dma_start3A_533 : memref<1x2048xf32, #tpu.memory_space<hbm>>) target_semaphore(%run_scoped3A : memref<!tpu.dma_semaphore, #tpu.memory_space<semaphore_mem>>)
          %dma_wait3A = arith.constant 0 : i32
          %dma_wait3A_536 = tpu.memref_slice %arg6[%add3A_478, %dma_wait3A] : memref<128x2048xf32, #tpu.memory_space<hbm>> -> memref<1x2048xf32, #tpu.memory_space<hbm>>
          %dma_wait3A_537 = arith.constant 0 : i32
          %dma_wait3A_538 = tpu.memref_slice %arg4[%add3A_466, %dma_wait3A_537] : memref<4096x2048xf32, #tpu.memory_space<hbm>> -> memref<1x2048xf32, #tpu.memory_space<hbm>>
          tpu.wait_dma2 semaphore(%run_scoped3A : memref<!tpu.dma_semaphore, #tpu.memory_space<semaphore_mem>>) src(%dma_wait3A_538 : memref<1x2048xf32, #tpu.memory_space<hbm>>) dst(%dma_wait3A_536 : memref<1x2048xf32, #tpu.memory_space<hbm>>)
          tpu.yield
        }) : () -> ()
      } else {
      }
      %add3A_484 = arith.addi %add3A_460, %add3A_477 : i32
      %slice3A_485 = vector.extract_strided_slice %get3A_152 {offsets = [14], sizes = [1], strides = [1]} : vector<16xi32> to vector<1xi32>
      %squeeze3A_486 = vector.extract %slice3A_485[0] : i32 from vector<1xi32>
      %mul3A_487 = arith.constant 16 : i32
      %mul3A_488 = arith.muli %add3A_148, %mul3A_487 : i32
      %add3A_489 = arith.constant 14 : i32
      %add3A_490 = arith.addi %mul3A_488, %add3A_489 : i32
      %gt3A_491 = arith.cmpi sgt, %squeeze3A_486, %scan3A_13#0 : i32
      %jit3A_492 = arith.constant 1 : i32
      %jit3A_493 = arith.constant 0 : i32
      %select_n3A_494 = arith.select %gt3A_491, %jit3A_492, %jit3A_493 : i32
      %eq3A_495 = arith.cmpi eq, %squeeze3A_486, %scan3A_13#0 : i32
      %le3A_496 = arith.cmpi sle, %add3A_490, %scan3A_74#0 : i32
      %jit3A_497 = arith.constant 0 : i32
      %select_n3A_498 = arith.select %le3A_496, %select_n3A, %jit3A_497 : i32
      %jit3A_499 = arith.constant 0 : i32
      %select_n3A_500 = arith.select %eq3A_495, %select_n3A_498, %jit3A_499 : i32
      %add3A_501 = arith.addi %select_n3A_494, %select_n3A_500 : i32
      %add3A_502 = arith.addi %add3A_136, %add3A_484 : i32
      %gt3A_503 = arith.constant 0 : i32
      %gt3A_504 = arith.cmpi sgt, %add3A_501, %gt3A_503 : i32
      %convert_element_type3A_505 = arith.extui %gt3A_504 : i1 to i32
      %cond3A_506 = arith.constant 0 : i32
      %cond3A_507 = arith.cmpi ne, %convert_element_type3A_505, %cond3A_506 : i32
      scf.if %cond3A_507 {
        "tpu.region"() ({
          %run_scoped3A = tpu.sem_alloc : memref<!tpu.dma_semaphore, #tpu.memory_space<semaphore_mem>>
          %dma_start3A = arith.constant 0 : i32
          %dma_start3A_533 = tpu.memref_slice %arg5[%add3A_502, %dma_start3A] : memref<128x1024xf32, #tpu.memory_space<hbm>> -> memref<1x1024xf32, #tpu.memory_space<hbm>>
          %dma_start3A_534 = arith.constant 0 : i32
          %dma_start3A_535 = tpu.memref_slice %arg3[%add3A_490, %dma_start3A_534] : memref<4096x1024xf32, #tpu.memory_space<hbm>> -> memref<1x1024xf32, #tpu.memory_space<hbm>>
          tpu.enqueue_dma source(%dma_start3A_535 : memref<1x1024xf32, #tpu.memory_space<hbm>>) target(%dma_start3A_533 : memref<1x1024xf32, #tpu.memory_space<hbm>>) target_semaphore(%run_scoped3A : memref<!tpu.dma_semaphore, #tpu.memory_space<semaphore_mem>>)
          %dma_wait3A = arith.constant 0 : i32
          %dma_wait3A_536 = tpu.memref_slice %arg5[%add3A_502, %dma_wait3A] : memref<128x1024xf32, #tpu.memory_space<hbm>> -> memref<1x1024xf32, #tpu.memory_space<hbm>>
          %dma_wait3A_537 = arith.constant 0 : i32
          %dma_wait3A_538 = tpu.memref_slice %arg3[%add3A_490, %dma_wait3A_537] : memref<4096x1024xf32, #tpu.memory_space<hbm>> -> memref<1x1024xf32, #tpu.memory_space<hbm>>
          tpu.wait_dma2 semaphore(%run_scoped3A : memref<!tpu.dma_semaphore, #tpu.memory_space<semaphore_mem>>) src(%dma_wait3A_538 : memref<1x1024xf32, #tpu.memory_space<hbm>>) dst(%dma_wait3A_536 : memref<1x1024xf32, #tpu.memory_space<hbm>>)
          tpu.yield
        }) : () -> ()
        "tpu.region"() ({
          %run_scoped3A = tpu.sem_alloc : memref<!tpu.dma_semaphore, #tpu.memory_space<semaphore_mem>>
          %dma_start3A = arith.constant 0 : i32
          %dma_start3A_533 = tpu.memref_slice %arg6[%add3A_502, %dma_start3A] : memref<128x2048xf32, #tpu.memory_space<hbm>> -> memref<1x2048xf32, #tpu.memory_space<hbm>>
          %dma_start3A_534 = arith.constant 0 : i32
          %dma_start3A_535 = tpu.memref_slice %arg4[%add3A_490, %dma_start3A_534] : memref<4096x2048xf32, #tpu.memory_space<hbm>> -> memref<1x2048xf32, #tpu.memory_space<hbm>>
          tpu.enqueue_dma source(%dma_start3A_535 : memref<1x2048xf32, #tpu.memory_space<hbm>>) target(%dma_start3A_533 : memref<1x2048xf32, #tpu.memory_space<hbm>>) target_semaphore(%run_scoped3A : memref<!tpu.dma_semaphore, #tpu.memory_space<semaphore_mem>>)
          %dma_wait3A = arith.constant 0 : i32
          %dma_wait3A_536 = tpu.memref_slice %arg6[%add3A_502, %dma_wait3A] : memref<128x2048xf32, #tpu.memory_space<hbm>> -> memref<1x2048xf32, #tpu.memory_space<hbm>>
          %dma_wait3A_537 = arith.constant 0 : i32
          %dma_wait3A_538 = tpu.memref_slice %arg4[%add3A_490, %dma_wait3A_537] : memref<4096x2048xf32, #tpu.memory_space<hbm>> -> memref<1x2048xf32, #tpu.memory_space<hbm>>
          tpu.wait_dma2 semaphore(%run_scoped3A : memref<!tpu.dma_semaphore, #tpu.memory_space<semaphore_mem>>) src(%dma_wait3A_538 : memref<1x2048xf32, #tpu.memory_space<hbm>>) dst(%dma_wait3A_536 : memref<1x2048xf32, #tpu.memory_space<hbm>>)
          tpu.yield
        }) : () -> ()
      } else {
      }
      %add3A_508 = arith.addi %add3A_484, %add3A_501 : i32
      %slice3A_509 = vector.extract_strided_slice %get3A_152 {offsets = [15], sizes = [1], strides = [1]} : vector<16xi32> to vector<1xi32>
      %squeeze3A_510 = vector.extract %slice3A_509[0] : i32 from vector<1xi32>
      %mul3A_511 = arith.constant 16 : i32
      %mul3A_512 = arith.muli %add3A_148, %mul3A_511 : i32
      %add3A_513 = arith.constant 15 : i32
      %add3A_514 = arith.addi %mul3A_512, %add3A_513 : i32
      %gt3A_515 = arith.cmpi sgt, %squeeze3A_510, %scan3A_13#0 : i32
      %jit3A_516 = arith.constant 1 : i32
      %jit3A_517 = arith.constant 0 : i32
      %select_n3A_518 = arith.select %gt3A_515, %jit3A_516, %jit3A_517 : i32
      %eq3A_519 = arith.cmpi eq, %squeeze3A_510, %scan3A_13#0 : i32
      %le3A_520 = arith.cmpi sle, %add3A_514, %scan3A_74#0 : i32
      %jit3A_521 = arith.constant 0 : i32
      %select_n3A_522 = arith.select %le3A_520, %select_n3A, %jit3A_521 : i32
      %jit3A_523 = arith.constant 0 : i32
      %select_n3A_524 = arith.select %eq3A_519, %select_n3A_522, %jit3A_523 : i32
      %add3A_525 = arith.addi %select_n3A_518, %select_n3A_524 : i32
      %add3A_526 = arith.addi %add3A_136, %add3A_508 : i32
      %gt3A_527 = arith.constant 0 : i32
      %gt3A_528 = arith.cmpi sgt, %add3A_525, %gt3A_527 : i32
      %convert_element_type3A_529 = arith.extui %gt3A_528 : i1 to i32
      %cond3A_530 = arith.constant 0 : i32
      %cond3A_531 = arith.cmpi ne, %convert_element_type3A_529, %cond3A_530 : i32
      scf.if %cond3A_531 {
        "tpu.region"() ({
          %run_scoped3A = tpu.sem_alloc : memref<!tpu.dma_semaphore, #tpu.memory_space<semaphore_mem>>
          %dma_start3A = arith.constant 0 : i32
          %dma_start3A_533 = tpu.memref_slice %arg5[%add3A_526, %dma_start3A] : memref<128x1024xf32, #tpu.memory_space<hbm>> -> memref<1x1024xf32, #tpu.memory_space<hbm>>
          %dma_start3A_534 = arith.constant 0 : i32
          %dma_start3A_535 = tpu.memref_slice %arg3[%add3A_514, %dma_start3A_534] : memref<4096x1024xf32, #tpu.memory_space<hbm>> -> memref<1x1024xf32, #tpu.memory_space<hbm>>
          tpu.enqueue_dma source(%dma_start3A_535 : memref<1x1024xf32, #tpu.memory_space<hbm>>) target(%dma_start3A_533 : memref<1x1024xf32, #tpu.memory_space<hbm>>) target_semaphore(%run_scoped3A : memref<!tpu.dma_semaphore, #tpu.memory_space<semaphore_mem>>)
          %dma_wait3A = arith.constant 0 : i32
          %dma_wait3A_536 = tpu.memref_slice %arg5[%add3A_526, %dma_wait3A] : memref<128x1024xf32, #tpu.memory_space<hbm>> -> memref<1x1024xf32, #tpu.memory_space<hbm>>
          %dma_wait3A_537 = arith.constant 0 : i32
          %dma_wait3A_538 = tpu.memref_slice %arg3[%add3A_514, %dma_wait3A_537] : memref<4096x1024xf32, #tpu.memory_space<hbm>> -> memref<1x1024xf32, #tpu.memory_space<hbm>>
          tpu.wait_dma2 semaphore(%run_scoped3A : memref<!tpu.dma_semaphore, #tpu.memory_space<semaphore_mem>>) src(%dma_wait3A_538 : memref<1x1024xf32, #tpu.memory_space<hbm>>) dst(%dma_wait3A_536 : memref<1x1024xf32, #tpu.memory_space<hbm>>)
          tpu.yield
        }) : () -> ()
        "tpu.region"() ({
          %run_scoped3A = tpu.sem_alloc : memref<!tpu.dma_semaphore, #tpu.memory_space<semaphore_mem>>
          %dma_start3A = arith.constant 0 : i32
          %dma_start3A_533 = tpu.memref_slice %arg6[%add3A_526, %dma_start3A] : memref<128x2048xf32, #tpu.memory_space<hbm>> -> memref<1x2048xf32, #tpu.memory_space<hbm>>
          %dma_start3A_534 = arith.constant 0 : i32
          %dma_start3A_535 = tpu.memref_slice %arg4[%add3A_514, %dma_start3A_534] : memref<4096x2048xf32, #tpu.memory_space<hbm>> -> memref<1x2048xf32, #tpu.memory_space<hbm>>
          tpu.enqueue_dma source(%dma_start3A_535 : memref<1x2048xf32, #tpu.memory_space<hbm>>) target(%dma_start3A_533 : memref<1x2048xf32, #tpu.memory_space<hbm>>) target_semaphore(%run_scoped3A : memref<!tpu.dma_semaphore, #tpu.memory_space<semaphore_mem>>)
          %dma_wait3A = arith.constant 0 : i32
          %dma_wait3A_536 = tpu.memref_slice %arg6[%add3A_526, %dma_wait3A] : memref<128x2048xf32, #tpu.memory_space<hbm>> -> memref<1x2048xf32, #tpu.memory_space<hbm>>
          %dma_wait3A_537 = arith.constant 0 : i32
          %dma_wait3A_538 = tpu.memref_slice %arg4[%add3A_514, %dma_wait3A_537] : memref<4096x2048xf32, #tpu.memory_space<hbm>> -> memref<1x2048xf32, #tpu.memory_space<hbm>>
          tpu.wait_dma2 semaphore(%run_scoped3A : memref<!tpu.dma_semaphore, #tpu.memory_space<semaphore_mem>>) src(%dma_wait3A_538 : memref<1x2048xf32, #tpu.memory_space<hbm>>) dst(%dma_wait3A_536 : memref<1x2048xf32, #tpu.memory_space<hbm>>)
          tpu.yield
        }) : () -> ()
      } else {
      }
      %add3A_532 = arith.addi %add3A_508, %add3A_525 : i32
      scf.yield %add3A_532 : i32
    }
    %scan3A_143 = arith.constant 8 : i32
    return
  }
}

module attributes {stable_mosaic.version = 14 : i64} {
  func.func @_proj_body(%arg0: i32, %arg1: memref<256x1024xf32, #tpu.memory_space<vmem>>, %arg2: memref<1024x1024xf32, #tpu.memory_space<vmem>>, %arg3: memref<1x1024xf32, #tpu.memory_space<vmem>>, %arg4: memref<1024x1024xf32, #tpu.memory_space<vmem>>, %arg5: memref<1x1024xf32, #tpu.memory_space<vmem>>, %arg6: memref<1024x1024xf32, #tpu.memory_space<vmem>>, %arg7: memref<1x1024xf32, #tpu.memory_space<vmem>>, %arg8: memref<1024x1024xf32, #tpu.memory_space<vmem>>, %arg9: memref<1x1024xf32, #tpu.memory_space<vmem>>, %arg10: memref<256x32xf32, #tpu.memory_space<vmem>>, %arg11: memref<256x32xf32, #tpu.memory_space<vmem>>, %arg12: memref<256x1024xf32, #tpu.memory_space<vmem>>, %arg13: memref<256x1024xf32, #tpu.memory_space<vmem>>, %arg14: memref<256x1024xf32, #tpu.memory_space<vmem>>, %arg15: memref<256x1024xf32, #tpu.memory_space<vmem>>, %arg16: memref<1x1024xf32, #tpu.memory_space<vmem>>) attributes {dimension_semantics = [#tpu.dimension_semantics<arbitrary>], iteration_bounds = array<i64: 8>, scalar_prefetch = 0 : i64, scratch_operands = 0 : i64, tpu.core_type = #tpu.core_type<tc>, window_params = [{transform_indices = @transform_0, window_bounds = array<i64: 256, 1024>}, {pipeline_mode = #tpu.pipeline_mode<synchronous>, transform_indices = @transform_1, window_bounds = array<i64: 1024, 1024>}, {pipeline_mode = #tpu.pipeline_mode<synchronous>, transform_indices = @transform_2, window_bounds = array<i64: 1, 1024>}, {pipeline_mode = #tpu.pipeline_mode<synchronous>, transform_indices = @transform_3, window_bounds = array<i64: 1024, 1024>}, {pipeline_mode = #tpu.pipeline_mode<synchronous>, transform_indices = @transform_4, window_bounds = array<i64: 1, 1024>}, {pipeline_mode = #tpu.pipeline_mode<synchronous>, transform_indices = @transform_5, window_bounds = array<i64: 1024, 1024>}, {pipeline_mode = #tpu.pipeline_mode<synchronous>, transform_indices = @transform_6, window_bounds = array<i64: 1, 1024>}, {pipeline_mode = #tpu.pipeline_mode<synchronous>, transform_indices = @transform_7, window_bounds = array<i64: 1024, 1024>}, {pipeline_mode = #tpu.pipeline_mode<synchronous>, transform_indices = @transform_8, window_bounds = array<i64: 1, 1024>}, {transform_indices = @transform_9, window_bounds = array<i64: 256, 32>}, {transform_indices = @transform_10, window_bounds = array<i64: 256, 32>}, {transform_indices = @transform_11, window_bounds = array<i64: 256, 1024>}, {transform_indices = @transform_12, window_bounds = array<i64: 256, 1024>}, {transform_indices = @transform_13, window_bounds = array<i64: 256, 1024>}, {transform_indices = @transform_14, window_bounds = array<i64: 256, 1024>}, {pipeline_mode = #tpu.pipeline_mode<synchronous>, transform_indices = @transform_15, window_bounds = array<i64: 1, 1024>}]} {
    %get3A = arith.constant 0 : index
    %get3A_0 = arith.constant 0 : index
    %get3A_1 = vector.load %arg1[%get3A, %get3A_0] : memref<256x1024xf32, #tpu.memory_space<vmem>>, vector<256x1024xf32>
    %get3A_2 = arith.constant 0 : index
    %get3A_3 = arith.constant 0 : index
    %get3A_4 = vector.load %arg2[%get3A_2, %get3A_3] : memref<1024x1024xf32, #tpu.memory_space<vmem>>, vector<1024x1024xf32>
    %dot_general3A = arith.constant dense<0.000000e+00> : vector<256x1024xf32>
    %dot_general3A_5 = tpu.matmul %get3A_1, %get3A_4, %dot_general3A {dimension_numbers = #tpu.dot_dimension_numbers<[1], [0], [0], [1], [0, 0, 1, 1], [], []>, transpose_lhs_hint = false} : vector<256x1024xf32>, vector<1024x1024xf32>, vector<256x1024xf32> -> vector<256x1024xf32>
    %get3A_6 = arith.constant 0 : index
    %get3A_7 = arith.constant 0 : index
    %get3A_8 = vector.load %arg3[%get3A_6, %get3A_7] : memref<1x1024xf32, #tpu.memory_space<vmem>>, vector<1x1024xf32>
    %add3A = vector.broadcast %get3A_8 : vector<1x1024xf32> to vector<256x1024xf32>
    %add3A_9 = arith.addf %dot_general3A_5, %add3A : vector<256x1024xf32>
    %get3A_10 = arith.constant 0 : index
    %get3A_11 = arith.constant 0 : index
    %get3A_12 = vector.load %arg4[%get3A_10, %get3A_11] : memref<1024x1024xf32, #tpu.memory_space<vmem>>, vector<1024x1024xf32>
    %dot_general3A_13 = arith.constant dense<0.000000e+00> : vector<256x1024xf32>
    %dot_general3A_14 = tpu.matmul %get3A_1, %get3A_12, %dot_general3A_13 {dimension_numbers = #tpu.dot_dimension_numbers<[1], [0], [0], [1], [0, 0, 1, 1], [], []>, transpose_lhs_hint = false} : vector<256x1024xf32>, vector<1024x1024xf32>, vector<256x1024xf32> -> vector<256x1024xf32>
    %get3A_15 = arith.constant 0 : index
    %get3A_16 = arith.constant 0 : index
    %get3A_17 = vector.load %arg5[%get3A_15, %get3A_16] : memref<1x1024xf32, #tpu.memory_space<vmem>>, vector<1x1024xf32>
    %add3A_18 = vector.broadcast %get3A_17 : vector<1x1024xf32> to vector<256x1024xf32>
    %add3A_19 = arith.addf %dot_general3A_14, %add3A_18 : vector<256x1024xf32>
    %get3A_20 = arith.constant 0 : index
    %get3A_21 = arith.constant 0 : index
    %get3A_22 = vector.load %arg6[%get3A_20, %get3A_21] : memref<1024x1024xf32, #tpu.memory_space<vmem>>, vector<1024x1024xf32>
    %dot_general3A_23 = arith.constant dense<0.000000e+00> : vector<256x1024xf32>
    %dot_general3A_24 = tpu.matmul %get3A_1, %get3A_22, %dot_general3A_23 {dimension_numbers = #tpu.dot_dimension_numbers<[1], [0], [0], [1], [0, 0, 1, 1], [], []>, transpose_lhs_hint = false} : vector<256x1024xf32>, vector<1024x1024xf32>, vector<256x1024xf32> -> vector<256x1024xf32>
    %get3A_25 = arith.constant 0 : index
    %get3A_26 = arith.constant 0 : index
    %get3A_27 = vector.load %arg7[%get3A_25, %get3A_26] : memref<1x1024xf32, #tpu.memory_space<vmem>>, vector<1x1024xf32>
    %add3A_28 = vector.broadcast %get3A_27 : vector<1x1024xf32> to vector<256x1024xf32>
    %add3A_29 = arith.addf %dot_general3A_24, %add3A_28 : vector<256x1024xf32>
    %get3A_30 = arith.constant 0 : index
    %get3A_31 = arith.constant 0 : index
    %get3A_32 = vector.load %arg8[%get3A_30, %get3A_31] : memref<1024x1024xf32, #tpu.memory_space<vmem>>, vector<1024x1024xf32>
    %dot_general3A_33 = arith.constant dense<0.000000e+00> : vector<256x1024xf32>
    %dot_general3A_34 = tpu.matmul %get3A_1, %get3A_32, %dot_general3A_33 {dimension_numbers = #tpu.dot_dimension_numbers<[1], [0], [0], [1], [0, 0, 1, 1], [], []>, transpose_lhs_hint = false} : vector<256x1024xf32>, vector<1024x1024xf32>, vector<256x1024xf32> -> vector<256x1024xf32>
    %get3A_35 = arith.constant 0 : index
    %get3A_36 = arith.constant 0 : index
    %get3A_37 = vector.load %arg9[%get3A_35, %get3A_36] : memref<1x1024xf32, #tpu.memory_space<vmem>>, vector<1x1024xf32>
    %add3A_38 = vector.broadcast %get3A_37 : vector<1x1024xf32> to vector<256x1024xf32>
    %add3A_39 = arith.addf %dot_general3A_34, %add3A_38 : vector<256x1024xf32>
    %get3A_40 = arith.constant 0 : index
    %get3A_41 = arith.constant 0 : index
    %get3A_42 = vector.load %arg10[%get3A_40, %get3A_41] : memref<256x32xf32, #tpu.memory_space<vmem>>, vector<256x32xf32>
    %get3A_43 = arith.constant 0 : index
    %get3A_44 = arith.constant 0 : index
    %get3A_45 = vector.load %arg11[%get3A_43, %get3A_44] : memref<256x32xf32, #tpu.memory_space<vmem>>, vector<256x32xf32>
    %broadcast_in_dim3A = arith.constant 0.000000e+00 : f32
    %broadcast_in_dim3A_46 = vector.broadcast %broadcast_in_dim3A : f32 to vector<256x32xf32>
    %concatenate3A = tpu.concatenate %get3A_42, %get3A_42 in 1 : vector<256x32xf32>, vector<256x32xf32> -> vector<256x64xf32>
    %concatenate3A_47 = tpu.concatenate %concatenate3A, %concatenate3A in 1 : vector<256x64xf32>, vector<256x64xf32> -> vector<256x128xf32>
    %concatenate3A_48 = tpu.concatenate %concatenate3A_47, %concatenate3A_47 in 1 : vector<256x128xf32>, vector<256x128xf32> -> vector<256x256xf32>
    %concatenate3A_49 = tpu.concatenate %concatenate3A_48, %concatenate3A_48 in 1 : vector<256x256xf32>, vector<256x256xf32> -> vector<256x512xf32>
    %concatenate3A_50 = tpu.concatenate %concatenate3A_49, %concatenate3A_49 in 1 : vector<256x512xf32>, vector<256x512xf32> -> vector<256x1024xf32>
    %neg3A = arith.constant 0.000000e+00 : f32
    %neg3A_51 = vector.broadcast %neg3A : f32 to vector<256x32xf32>
    %neg3A_52 = arith.subf %neg3A_51, %get3A_45 : vector<256x32xf32>
    %concatenate3A_53 = tpu.concatenate %neg3A_52, %broadcast_in_dim3A_46 in 1 : vector<256x32xf32>, vector<256x32xf32> -> vector<256x64xf32>
    %concatenate3A_54 = tpu.concatenate %concatenate3A_53, %concatenate3A_53 in 1 : vector<256x64xf32>, vector<256x64xf32> -> vector<256x128xf32>
    %concatenate3A_55 = tpu.concatenate %concatenate3A_54, %concatenate3A_54 in 1 : vector<256x128xf32>, vector<256x128xf32> -> vector<256x256xf32>
    %concatenate3A_56 = tpu.concatenate %concatenate3A_55, %concatenate3A_55 in 1 : vector<256x256xf32>, vector<256x256xf32> -> vector<256x512xf32>
    %concatenate3A_57 = tpu.concatenate %concatenate3A_56, %concatenate3A_56 in 1 : vector<256x512xf32>, vector<256x512xf32> -> vector<256x1024xf32>
    %concatenate3A_58 = tpu.concatenate %broadcast_in_dim3A_46, %get3A_45 in 1 : vector<256x32xf32>, vector<256x32xf32> -> vector<256x64xf32>
    %concatenate3A_59 = tpu.concatenate %concatenate3A_58, %concatenate3A_58 in 1 : vector<256x64xf32>, vector<256x64xf32> -> vector<256x128xf32>
    %concatenate3A_60 = tpu.concatenate %concatenate3A_59, %concatenate3A_59 in 1 : vector<256x128xf32>, vector<256x128xf32> -> vector<256x256xf32>
    %concatenate3A_61 = tpu.concatenate %concatenate3A_60, %concatenate3A_60 in 1 : vector<256x256xf32>, vector<256x256xf32> -> vector<256x512xf32>
    %concatenate3A_62 = tpu.concatenate %concatenate3A_61, %concatenate3A_61 in 1 : vector<256x512xf32>, vector<256x512xf32> -> vector<256x1024xf32>
    %slice3A = vector.extract_strided_slice %add3A_9 {offsets = [0, 32], sizes = [256, 992], strides = [1, 1]} : vector<256x1024xf32> to vector<256x992xf32>
    %slice3A_63 = vector.extract_strided_slice %add3A_9 {offsets = [0, 0], sizes = [256, 32], strides = [1, 1]} : vector<256x1024xf32> to vector<256x32xf32>
    %concatenate3A_64 = tpu.concatenate %slice3A, %slice3A_63 in 1 : vector<256x992xf32>, vector<256x32xf32> -> vector<256x1024xf32>
    %slice3A_65 = vector.extract_strided_slice %add3A_9 {offsets = [0, 992], sizes = [256, 32], strides = [1, 1]} : vector<256x1024xf32> to vector<256x32xf32>
    %slice3A_66 = vector.extract_strided_slice %add3A_9 {offsets = [0, 0], sizes = [256, 992], strides = [1, 1]} : vector<256x1024xf32> to vector<256x992xf32>
    %concatenate3A_67 = tpu.concatenate %slice3A_65, %slice3A_66 in 1 : vector<256x32xf32>, vector<256x992xf32> -> vector<256x1024xf32>
    %mul3A = arith.mulf %add3A_9, %concatenate3A_50 : vector<256x1024xf32>
    %mul3A_68 = arith.mulf %concatenate3A_64, %concatenate3A_57 : vector<256x1024xf32>
    %add3A_69 = arith.addf %mul3A, %mul3A_68 : vector<256x1024xf32>
    %mul3A_70 = arith.mulf %concatenate3A_67, %concatenate3A_62 : vector<256x1024xf32>
    %add3A_71 = arith.addf %add3A_69, %mul3A_70 : vector<256x1024xf32>
    %swap3A = arith.constant 0 : index
    %swap3A_72 = arith.constant 0 : index
    %swap3A_73 = vector.load %arg12[%swap3A, %swap3A_72] : memref<256x1024xf32, #tpu.memory_space<vmem>>, vector<256x1024xf32>
    tpu.vector_store %arg12[%swap3A, %swap3A_72], %add3A_71 {strides = array<i32>} : memref<256x1024xf32, #tpu.memory_space<vmem>>, vector<256x1024xf32>,
    %slice3A_74 = vector.extract_strided_slice %add3A_19 {offsets = [0, 32], sizes = [256, 992], strides = [1, 1]} : vector<256x1024xf32> to vector<256x992xf32>
    %slice3A_75 = vector.extract_strided_slice %add3A_19 {offsets = [0, 0], sizes = [256, 32], strides = [1, 1]} : vector<256x1024xf32> to vector<256x32xf32>
    %concatenate3A_76 = tpu.concatenate %slice3A_74, %slice3A_75 in 1 : vector<256x992xf32>, vector<256x32xf32> -> vector<256x1024xf32>
    %slice3A_77 = vector.extract_strided_slice %add3A_19 {offsets = [0, 992], sizes = [256, 32], strides = [1, 1]} : vector<256x1024xf32> to vector<256x32xf32>
    %slice3A_78 = vector.extract_strided_slice %add3A_19 {offsets = [0, 0], sizes = [256, 992], strides = [1, 1]} : vector<256x1024xf32> to vector<256x992xf32>
    %concatenate3A_79 = tpu.concatenate %slice3A_77, %slice3A_78 in 1 : vector<256x32xf32>, vector<256x992xf32> -> vector<256x1024xf32>
    %mul3A_80 = arith.mulf %add3A_19, %concatenate3A_50 : vector<256x1024xf32>
    %mul3A_81 = arith.mulf %concatenate3A_76, %concatenate3A_57 : vector<256x1024xf32>
    %add3A_82 = arith.addf %mul3A_80, %mul3A_81 : vector<256x1024xf32>
    %mul3A_83 = arith.mulf %concatenate3A_79, %concatenate3A_62 : vector<256x1024xf32>
    %add3A_84 = arith.addf %add3A_82, %mul3A_83 : vector<256x1024xf32>
    %swap3A_85 = arith.constant 0 : index
    %swap3A_86 = arith.constant 0 : index
    %swap3A_87 = vector.load %arg13[%swap3A_85, %swap3A_86] : memref<256x1024xf32, #tpu.memory_space<vmem>>, vector<256x1024xf32>
    tpu.vector_store %arg13[%swap3A_85, %swap3A_86], %add3A_84 {strides = array<i32>} : memref<256x1024xf32, #tpu.memory_space<vmem>>, vector<256x1024xf32>,
    %swap3A_88 = arith.constant 0 : index
    %swap3A_89 = arith.constant 0 : index
    %swap3A_90 = vector.load %arg14[%swap3A_88, %swap3A_89] : memref<256x1024xf32, #tpu.memory_space<vmem>>, vector<256x1024xf32>
    tpu.vector_store %arg14[%swap3A_88, %swap3A_89], %add3A_29 {strides = array<i32>} : memref<256x1024xf32, #tpu.memory_space<vmem>>, vector<256x1024xf32>,
    %swap3A_91 = arith.constant 0 : index
    %swap3A_92 = arith.constant 0 : index
    %swap3A_93 = vector.load %arg15[%swap3A_91, %swap3A_92] : memref<256x1024xf32, #tpu.memory_space<vmem>>, vector<256x1024xf32>
    tpu.vector_store %arg15[%swap3A_91, %swap3A_92], %add3A_39 {strides = array<i32>} : memref<256x1024xf32, #tpu.memory_space<vmem>>, vector<256x1024xf32>,
    %eq3A = arith.constant 0 : i32
    %eq3A_94 = arith.cmpi eq, %arg0, %eq3A : i32
    %convert_element_type3A = arith.extui %eq3A_94 : i1 to i32
    %cond3A = arith.constant 0 : i32
    %cond3A_95 = arith.cmpi ne, %convert_element_type3A, %cond3A : i32
    scf.if %cond3A_95 {
      %broadcast_in_dim3A_107 = arith.constant 0.000000e+00 : f32
      %broadcast_in_dim3A_108 = vector.broadcast %broadcast_in_dim3A_107 : f32 to vector<1x1024xf32>
      %swap3A_109 = arith.constant 0 : index
      %swap3A_110 = arith.constant 0 : index
      %swap3A_111 = vector.load %arg16[%swap3A_109, %swap3A_110] : memref<1x1024xf32, #tpu.memory_space<vmem>>, vector<1x1024xf32>
      tpu.vector_store %arg16[%swap3A_109, %swap3A_110], %broadcast_in_dim3A_108 {strides = array<i32>} : memref<1x1024xf32, #tpu.memory_space<vmem>>, vector<1x1024xf32>,
    } else {
    }
    %convert_element_type3A_96 = arith.truncf %add3A_39 : vector<256x1024xf32> to vector<256x1024xbf16>
    %convert_element_type3A_97 = arith.extf %convert_element_type3A_96 : vector<256x1024xbf16> to vector<256x1024xf32>
    %get3A_98 = arith.constant 0 : index
    %get3A_99 = arith.constant 0 : index
    %get3A_100 = vector.load %arg16[%get3A_98, %get3A_99] : memref<1x1024xf32, #tpu.memory_space<vmem>>, vector<1x1024xf32>
    %reduce_sum3A = arith.constant dense<0.000000e+00> : vector<1024xf32>
    %reduce_sum3A_101 = vector.multi_reduction <add>, %convert_element_type3A_97, %reduce_sum3A [0] : vector<256x1024xf32> to vector<1024xf32>
    %broadcast_in_dim3A_102 = vector.shape_cast %reduce_sum3A_101 : vector<1024xf32> to vector<1x1024xf32>
    %add3A_103 = arith.addf %get3A_100, %broadcast_in_dim3A_102 : vector<1x1024xf32>
    %swap3A_104 = arith.constant 0 : index
    %swap3A_105 = arith.constant 0 : index
    %swap3A_106 = vector.load %arg16[%swap3A_104, %swap3A_105] : memref<1x1024xf32, #tpu.memory_space<vmem>>, vector<1x1024xf32>
    tpu.vector_store %arg16[%swap3A_104, %swap3A_105], %add3A_103 {strides = array<i32>} : memref<1x1024xf32, #tpu.memory_space<vmem>>, vector<1x1024xf32>,
    return
  }
  func.func @transform_0(%arg0: i32) -> (i32, i32) {
    %c0_i32 = arith.constant 0 : i32
    %c0_i32_0 = arith.constant 0 : i32
    return %arg0, %c0_i32 : i32, i32
  }
  func.func @transform_1(%arg0: i32) -> (i32, i32) {
    %c0_i32 = arith.constant 0 : i32
    %c0_i32_0 = arith.constant 0 : i32
    %c0_i32_1 = arith.constant 0 : i32
    return %c0_i32, %c0_i32_0 : i32, i32
  }
  func.func @transform_2(%arg0: i32) -> (i32, i32) {
    %c0_i32 = arith.constant 0 : i32
    %c0_i32_0 = arith.constant 0 : i32
    %c0_i32_1 = arith.constant 0 : i32
    return %c0_i32, %c0_i32_0 : i32, i32
  }
  func.func @transform_3(%arg0: i32) -> (i32, i32) {
    %c0_i32 = arith.constant 0 : i32
    %c0_i32_0 = arith.constant 0 : i32
    %c0_i32_1 = arith.constant 0 : i32
    return %c0_i32, %c0_i32_0 : i32, i32
  }
  func.func @transform_4(%arg0: i32) -> (i32, i32) {
    %c0_i32 = arith.constant 0 : i32
    %c0_i32_0 = arith.constant 0 : i32
    %c0_i32_1 = arith.constant 0 : i32
    return %c0_i32, %c0_i32_0 : i32, i32
  }
  func.func @transform_5(%arg0: i32) -> (i32, i32) {
    %c0_i32 = arith.constant 0 : i32
    %c0_i32_0 = arith.constant 0 : i32
    %c0_i32_1 = arith.constant 0 : i32
    return %c0_i32, %c0_i32_0 : i32, i32
  }
  func.func @transform_6(%arg0: i32) -> (i32, i32) {
    %c0_i32 = arith.constant 0 : i32
    %c0_i32_0 = arith.constant 0 : i32
    %c0_i32_1 = arith.constant 0 : i32
    return %c0_i32, %c0_i32_0 : i32, i32
  }
  func.func @transform_7(%arg0: i32) -> (i32, i32) {
    %c0_i32 = arith.constant 0 : i32
    %c0_i32_0 = arith.constant 0 : i32
    %c0_i32_1 = arith.constant 0 : i32
    return %c0_i32, %c0_i32_0 : i32, i32
  }
  func.func @transform_8(%arg0: i32) -> (i32, i32) {
    %c0_i32 = arith.constant 0 : i32
    %c0_i32_0 = arith.constant 0 : i32
    %c0_i32_1 = arith.constant 0 : i32
    return %c0_i32, %c0_i32_0 : i32, i32
  }
  func.func @transform_9(%arg0: i32) -> (i32, i32) {
    %c0_i32 = arith.constant 0 : i32
    %c0_i32_0 = arith.constant 0 : i32
    return %arg0, %c0_i32 : i32, i32
  }
  func.func @transform_10(%arg0: i32) -> (i32, i32) {
    %c0_i32 = arith.constant 0 : i32
    %c0_i32_0 = arith.constant 0 : i32
    return %arg0, %c0_i32 : i32, i32
  }
  func.func @transform_11(%arg0: i32) -> (i32, i32) {
    %c0_i32 = arith.constant 0 : i32
    %c0_i32_0 = arith.constant 0 : i32
    return %arg0, %c0_i32 : i32, i32
  }
  func.func @transform_12(%arg0: i32) -> (i32, i32) {
    %c0_i32 = arith.constant 0 : i32
    %c0_i32_0 = arith.constant 0 : i32
    return %arg0, %c0_i32 : i32, i32
  }
  func.func @transform_13(%arg0: i32) -> (i32, i32) {
    %c0_i32 = arith.constant 0 : i32
    %c0_i32_0 = arith.constant 0 : i32
    return %arg0, %c0_i32 : i32, i32
  }
  func.func @transform_14(%arg0: i32) -> (i32, i32) {
    %c0_i32 = arith.constant 0 : i32
    %c0_i32_0 = arith.constant 0 : i32
    return %arg0, %c0_i32 : i32, i32
  }
  func.func @transform_15(%arg0: i32) -> (i32, i32) {
    %c0_i32 = arith.constant 0 : i32
    %c0_i32_0 = arith.constant 0 : i32
    %c0_i32_1 = arith.constant 0 : i32
    return %c0_i32, %c0_i32_0 : i32, i32
  }
}

module attributes {stable_mosaic.version = 14 : i64} {
  func.func @_scores_body(%arg0: i32, %arg1: memref<512x2048xf32, #tpu.memory_space<vmem>>, %arg2: memref<2048x1024xf32, #tpu.memory_space<vmem>>, %arg3: memref<1x1024xf32, #tpu.memory_space<vmem>>, %arg4: memref<1x1024xf32, #tpu.memory_space<vmem>>, %arg5: memref<512x1024xf32, #tpu.memory_space<vmem>>, %arg6: memref<1x1x512xf32, #tpu.memory_space<vmem>>) attributes {dimension_semantics = [#tpu.dimension_semantics<arbitrary>], iteration_bounds = array<i64: 8>, scalar_prefetch = 0 : i64, scratch_operands = 0 : i64, tpu.core_type = #tpu.core_type<tc>, window_params = [{transform_indices = @transform_0, window_bounds = array<i64: 512, 2048>}, {pipeline_mode = #tpu.pipeline_mode<synchronous>, transform_indices = @transform_1, window_bounds = array<i64: 2048, 1024>}, {pipeline_mode = #tpu.pipeline_mode<synchronous>, transform_indices = @transform_2, window_bounds = array<i64: 1, 1024>}, {pipeline_mode = #tpu.pipeline_mode<synchronous>, transform_indices = @transform_3, window_bounds = array<i64: 1, 1024>}, {transform_indices = @transform_4, window_bounds = array<i64: 512, 1024>}, {transform_indices = @transform_5, window_bounds = array<i64: 1, 1, 512>}]} {
    %get3A = arith.constant 0 : index
    %get3A_0 = arith.constant 0 : index
    %get3A_1 = vector.load %arg1[%get3A, %get3A_0] : memref<512x2048xf32, #tpu.memory_space<vmem>>, vector<512x2048xf32>
    %get3A_2 = arith.constant 0 : index
    %get3A_3 = arith.constant 0 : index
    %get3A_4 = vector.load %arg2[%get3A_2, %get3A_3] : memref<2048x1024xf32, #tpu.memory_space<vmem>>, vector<2048x1024xf32>
    %dot_general3A = arith.constant dense<0.000000e+00> : vector<512x1024xf32>
    %dot_general3A_5 = tpu.matmul %get3A_1, %get3A_4, %dot_general3A {dimension_numbers = #tpu.dot_dimension_numbers<[1], [0], [0], [1], [0, 0, 1, 1], [], []>, transpose_lhs_hint = false} : vector<512x2048xf32>, vector<2048x1024xf32>, vector<512x1024xf32> -> vector<512x1024xf32>
    %get3A_6 = arith.constant 0 : index
    %get3A_7 = arith.constant 0 : index
    %get3A_8 = vector.load %arg3[%get3A_6, %get3A_7] : memref<1x1024xf32, #tpu.memory_space<vmem>>, vector<1x1024xf32>
    %add3A = vector.broadcast %get3A_8 : vector<1x1024xf32> to vector<512x1024xf32>
    %add3A_9 = arith.addf %dot_general3A_5, %add3A : vector<512x1024xf32>
    %reduce_sum3A = arith.constant dense<0.000000e+00> : vector<512xf32>
    %reduce_sum3A_10 = vector.multi_reduction <add>, %add3A_9, %reduce_sum3A [1] : vector<512x1024xf32> to vector<512xf32>
    %broadcast_in_dim3A = vector.shape_cast %reduce_sum3A_10 : vector<512xf32> to vector<512x1xf32>
    %div3A = arith.constant 1.024000e+03 : f32
    %div3A_11 = vector.broadcast %div3A : f32 to vector<512x1xf32>
    %div3A_12 = arith.divf %broadcast_in_dim3A, %div3A_11 : vector<512x1xf32>
    %sub3A = vector.broadcast %div3A_12 : vector<512x1xf32> to vector<512x1024xf32>
    %sub3A_13 = arith.subf %add3A_9, %sub3A : vector<512x1024xf32>
    %mul3A = arith.mulf %sub3A_13, %sub3A_13 : vector<512x1024xf32>
    %reduce_sum3A_14 = arith.constant dense<0.000000e+00> : vector<512xf32>
    %reduce_sum3A_15 = vector.multi_reduction <add>, %mul3A, %reduce_sum3A_14 [1] : vector<512x1024xf32> to vector<512xf32>
    %broadcast_in_dim3A_16 = vector.shape_cast %reduce_sum3A_15 : vector<512xf32> to vector<512x1xf32>
    %div3A_17 = arith.constant 1.024000e+03 : f32
    %div3A_18 = vector.broadcast %div3A_17 : f32 to vector<512x1xf32>
    %div3A_19 = arith.divf %broadcast_in_dim3A_16, %div3A_18 : vector<512x1xf32>
    %add3A_20 = arith.constant 9.99999974E-6 : f32
    %add3A_21 = vector.broadcast %add3A_20 : f32 to vector<512x1xf32>
    %add3A_22 = arith.addf %div3A_19, %add3A_21 : vector<512x1xf32>
    %rsqrt3A = math.rsqrt %add3A_22 : vector<512x1xf32>
    %mul3A_23 = vector.broadcast %rsqrt3A : vector<512x1xf32> to vector<512x1024xf32>
    %mul3A_24 = arith.mulf %sub3A_13, %mul3A_23 : vector<512x1024xf32>
    %swap3A = arith.constant 0 : index
    %swap3A_25 = arith.constant 0 : index
    %swap3A_26 = vector.load %arg5[%swap3A, %swap3A_25] : memref<512x1024xf32, #tpu.memory_space<vmem>>, vector<512x1024xf32>
    tpu.vector_store %arg5[%swap3A, %swap3A_25], %mul3A_24 {strides = array<i32>} : memref<512x1024xf32, #tpu.memory_space<vmem>>, vector<512x1024xf32>,
    %convert_element_type3A = arith.truncf %mul3A_24 : vector<512x1024xf32> to vector<512x1024xbf16>
    %convert_element_type3A_27 = arith.extf %convert_element_type3A : vector<512x1024xbf16> to vector<512x1024xf32>
    %get3A_28 = arith.constant 0 : index
    %get3A_29 = arith.constant 0 : index
    %get3A_30 = vector.load %arg4[%get3A_28, %get3A_29] : memref<1x1024xf32, #tpu.memory_space<vmem>>, vector<1x1024xf32>
    %mul3A_31 = vector.broadcast %get3A_30 : vector<1x1024xf32> to vector<512x1024xf32>
    %mul3A_32 = arith.mulf %convert_element_type3A_27, %mul3A_31 : vector<512x1024xf32>
    %reduce_sum3A_33 = arith.constant dense<0.000000e+00> : vector<512xf32>
    %reduce_sum3A_34 = vector.multi_reduction <add>, %mul3A_32, %reduce_sum3A_33 [1] : vector<512x1024xf32> to vector<512xf32>
    %mul3A_35 = arith.constant 1.250000e-01 : f32
    %mul3A_36 = vector.broadcast %mul3A_35 : f32 to vector<512xf32>
    %mul3A_37 = arith.mulf %mul3A_36, %reduce_sum3A_34 : vector<512xf32>
    %broadcast_in_dim3A_38 = vector.shape_cast %mul3A_37 : vector<512xf32> to vector<1x1x512xf32>
    %swap3A_39 = arith.constant 0 : index
    %swap3A_40 = arith.constant 0 : index
    %swap3A_41 = arith.constant 0 : index
    %swap3A_42 = vector.load %arg6[%swap3A_39, %swap3A_40, %swap3A_41] : memref<1x1x512xf32, #tpu.memory_space<vmem>>, vector<1x1x512xf32>
    tpu.vector_store %arg6[%swap3A_39, %swap3A_40, %swap3A_41], %broadcast_in_dim3A_38 {strides = array<i32>} : memref<1x1x512xf32, #tpu.memory_space<vmem>>, vector<1x1x512xf32>,
    return
  }
  func.func @transform_0(%arg0: i32) -> (i32, i32) {
    %c0_i32 = arith.constant 0 : i32
    %c0_i32_0 = arith.constant 0 : i32
    return %arg0, %c0_i32 : i32, i32
  }
  func.func @transform_1(%arg0: i32) -> (i32, i32) {
    %c0_i32 = arith.constant 0 : i32
    %c0_i32_0 = arith.constant 0 : i32
    %c0_i32_1 = arith.constant 0 : i32
    return %c0_i32, %c0_i32_0 : i32, i32
  }
  func.func @transform_2(%arg0: i32) -> (i32, i32) {
    %c0_i32 = arith.constant 0 : i32
    %c0_i32_0 = arith.constant 0 : i32
    %c0_i32_1 = arith.constant 0 : i32
    return %c0_i32, %c0_i32_0 : i32, i32
  }
  func.func @transform_3(%arg0: i32) -> (i32, i32) {
    %c0_i32 = arith.constant 0 : i32
    %c0_i32_0 = arith.constant 0 : i32
    %c0_i32_1 = arith.constant 0 : i32
    return %c0_i32, %c0_i32_0 : i32, i32
  }
  func.func @transform_4(%arg0: i32) -> (i32, i32) {
    %c0_i32 = arith.constant 0 : i32
    %c0_i32_0 = arith.constant 0 : i32
    return %arg0, %c0_i32 : i32, i32
  }
  func.func @transform_5(%arg0: i32) -> (i32, i32, i32) {
    %c0_i32 = arith.constant 0 : i32
    %c0_i32_0 = arith.constant 0 : i32
    %c0_i32_1 = arith.constant 0 : i32
    return %arg0, %c0_i32, %c0_i32_0 : i32, i32, i32
  }
}

module attributes {stable_mosaic.version = 14 : i64} {
  func.func @_kbv_body(%arg0: i32, %arg1: memref<128x2048xf32, #tpu.memory_space<vmem>>, %arg2: memref<2048x1024xf32, #tpu.memory_space<vmem>>, %arg3: memref<1x1024xf32, #tpu.memory_space<vmem>>, %arg4: memref<128x1024xf32, #tpu.memory_space<vmem>>) attributes {dimension_semantics = [#tpu.dimension_semantics<arbitrary>], iteration_bounds = array<i64: 1>, scalar_prefetch = 0 : i64, scratch_operands = 0 : i64, tpu.core_type = #tpu.core_type<tc>, window_params = [{pipeline_mode = #tpu.pipeline_mode<synchronous>, transform_indices = @transform_0, window_bounds = array<i64: 128, 2048>}, {pipeline_mode = #tpu.pipeline_mode<synchronous>, transform_indices = @transform_1, window_bounds = array<i64: 2048, 1024>}, {pipeline_mode = #tpu.pipeline_mode<synchronous>, transform_indices = @transform_2, window_bounds = array<i64: 1, 1024>}, {pipeline_mode = #tpu.pipeline_mode<synchronous>, transform_indices = @transform_3, window_bounds = array<i64: 128, 1024>}]} {
    %get3A = arith.constant 0 : index
    %get3A_0 = arith.constant 0 : index
    %get3A_1 = vector.load %arg1[%get3A, %get3A_0] : memref<128x2048xf32, #tpu.memory_space<vmem>>, vector<128x2048xf32>
    %get3A_2 = arith.constant 0 : index
    %get3A_3 = arith.constant 0 : index
    %get3A_4 = vector.load %arg2[%get3A_2, %get3A_3] : memref<2048x1024xf32, #tpu.memory_space<vmem>>, vector<2048x1024xf32>
    %dot_general3A = arith.constant dense<0.000000e+00> : vector<128x1024xf32>
    %dot_general3A_5 = tpu.matmul %get3A_1, %get3A_4, %dot_general3A {dimension_numbers = #tpu.dot_dimension_numbers<[1], [0], [0], [1], [0, 0, 1, 1], [], []>, transpose_lhs_hint = false} : vector<128x2048xf32>, vector<2048x1024xf32>, vector<128x1024xf32> -> vector<128x1024xf32>
    %get3A_6 = arith.constant 0 : index
    %get3A_7 = arith.constant 0 : index
    %get3A_8 = vector.load %arg3[%get3A_6, %get3A_7] : memref<1x1024xf32, #tpu.memory_space<vmem>>, vector<1x1024xf32>
    %add3A = vector.broadcast %get3A_8 : vector<1x1024xf32> to vector<128x1024xf32>
    %add3A_9 = arith.addf %dot_general3A_5, %add3A : vector<128x1024xf32>
    %swap3A = arith.constant 0 : index
    %swap3A_10 = arith.constant 0 : index
    %swap3A_11 = vector.load %arg4[%swap3A, %swap3A_10] : memref<128x1024xf32, #tpu.memory_space<vmem>>, vector<128x1024xf32>
    tpu.vector_store %arg4[%swap3A, %swap3A_10], %add3A_9 {strides = array<i32>} : memref<128x1024xf32, #tpu.memory_space<vmem>>, vector<128x1024xf32>,
    return
  }
  func.func @transform_0(%arg0: i32) -> (i32, i32) {
    %c0_i32 = arith.constant 0 : i32
    %c0_i32_0 = arith.constant 0 : i32
    %c0_i32_1 = arith.constant 0 : i32
    return %c0_i32, %c0_i32_0 : i32, i32
  }
  func.func @transform_1(%arg0: i32) -> (i32, i32) {
    %c0_i32 = arith.constant 0 : i32
    %c0_i32_0 = arith.constant 0 : i32
    %c0_i32_1 = arith.constant 0 : i32
    return %c0_i32, %c0_i32_0 : i32, i32
  }
  func.func @transform_2(%arg0: i32) -> (i32, i32) {
    %c0_i32 = arith.constant 0 : i32
    %c0_i32_0 = arith.constant 0 : i32
    %c0_i32_1 = arith.constant 0 : i32
    return %c0_i32, %c0_i32_0 : i32, i32
  }
  func.func @transform_3(%arg0: i32) -> (i32, i32) {
    %c0_i32 = arith.constant 0 : i32
    %c0_i32_0 = arith.constant 0 : i32
    %c0_i32_1 = arith.constant 0 : i32
    return %c0_i32, %c0_i32_0 : i32, i32
  }
}

module attributes {stable_mosaic.version = 14 : i64} {
  func.func @_attn_body(%arg0: i32, %arg1: i32, %arg2: memref<1x256x64xf32, #tpu.memory_space<vmem>>, %arg3: memref<1x256x64xf32, #tpu.memory_space<vmem>>, %arg4: memref<1x2048x64xf32, #tpu.memory_space<vmem>>, %arg5: memref<1x2048x64xf32, #tpu.memory_space<vmem>>, %arg6: memref<1x128x64xf32, #tpu.memory_space<vmem>>, %arg7: memref<1x128x64xf32, #tpu.memory_space<vmem>>, %arg8: memref<1x256x64xf32, #tpu.memory_space<vmem>>) attributes {dimension_semantics = [#tpu.dimension_semantics<arbitrary>, #tpu.dimension_semantics<arbitrary>], iteration_bounds = array<i64: 16, 8>, scalar_prefetch = 0 : i64, scratch_operands = 0 : i64, tpu.core_type = #tpu.core_type<tc>, window_params = [{transform_indices = @transform_0, window_bounds = array<i64: 1, 256, 64>}, {transform_indices = @transform_1, window_bounds = array<i64: 1, 256, 64>}, {transform_indices = @transform_2, window_bounds = array<i64: 1, 2048, 64>}, {transform_indices = @transform_3, window_bounds = array<i64: 1, 2048, 64>}, {transform_indices = @transform_4, window_bounds = array<i64: 1, 128, 64>}, {transform_indices = @transform_5, window_bounds = array<i64: 1, 128, 64>}, {transform_indices = @transform_6, window_bounds = array<i64: 1, 256, 64>}]} {
    %get3A = arith.constant 0 : index
    %get3A_0 = arith.constant 0 : index
    %get3A_1 = arith.constant 0 : index
    %get3A_2 = vector.load %arg2[%get3A, %get3A_0, %get3A_1] : memref<1x256x64xf32, #tpu.memory_space<vmem>>, vector<1x256x64xf32>
    %get3A_3 = vector.shape_cast %get3A_2 : vector<1x256x64xf32> to vector<256x64xf32>
    %convert_element_type3A = arith.truncf %get3A_3 : vector<256x64xf32> to vector<256x64xbf16>
    %get3A_4 = arith.constant 0 : index
    %get3A_5 = arith.constant 0 : index
    %get3A_6 = arith.constant 0 : index
    %get3A_7 = vector.load %arg3[%get3A_4, %get3A_5, %get3A_6] : memref<1x256x64xf32, #tpu.memory_space<vmem>>, vector<1x256x64xf32>
    %get3A_8 = vector.shape_cast %get3A_7 : vector<1x256x64xf32> to vector<256x64xf32>
    %convert_element_type3A_9 = arith.truncf %get3A_8 : vector<256x64xf32> to vector<256x64xbf16>
    %get3A_10 = arith.constant 0 : index
    %get3A_11 = arith.constant 0 : index
    %get3A_12 = arith.constant 0 : index
    %get3A_13 = vector.load %arg6[%get3A_10, %get3A_11, %get3A_12] : memref<1x128x64xf32, #tpu.memory_space<vmem>>, vector<1x128x64xf32>
    %get3A_14 = vector.shape_cast %get3A_13 : vector<1x128x64xf32> to vector<128x64xf32>
    %convert_element_type3A_15 = arith.truncf %get3A_14 : vector<128x64xf32> to vector<128x64xbf16>
    %dot_general3A = arith.constant dense<0.000000e+00> : vector<256x128xf32>
    %dot_general3A_16 = tpu.matmul %convert_element_type3A, %convert_element_type3A_15, %dot_general3A {dimension_numbers = #tpu.dot_dimension_numbers<[1], [1], [0], [0], [0, 0, 1, 0], [], []>, transpose_lhs_hint = false} : vector<256x64xbf16>, vector<128x64xbf16>, vector<256x128xf32> -> vector<256x128xf32>
    %mul3A = arith.constant 1.250000e-01 : f32
    %mul3A_17 = vector.broadcast %mul3A : f32 to vector<256x128xf32>
    %mul3A_18 = arith.mulf %dot_general3A_16, %mul3A_17 : vector<256x128xf32>
    %iota3A = tpu.iota {dimensions = array<i32: 1>} : vector<256x128xi32>
    %ge3A = arith.constant 100 : i32
    %ge3A_19 = vector.broadcast %ge3A : i32 to vector<256x128xi32>
    %ge3A_20 = arith.cmpi sge, %iota3A, %ge3A_19 : vector<256x128xi32>
    %jit3A = arith.constant -1.000000e+09 : f32
    %broadcast_in_dim3A = vector.broadcast %jit3A : f32 to vector<256x128xf32>
    %select_n3A = arith.select %ge3A_20, %broadcast_in_dim3A, %mul3A_18 : vector<256x128xi1>, vector<256x128xf32>
    %get3A_21 = arith.constant 0 : index
    %get3A_22 = arith.constant 0 : index
    %get3A_23 = arith.constant 0 : index
    %get3A_24 = vector.load %arg4[%get3A_21, %get3A_22, %get3A_23] : memref<1x2048x64xf32, #tpu.memory_space<vmem>>, vector<1x2048x64xf32>
    %get3A_25 = vector.shape_cast %get3A_24 : vector<1x2048x64xf32> to vector<2048x64xf32>
    %convert_element_type3A_26 = arith.truncf %get3A_25 : vector<2048x64xf32> to vector<2048x64xbf16>
    %dot_general3A_27 = arith.constant dense<0.000000e+00> : vector<256x2048xf32>
    %dot_general3A_28 = tpu.matmul %convert_element_type3A_9, %convert_element_type3A_26, %dot_general3A_27 {dimension_numbers = #tpu.dot_dimension_numbers<[1], [1], [0], [0], [0, 0, 1, 0], [], []>, transpose_lhs_hint = false} : vector<256x64xbf16>, vector<2048x64xbf16>, vector<256x2048xf32> -> vector<256x2048xf32>
    %mul3A_29 = arith.constant 1.250000e-01 : f32
    %mul3A_30 = vector.broadcast %mul3A_29 : f32 to vector<256x2048xf32>
    %mul3A_31 = arith.mulf %dot_general3A_28, %mul3A_30 : vector<256x2048xf32>
    %mul3A_32 = arith.constant 256 : i32
    %mul3A_33 = arith.muli %arg1, %mul3A_32 : i32
    %iota3A_34 = tpu.iota {dimensions = array<i32: 0>} : vector<256x2048xi32>
    %add3A = vector.broadcast %mul3A_33 : i32 to vector<256x2048xi32>
    %add3A_35 = arith.addi %add3A, %iota3A_34 : vector<256x2048xi32>
    %iota3A_36 = tpu.iota {dimensions = array<i32: 1>} : vector<256x2048xi32>
    %gt3A = arith.cmpi sgt, %iota3A_36, %add3A_35 : vector<256x2048xi32>
    %jit3A_37 = arith.constant -1.000000e+09 : f32
    %broadcast_in_dim3A_38 = vector.broadcast %jit3A_37 : f32 to vector<256x2048xf32>
    %select_n3A_39 = arith.select %gt3A, %broadcast_in_dim3A_38, %mul3A_31 : vector<256x2048xi1>, vector<256x2048xf32>
    %reduce_max3A = arith.constant dense<0xFF800000> : vector<256xf32>
    %reduce_max3A_40 = vector.multi_reduction <maximumf>, %select_n3A, %reduce_max3A [1] : vector<256x128xf32> to vector<256xf32>
    %reduce_max3A_41 = arith.constant dense<0xFF800000> : vector<256xf32>
    %reduce_max3A_42 = vector.multi_reduction <maximumf>, %select_n3A_39, %reduce_max3A_41 [1] : vector<256x2048xf32> to vector<256xf32>
    %max3A = arith.maximumf %reduce_max3A_40, %reduce_max3A_42 : vector<256xf32>
    %broadcast_in_dim3A_43 = vector.shape_cast %max3A : vector<256xf32> to vector<256x1xf32>
    %sub3A = vector.broadcast %broadcast_in_dim3A_43 : vector<256x1xf32> to vector<256x128xf32>
    %sub3A_44 = arith.subf %select_n3A, %sub3A : vector<256x128xf32>
    %exp3A = math.exp %sub3A_44 : vector<256x128xf32>
    %sub3A_45 = vector.broadcast %broadcast_in_dim3A_43 : vector<256x1xf32> to vector<256x2048xf32>
    %sub3A_46 = arith.subf %select_n3A_39, %sub3A_45 : vector<256x2048xf32>
    %exp3A_47 = math.exp %sub3A_46 : vector<256x2048xf32>
    %reduce_sum3A = arith.constant dense<0.000000e+00> : vector<256xf32>
    %reduce_sum3A_48 = vector.multi_reduction <add>, %exp3A, %reduce_sum3A [1] : vector<256x128xf32> to vector<256xf32>
    %reduce_sum3A_49 = arith.constant dense<0.000000e+00> : vector<256xf32>
    %reduce_sum3A_50 = vector.multi_reduction <add>, %exp3A_47, %reduce_sum3A_49 [1] : vector<256x2048xf32> to vector<256xf32>
    %add3A_51 = arith.addf %reduce_sum3A_48, %reduce_sum3A_50 : vector<256xf32>
    %broadcast_in_dim3A_52 = vector.shape_cast %add3A_51 : vector<256xf32> to vector<256x1xf32>
    %convert_element_type3A_53 = arith.truncf %exp3A : vector<256x128xf32> to vector<256x128xbf16>
    %get3A_54 = arith.constant 0 : index
    %get3A_55 = arith.constant 0 : index
    %get3A_56 = arith.constant 0 : index
    %get3A_57 = vector.load %arg7[%get3A_54, %get3A_55, %get3A_56] : memref<1x128x64xf32, #tpu.memory_space<vmem>>, vector<1x128x64xf32>
    %get3A_58 = vector.shape_cast %get3A_57 : vector<1x128x64xf32> to vector<128x64xf32>
    %convert_element_type3A_59 = arith.truncf %get3A_58 : vector<128x64xf32> to vector<128x64xbf16>
    %dot_general3A_60 = arith.constant dense<0.000000e+00> : vector<256x64xf32>
    %dot_general3A_61 = tpu.matmul %convert_element_type3A_53, %convert_element_type3A_59, %dot_general3A_60 {dimension_numbers = #tpu.dot_dimension_numbers<[1], [0], [0], [1], [0, 0, 1, 1], [], []>, transpose_lhs_hint = false} : vector<256x128xbf16>, vector<128x64xbf16>, vector<256x64xf32> -> vector<256x64xf32>
    %convert_element_type3A_62 = arith.truncf %exp3A_47 : vector<256x2048xf32> to vector<256x2048xbf16>
    %get3A_63 = arith.constant 0 : index
    %get3A_64 = arith.constant 0 : index
    %get3A_65 = arith.constant 0 : index
    %get3A_66 = vector.load %arg5[%get3A_63, %get3A_64, %get3A_65] : memref<1x2048x64xf32, #tpu.memory_space<vmem>>, vector<1x2048x64xf32>
    %get3A_67 = vector.shape_cast %get3A_66 : vector<1x2048x64xf32> to vector<2048x64xf32>
    %convert_element_type3A_68 = arith.truncf %get3A_67 : vector<2048x64xf32> to vector<2048x64xbf16>
    %dot_general3A_69 = arith.constant dense<0.000000e+00> : vector<256x64xf32>
    %dot_general3A_70 = tpu.matmul %convert_element_type3A_62, %convert_element_type3A_68, %dot_general3A_69 {dimension_numbers = #tpu.dot_dimension_numbers<[1], [0], [0], [1], [0, 0, 1, 1], [], []>, transpose_lhs_hint = false} : vector<256x2048xbf16>, vector<2048x64xbf16>, vector<256x64xf32> -> vector<256x64xf32>
    %add3A_71 = arith.addf %dot_general3A_61, %dot_general3A_70 : vector<256x64xf32>
    %div3A = vector.broadcast %broadcast_in_dim3A_52 : vector<256x1xf32> to vector<256x64xf32>
    %div3A_72 = arith.divf %add3A_71, %div3A : vector<256x64xf32>
    %swap3A = arith.constant 0 : index
    %swap3A_73 = arith.constant 0 : index
    %swap3A_74 = arith.constant 0 : index
    %swap3A_75 = vector.load %arg8[%swap3A, %swap3A_73, %swap3A_74] : memref<1x256x64xf32, #tpu.memory_space<vmem>>, vector<1x256x64xf32>
    %swap3A_76 = vector.shape_cast %swap3A_75 : vector<1x256x64xf32> to vector<256x64xf32>
    %swap3A_77 = vector.shape_cast %div3A_72 : vector<256x64xf32> to vector<1x256x64xf32>
    tpu.vector_store %arg8[%swap3A, %swap3A_73, %swap3A_74], %swap3A_77 {strides = array<i32>} : memref<1x256x64xf32, #tpu.memory_space<vmem>>, vector<1x256x64xf32>,
    return
  }
  func.func @transform_0(%arg0: i32, %arg1: i32) -> (i32, i32, i32) {
    %c0_i32 = arith.constant 0 : i32
    %c0_i32_0 = arith.constant 0 : i32
    return %arg0, %arg1, %c0_i32 : i32, i32, i32
  }
  func.func @transform_1(%arg0: i32, %arg1: i32) -> (i32, i32, i32) {
    %c0_i32 = arith.constant 0 : i32
    %c0_i32_0 = arith.constant 0 : i32
    return %arg0, %arg1, %c0_i32 : i32, i32, i32
  }
  func.func @transform_2(%arg0: i32, %arg1: i32) -> (i32, i32, i32) {
    %c0_i32 = arith.constant 0 : i32
    %c0_i32_0 = arith.constant 0 : i32
    %c0_i32_1 = arith.constant 0 : i32
    return %arg0, %c0_i32, %c0_i32_0 : i32, i32, i32
  }
  func.func @transform_3(%arg0: i32, %arg1: i32) -> (i32, i32, i32) {
    %c0_i32 = arith.constant 0 : i32
    %c0_i32_0 = arith.constant 0 : i32
    %c0_i32_1 = arith.constant 0 : i32
    return %arg0, %c0_i32, %c0_i32_0 : i32, i32, i32
  }
  func.func @transform_4(%arg0: i32, %arg1: i32) -> (i32, i32, i32) {
    %c0_i32 = arith.constant 0 : i32
    %c0_i32_0 = arith.constant 0 : i32
    %c0_i32_1 = arith.constant 0 : i32
    return %arg0, %c0_i32, %c0_i32_0 : i32, i32, i32
  }
  func.func @transform_5(%arg0: i32, %arg1: i32) -> (i32, i32, i32) {
    %c0_i32 = arith.constant 0 : i32
    %c0_i32_0 = arith.constant 0 : i32
    %c0_i32_1 = arith.constant 0 : i32
    return %arg0, %c0_i32, %c0_i32_0 : i32, i32, i32
  }
  func.func @transform_6(%arg0: i32, %arg1: i32) -> (i32, i32, i32) {
    %c0_i32 = arith.constant 0 : i32
    %c0_i32_0 = arith.constant 0 : i32
    return %arg0, %arg1, %c0_i32 : i32, i32, i32
  }
}

module attributes {stable_mosaic.version = 14 : i64} {
  func.func @_wo_body(%arg0: i32, %arg1: memref<256x1024xf32, #tpu.memory_space<vmem>>, %arg2: memref<1024x1024xf32, #tpu.memory_space<vmem>>, %arg3: memref<256x1024xf32, #tpu.memory_space<vmem>>) attributes {dimension_semantics = [#tpu.dimension_semantics<arbitrary>], iteration_bounds = array<i64: 8>, scalar_prefetch = 0 : i64, scratch_operands = 0 : i64, tpu.core_type = #tpu.core_type<tc>, window_params = [{transform_indices = @transform_0, window_bounds = array<i64: 256, 1024>}, {pipeline_mode = #tpu.pipeline_mode<synchronous>, transform_indices = @transform_1, window_bounds = array<i64: 1024, 1024>}, {transform_indices = @transform_2, window_bounds = array<i64: 256, 1024>}]} {
    %get3A = arith.constant 0 : index
    %get3A_0 = arith.constant 0 : index
    %get3A_1 = vector.load %arg1[%get3A, %get3A_0] : memref<256x1024xf32, #tpu.memory_space<vmem>>, vector<256x1024xf32>
    %get3A_2 = arith.constant 0 : index
    %get3A_3 = arith.constant 0 : index
    %get3A_4 = vector.load %arg2[%get3A_2, %get3A_3] : memref<1024x1024xf32, #tpu.memory_space<vmem>>, vector<1024x1024xf32>
    %dot_general3A = arith.constant dense<0.000000e+00> : vector<256x1024xf32>
    %dot_general3A_5 = tpu.matmul %get3A_1, %get3A_4, %dot_general3A {dimension_numbers = #tpu.dot_dimension_numbers<[1], [0], [0], [1], [0, 0, 1, 1], [], []>, transpose_lhs_hint = false} : vector<256x1024xf32>, vector<1024x1024xf32>, vector<256x1024xf32> -> vector<256x1024xf32>
    %swap3A = arith.constant 0 : index
    %swap3A_6 = arith.constant 0 : index
    %swap3A_7 = vector.load %arg3[%swap3A, %swap3A_6] : memref<256x1024xf32, #tpu.memory_space<vmem>>, vector<256x1024xf32>
    tpu.vector_store %arg3[%swap3A, %swap3A_6], %dot_general3A_5 {strides = array<i32>} : memref<256x1024xf32, #tpu.memory_space<vmem>>, vector<256x1024xf32>,
    return
  }
  func.func @transform_0(%arg0: i32) -> (i32, i32) {
    %c0_i32 = arith.constant 0 : i32
    %c0_i32_0 = arith.constant 0 : i32
    return %arg0, %c0_i32 : i32, i32
  }
  func.func @transform_1(%arg0: i32) -> (i32, i32) {
    %c0_i32 = arith.constant 0 : i32
    %c0_i32_0 = arith.constant 0 : i32
    %c0_i32_1 = arith.constant 0 : i32
    return %c0_i32, %c0_i32_0 : i32, i32
  }
  func.func @transform_2(%arg0: i32) -> (i32, i32) {
    %c0_i32 = arith.constant 0 : i32
    %c0_i32_0 = arith.constant 0 : i32
    return %arg0, %c0_i32 : i32, i32
  }
}

</mosaic_0001>

<sc_bundles>
// kernel: kernel.8.cloned.1.call-start
scs
__scs_entry_jumppad:
0x0: {  	(pc) =	sbr.rel $0x88, $3  }
0x1: {  	(tag) =	ssettag $0x0;
	lr =	simm.s32 $0x1  }
0x2: {  	[smem:$0x3F90] =	sst lr;
	_ =	strace $0xD0000000  }
0x3: {  	_ = 	snop  }
0x4: {  	_ = 	snop  }
0x5: {  	_ = 	snop  }
0x6: {  	_ = 	snop  }
0x7: {  	_ = 	snop  }
__scs_overlays_trampoline_lowered:
0x8: {  	[smem:$0x3F9F] =	sst s0  }
0x9: {  	[smem:$0x3FA0] =	sst s1  }
0xa: {  	[smem:$0x3FA1] =	sst s2  }
0xb: {  	[smem:$0x3FA2] =	sst s3  }
0xc: {  	[smem:$0x3FA3] =	sst s4  }
0xd: {  	[smem:$0x3FA4] =	sst s5  }
0xe: {  	[smem:$0x3FA5] =	sst s6  }
0xf: {  	[smem:$0x3FA6] =	sst s7  }
0x10: {  	[smem:$0x3FA7] =	sst s8  }
0x11: {  	[smem:$0x3FA8] =	sst s9;
	s0 =	simm.s32 @!p0 $0x0  }
0x12: {  	s1 =	sld [smem:$0x3F8E];
	s0 =	simm.s32 @p0 $0x1  }
0x13: {  	[smem:$0x3FA9] =	sst s0;
	s0 =	simm.s32 @!p1 $0x0  }
0x14: {  	s2 =	sld [smem:$0x3F8D];
	s0 =	simm.s32 @p1 $0x1  }
0x15: {  	[smem:$0x3FAA] =	sst s0;
	s0 =	simm.s32 @!p2 $0x0  }
0x16: {  	s3 =	sld [smem:$0x3FDB];
	s0 =	simm.s32 @p2 $0x1  }
0x17: {  	s4 =	simm.s32 $0x1BF5;
	[smem:$0x3FAC] =	sst s0  }
0x18: {  	s0 =	sld [smem:$0x3F8F];
	_ =	swait.ge [sflag:s4], $0x0  }
0x19: {  	s7 =	sld [smem:$0x3F90]  }
0x1a: {  	s8 =	sadd.s32 $0xFFFFE003, lr  }
0x1b: {  	s9 =	sadd.s32 $0xFFFFFEF7, lr;
	s5 =	simm.s32 $0xFFFFFFFF;
	p2 =	slt.u32 s8, $0xFFFFF086  }
0x1c: {  	p1 =	slt.u32 s9, $0xF7A;
	s5 =	simm.s32 @!p2 $0x0  }
0x1d: {  	s5 =	simm.s32 @p1 $0x1;
	p0 =	seq.s32 s7, s2  }
0x1e: {  	s7 =	smul.u32 @!p0 $0xF7A, s2;
	p2 =	seq.s32 @!p0 s5, $0x0  }
0x1f: {  	s9 =	smul.u32 $0xF7A, s1;
	s8 =	simm.s32 @!p0 $0x1BF5;
	p2 =	por !p2, p0  }
0x20: {  	[sflag:s8] =	ssyncset.s32 @!p0 $0xFFFFF086;
	s6 =	sadd.s32 @!p0 s3, s7;
	s7 =	simm.s32 @!p0 $0x108  }
0x21: {  	s3 =	sadd.s32 s3, s9;
	s6 =	sadd.s32 @!p0 $0x88, s6;
	s7 =	simm.s32 @p2 $0x1082  }
0x22: {  	[simem:s7], [sflag:s8] =	dma.local @!p0 [hbm:s6], $0xF7A  }
0x23: {  	s9 =	sor.u32 $0xD0000000, s2;
	s6 =	simm.s32 $0x108;
	_ =	swait.ge @!p0 [sflag:s8], $0x0  }
0x24: {  	s3 =	sadd.s32 $0x88, s3;
	s6 =	simm.s32 @!p1 $0x1082;
	[sflag:s4] =	ssyncset.s32 $0xFFFFF086  }
0x25: {  	[simem:s6], [sflag:s4] =	dma.local [hbm:s3], $0xF7A  }
0x26: {  	[smem:$0x3F90] =	sst s1;
	(tag) =	ssettag s2;
	_ =	strace s9  }
0x27: {  	s1 =	sld [smem:$0x3FA0]  }
0x28: {  	s2 =	sld [smem:$0x3FA1]  }
0x29: {  	s4 =	sld [smem:$0x3FA3]  }
0x2a: {  	p0 =	seq.s32 s5, $0x0;
	s5 =	sld [smem:$0x3FA4]  }
0x2b: {  	s6 =	sld [smem:$0x3FA5]  }
0x2c: {  	s7 =	sld [smem:$0x3FA6]  }
0x2d: {  	s3 =	simm.s32 $0x108;
	s8 =	sld [smem:$0x3FA7]  }
0x2e: {  	s3 =	simm.s32 @!p0 $0x1082;
	s9 =	sld [smem:$0x3FA8]  }
0x2f: {  	lr =	sadd.s32 s0, s3;
	s0 =	sld [smem:$0x3F9F]  }
0x30: {  	s3 =	sld [smem:$0x3FA2]  }
0x31: {  	[smem:$0x3FAB] =	sst s10  }
0x32: {  	s10 =	sld [smem:$0x3FA9];
	_ =	sdelay $0x3  }
0x33: {  	p0 =	seq.s32 s10, $0x1;
	s10 =	sld [smem:$0x3FAB];
	_ =	sdelay $0x3  }
0x34: {  	[smem:$0x3FAB] =	sst s10  }
0x35: {  	s10 =	sld [smem:$0x3FAA];
	_ =	sdelay $0x3  }
0x36: {  	p1 =	seq.s32 s10, $0x1;
	s10 =	sld [smem:$0x3FAB];
	_ =	sdelay $0x3  }
0x37: {  	[smem:$0x3FAB] =	sst s10  }
0x38: {  	s10 =	sld [smem:$0x3FAC]  }
0x39: {  	_ = 	snop;
	(pc) =	sbr.ind lr, $3  }
0x3a: {  	_ = 	snop  }
0x3b: {  	_ = 	snop  }
0x3c: {  	p2 =	seq.s32 s10, $0x1;
	s10 =	sld [smem:$0x3FAB]  }
0x3d: {  	_ =	shalt  }
0x3e: {  	_ =	shalt  }
0x3f: {  	_ =	shalt  }
0x40: {  	_ =	shalt  }
0x41: {  	_ =	shalt  }
0x42: {  	_ =	shalt  }
0x43: {  	_ =	shalt  }
0x44: {  	_ =	shalt  }
0x45: {  	_ =	shalt  }
0x46: {  	_ =	shalt  }
0x47: {  	_ =	shalt  }
0x48: {  	_ =	shalt  }
0x49: {  	_ =	shalt  }
0x4a: {  	_ =	shalt  }
0x4b: {  	_ =	shalt  }
0x4c: {  	_ =	shalt  }
0x4d: {  	_ =	shalt  }
0x4e: {  	_ =	shalt  }
0x4f: {  	_ =	shalt  }
0x50: {  	_ =	shalt  }
0x51: {  	_ =	shalt  }
0x52: {  	_ =	shalt  }
0x53: {  	_ =	shalt  }
0x54: {  	_ =	shalt  }
0x55: {  	_ =	shalt  }
0x56: {  	_ =	shalt  }
0x57: {  	_ =	shalt  }
0x58: {  	_ =	shalt  }
0x59: {  	_ =	shalt  }
0x5a: {  	_ =	shalt  }
0x5b: {  	_ =	shalt  }
0x5c: {  	_ =	shalt  }
0x5d: {  	_ =	shalt  }
0x5e: {  	_ =	shalt  }
0x5f: {  	_ =	shalt  }
0x60: {  	_ =	shalt  }
0x61: {  	_ =	shalt  }
0x62: {  	_ =	shalt  }
0x63: {  	_ =	shalt  }
0x64: {  	_ =	shalt  }
0x65: {  	_ =	shalt  }
0x66: {  	_ =	shalt  }
0x67: {  	_ =	shalt  }
0x68: {  	_ =	shalt  }
0x69: {  	_ =	shalt  }
0x6a: {  	_ =	shalt  }
0x6b: {  	_ =	shalt  }
0x6c: {  	_ =	shalt  }
0x6d: {  	_ =	shalt  }
0x6e: {  	_ =	shalt  }
0x6f: {  	_ =	shalt  }
0x70: {  	_ =	shalt  }
0x71: {  	_ =	shalt  }
0x72: {  	_ =	shalt  }
0x73: {  	_ =	shalt  }
0x74: {  	_ =	shalt  }
0x75: {  	_ =	shalt  }
0x76: {  	_ =	shalt  }
0x77: {  	_ =	shalt  }
0x78: {  	_ =	shalt  }
0x79: {  	_ =	shalt  }
0x7a: {  	_ =	shalt  }
0x7b: {  	_ =	shalt  }
0x7c: {  	_ =	shalt  }
0x7d: {  	_ =	shalt  }
0x7e: {  	_ =	shalt  }
0x7f: {  	_ =	shalt  }
0x80: {  	_ =	shalt  }
0x81: {  	_ =	shalt  }
0x82: {  	_ =	shalt  }
0x83: {  	_ =	shalt  }
0x84: {  	_ =	shalt  }
0x85: {  	_ =	shalt  }
0x86: {  	_ =	shalt  }
0x87: {  	_ =	shalt  }
.Lfunc_end0:
.L_simem_size_0:
called_computation_lowered:
.L_overlay_start_0:
0x88: {  	s2 =	sld [smem:$0x3FD9]  }
0x89: {  	s3 =	sld [smem:$0x3FFE];
	_ =	sdelay $0x1  }
0x8a: {  	s1 =	srdreg.scid  }
0x8b: {  	s0 =	sand.u32 $0x1, s1  }
0x8c: {  	s17 =	sshll.u32 s0, $0xA;
	s2 =	sadd.s32 s3, s2  }
0x8d: {  	s2 =	sadd.s32 s2, s17  }
0x8e: {  	[smem:$0x3FB7] =	sst s2  }
0x8f: {  	_ = 	snop  }
0x90: {  	s2 =	sld [smem:$0x3FC7];
	(tm) =	ssettm $0x1  }
0x91: {  	s18 =	sld [smem:$0x3FFB];
	_ =	sdelay $0x3  }
0x92: {  	_ =	strace s18  }
0x93: {  	s3 =	sld [smem:$0x3FFC];
	_ =	sdelay $0x3  }
0x94: {  	_ =	strace s3  }
0x95: {  	s3 =	sld [smem:$0x3FFD];
	_ =	sdelay $0x3  }
0x96: {  	_ =	strace s3  }
0x97: {  	_ =	strace $0x8FFFFFFF  }
0x98: {  	s19 =	sld [smem:$0x3FDB];
	_ =	sdelay $0x1  }
0x99: {  	s4 =	simm.s32 $_scs_section_size  }
0x9a: {  	s5 =	simm.s32 $_size__tile_overlayer_lowered;
	s6 =	simm.s32 $_tile_overlayer_lowered  }
0x9b: {  	s22 =	simm.s32 $0x1BFF;
	s21 =	sshll.u32 s6, $0x1;
	s3 =	sadd.s32 s4, s19  }
0x9c: {  	s7 =	simm.s32 $0x0;
	s20 =	sshll.u32 s5, $0x1;
	s5 =	sadd.s32 s21, s3  }
0x9d: {  	[timem:s7], [sflag:s22] =	dma.local [hbm:s5], s20  }
0x9e: {  	_ =	swait.ge [sflag:s22], s20  }
0x9f: {  	s4 =	ssub.s32 $0x0, s20;
	[sflag:s22] =	ssyncset.done $0x0  }
0xa0: {  	[sflag:s22] =	ssyncadd.s32 s4;
	_ =	sdelay $0x1  }
0xa1: {  	s23 =	simm.s32 $0x1B8B  }
0xa2: {  	_ =	swait.ge [sflag:s23], $0x1  }
0xa3: {  	[sflag:s23] =	ssyncset.done $0x0  }
0xa4: {  	s25 =	simm.s32 $0x1B8E;
	s24 =	sld [smem:$0x3FFE];
	[sflag:s23] =	ssyncadd.s32 $0xFFFFFFFF  }
0xa5: {  	s26 =	simm.s32 $execute0_lowered;
	[smem:$0x3FD2] =	sst s25  }
0xa6: {  	s5 =	sshll.u32 s26, $0x1;
	_ =	strace $0x80000046;
	[dreg:$0x1] =	wrdreg $0xFFFFFFFF  }
0xa7: {  	s28 =	simm.s32 $_size_execute0_lowered;
	s3 =	sadd.s32 s3, s5;
	[dreg:$0x0] =	wrdreg $0x0  }
0xa8: {  	s5 =	sshll.u32 s28, $0x1;
	[dreg:$0x2] =	wrdreg s3  }
0xa9: {  	[dreg:$0x3] =	wrdreg s5  }
0xaa: {  	[dreg:$0x4] =	wrdreg $0xC0  }
0xab: {  	_ =	task [dreg:s7], $0x5FFFF  }
0xac: {  	[dreg:$0x1] =	wrdreg $0xFFFFFFFF  }
0xad: {  	[dreg:$0x0] =	wrdreg $0x60  }
0xae: {  	[dreg:$0x2] =	wrdreg s24  }
0xaf: {  	[dreg:$0x3] =	wrdreg s2  }
0xb0: {  	[dreg:$0x4] =	wrdreg $0x9  }
0xb1: {  	_ =	task.clear_ibuf [dreg:s7], $0x5FFFF;
	_ =	strace $0x90000046  }
0xb2: {  	s29 =	simm.s32 $0x9;
	_ =	strace $0x80000048  }
0xb3: {  	_ =	swait.ge [sflag:s29], $0x1  }
0xb4: {  	[sflag:s29] =	ssyncadd.s32 $0xFFFFFFFF  }
0xb5: {  	_ =	strace $0x90000048  }
0xb6: {  	_ =	sfence  }
0xb7: {  	s30 =	sld [smem:$0x0];
	_ =	sdelay $0x2  }
0xb8: {  	s31 =	sshll.u32 s1, $0xD;
	s1 =	sshrl.u32 s1, $0x2  }
0xb9: {  	s3 =	sand.u32 $0x4000, s31;
	s1 =	sadd.s32 s1, s30  }
0xba: {  	s0 =	sor.u32 s3, s0;
	s1 =	sshll.u32 s1, $0x11  }
0xbb: {  	s0 =	sor.u32 s1, s0  }
0xbc: {  	s0 =	sadd.s32 $0x8F2B, s0  }
0xbd: {  	[sflag:s0] =	ssyncadd.remote.s32 $0x1  }
0xbe: {  	_ =	sfence.sel $0xFFFF  }
0xbf: {  	[dreg:$0x0] =	wrdreg $0xFFFFFFFF;
	(pc) =	sbr.abs _section_cstart, $3  }
0xc0: {  	[dreg:$0x1] =	wrdreg $0xFFFFFFFF  }
0xc1: {  	_ =	task.clear_ibuf [dreg:s7], $0x2FFFF;
	_ =	strace $0x9FFFFFFF  }
0xc2: {  	(tm) =	ssettm $0x7FFFFFFF  }
0xc3: {  	_ =	shalt  }
tec
execute0_lowered:
.L_overlay_start_1:
0x0: {  	(tag) =	ssettag $0x1  }
0x1: {  	s11 =	rddreg [dreg:$0x0];
	s4 =	srdreg.scid  }
0x2: {  	s3 =	simm.s32 $0x0;
	s1 =	stileid.u32;
	s12 =	sand.u32 $0x1, s4  }
0x3: {  	[smem:$0x7FF] =	sst s3;
	s5 =	sshll.u32 s1, $0x7;
	s9 =	sadd.s32 $0xC5800, s11  }
0x4: {  	s10 =	sshll.u32 s1, $0x9;
	s17 =	sshll.u32 s1, $0xE;
	s4 =	sshll.u32 s12, $0xB  }
0x5: {  	s22 =	sshll.u32 s1, $0xF;
	_ =	strace $0x80000047;
	s4 =	sor.u32 s5, s4  }
0x6: {  	s6 =	ssub.s32 $0x2, s12;
	s31 =	sshll.u32 s12, $0xD;
	s8 =	sor.u32 $0x8, s4  }
0x7: {  	s2 =	sshll.u32 s12, $0x12;
	s7 =	sshrl.u32 s6, $0x1;
	s30 =	sshrl.u32 s8, $0x3  }
0x8: {  	s20 =	sshll.u32 s12, $0x13;
	s13 =	ssub.s32 s6, s7;
	s6 =	sshll.u32 s30, $0xB  }
0x9: {  	s12 =	sshll.u32 s12, $0x4;
	s5 =	sadd.s32 $0x145800, s11;
	s14 =	sor.u32 $0x10, s6  }
0xa: {  	s15 =	sor.u32 s10, s31;
	s18 =	sor.u32 $0x30, s6;
	[dreg:$0x3] =	wrdreg s14  }
0xb: {  	s10 =	sadd.s32 $0x145A00, s11;
	s21 =	sor.u32 $0x40, s6;
	[dreg:$0x7] =	wrdreg s18  }
0xc: {  	s11 =	sadd.s32 $0x149A00, s11;
	s23 =	sor.u32 $0x50, s6;
	[dreg:$0x9] =	wrdreg s21  }
0xd: {  	s7 =	sshll.u32 s30, $0xA;
	s25 =	sor.u32 $0x60, s6;
	[dreg:$0xb] =	wrdreg s23  }
0xe: {  	s7 =	sadd.s32 s7, s9;
	s29 =	sor.u32 $0x70, s6;
	[dreg:$0xd] =	wrdreg s25  }
0xf: {  	s28 =	sor.u32 s1, s12;
	s0 =	sadd.s32 $0x10, s7;
	[dreg:$0xf] =	wrdreg s29  }
0x10: {  	p0 =	seq.s32 s28, $0x0;
	s14 =	sor.u32 $0x20, s6;
	[dreg:$0x4] =	wrdreg s0  }
0x11: {  	s12 =	smax.u32 s13, $0x1;
	s16 =	sadd.s32 $0x20, s7;
	[dreg:$0x5] =	wrdreg s14  }
0x12: {  	s30 =	sshrl.u32 s15, $0x2;
	s19 =	sadd.s32 $0x30, s7;
	[dreg:$0x6] =	wrdreg s16  }
0x13: {  	s15 =	simm.s32 $0x0;
	s24 =	sadd.s32 $0x50, s7;
	[dreg:$0x8] =	wrdreg s19  }
0x14: {  	s9 =	sadd.s32 s2, s9;
	s26 =	sadd.s32 $0x60, s7;
	[dreg:$0xc] =	wrdreg s24  }
0x15: {  	s13 =	sor.u32 $0x1000, s30;
	s31 =	sadd.s32 $0x70, s7;
	[dreg:$0xe] =	wrdreg s26  }
0x16: {  	s8 =	sadd.s32 s17, s9;
	s16 =	sadd.s32 $0x40, s7;
	[dreg:$0x10] =	wrdreg s31  }
0x17: {  	v0 =	vimm.s32 $0x0;
	v1 =	vlaneseq.u32;
	s9 =	sor.u32 s22, s20;
	s14 =	simm.s32 $0x1;
	[dreg:$0xa] =	wrdreg s16  }
.LBB2_1:
0x18: {  	p2 =	por $0x0, $0x0  }
.Ltmp0:
0x19: {  	_ = 	snop;
	(pc) =	sbr.rel @p2 .LBB2_2-.Ltmp0, $4  }
0x1a: {  	[tilespmem:s3], [sflag:$0x1] =	stream.linear.gather [hbm4b:s5+s3], $0x1000, $0x38;
	[tilespmem:$0x2000] =	vst v63  }
0x1b: {  	_ =	swait.ge [sflag:s14], $0x1000  }
0x1c: {  	[sflag:s14] =	ssyncset.done $0x0  }
0x1d: {  	s17 =	simm.s32 $0x0;
	p1 =	por $0x0, $0x0;
	[sflag:s14] =	ssyncadd.s32 $0xFFFFF000  }
0x1e: {  	v11 =	vld [tilespmem:s17+$0x70]  }
0x1f: {  	v7 =	vld [tilespmem:s17+$0x0]  }
0x20: {  	v8 =	vld [tilespmem:s17+$0x10];
	p2 =	por $0x0, $0x0  }
.Ltmp1:
0x21: {  	v5 =	vld [tilespmem:s17+$0x20];
	(pc) =	sbr.rel @p2 .LBB2_5-.Ltmp1, $4  }
0x22: {  	v6 =	vld [tilespmem:s17+$0x30]  }
0x23: {  	v2 =	vld [tilespmem:s17+$0x40];
	v4 =	vshra.s32 v11, $0x1F  }
0x24: {  	v3 =	vld [tilespmem:s17+$0x50];
	v9 =	vshra.s32 v7, $0x1F;
	v12 =	vand.u32 $0x7FFFFFFF, v4  }
0x25: {  	s16 =	simm.s32 $0x80;
	s18 =	simm.s32 $0x400;
	p1 =	por $0x1, $0x1;
	v10 =	vshra.s32 v8, $0x1F;
	v9 =	vand.u32 $0x7FFFFFFF, v9;
	v4 =	vld [tilespmem:s17+$0x60];
	v11 =	vxor.u32 v11, v12  }
.LBB2_4:
0x26: {  	p2 =	seq.s32 s18, $0x3E00;
	v12 =	vld [tilespmem:s16+$0x70];
	v9 =	vxor.u32 v7, v9;
	v10 =	vand.u32 $0x7FFFFFFF, v10;
	v13 =	vshra.s32 v5, $0x1F;
	[tilespmem:s17+$0x1070] =	vst v11  }
0x27: {  	v7 =	vld [tilespmem:s16+$0x0];
	[tilespmem:s17+$0x1000] =	vst v9;
	v9 =	vxor.u32 v8, v10;
	v10 =	vand.u32 $0x7FFFFFFF, v13;
	v11 =	vshra.s32 v6, $0x1F  }
0x28: {  	v8 =	vld [tilespmem:s16+$0x10];
	[tilespmem:s17+$0x1010] =	vst v9;
	v9 =	vxor.u32 v5, v10;
	v10 =	vand.u32 $0x7FFFFFFF, v11;
	v11 =	vshra.s32 v2, $0x1F  }
.Ltmp2:
0x29: {  	v5 =	vld [tilespmem:s16+$0x20];
	[tilespmem:s17+$0x1020] =	vst v9;
	v9 =	vxor.u32 v6, v10;
	v10 =	vand.u32 $0x7FFFFFFF, v11;
	v11 =	vshra.s32 v3, $0x1F;
	(pc) =	sbr.rel @!p2 .LBB2_4-.Ltmp2, $4  }
0x2a: {  	v6 =	vld [tilespmem:s16+$0x30];
	[tilespmem:s17+$0x1030] =	vst v9;
	v9 =	vxor.u32 v2, v10;
	v10 =	vand.u32 $0x7FFFFFFF, v11;
	v11 =	vshra.s32 v4, $0x1F  }
0x2b: {  	v2 =	vld [tilespmem:s16+$0x40];
	v13 =	vshra.s32 v12, $0x1F;
	[tilespmem:s17+$0x1040] =	vst v9;
	v9 =	vxor.u32 v3, v10;
	v10 =	vand.u32 $0x7FFFFFFF, v11  }
0x2c: {  	v11 =	vshra.s32 v7, $0x1F;
	v3 =	vld [tilespmem:s16+$0x50];
	v13 =	vand.u32 $0x7FFFFFFF, v13;
	[tilespmem:s17+$0x1050] =	vst v9;
	v14 =	vxor.u32 v4, v10  }
0x2d: {  	v9 =	vand.u32 $0x7FFFFFFF, v11;
	v10 =	vshra.s32 v8, $0x1F;
	v4 =	vld [tilespmem:s16+$0x60];
	v11 =	vxor.u32 v12, v13;
	[tilespmem:s17+$0x1060] =	vst v14;
	s17 =	smov.u32 s16;
	s16 =	sshra.s32 s18, $0x2;
	s18 =	sadd.s32 $0x200, s18  }
.LBB2_5:
0x2e: {  	v12 =	vld [tilespmem:s16+$0x70];
	[tilespmem:s17+$0x1070] =	vst @p1 v11;
	v7 =	vxor.u32 @p1 v7, v9  }
0x2f: {  	v10 =	vand.u32 @p1 $0x7FFFFFFF, v10;
	v51 =	vld [tilespmem:s16+$0x0];
	[tilespmem:s17+$0x1000] =	vst @p1 v7;
	v7 =	vshra.s32 @p1 v5, $0x1F  }
0x30: {  	v8 =	vxor.u32 @p1 v8, v10;
	v7 =	vand.u32 @p1 $0x7FFFFFFF, v7  }
0x31: {  	v52 =	vld [tilespmem:s16+$0x10];
	[tilespmem:s17+$0x1010] =	vst @p1 v8;
	v8 =	vshra.s32 @p1 v6, $0x1F;
	v5 =	vxor.u32 @p1 v5, v7  }
0x32: {  	v53 =	vld [tilespmem:s16+$0x20];
	v8 =	vand.u32 @p1 $0x7FFFFFFF, v8;
	[tilespmem:s17+$0x1020] =	vst @p1 v5;
	v5 =	vshra.s32 @p1 v2, $0x1F  }
0x33: {  	v6 =	vxor.u32 @p1 v6, v8;
	v5 =	vand.u32 @p1 $0x7FFFFFFF, v5  }
0x34: {  	v54 =	vld [tilespmem:s16+$0x30];
	[tilespmem:s17+$0x1030] =	vst @p1 v6;
	v6 =	vshra.s32 @p1 v3, $0x1F;
	v2 =	vxor.u32 @p1 v2, v5  }
0x35: {  	v55 =	vld [tilespmem:s16+$0x40];
	v6 =	vand.u32 @p1 $0x7FFFFFFF, v6;
	[tilespmem:s17+$0x1040] =	vst @p1 v2;
	v2 =	vshra.s32 @p1 v4, $0x1F  }
0x36: {  	v57 =	vshra.s32 v12, $0x1F;
	v3 =	vxor.u32 @p1 v3, v6;
	v2 =	vand.u32 @p1 $0x7FFFFFFF, v2  }
0x37: {  	v11 =	vand.u32 $0x7FFFFFFF, v57;
	v56 =	vld [tilespmem:s16+$0x50];
	[tilespmem:s17+$0x1050] =	vst @p1 v3;
	v3 =	vshra.s32 v51, $0x1F;
	v2 =	vxor.u32 @p1 v4, v2  }
0x38: {  	v13 =	vshra.s32 v52, $0x1F;
	v11 =	vxor.u32 v12, v11;
	v58 =	vld [tilespmem:s16+$0x60];
	v3 =	vand.u32 $0x7FFFFFFF, v3;
	[tilespmem:s17+$0x1060] =	vst @p1 v2  }
0x39: {  	v59 =	vshra.s32 v53, $0x1F;
	v2 =	vxor.u32 v51, v3;
	v3 =	vand.u32 $0x7FFFFFFF, v13;
	[tilespmem:s16+$0x1070] =	vst v11  }
0x3a: {  	v60 =	vshra.s32 v54, $0x1F;
	[tilespmem:s16+$0x1000] =	vst v2;
	v2 =	vxor.u32 v52, v3;
	v3 =	vand.u32 $0x7FFFFFFF, v59  }
0x3b: {  	v61 =	vshra.s32 v55, $0x1F;
	[tilespmem:s16+$0x1010] =	vst v2;
	v2 =	vxor.u32 v53, v3;
	v3 =	vand.u32 $0x7FFFFFFF, v60  }
0x3c: {  	[tilespmem:s16+$0x1020] =	vst v2;
	v2 =	vxor.u32 v54, v3;
	v3 =	vand.u32 $0x7FFFFFFF, v61;
	v62 =	vshra.s32 v56, $0x1F  }
0x3d: {  	[tilespmem:s16+$0x1030] =	vst v2;
	v2 =	vxor.u32 v55, v3;
	v3 =	vand.u32 $0x7FFFFFFF, v62;
	v63 =	vshra.s32 v58, $0x1F  }
0x3e: {  	[tilespmem:s16+$0x1040] =	vst v2;
	v2 =	vxor.u32 v56, v3;
	v3 =	vand.u32 $0x7FFFFFFF, v63  }
0x3f: {  	[tilespmem:s16+$0x1050] =	vst v2;
	v2 =	vxor.u32 v58, v3  }
0x40: {  	s18 =	simm.s32 $0x7FFFFFFF;
	s17 =	simm.s32 $0x0;
	[tilespmem:s16+$0x1060] =	vst v2;
	s16 =	simm.s32 $0x80000000  }
.LBB2_6:
0x41: {  	s22 =	simm.s32 $0x0  }
0x42: {  	v3 =	vld [tilespmem:s22+$0x1000]  }
0x43: {  	s19 =	sxor.u32 s16, s18;
	v5 =	vld [tilespmem:s22+$0x1010]  }
0x44: {  	s20 =	sor.u32 s16, s18;
	s19 =	sshra.s32 s19, $0x1;
	v7 =	vld [tilespmem:s22+$0x1020]  }
0x45: {  	v6 =	vld [tilespmem:s22+$0x1030];
	s19 =	ssub.s32 s20, s19  }
0x46: {  	v4 =	vld [tilespmem:s22+$0x1040];
	v2 =	vmov s19  }
0x47: {  	vm0 =	vge.s32 v3, v2;
	v3 =	vld [tilespmem:s22+$0x1050]  }
0x48: {  	v8 =	vimm.s32 $0x0;
	v9 =	vsel vm0, $0x1, v0;
	vm0 =	vge.s32 v5, v2;
	v5 =	vld [tilespmem:s22+$0x1060]  }
0x49: {  	s21 =	simm.s32 $0x400;
	s20 =	simm.s32 $0x80;
	v8 =	vadd.s32 v9, v8;
	v9 =	vsel vm0, $0x1, v0;
	vm0 =	vge.s32 v7, v2;
	v7 =	vld [tilespmem:s22+$0x1070]  }
.LBB2_7:
0x4a: {  	p1 =	sne.s32 s21, $0x3E00;
	v10 =	vld [tilespmem:s20+$0x1000];
	v8 =	vadd.s32 v9, v8;
	v9 =	vsel vm0, $0x1, v0;
	vm0 =	vge.s32 v6, v2  }
0x4b: {  	v11 =	vld [tilespmem:s20+$0x1010];
	v6 =	vadd.s32 v9, v8;
	v8 =	vsel vm0, $0x1, v0;
	vm0 =	vge.s32 v4, v2  }
0x4c: {  	v12 =	vld [tilespmem:s20+$0x1020];
	v4 =	vadd.s32 v8, v6;
	v8 =	vsel vm0, $0x1, v0;
	vm0 =	vge.s32 v3, v2  }
.Ltmp3:
0x4d: {  	v6 =	vld [tilespmem:s20+$0x1030];
	v3 =	vadd.s32 v8, v4;
	v8 =	vsel vm0, $0x1, v0;
	vm0 =	vge.s32 v5, v2;
	(pc) =	sbr.rel @p1 .LBB2_7-.Ltmp3, $4  }
0x4e: {  	v4 =	vld [tilespmem:s20+$0x1040];
	v5 =	vadd.s32 v8, v3;
	v8 =	vsel vm0, $0x1, v0;
	vm0 =	vge.s32 v7, v2  }
0x4f: {  	vm1 =	vge.s32 v10, v2;
	v3 =	vld [tilespmem:s20+$0x1050];
	v7 =	vadd.s32 v8, v5;
	v8 =	vsel vm0, $0x1, v0  }
0x50: {  	v9 =	vsel vm1, $0x1, v0;
	vm0 =	vge.s32 v11, v2;
	v5 =	vld [tilespmem:s20+$0x1060];
	v7 =	vadd.s32 v8, v7  }
0x51: {  	v8 =	vadd.s32 v9, v7;
	v9 =	vsel vm0, $0x1, v0;
	vm0 =	vge.s32 v12, v2;
	v7 =	vld [tilespmem:s20+$0x1070];
	s20 =	sshra.s32 s21, $0x2;
	s21 =	sadd.s32 $0x200, s21  }
0x52: {  	v10 =	vld [tilespmem:s20+$0x1000];
	v8 =	vadd.s32 v9, v8;
	v47 =	vsel vm0, $0x1, v0;
	vm4 =	vge.s32 v6, v2  }
0x53: {  	v48 =	vld [tilespmem:s20+$0x1010];
	v8 =	vadd.s32 v47, v8;
	v49 =	vsel vm4, $0x1, v0;
	vm5 =	vge.s32 v4, v2  }
0x54: {  	v50 =	vld [tilespmem:s20+$0x1020];
	v8 =	vadd.s32 v49, v8;
	v51 =	vsel vm5, $0x1, v0;
	vm6 =	vge.s32 v3, v2  }
0x55: {  	v3 =	vld [tilespmem:s20+$0x1030];
	v8 =	vadd.s32 v51, v8;
	v52 =	vsel vm6, $0x1, v0;
	vm7 =	vge.s32 v5, v2  }
0x56: {  	v53 =	vld [tilespmem:s20+$0x1040];
	v8 =	vadd.s32 v52, v8;
	v54 =	vsel vm7, $0x1, v0;
	vm8 =	vge.s32 v7, v2  }
0x57: {  	v55 =	vld [tilespmem:s20+$0x1050];
	vm1 =	vge.s32 v10, v2;
	v8 =	vadd.s32 v54, v8;
	v56 =	vsel vm8, $0x1, v0  }
0x58: {  	v57 =	vld [tilespmem:s20+$0x1060];
	vm9 =	vge.s32 v48, v2;
	v10 =	vsel vm1, $0x1, v0;
	v8 =	vadd.s32 v56, v8  }
0x59: {  	v59 =	vld [tilespmem:s20+$0x1070];
	vm10 =	vge.s32 v50, v2;
	v58 =	vsel vm9, $0x1, v0;
	v8 =	vadd.s32 v10, v8  }
0x5a: {  	v60 =	vsel vm10, $0x1, v0;
	vm11 =	vge.s32 v3, v2;
	v8 =	vadd.s32 v58, v8  }
0x5b: {  	vm12 =	vge.s32 v53, v2;
	v61 =	vsel vm11, $0x1, v0;
	v3 =	vadd.s32 v60, v8  }
0x5c: {  	vm13 =	vge.s32 v55, v2;
	v5 =	vsel vm12, $0x1, v0;
	v3 =	vadd.s32 v61, v3  }
0x5d: {  	vm14 =	vge.s32 v57, v2;
	v62 =	vsel vm13, $0x1, v0;
	v3 =	vadd.s32 v5, v3  }
0x5e: {  	vm15 =	vge.s32 v59, v2;
	v63 =	vsel vm14, $0x1, v0;
	v3 =	vadd.s32 v62, v3  }
0x5f: {  	v2 =	vadd.s32 v63, v3;
	v3 =	vsel vm15, $0x1, v0  }
0x60: {  	v2 =	vadd.s32 v3, v2  }
0x61: {  	(v2sf) =	vpush v2, $0x0  }
0x62: {  	(v2sf) =	vpush v2, $0x1  }
0x63: {  	(v2sf) =	vpush v2, $0x2  }
0x64: {  	(v2sf) =	vpush v2, $0x3  }
0x65: {  	(v2sf) =	vpush v2, $0x4  }
0x66: {  	(v2sf) =	vpush v2, $0x5  }
0x67: {  	(v2sf) =	vpush v2, $0x6  }
0x68: {  	(v2sf) =	vpush v2, $0x7  }
0x69: {  	(v2sf) =	vpush v2, $0x8  }
0x6a: {  	(v2sf) =	vpush v2, $0x9  }
0x6b: {  	(v2sf) =	vpush v2, $0xA  }
0x6c: {  	(v2sf) =	vpush v2, $0xB  }
0x6d: {  	(v2sf) =	vpush v2, $0xC  }
0x6e: {  	(v2sf) =	vpush v2, $0xD  }
0x6f: {  	(v2sf) =	vpush v2, $0xE  }
0x70: {  	s28 =	spop (v2sf);
	(v2sf) =	vpush v2, $0xF  }
0x71: {  	s21 =	spop (v2sf)  }
0x72: {  	s20 =	sadd.s32 s21, s28;
	s29 =	spop (v2sf)  }
0x73: {  	s20 =	sadd.s32 s29, s20;
	s30 =	spop (v2sf)  }
0x74: {  	s20 =	sadd.s32 s30, s20;
	s31 =	spop (v2sf)  }
0x75: {  	s20 =	sadd.s32 s31, s20;
	s0 =	spop (v2sf)  }
0x76: {  	s20 =	sadd.s32 s0, s20;
	s2 =	spop (v2sf)  }
0x77: {  	s20 =	sadd.s32 s2, s20;
	s22 =	spop (v2sf)  }
0x78: {  	s20 =	sadd.s32 s22, s20;
	s23 =	spop (v2sf)  }
0x79: {  	s20 =	sadd.s32 s23, s20;
	s24 =	spop (v2sf)  }
0x7a: {  	s20 =	sadd.s32 s24, s20;
	s25 =	spop (v2sf)  }
0x7b: {  	s20 =	sadd.s32 s25, s20;
	s26 =	spop (v2sf)  }
0x7c: {  	s20 =	sadd.s32 s26, s20;
	s28 =	spop (v2sf)  }
0x7d: {  	s17 =	sadd.s32 $0x1, s17;
	s20 =	sadd.s32 s28, s20;
	s29 =	spop (v2sf)  }
0x7e: {  	p2 =	seq.s32 s17, $0x20;
	s20 =	sadd.s32 s29, s20;
	s30 =	spop (v2sf)  }
.Ltmp4:
0x7f: {  	s20 =	sadd.s32 s30, s20;
	s31 =	spop (v2sf);
	(pc) =	sbr.rel @!p2 .LBB2_6-.Ltmp4, $4  }
0x80: {  	s20 =	sadd.s32 s31, s20  }
0x81: {  	p1 =	sgt.s32 s20, $0x63;
	s20 =	sadd.s32 $0xFFFFFFFF, s19  }
0x82: {  	s20 =	smov.u32 @p1 s18  }
0x83: {  	s16 =	smov.u32 @p1 s19;
	s18 =	smov.u32 s20  }
0x84: {  	s19 =	simm.s32 $0x0  }
0x85: {  	v3 =	vld [tilespmem:s19+$0x1000]  }
0x86: {  	v4 =	vld [tilespmem:s19+$0x1010]  }
0x87: {  	v10 =	vld [tilespmem:s19+$0x1020]  }
0x88: {  	v7 =	vld [tilespmem:s19+$0x1030]  }
0x89: {  	v2 =	vmov s16;
	v5 =	vld [tilespmem:s19+$0x1040]  }
0x8a: {  	vm0 =	vgt.s32 v3, v2;
	v3 =	vld [tilespmem:s19+$0x1050]  }
0x8b: {  	v6 =	vimm.s32 $0x0;
	v8 =	vsel vm0, $0x1, v0;
	vm0 =	vgt.s32 v4, v2;
	v4 =	vld [tilespmem:s19+$0x1060]  }
0x8c: {  	s17 =	simm.s32 $0x80;
	s18 =	simm.s32 $0x400;
	v8 =	vadd.s32 v8, v6;
	v9 =	vsel vm0, $0x1, v0;
	vm0 =	vgt.s32 v10, v2;
	v6 =	vld [tilespmem:s19+$0x1070]  }
.LBB2_10:
0x8d: {  	p1 =	sne.s32 s18, $0x3E00;
	v10 =	vld [tilespmem:s17+$0x1000];
	v8 =	vadd.s32 v9, v8;
	v9 =	vsel vm0, $0x1, v0;
	vm0 =	vgt.s32 v7, v2  }
0x8e: {  	v11 =	vld [tilespmem:s17+$0x1010];
	v7 =	vadd.s32 v9, v8;
	v8 =	vsel vm0, $0x1, v0;
	vm0 =	vgt.s32 v5, v2  }
0x8f: {  	v12 =	vld [tilespmem:s17+$0x1020];
	v5 =	vadd.s32 v8, v7;
	v8 =	vsel vm0, $0x1, v0;
	vm0 =	vgt.s32 v3, v2  }
.Ltmp5:
0x90: {  	v7 =	vld [tilespmem:s17+$0x1030];
	v3 =	vadd.s32 v8, v5;
	v8 =	vsel vm0, $0x1, v0;
	vm0 =	vgt.s32 v4, v2;
	(pc) =	sbr.rel @p1 .LBB2_10-.Ltmp5, $4  }
0x91: {  	v5 =	vld [tilespmem:s17+$0x1040];
	v4 =	vadd.s32 v8, v3;
	v8 =	vsel vm0, $0x1, v0;
	vm0 =	vgt.s32 v6, v2  }
0x92: {  	vm1 =	vgt.s32 v10, v2;
	v3 =	vld [tilespmem:s17+$0x1050];
	v6 =	vadd.s32 v8, v4;
	v8 =	vsel vm0, $0x1, v0  }
0x93: {  	v9 =	vsel vm1, $0x1, v0;
	vm0 =	vgt.s32 v11, v2;
	v4 =	vld [tilespmem:s17+$0x1060];
	v6 =	vadd.s32 v8, v6  }
0x94: {  	v8 =	vadd.s32 v9, v6;
	v9 =	vsel vm0, $0x1, v0;
	vm0 =	vgt.s32 v12, v2;
	v6 =	vld [tilespmem:s17+$0x1070];
	s17 =	sshra.s32 s18, $0x2;
	s18 =	sadd.s32 $0x200, s18  }
0x95: {  	v10 =	vld [tilespmem:s17+$0x1000];
	v8 =	vadd.s32 v9, v8;
	v46 =	vsel vm0, $0x1, v0;
	vm4 =	vgt.s32 v7, v2  }
0x96: {  	v47 =	vld [tilespmem:s17+$0x1010];
	v8 =	vadd.s32 v46, v8;
	v48 =	vsel vm4, $0x1, v0;
	vm5 =	vgt.s32 v5, v2  }
0x97: {  	v49 =	vld [tilespmem:s17+$0x1020];
	v8 =	vadd.s32 v48, v8;
	v50 =	vsel vm5, $0x1, v0;
	vm6 =	vgt.s32 v3, v2  }
0x98: {  	v3 =	vld [tilespmem:s17+$0x1030];
	v8 =	vadd.s32 v50, v8;
	v51 =	vsel vm6, $0x1, v0;
	vm7 =	vgt.s32 v4, v2  }
0x99: {  	v52 =	vld [tilespmem:s17+$0x1040];
	v8 =	vadd.s32 v51, v8;
	v53 =	vsel vm7, $0x1, v0;
	vm8 =	vgt.s32 v6, v2  }
0x9a: {  	v54 =	vld [tilespmem:s17+$0x1050];
	vm1 =	vgt.s32 v10, v2;
	v8 =	vadd.s32 v53, v8;
	v55 =	vsel vm8, $0x1, v0  }
0x9b: {  	v56 =	vld [tilespmem:s17+$0x1060];
	vm9 =	vgt.s32 v47, v2;
	v10 =	vsel vm1, $0x1, v0;
	v8 =	vadd.s32 v55, v8  }
0x9c: {  	v58 =	vld [tilespmem:s17+$0x1070];
	vm10 =	vgt.s32 v49, v2;
	v57 =	vsel vm9, $0x1, v0;
	v8 =	vadd.s32 v10, v8  }
0x9d: {  	v59 =	vsel vm10, $0x1, v0;
	vm11 =	vgt.s32 v3, v2;
	v8 =	vadd.s32 v57, v8  }
0x9e: {  	vm12 =	vgt.s32 v52, v2;
	v60 =	vsel vm11, $0x1, v0;
	v3 =	vadd.s32 v59, v8  }
0x9f: {  	vm13 =	vgt.s32 v54, v2;
	v4 =	vsel vm12, $0x1, v0;
	v3 =	vadd.s32 v60, v3  }
0xa0: {  	vm14 =	vgt.s32 v56, v2;
	v61 =	vsel vm13, $0x1, v0;
	v3 =	vadd.s32 v4, v3  }
0xa1: {  	vm15 =	vgt.s32 v58, v2;
	v62 =	vsel vm14, $0x1, v0;
	v3 =	vadd.s32 v61, v3  }
0xa2: {  	v63 =	vsel vm15, $0x1, v0;
	v3 =	vadd.s32 v62, v3  }
0xa3: {  	v3 =	vadd.s32 v63, v3  }
0xa4: {  	(v2sf) =	vpush v3, $0x0  }
0xa5: {  	(v2sf) =	vpush v3, $0x1  }
0xa6: {  	(v2sf) =	vpush v3, $0x2  }
0xa7: {  	(v2sf) =	vpush v3, $0x3  }
0xa8: {  	(v2sf) =	vpush v3, $0x4  }
0xa9: {  	(v2sf) =	vpush v3, $0x5  }
0xaa: {  	(v2sf) =	vpush v3, $0x6  }
0xab: {  	(v2sf) =	vpush v3, $0x7  }
0xac: {  	(v2sf) =	vpush v3, $0x8  }
0xad: {  	(v2sf) =	vpush v3, $0x9  }
0xae: {  	(v2sf) =	vpush v3, $0xA  }
0xaf: {  	(v2sf) =	vpush v3, $0xB  }
0xb0: {  	(v2sf) =	vpush v3, $0xC  }
0xb1: {  	(v2sf) =	vpush v3, $0xD  }
0xb2: {  	(v2sf) =	vpush v3, $0xE  }
0xb3: {  	s31 =	spop (v2sf);
	(v2sf) =	vpush v3, $0xF  }
0xb4: {  	s18 =	spop (v2sf)  }
0xb5: {  	s19 =	spop (v2sf);
	s17 =	sadd.s32 s31, s18  }
0xb6: {  	s0 =	spop (v2sf);
	s17 =	sadd.s32 s19, s17  }
0xb7: {  	s2 =	spop (v2sf);
	s17 =	sadd.s32 s0, s17  }
0xb8: {  	s20 =	spop (v2sf);
	s17 =	sadd.s32 s2, s17  }
0xb9: {  	s21 =	spop (v2sf);
	s17 =	sadd.s32 s20, s17  }
0xba: {  	s22 =	spop (v2sf);
	s17 =	sadd.s32 s21, s17  }
0xbb: {  	s23 =	spop (v2sf);
	s17 =	sadd.s32 s22, s17  }
0xbc: {  	s24 =	spop (v2sf);
	s17 =	sadd.s32 s23, s17  }
0xbd: {  	s25 =	spop (v2sf);
	s17 =	sadd.s32 s24, s17  }
0xbe: {  	s26 =	spop (v2sf);
	s17 =	sadd.s32 s25, s17  }
0xbf: {  	s28 =	spop (v2sf);
	s17 =	sadd.s32 s26, s17  }
0xc0: {  	s29 =	spop (v2sf);
	s17 =	sadd.s32 s28, s17  }
0xc1: {  	s30 =	spop (v2sf);
	s17 =	sadd.s32 s29, s17  }
0xc2: {  	s31 =	spop (v2sf);
	s17 =	sadd.s32 s30, s17  }
0xc3: {  	s19 =	simm.s32 $0x0;
	s17 =	sadd.s32 s31, s17  }
0xc4: {  	s20 =	simm.s32 $0xFFF;
	s18 =	ssub.s32 $0x64, s17;
	s17 =	simm.s32 $0x0  }
.LBB2_12:
0xc5: {  	s22 =	simm.s32 $0x1040  }
0xc6: {  	v4 =	vld [tilespmem:s22+$0x30]  }
0xc7: {  	v6 =	vld [tilespmem:s22+$0x20]  }
0xc8: {  	s21 =	sadd.s32 s17, s20;
	s23 =	simm.s32 $0x70;
	v5 =	vld [tilespmem:s22+$0x10]  }
0xc9: {  	s25 =	simm.s32 $0x60;
	v7 =	vimm.s32 $0x0;
	s31 =	simm.s32 $0x30;
	s21 =	sshra.s32 s21, $0x1;
	v8 =	vld [tilespmem:s22+$0x0];
	v10 =	vor.u32 s23, v1  }
0xca: {  	s28 =	simm.s32 $0x50;
	s24 =	simm.s32 $0x20;
	s29 =	simm.s32 $0x40;
	v9 =	vld [tilespmem:s22+$0xFFFFFFF0];
	v11 =	vor.u32 s25, v1;
	v12 =	vor.u32 s31, v1;
	v3 =	vmov s21  }
0xcb: {  	s26 =	simm.s32 $0x10;
	s25 =	simm.s32 $0x0;
	v13 =	vor.u32 s29, v1;
	v14 =	vor.u32 s28, v1;
	s23 =	simm.s32 $0xF0;
	vm0 =	vle.s32 v10, v3;
	v10 =	vld [tilespmem:s22+$0xFFFFFFC0]  }
.LBB2_13:
0xcc: {  	p1 =	sne.s32 s23, $0xFF0;
	v15 =	vor.u32 s25, v1;
	v16 =	vld [tilespmem:s22+$0xFFFFFFD0];
	v17 =	vor.u32 s26, v1;
	v18 =	vor.u32 s24, v1  }
0xcd: {  	vm5 =	vle.s32 v13, v3;
	vm3 =	vle.s32 v14, v3;
	vm1 =	vle.s32 v11, v3;
	v19 =	vld [tilespmem:s22+$0xFFFFFFE0]  }
0xce: {  	vm8 =	vle.s32 v12, v3;
	vm6 =	vle.s32 v17, v3;
	vm7 =	vle.s32 v18, v3  }
0xcf: {  	vm4 =	veq.s32 v6, v2;
	vm2 =	veq.s32 v4, v2;
	vm9 =	vle.s32 v15, v3  }
0xd0: {  	vm12 =	veq.s32 v5, v2;
	vm11 =	veq.s32 v8, v2;
	vm10 =	veq.s32 v10, v2  }
0xd1: {  	vm13 =	veq.s32 v9, v2;
	vm9 =	vmand vm10, vm9;
	vm10 =	veq.s32 v16, v2  }
0xd2: {  	v4 =	vsel vm9, $0x1, v0;
	vm6 =	vmand vm10, vm6;
	vm9 =	veq.s32 v19, v2  }
0xd3: {  	v4 =	vadd.s32 v4, v7;
	v5 =	vsel vm6, $0x1, v0;
	vm6 =	vmand vm9, vm7  }
0xd4: {  	v4 =	vadd.s32 v5, v4;
	v5 =	vsel vm6, $0x1, v0;
	vm6 =	vmand vm13, vm8  }
0xd5: {  	s22 =	sadd.s32 $0x80, s22;
	vm5 =	vmand vm11, vm5;
	v5 =	vadd.s32 v5, v4;
	v6 =	vsel vm6, $0x1, v0  }
0xd6: {  	vm3 =	vmand vm12, vm3;
	v7 =	vsel vm5, $0x1, v0;
	v4 =	vld [tilespmem:s22+$0x30];
	v5 =	vadd.s32 v6, v5  }
.Ltmp6:
0xd7: {  	vm1 =	vmand vm4, vm1;
	v8 =	vsel vm3, $0x1, v0;
	v6 =	vld [tilespmem:s22+$0x20];
	v7 =	vadd.s32 v7, v5;
	(pc) =	sbr.rel @p1 .LBB2_13-.Ltmp6, $4  }
0xd8: {  	vm0 =	vmand vm2, vm0;
	v9 =	vsel vm1, $0x1, v0;
	v5 =	vld [tilespmem:s22+$0x10];
	v7 =	vadd.s32 v8, v7  }
0xd9: {  	s28 =	sadd.s32 $0xFFFFFFE0, s23;
	s25 =	sadd.s32 $0xFFFFFFF0, s23;
	v12 =	vsel vm0, $0x1, v0;
	v10 =	vor.u32 s23, v1;
	v8 =	vld [tilespmem:s22+$0x0];
	v7 =	vadd.s32 v9, v7  }
0xda: {  	s24 =	sadd.s32 $0xFFFFFFB0, s23;
	s29 =	sadd.s32 $0xFFFFFFC0, s23;
	s30 =	sadd.s32 $0xFFFFFFD0, s23;
	v11 =	vor.u32 s25, v1;
	vm0 =	vle.s32 v10, v3;
	v9 =	vld [tilespmem:s22+$0xFFFFFFF0];
	v7 =	vadd.s32 v12, v7  }
0xdb: {  	s26 =	sadd.s32 $0xFFFFFFA0, s23;
	s25 =	sadd.s32 $0xFFFFFF90, s23;
	v13 =	vor.u32 s30, v1;
	v14 =	vor.u32 s28, v1;
	s23 =	sadd.s32 $0x80, s23;
	v12 =	vor.u32 s29, v1;
	v10 =	vld [tilespmem:s22+$0xFFFFFFC0]  }
0xdc: {  	v15 =	vor.u32 s25, v1;
	v16 =	vld [tilespmem:s22+$0xFFFFFFD0];
	v17 =	vor.u32 s26, v1;
	v18 =	vor.u32 s24, v1  }
0xdd: {  	v19 =	vld [tilespmem:s22+$0xFFFFFFE0];
	vm1 =	vle.s32 v13, v3;
	vm2 =	vle.s32 v14, v3;
	vm3 =	vle.s32 v11, v3  }
0xde: {  	vm6 =	vle.s32 v12, v3;
	vm8 =	veq.s32 v6, v2;
	vm9 =	veq.s32 v4, v2  }
0xdf: {  	vm4 =	vle.s32 v17, v3;
	vm5 =	vle.s32 v18, v3;
	vm7 =	vle.s32 v15, v3  }
0xe0: {  	vm12 =	veq.s32 v5, v2;
	vm11 =	veq.s32 v8, v2;
	vm10 =	veq.s32 v10, v2  }
0xe1: {  	vm13 =	veq.s32 v9, v2;
	vm7 =	vmand vm10, vm7;
	vm10 =	veq.s32 v16, v2  }
0xe2: {  	vm15 =	veq.s32 v19, v2;
	v3 =	vsel vm7, $0x1, v0;
	vm4 =	vmand vm10, vm4  }
0xe3: {  	vm10 =	vmand vm15, vm5;
	v3 =	vadd.s32 v3, v7;
	v57 =	vsel vm4, $0x1, v0  }
0xe4: {  	vm13 =	vmand vm13, vm6;
	v58 =	vsel vm10, $0x1, v0;
	v3 =	vadd.s32 v57, v3  }
0xe5: {  	vm1 =	vmand vm11, vm1;
	v59 =	vsel vm13, $0x1, v0;
	v3 =	vadd.s32 v58, v3  }
0xe6: {  	vm14 =	vmand vm12, vm2;
	v60 =	vsel vm1, $0x1, v0;
	v3 =	vadd.s32 v59, v3  }
0xe7: {  	v61 =	vsel vm14, $0x1, v0;
	vm15 =	vmand vm8, vm3;
	v3 =	vadd.s32 v60, v3  }
0xe8: {  	vm0 =	vmand vm9, vm0;
	v62 =	vsel vm15, $0x1, v0;
	v3 =	vadd.s32 v61, v3  }
0xe9: {  	v63 =	vsel vm0, $0x1, v0;
	v3 =	vadd.s32 v62, v3  }
0xea: {  	v3 =	vadd.s32 v63, v3  }
0xeb: {  	(v2sf) =	vpush v3, $0x0  }
0xec: {  	(v2sf) =	vpush v3, $0x1  }
0xed: {  	(v2sf) =	vpush v3, $0x2  }
0xee: {  	(v2sf) =	vpush v3, $0x3  }
0xef: {  	(v2sf) =	vpush v3, $0x4  }
0xf0: {  	(v2sf) =	vpush v3, $0x5  }
0xf1: {  	(v2sf) =	vpush v3, $0x6  }
0xf2: {  	(v2sf) =	vpush v3, $0x7  }
0xf3: {  	(v2sf) =	vpush v3, $0x8  }
0xf4: {  	(v2sf) =	vpush v3, $0x9  }
0xf5: {  	(v2sf) =	vpush v3, $0xA  }
0xf6: {  	(v2sf) =	vpush v3, $0xB  }
0xf7: {  	(v2sf) =	vpush v3, $0xC  }
0xf8: {  	(v2sf) =	vpush v3, $0xD  }
0xf9: {  	(v2sf) =	vpush v3, $0xE  }
0xfa: {  	s24 =	spop (v2sf);
	(v2sf) =	vpush v3, $0xF  }
0xfb: {  	s23 =	spop (v2sf)  }
0xfc: {  	s25 =	spop (v2sf);
	s22 =	sadd.s32 s23, s24  }
0xfd: {  	s26 =	spop (v2sf);
	s22 =	sadd.s32 s25, s22  }
0xfe: {  	s28 =	spop (v2sf);
	s22 =	sadd.s32 s26, s22  }
0xff: {  	s29 =	spop (v2sf);
	s22 =	sadd.s32 s28, s22  }
0x100: {  	s30 =	spop (v2sf);
	s22 =	sadd.s32 s29, s22  }
0x101: {  	s31 =	spop (v2sf);
	s22 =	sadd.s32 s30, s22  }
0x102: {  	s0 =	spop (v2sf);
	s22 =	sadd.s32 s31, s22  }
0x103: {  	s2 =	spop (v2sf);
	s22 =	sadd.s32 s0, s22  }
0x104: {  	s25 =	spop (v2sf);
	s22 =	sadd.s32 s2, s22  }
0x105: {  	s26 =	spop (v2sf);
	s22 =	sadd.s32 s25, s22  }
0x106: {  	s28 =	spop (v2sf);
	s22 =	sadd.s32 s26, s22  }
0x107: {  	s19 =	sadd.s32 $0x1, s19;
	s29 =	spop (v2sf);
	s22 =	sadd.s32 s28, s22  }
0x108: {  	p2 =	sne.s32 s19, $0xC;
	s30 =	spop (v2sf);
	s22 =	sadd.s32 s29, s22  }
.Ltmp7:
0x109: {  	s22 =	sadd.s32 s30, s22;
	s31 =	spop (v2sf);
	(pc) =	sbr.rel @p2 .LBB2_12-.Ltmp7, $4  }
0x10a: {  	s22 =	sadd.s32 s31, s22  }
0x10b: {  	p1 =	slt.s32 s22, s18  }
0x10c: {  	s22 =	sadd.s32 $0x1, s21;
	s21 =	smov.u32 @p1 s20  }
0x10d: {  	s17 =	smov.u32 @p1 s22;
	s20 =	smov.u32 s21  }
.Ltmp8:
0x10e: {  	(pc) =	sbr.rel @p0 .LBB2_16-.Ltmp8, $3  }
0x10f: {  	_ =	sdelay $0x1  }
0x110: {  	p1 =	sgt.s32 s18, $0x0;
	s18 =	simm.s32 $0x1  }
0x111: {  	s18 =	simm.s32 @!p1 $0x0  }
0x112: {  	s19 =	simm.s32 $0x1040  }
0x113: {  	v5 =	vld [tilespmem:s19+$0x30]  }
0x114: {  	v7 =	vld [tilespmem:s19+$0x20]  }
0x115: {  	v6 =	vld [tilespmem:s19+$0x10]  }
0x116: {  	v4 =	vmov s17;
	v3 =	vmov s18;
	v8 =	vimm.s32 $0x0;
	s20 =	simm.s32 $0x0;
	s21 =	simm.s32 $0x60;
	s22 =	simm.s32 $0x70;
	v9 =	vld [tilespmem:s19+$0x0]  }
0x117: {  	s29 =	simm.s32 $0x30;
	s23 =	simm.s32 $0x40;
	s24 =	simm.s32 $0x50;
	v10 =	vor.u32 s20, v1;
	v11 =	vld [tilespmem:s19+$0xFFFFFFF0];
	v12 =	vor.u32 s21, v1;
	v13 =	vor.u32 s22, v1  }
0x118: {  	s30 =	simm.s32 $0x10;
	s31 =	simm.s32 $0x20;
	v14 =	vld [tilespmem:s19+$0xFFFFFFE0];
	v15 =	vor.u32 s29, v1;
	v16 =	vor.u32 s23, v1;
	v17 =	vor.u32 s24, v1  }
0x119: {  	v18 =	vld [tilespmem:s19+$0xFFFFFFC0];
	v53 =	vor.u32 s30, v1;
	v19 =	vor.u32 s31, v1;
	vm7 =	vle.s32 v10, v4  }
0x11a: {  	v20 =	vld [tilespmem:s19+$0xFFFFFFD0];
	vm4 =	vle.s32 v17, v4;
	vm1 =	vle.s32 v12, v4;
	vm0 =	vle.s32 v13, v4  }
0x11b: {  	vm8 =	vle.s32 v19, v4;
	vm9 =	vle.s32 v15, v4;
	vm5 =	vle.s32 v16, v4  }
0x11c: {  	vm10 =	vle.s32 v53, v4;
	vm3 =	vgt.s32 v7, v2;
	vm2 =	vgt.s32 v5, v2  }
0x11d: {  	vm11 =	vgt.s32 v11, v2;
	vm12 =	vgt.s32 v9, v2;
	vm6 =	vgt.s32 v6, v2  }
0x11e: {  	vm13 =	vgt.s32 v18, v2;
	vm14 =	veq.s32 v18, v2;
	vm15 =	vgt.s32 v14, v2  }
0x11f: {  	v54 =	vsel vm13, $0x1, v0;
	vm7 =	vmand vm14, vm7;
	vm13 =	vgt.s32 v20, v2  }
0x120: {  	v55 =	vnsel vm7, $0x0, v3;
	vm7 =	veq.s32 v20, v2;
	v8 =	vadd.s32 v54, v8  }
0x121: {  	v56 =	vsel vm13, $0x1, v0;
	vm7 =	vmand vm7, vm10;
	v8 =	vadd.s32 v55, v8  }
0x122: {  	v57 =	vnsel vm7, $0x0, v3;
	vm7 =	veq.s32 v14, v2;
	v8 =	vadd.s32 v56, v8  }
0x123: {  	v58 =	vsel vm15, $0x1, v0;
	vm7 =	vmand vm7, vm8;
	v8 =	vadd.s32 v57, v8  }
0x124: {  	v59 =	vnsel vm7, $0x0, v3;
	vm7 =	veq.s32 v11, v2;
	v8 =	vadd.s32 v58, v8  }
0x125: {  	p1 =	sne.s32 s4, $0x80;
	v60 =	vsel vm11, $0x1, v0;
	vm7 =	vmand vm7, vm9;
	v8 =	vadd.s32 v59, v8  }
.Ltmp9:
0x126: {  	v61 =	vnsel vm7, $0x0, v3;
	vm7 =	veq.s32 v9, v2;
	v8 =	vadd.s32 v60, v8;
	(pc) =	sbr.rel @!p1 .LBB2_19-.Ltmp9, $4  }
0x127: {  	v62 =	vsel vm12, $0x1, v0;
	vm5 =	vmand vm7, vm5;
	v8 =	vadd.s32 v61, v8  }
0x128: {  	v63 =	vnsel vm5, $0x0, v3;
	vm5 =	veq.s32 v6, v2;
	v6 =	vadd.s32 v62, v8  }
0x129: {  	v8 =	vsel vm6, $0x1, v0;
	vm4 =	vmand vm5, vm4;
	v9 =	vadd.s32 v63, v6  }
0x12a: {  	s19 =	simm.s32 $0x80;
	s20 =	simm.s32 $0x10C0;
	v6 =	vnsel vm4, $0x0, v3;
	vm4 =	veq.s32 v7, v2;
	v7 =	vadd.s32 v8, v9  }
.LBB2_18:
0x12b: {  	v8 =	vld [tilespmem:s20+$0x30];
	v9 =	vsel vm3, $0x1, v0;
	vm1 =	vmand vm4, vm1;
	v6 =	vadd.s32 v6, v7  }
0x12c: {  	v7 =	vld [tilespmem:s20+$0x20];
	v10 =	vnsel vm1, $0x0, v3;
	vm1 =	veq.s32 v5, v2;
	v5 =	vadd.s32 v9, v6  }
0x12d: {  	v9 =	vsel vm2, $0x1, v0;
	v6 =	vld [tilespmem:s20+$0x10];
	vm0 =	vmand vm1, vm0;
	v5 =	vadd.s32 v10, v5  }
0x12e: {  	s21 =	sadd.s32 $0x60, s19;
	s22 =	sadd.s32 $0x70, s19;
	v10 =	vor.u32 s19, v1;
	v11 =	vld [tilespmem:s20+$0x0];
	v12 =	vnsel vm0, $0x0, v3;
	v19 =	vadd.s32 v9, v5  }
0x12f: {  	s23 =	sadd.s32 $0x30, s19;
	s24 =	sadd.s32 $0x40, s19;
	s25 =	sadd.s32 $0x50, s19;
	v13 =	vor.u32 s21, v1;
	v14 =	vor.u32 s22, v1;
	v9 =	vld [tilespmem:s20+$0xFFFFFFF0];
	v12 =	vadd.s32 v12, v19  }
0x130: {  	s21 =	sadd.s32 $0x10, s19;
	s22 =	sadd.s32 $0x20, s19;
	v16 =	vor.u32 s23, v1;
	v17 =	vor.u32 s24, v1;
	v18 =	vor.u32 s25, v1;
	v15 =	vld [tilespmem:s20+$0xFFFFFFE0];
	v5 =	vmovc v8  }
0x131: {  	s19 =	sadd.s32 $0x80, s19;
	vm10 =	vle.s32 v10, v4;
	v10 =	vor.u32 s21, v1;
	v19 =	vor.u32 s22, v1;
	v8 =	vld [tilespmem:s20+$0xFFFFFFC0]  }
0x132: {  	vm4 =	vle.s32 v18, v4;
	vm1 =	vle.s32 v13, v4;
	vm0 =	vle.s32 v14, v4;
	p1 =	sne.s32 s4, s19;
	v20 =	vld [tilespmem:s20+$0xFFFFFFD0]  }
0x133: {  	vm7 =	vle.s32 v16, v4;
	vm5 =	vle.s32 v17, v4;
	vm9 =	vle.s32 v19, v4  }
0x134: {  	vm11 =	vle.s32 v10, v4;
	vm3 =	vgt.s32 v7, v2;
	vm2 =	vgt.s32 v5, v2  }
0x135: {  	vm6 =	vgt.s32 v6, v2;
	vm8 =	vgt.s32 v11, v2;
	vm12 =	vgt.s32 v9, v2  }
0x136: {  	vm15 =	vgt.s32 v15, v2;
	vm13 =	vgt.s32 v8, v2;
	vm14 =	veq.s32 v8, v2  }
0x137: {  	v8 =	vsel vm13, $0x1, v0;
	vm10 =	vmand vm14, vm10;
	vm13 =	vgt.s32 v20, v2  }
0x138: {  	v10 =	vnsel vm10, $0x0, v3;
	vm10 =	veq.s32 v20, v2;
	v8 =	vadd.s32 v8, v12  }
0x139: {  	v12 =	vsel vm13, $0x1, v0;
	vm10 =	vmand vm10, vm11;
	v8 =	vadd.s32 v10, v8  }
0x13a: {  	v10 =	vnsel vm10, $0x0, v3;
	vm10 =	veq.s32 v15, v2;
	v8 =	vadd.s32 v12, v8  }
0x13b: {  	v12 =	vsel vm15, $0x1, v0;
	vm9 =	vmand vm10, vm9;
	v8 =	vadd.s32 v10, v8  }
0x13c: {  	v10 =	vnsel vm9, $0x0, v3;
	vm9 =	veq.s32 v9, v2;
	v8 =	vadd.s32 v12, v8  }
0x13d: {  	v9 =	vsel vm12, $0x1, v0;
	vm7 =	vmand vm9, vm7;
	v8 =	vadd.s32 v10, v8  }
.Ltmp10:
0x13e: {  	v10 =	vnsel vm7, $0x0, v3;
	vm7 =	veq.s32 v11, v2;
	v8 =	vadd.s32 v9, v8;
	(pc) =	sbr.rel @p1 .LBB2_18-.Ltmp10, $4  }
0x13f: {  	v9 =	vsel vm8, $0x1, v0;
	vm5 =	vmand vm7, vm5;
	v8 =	vadd.s32 v10, v8  }
0x140: {  	v10 =	vnsel vm5, $0x0, v3;
	vm5 =	veq.s32 v6, v2;
	v6 =	vadd.s32 v9, v8  }
0x141: {  	v8 =	vsel vm6, $0x1, v0;
	vm4 =	vmand vm5, vm4;
	v9 =	vadd.s32 v10, v6  }
0x142: {  	s20 =	sadd.s32 $0x80, s20;
	v6 =	vnsel vm4, $0x0, v3;
	vm4 =	veq.s32 v7, v2;
	v7 =	vadd.s32 v8, v9  }
.LBB2_19:
.Ltmp11:
0x143: {  	v4 =	vsel vm3, $0x1, v0;
	vm1 =	vmand vm4, vm1;
	v6 =	vadd.s32 v6, v7;
	(pc) =	sbr.rel .LBB2_20-.Ltmp11, $4  }
0x144: {  	vm15 =	veq.s32 v5, v2;
	v62 =	vnsel vm1, $0x0, v3;
	v2 =	vadd.s32 v4, v6  }
0x145: {  	v63 =	vsel vm2, $0x1, v0;
	vm0 =	vmand vm15, vm0;
	v2 =	vadd.s32 v62, v2  }
0x146: {  	v3 =	vnsel vm0, $0x0, v3;
	v2 =	vadd.s32 v63, v2  }
0x147: {  	v2 =	vadd.s32 v3, v2  }
.LBB2_16:
0x148: {  	v2 =	vimm.s32 $0x0  }
.LBB2_20:
0x149: {  	(v2sf) =	vpush v2, $0x0  }
0x14a: {  	(v2sf) =	vpush v2, $0x1  }
0x14b: {  	(v2sf) =	vpush v2, $0x2  }
0x14c: {  	(v2sf) =	vpush v2, $0x3  }
0x14d: {  	(v2sf) =	vpush v2, $0x4  }
0x14e: {  	(v2sf) =	vpush v2, $0x5  }
0x14f: {  	(v2sf) =	vpush v2, $0x6  }
0x150: {  	(v2sf) =	vpush v2, $0x7  }
0x151: {  	(v2sf) =	vpush v2, $0x8  }
0x152: {  	(v2sf) =	vpush v2, $0x9  }
0x153: {  	(v2sf) =	vpush v2, $0xA  }
0x154: {  	(v2sf) =	vpush v2, $0xB  }
0x155: {  	(v2sf) =	vpush v2, $0xC  }
0x156: {  	(v2sf) =	vpush v2, $0xD  }
0x157: {  	(v2sf) =	vpush v2, $0xE  }
0x158: {  	s19 =	spop (v2sf);
	(v2sf) =	vpush v2, $0xF  }
0x159: {  	s20 =	spop (v2sf)  }
0x15a: {  	s21 =	spop (v2sf);
	s19 =	sadd.s32 s20, s19  }
0x15b: {  	s30 =	spop (v2sf);
	s19 =	sadd.s32 s21, s19  }
0x15c: {  	s31 =	spop (v2sf);
	s19 =	sadd.s32 s30, s19  }
0x15d: {  	s0 =	spop (v2sf);
	s19 =	sadd.s32 s31, s19  }
0x15e: {  	s2 =	spop (v2sf);
	s19 =	sadd.s32 s0, s19  }
0x15f: {  	s22 =	spop (v2sf);
	s19 =	sadd.s32 s2, s19  }
0x160: {  	s23 =	spop (v2sf);
	s19 =	sadd.s32 s22, s19  }
0x161: {  	s24 =	spop (v2sf);
	s19 =	sadd.s32 s23, s19  }
0x162: {  	s25 =	spop (v2sf);
	s19 =	sadd.s32 s24, s19  }
0x163: {  	s26 =	spop (v2sf);
	s19 =	sadd.s32 s25, s19  }
0x164: {  	s28 =	spop (v2sf);
	s19 =	sadd.s32 s26, s19  }
0x165: {  	s20 =	simm.s32 $0x0;
	s29 =	spop (v2sf);
	s19 =	sadd.s32 s28, s19  }
0x166: {  	s21 =	rddreg [dreg:$0x1];
	s30 =	spop (v2sf);
	s19 =	sadd.s32 s29, s19  }
0x167: {  	s22 =	smov.u32 s4;
	s19 =	sadd.s32 s30, s19;
	s31 =	spop (v2sf)  }
0x168: {  	s23 =	smov.u32 s13;
	s24 =	simm.s32 $0x0;
	s19 =	sadd.s32 s31, s19  }
.LBB2_21:
0x169: {  	v2 =	vld [tilespmem:s23+$0x0];
	_ =	sdelay $0x4  }
0x16a: {  	(v2sf) =	vpush v2, $0x0;
	_ =	sdelay $0xd  }
0x16b: {  	p2 =	sle.s32 s22, s17  }
0x16c: {  	s26 =	smov.u32 s18;
	s28 =	simm.s32 $0x1;
	s25 =	spop (v2sf)  }
0x16d: {  	s26 =	simm.s32 @!p2 $0x0;
	p1 =	sgt.s32 s25, s16;
	p3 =	seq.s32 s25, s16  }
0x16e: {  	s28 =	simm.s32 @!p1 $0x0;
	s26 =	simm.s32 @!p3 $0x0  }
0x16f: {  	s25 =	sadd.s32 s28, s26  }
0x170: {  	p2 =	seq.s32 s25, $0x0  }
0x171: {  	s26 =	sadd.s32 @!p2 s19, s24  }
0x172: {  	s28 =	sshrl.u32 @!p2 s26, $0x3;
	s26 =	sshll.u32 @!p2 s26, $0x7  }
0x173: {  	s29 =	sshll.u32 @!p2 s28, $0xD;
	s26 =	sand.u32 @!p2 $0x380, s26  }
0x174: {  	s30 =	sadd.s32 @!p2 s20, s8;
	s31 =	sshll.u32 @!p2 s1, $0x6;
	s29 =	sor.u32 @!p2 s26, s29  }
0x175: {  	s0 =	simm.s32 @!p2 $0x1;
	s2 =	simm.s32 @!p2 $0x80;
	s29 =	sshrl.u32 @!p2 s29, $0x3  }
0x176: {  	s31 =	sor.u32 @!p2 $0x1C01, s31;
	s28 =	sshll.u32 @!p2 s28, $0xE;
	s29 =	sadd.s32 @!p2 s10, s29  }
0x177: {  	[hbm:s29@s2], [sflag:s31] =	dma.strided @!p2 [hbm:s30@s2], $0x80, s0, $0x10   }
0x178: {  	s26 =	sor.u32 @!p2 s26, s28;
	_ =	swait.ge @!p2 [sflag:s0], $0x80  }
0x179: {  	s26 =	sshrl.u32 @!p2 s26, $0x3;
	[sflag:s0] =	ssyncset.done @!p2 $0x0  }
0x17a: {  	s28 =	sadd.s32 @!p2 s21, s9;
	s26 =	sadd.s32 @!p2 s11, s26;
	[sflag:s0] =	ssyncadd.s32 @!p2 $0xFFFFFF80  }
0x17b: {  	[hbm:s26@s2], [sflag:s31] =	dma.strided @!p2 [hbm:s28@s2], $0x100, s0, $0x10   }
0x17c: {  	_ =	swait.ge @!p2 [sflag:s0], $0x100  }
0x17d: {  	(v2sf) =	vpush v2, $0x1;
	_ =	sdelay $0xd  }
0x17e: {  	p3 =	slt.s32 s22, s17  }
0x17f: {  	s26 =	smov.u32 s18;
	s28 =	simm.s32 $0x1;
	s30 =	spop (v2sf)  }
0x180: {  	s26 =	simm.s32 @!p3 $0x0;
	p1 =	sgt.s32 s30, s16;
	p3 =	seq.s32 s30, s16  }
0x181: {  	s28 =	simm.s32 @!p1 $0x0;
	s26 =	simm.s32 @!p3 $0x0  }
0x182: {  	s2 =	sadd.s32 s28, s26  }
0x183: {  	s24 =	sadd.s32 s24, s25;
	p1 =	seq.s32 s2, $0x0  }
0x184: {  	s25 =	sadd.s32 @!p1 s19, s24  }
0x185: {  	[sflag:s0] =	ssyncset.done @!p2 $0x0;
	s26 =	sshrl.u32 @!p1 s25, $0x3;
	s25 =	sshll.u32 @!p1 s25, $0x7  }
0x186: {  	[sflag:s0] =	ssyncadd.s32 @!p2 $0xFFFFFF00;
	s28 =	sshll.u32 @!p1 s26, $0xD;
	s25 =	sand.u32 @!p1 $0x380, s25  }
0x187: {  	s0 =	sadd.s32 @!p1 s20, s8;
	s29 =	sshll.u32 @!p1 s1, $0x6;
	s28 =	sor.u32 @!p1 s25, s28  }
0x188: {  	s30 =	simm.s32 @!p1 $0x1;
	s31 =	simm.s32 @!p1 $0x80;
	s28 =	sshrl.u32 @!p1 s28, $0x3  }
0x189: {  	s0 =	sadd.s32 @!p1 $0x10, s0;
	s29 =	sor.u32 @!p1 $0x1C01, s29;
	s28 =	sadd.s32 @!p1 s10, s28  }
0x18a: {  	[hbm:s28@s31], [sflag:s29] =	dma.strided @!p1 [hbm:s0@s31], $0x80, s30, $0x10   }
0x18b: {  	s0 =	sshll.u32 @!p1 s26, $0xE  }
0x18c: {  	_ =	swait.ge @!p1 [sflag:s30], $0x80;
	s0 =	sor.u32 @!p1 s25, s0  }
0x18d: {  	s25 =	sadd.s32 @!p1 s21, s9;
	[sflag:s30] =	ssyncset.done @!p1 $0x0;
	s0 =	sshrl.u32 @!p1 s0, $0x3  }
0x18e: {  	s25 =	sadd.s32 @!p1 $0x10, s25;
	[sflag:s30] =	ssyncadd.s32 @!p1 $0xFFFFFF80;
	s0 =	sadd.s32 @!p1 s11, s0  }
0x18f: {  	[hbm:s0@s31], [sflag:s29] =	dma.strided @!p1 [hbm:s25@s31], $0x100, s30, $0x10   }
0x190: {  	_ =	swait.ge @!p1 [sflag:s30], $0x100  }
0x191: {  	(v2sf) =	vpush v2, $0x2;
	_ =	sdelay $0xc  }
0x192: {  	s26 =	sadd.s32 $0x2, s22  }
0x193: {  	p3 =	sle.s32 s26, s17  }
0x194: {  	s26 =	simm.s32 $0x1;
	s25 =	smov.u32 s18;
	s31 =	spop (v2sf)  }
0x195: {  	s25 =	simm.s32 @!p3 $0x0;
	p2 =	sgt.s32 s31, s16;
	p3 =	seq.s32 s31, s16  }
0x196: {  	s26 =	simm.s32 @!p2 $0x0;
	s25 =	simm.s32 @!p3 $0x0  }
0x197: {  	s0 =	sadd.s32 s26, s25  }
0x198: {  	s2 =	sadd.s32 s2, s24;
	p2 =	seq.s32 s0, $0x0  }
0x199: {  	[sflag:s30] =	ssyncset.done @!p1 $0x0;
	s24 =	sadd.s32 @!p2 s19, s2  }
0x19a: {  	[sflag:s30] =	ssyncadd.s32 @!p1 $0xFFFFFF00;
	s25 =	sshrl.u32 @!p2 s24, $0x3;
	s24 =	sshll.u32 @!p2 s24, $0x7  }
0x19b: {  	s28 =	sadd.s32 @!p2 s20, s8;
	s26 =	sshll.u32 @!p2 s25, $0xD;
	s24 =	sand.u32 @!p2 $0x380, s24  }
0x19c: {  	s29 =	sshll.u32 @!p2 s1, $0x6;
	s30 =	simm.s32 @!p2 $0x1;
	s26 =	sor.u32 @!p2 s24, s26  }
0x19d: {  	s31 =	simm.s32 @!p2 $0x80;
	s28 =	sadd.s32 @!p2 $0x20, s28;
	s26 =	sshrl.u32 @!p2 s26, $0x3  }
0x19e: {  	s29 =	sor.u32 @!p2 $0x1C01, s29;
	s25 =	sshll.u32 @!p2 s25, $0xE;
	s26 =	sadd.s32 @!p2 s10, s26  }
0x19f: {  	[hbm:s26@s31], [sflag:s29] =	dma.strided @!p2 [hbm:s28@s31], $0x80, s30, $0x10   }
0x1a0: {  	s24 =	sor.u32 @!p2 s24, s25;
	_ =	swait.ge @!p2 [sflag:s30], $0x80  }
0x1a1: {  	s25 =	sadd.s32 @!p2 s21, s9;
	s24 =	sshrl.u32 @!p2 s24, $0x3;
	[sflag:s30] =	ssyncset.done @!p2 $0x0  }
0x1a2: {  	s25 =	sadd.s32 @!p2 $0x20, s25;
	s24 =	sadd.s32 @!p2 s11, s24;
	[sflag:s30] =	ssyncadd.s32 @!p2 $0xFFFFFF80  }
0x1a3: {  	[hbm:s24@s31], [sflag:s29] =	dma.strided @!p2 [hbm:s25@s31], $0x100, s30, $0x10   }
0x1a4: {  	_ =	swait.ge @!p2 [sflag:s30], $0x100  }
0x1a5: {  	(v2sf) =	vpush v2, $0x3;
	_ =	sdelay $0xd  }
0x1a6: {  	s26 =	simm.s32 $0x1;
	s29 =	sadd.s32 $0x3, s22  }
0x1a7: {  	s25 =	smov.u32 s18;
	p3 =	sle.s32 s29, s17;
	s28 =	spop (v2sf)  }
0x1a8: {  	s25 =	simm.s32 @!p3 $0x0;
	p1 =	sgt.s32 s28, s16;
	p3 =	seq.s32 s28, s16  }
0x1a9: {  	s26 =	simm.s32 @!p1 $0x0;
	s25 =	simm.s32 @!p3 $0x0  }
0x1aa: {  	s24 =	sadd.s32 s26, s25  }
0x1ab: {  	s0 =	sadd.s32 s0, s2;
	p1 =	seq.s32 s24, $0x0  }
0x1ac: {  	[sflag:s30] =	ssyncset.done @!p2 $0x0;
	s2 =	sadd.s32 @!p1 s19, s0  }
0x1ad: {  	[sflag:s30] =	ssyncadd.s32 @!p2 $0xFFFFFF00;
	s25 =	sshrl.u32 @!p1 s2, $0x3;
	s2 =	sshll.u32 @!p1 s2, $0x7  }
0x1ae: {  	s28 =	sadd.s32 @!p1 s20, s8;
	s26 =	sshll.u32 @!p1 s25, $0xD;
	s2 =	sand.u32 @!p1 $0x380, s2  }
0x1af: {  	s29 =	sshll.u32 @!p1 s1, $0x6;
	s30 =	simm.s32 @!p1 $0x1;
	s26 =	sor.u32 @!p1 s2, s26  }
0x1b0: {  	s31 =	simm.s32 @!p1 $0x80;
	s28 =	sadd.s32 @!p1 $0x30, s28;
	s26 =	sshrl.u32 @!p1 s26, $0x3  }
0x1b1: {  	s29 =	sor.u32 @!p1 $0x1C01, s29;
	s25 =	sshll.u32 @!p1 s25, $0xE;
	s26 =	sadd.s32 @!p1 s10, s26  }
0x1b2: {  	[hbm:s26@s31], [sflag:s29] =	dma.strided @!p1 [hbm:s28@s31], $0x80, s30, $0x10   }
0x1b3: {  	s2 =	sor.u32 @!p1 s2, s25;
	_ =	swait.ge @!p1 [sflag:s30], $0x80  }
0x1b4: {  	s25 =	sadd.s32 @!p1 s21, s9;
	s2 =	sshrl.u32 @!p1 s2, $0x3;
	[sflag:s30] =	ssyncset.done @!p1 $0x0  }
0x1b5: {  	s25 =	sadd.s32 @!p1 $0x30, s25;
	s2 =	sadd.s32 @!p1 s11, s2;
	[sflag:s30] =	ssyncadd.s32 @!p1 $0xFFFFFF80  }
0x1b6: {  	[hbm:s2@s31], [sflag:s29] =	dma.strided @!p1 [hbm:s25@s31], $0x100, s30, $0x10   }
0x1b7: {  	_ =	swait.ge @!p1 [sflag:s30], $0x100  }
0x1b8: {  	(v2sf) =	vpush v2, $0x4;
	_ =	sdelay $0xc  }
0x1b9: {  	s26 =	sadd.s32 $0x4, s22  }
0x1ba: {  	p3 =	sle.s32 s26, s17  }
0x1bb: {  	s26 =	simm.s32 $0x1;
	s25 =	smov.u32 s18;
	s31 =	spop (v2sf)  }
0x1bc: {  	s25 =	simm.s32 @!p3 $0x0;
	p2 =	sgt.s32 s31, s16;
	p3 =	seq.s32 s31, s16  }
0x1bd: {  	s26 =	simm.s32 @!p2 $0x0;
	s25 =	simm.s32 @!p3 $0x0  }
0x1be: {  	s2 =	sadd.s32 s26, s25  }
0x1bf: {  	s0 =	sadd.s32 s24, s0;
	p2 =	seq.s32 s2, $0x0  }
0x1c0: {  	[sflag:s30] =	ssyncset.done @!p1 $0x0;
	s24 =	sadd.s32 @!p2 s19, s0  }
0x1c1: {  	[sflag:s30] =	ssyncadd.s32 @!p1 $0xFFFFFF00;
	s25 =	sshrl.u32 @!p2 s24, $0x3;
	s24 =	sshll.u32 @!p2 s24, $0x7  }
0x1c2: {  	s28 =	sadd.s32 @!p2 s20, s8;
	s26 =	sshll.u32 @!p2 s25, $0xD;
	s24 =	sand.u32 @!p2 $0x380, s24  }
0x1c3: {  	s29 =	sshll.u32 @!p2 s1, $0x6;
	s30 =	simm.s32 @!p2 $0x1;
	s26 =	sor.u32 @!p2 s24, s26  }
0x1c4: {  	s31 =	simm.s32 @!p2 $0x80;
	s28 =	sadd.s32 @!p2 $0x40, s28;
	s26 =	sshrl.u32 @!p2 s26, $0x3  }
0x1c5: {  	s29 =	sor.u32 @!p2 $0x1C01, s29;
	s25 =	sshll.u32 @!p2 s25, $0xE;
	s26 =	sadd.s32 @!p2 s10, s26  }
0x1c6: {  	[hbm:s26@s31], [sflag:s29] =	dma.strided @!p2 [hbm:s28@s31], $0x80, s30, $0x10   }
0x1c7: {  	s24 =	sor.u32 @!p2 s24, s25;
	_ =	swait.ge @!p2 [sflag:s30], $0x80  }
0x1c8: {  	s25 =	sadd.s32 @!p2 s21, s9;
	s24 =	sshrl.u32 @!p2 s24, $0x3;
	[sflag:s30] =	ssyncset.done @!p2 $0x0  }
0x1c9: {  	s25 =	sadd.s32 @!p2 $0x40, s25;
	s24 =	sadd.s32 @!p2 s11, s24;
	[sflag:s30] =	ssyncadd.s32 @!p2 $0xFFFFFF80  }
0x1ca: {  	[hbm:s24@s31], [sflag:s29] =	dma.strided @!p2 [hbm:s25@s31], $0x100, s30, $0x10   }
0x1cb: {  	_ =	swait.ge @!p2 [sflag:s30], $0x100  }
0x1cc: {  	(v2sf) =	vpush v2, $0x5;
	_ =	sdelay $0xd  }
0x1cd: {  	s26 =	simm.s32 $0x1;
	s29 =	sadd.s32 $0x5, s22  }
0x1ce: {  	s25 =	smov.u32 s18;
	p3 =	sle.s32 s29, s17;
	s28 =	spop (v2sf)  }
0x1cf: {  	s25 =	simm.s32 @!p3 $0x0;
	p1 =	sgt.s32 s28, s16;
	p3 =	seq.s32 s28, s16  }
0x1d0: {  	s26 =	simm.s32 @!p1 $0x0;
	s25 =	simm.s32 @!p3 $0x0  }
0x1d1: {  	s24 =	sadd.s32 s26, s25  }
0x1d2: {  	s0 =	sadd.s32 s2, s0;
	p1 =	seq.s32 s24, $0x0  }
0x1d3: {  	[sflag:s30] =	ssyncset.done @!p2 $0x0;
	s2 =	sadd.s32 @!p1 s19, s0  }
0x1d4: {  	[sflag:s30] =	ssyncadd.s32 @!p2 $0xFFFFFF00;
	s25 =	sshrl.u32 @!p1 s2, $0x3;
	s2 =	sshll.u32 @!p1 s2, $0x7  }
0x1d5: {  	s28 =	sadd.s32 @!p1 s20, s8;
	s26 =	sshll.u32 @!p1 s25, $0xD;
	s2 =	sand.u32 @!p1 $0x380, s2  }
0x1d6: {  	s29 =	sshll.u32 @!p1 s1, $0x6;
	s30 =	simm.s32 @!p1 $0x1;
	s26 =	sor.u32 @!p1 s2, s26  }
0x1d7: {  	s31 =	simm.s32 @!p1 $0x80;
	s28 =	sadd.s32 @!p1 $0x50, s28;
	s26 =	sshrl.u32 @!p1 s26, $0x3  }
0x1d8: {  	s29 =	sor.u32 @!p1 $0x1C01, s29;
	s25 =	sshll.u32 @!p1 s25, $0xE;
	s26 =	sadd.s32 @!p1 s10, s26  }
0x1d9: {  	[hbm:s26@s31], [sflag:s29] =	dma.strided @!p1 [hbm:s28@s31], $0x80, s30, $0x10   }
0x1da: {  	s2 =	sor.u32 @!p1 s2, s25;
	_ =	swait.ge @!p1 [sflag:s30], $0x80  }
0x1db: {  	s25 =	sadd.s32 @!p1 s21, s9;
	s2 =	sshrl.u32 @!p1 s2, $0x3;
	[sflag:s30] =	ssyncset.done @!p1 $0x0  }
0x1dc: {  	s25 =	sadd.s32 @!p1 $0x50, s25;
	s2 =	sadd.s32 @!p1 s11, s2;
	[sflag:s30] =	ssyncadd.s32 @!p1 $0xFFFFFF80  }
0x1dd: {  	[hbm:s2@s31], [sflag:s29] =	dma.strided @!p1 [hbm:s25@s31], $0x100, s30, $0x10   }
0x1de: {  	_ =	swait.ge @!p1 [sflag:s30], $0x100  }
0x1df: {  	(v2sf) =	vpush v2, $0x6;
	_ =	sdelay $0xc  }
0x1e0: {  	s26 =	sadd.s32 $0x6, s22  }
0x1e1: {  	p3 =	sle.s32 s26, s17  }
0x1e2: {  	s26 =	simm.s32 $0x1;
	s25 =	smov.u32 s18;
	s31 =	spop (v2sf)  }
0x1e3: {  	s25 =	simm.s32 @!p3 $0x0;
	p2 =	sgt.s32 s31, s16;
	p3 =	seq.s32 s31, s16  }
0x1e4: {  	s26 =	simm.s32 @!p2 $0x0;
	s25 =	simm.s32 @!p3 $0x0  }
0x1e5: {  	s2 =	sadd.s32 s26, s25  }
0x1e6: {  	s0 =	sadd.s32 s24, s0;
	p2 =	seq.s32 s2, $0x0  }
0x1e7: {  	[sflag:s30] =	ssyncset.done @!p1 $0x0;
	s24 =	sadd.s32 @!p2 s19, s0  }
0x1e8: {  	[sflag:s30] =	ssyncadd.s32 @!p1 $0xFFFFFF00;
	s25 =	sshrl.u32 @!p2 s24, $0x3;
	s24 =	sshll.u32 @!p2 s24, $0x7  }
0x1e9: {  	s28 =	sadd.s32 @!p2 s20, s8;
	s26 =	sshll.u32 @!p2 s25, $0xD;
	s24 =	sand.u32 @!p2 $0x380, s24  }
0x1ea: {  	s29 =	sshll.u32 @!p2 s1, $0x6;
	s30 =	simm.s32 @!p2 $0x1;
	s26 =	sor.u32 @!p2 s24, s26  }
0x1eb: {  	s31 =	simm.s32 @!p2 $0x80;
	s28 =	sadd.s32 @!p2 $0x60, s28;
	s26 =	sshrl.u32 @!p2 s26, $0x3  }
0x1ec: {  	s29 =	sor.u32 @!p2 $0x1C01, s29;
	s25 =	sshll.u32 @!p2 s25, $0xE;
	s26 =	sadd.s32 @!p2 s10, s26  }
0x1ed: {  	[hbm:s26@s31], [sflag:s29] =	dma.strided @!p2 [hbm:s28@s31], $0x80, s30, $0x10   }
0x1ee: {  	s24 =	sor.u32 @!p2 s24, s25;
	_ =	swait.ge @!p2 [sflag:s30], $0x80  }
0x1ef: {  	s25 =	sadd.s32 @!p2 s21, s9;
	s24 =	sshrl.u32 @!p2 s24, $0x3;
	[sflag:s30] =	ssyncset.done @!p2 $0x0  }
0x1f0: {  	s25 =	sadd.s32 @!p2 $0x60, s25;
	s24 =	sadd.s32 @!p2 s11, s24;
	[sflag:s30] =	ssyncadd.s32 @!p2 $0xFFFFFF80  }
0x1f1: {  	[hbm:s24@s31], [sflag:s29] =	dma.strided @!p2 [hbm:s25@s31], $0x100, s30, $0x10   }
0x1f2: {  	_ =	swait.ge @!p2 [sflag:s30], $0x100  }
0x1f3: {  	(v2sf) =	vpush v2, $0x7;
	_ =	sdelay $0xd  }
0x1f4: {  	s26 =	simm.s32 $0x1;
	s29 =	sadd.s32 $0x7, s22  }
0x1f5: {  	s25 =	smov.u32 s18;
	p3 =	sle.s32 s29, s17;
	s28 =	spop (v2sf)  }
0x1f6: {  	s25 =	simm.s32 @!p3 $0x0;
	p1 =	sgt.s32 s28, s16;
	p3 =	seq.s32 s28, s16  }
0x1f7: {  	s26 =	simm.s32 @!p1 $0x0;
	s25 =	simm.s32 @!p3 $0x0  }
0x1f8: {  	s24 =	sadd.s32 s26, s25  }
0x1f9: {  	s0 =	sadd.s32 s2, s0;
	p1 =	seq.s32 s24, $0x0  }
0x1fa: {  	[sflag:s30] =	ssyncset.done @!p2 $0x0;
	s2 =	sadd.s32 @!p1 s19, s0  }
0x1fb: {  	[sflag:s30] =	ssyncadd.s32 @!p2 $0xFFFFFF00;
	s25 =	sshrl.u32 @!p1 s2, $0x3;
	s2 =	sshll.u32 @!p1 s2, $0x7  }
0x1fc: {  	s28 =	sadd.s32 @!p1 s20, s8;
	s26 =	sshll.u32 @!p1 s25, $0xD;
	s2 =	sand.u32 @!p1 $0x380, s2  }
0x1fd: {  	s29 =	sshll.u32 @!p1 s1, $0x6;
	s30 =	simm.s32 @!p1 $0x1;
	s26 =	sor.u32 @!p1 s2, s26  }
0x1fe: {  	s31 =	simm.s32 @!p1 $0x80;
	s28 =	sadd.s32 @!p1 $0x70, s28;
	s26 =	sshrl.u32 @!p1 s26, $0x3  }
0x1ff: {  	s29 =	sor.u32 @!p1 $0x1C01, s29;
	s25 =	sshll.u32 @!p1 s25, $0xE;
	s26 =	sadd.s32 @!p1 s10, s26  }
0x200: {  	[hbm:s26@s31], [sflag:s29] =	dma.strided @!p1 [hbm:s28@s31], $0x80, s30, $0x10   }
0x201: {  	s2 =	sor.u32 @!p1 s2, s25;
	_ =	swait.ge @!p1 [sflag:s30], $0x80  }
0x202: {  	s25 =	sadd.s32 @!p1 s21, s9;
	s2 =	sshrl.u32 @!p1 s2, $0x3;
	[sflag:s30] =	ssyncset.done @!p1 $0x0  }
0x203: {  	s25 =	sadd.s32 @!p1 $0x70, s25;
	s2 =	sadd.s32 @!p1 s11, s2;
	[sflag:s30] =	ssyncadd.s32 @!p1 $0xFFFFFF80  }
0x204: {  	[hbm:s2@s31], [sflag:s29] =	dma.strided @!p1 [hbm:s25@s31], $0x100, s30, $0x10   }
0x205: {  	_ =	swait.ge @!p1 [sflag:s30], $0x100  }
0x206: {  	(v2sf) =	vpush v2, $0x8;
	_ =	sdelay $0xc  }
0x207: {  	s26 =	sadd.s32 $0x8, s22  }
0x208: {  	p3 =	sle.s32 s26, s17  }
0x209: {  	s26 =	simm.s32 $0x1;
	s25 =	smov.u32 s18;
	s31 =	spop (v2sf)  }
0x20a: {  	s25 =	simm.s32 @!p3 $0x0;
	p2 =	sgt.s32 s31, s16;
	p3 =	seq.s32 s31, s16  }
0x20b: {  	s26 =	simm.s32 @!p2 $0x0;
	s25 =	simm.s32 @!p3 $0x0  }
0x20c: {  	s2 =	sadd.s32 s26, s25  }
0x20d: {  	s0 =	sadd.s32 s24, s0;
	p2 =	seq.s32 s2, $0x0  }
0x20e: {  	s24 =	sadd.s32 @!p2 s19, s0  }
0x20f: {  	[sflag:s30] =	ssyncset.done @!p1 $0x0;
	s25 =	sshrl.u32 @!p2 s24, $0x3;
	s24 =	sshll.u32 @!p2 s24, $0x7  }
0x210: {  	[sflag:s30] =	ssyncadd.s32 @!p1 $0xFFFFFF00;
	s26 =	sshll.u32 @!p2 s25, $0xD;
	s24 =	sand.u32 @!p2 $0x380, s24  }
0x211: {  	s28 =	sadd.s32 @!p2 s20, s7;
	s29 =	sshll.u32 @!p2 s1, $0x6;
	s26 =	sor.u32 @!p2 s24, s26  }
0x212: {  	s30 =	simm.s32 @!p2 $0x1;
	s31 =	simm.s32 @!p2 $0x80;
	s26 =	sshrl.u32 @!p2 s26, $0x3  }
0x213: {  	s29 =	sor.u32 @!p2 $0x1C01, s29;
	s25 =	sshll.u32 @!p2 s25, $0xE;
	s26 =	sadd.s32 @!p2 s10, s26  }
0x214: {  	[hbm:s26@s31], [sflag:s29] =	dma.strided @!p2 [hbm:s28@s31], $0x80, s30, $0x10   }
0x215: {  	s24 =	sor.u32 @!p2 s24, s25;
	_ =	swait.ge @!p2 [sflag:s30], $0x80  }
0x216: {  	s24 =	sshrl.u32 @!p2 s24, $0x3;
	[sflag:s30] =	ssyncset.done @!p2 $0x0  }
0x217: {  	s25 =	sadd.s32 @!p2 s21, s6;
	s24 =	sadd.s32 @!p2 s11, s24;
	[sflag:s30] =	ssyncadd.s32 @!p2 $0xFFFFFF80  }
0x218: {  	[hbm:s24@s31], [sflag:s29] =	dma.strided @!p2 [hbm:s25@s31], $0x100, s30, $0x10   }
0x219: {  	_ =	swait.ge @!p2 [sflag:s30], $0x100  }
0x21a: {  	(v2sf) =	vpush v2, $0x9;
	_ =	sdelay $0xd  }
0x21b: {  	s26 =	simm.s32 $0x1;
	s29 =	sadd.s32 $0x9, s22  }
0x21c: {  	s25 =	smov.u32 s18;
	p3 =	sle.s32 s29, s17;
	s28 =	spop (v2sf)  }
0x21d: {  	s25 =	simm.s32 @!p3 $0x0;
	p1 =	sgt.s32 s28, s16;
	p3 =	seq.s32 s28, s16  }
0x21e: {  	s26 =	simm.s32 @!p1 $0x0;
	s25 =	simm.s32 @!p3 $0x0  }
0x21f: {  	s24 =	sadd.s32 s26, s25  }
0x220: {  	s0 =	sadd.s32 s2, s0;
	p1 =	seq.s32 s24, $0x0  }
0x221: {  	[sflag:s30] =	ssyncset.done @!p2 $0x0;
	s2 =	sadd.s32 @!p1 s19, s0  }
0x222: {  	[sflag:s30] =	ssyncadd.s32 @!p2 $0xFFFFFF00;
	s25 =	sshrl.u32 @!p1 s2, $0x3;
	s2 =	sshll.u32 @!p1 s2, $0x7  }
0x223: {  	s28 =	rddreg [dreg:$0x4];
	s26 =	sshll.u32 @!p1 s25, $0xD;
	s2 =	sand.u32 @!p1 $0x380, s2  }
0x224: {  	s28 =	sadd.s32 @!p1 s20, s28;
	s29 =	sshll.u32 @!p1 s1, $0x6;
	s26 =	sor.u32 @!p1 s2, s26  }
0x225: {  	s30 =	simm.s32 @!p1 $0x1;
	s31 =	simm.s32 @!p1 $0x80;
	s26 =	sshrl.u32 @!p1 s26, $0x3  }
0x226: {  	s29 =	sor.u32 @!p1 $0x1C01, s29;
	s25 =	sshll.u32 @!p1 s25, $0xE;
	s26 =	sadd.s32 @!p1 s10, s26  }
0x227: {  	[hbm:s26@s31], [sflag:s29] =	dma.strided @!p1 [hbm:s28@s31], $0x80, s30, $0x10   }
0x228: {  	s2 =	sor.u32 @!p1 s2, s25;
	_ =	swait.ge @!p1 [sflag:s30], $0x80  }
0x229: {  	s2 =	sshrl.u32 @!p1 s2, $0x3;
	s26 =	rddreg [dreg:$0x3];
	[sflag:s30] =	ssyncset.done @!p1 $0x0  }
0x22a: {  	s2 =	sadd.s32 @!p1 s11, s2;
	[sflag:s30] =	ssyncadd.s32 @!p1 $0xFFFFFF80;
	s25 =	sadd.s32 @!p1 s21, s26  }
0x22b: {  	[hbm:s2@s31], [sflag:s29] =	dma.strided @!p1 [hbm:s25@s31], $0x100, s30, $0x10   }
0x22c: {  	_ =	swait.ge @!p1 [sflag:s30], $0x100  }
0x22d: {  	(v2sf) =	vpush v2, $0xA;
	_ =	sdelay $0xc  }
0x22e: {  	s26 =	sadd.s32 $0xA, s22  }
0x22f: {  	p3 =	sle.s32 s26, s17  }
0x230: {  	s25 =	smov.u32 s18;
	s26 =	simm.s32 $0x1;
	s31 =	spop (v2sf)  }
0x231: {  	s25 =	simm.s32 @!p3 $0x0;
	p2 =	sgt.s32 s31, s16;
	p3 =	seq.s32 s31, s16  }
0x232: {  	s26 =	simm.s32 @!p2 $0x0;
	s25 =	simm.s32 @!p3 $0x0  }
0x233: {  	s2 =	sadd.s32 s26, s25  }
0x234: {  	s0 =	sadd.s32 s24, s0;
	p2 =	seq.s32 s2, $0x0  }
0x235: {  	s28 =	rddreg [dreg:$0x6];
	s24 =	sadd.s32 @!p2 s19, s0  }
0x236: {  	[sflag:s30] =	ssyncset.done @!p1 $0x0;
	s25 =	sshrl.u32 @!p2 s24, $0x3;
	s24 =	sshll.u32 @!p2 s24, $0x7  }
0x237: {  	[sflag:s30] =	ssyncadd.s32 @!p1 $0xFFFFFF00;
	s26 =	sshll.u32 @!p2 s25, $0xD;
	s24 =	sand.u32 @!p2 $0x380, s24  }
0x238: {  	s28 =	sadd.s32 @!p2 s20, s28;
	s29 =	sshll.u32 @!p2 s1, $0x6;
	s26 =	sor.u32 @!p2 s24, s26  }
0x239: {  	s30 =	simm.s32 @!p2 $0x1;
	s31 =	simm.s32 @!p2 $0x80;
	s26 =	sshrl.u32 @!p2 s26, $0x3  }
0x23a: {  	s29 =	sor.u32 @!p2 $0x1C01, s29;
	s25 =	sshll.u32 @!p2 s25, $0xE;
	s26 =	sadd.s32 @!p2 s10, s26  }
0x23b: {  	[hbm:s26@s31], [sflag:s29] =	dma.strided @!p2 [hbm:s28@s31], $0x80, s30, $0x10   }
0x23c: {  	s24 =	sor.u32 @!p2 s24, s25;
	_ =	swait.ge @!p2 [sflag:s30], $0x80  }
0x23d: {  	s24 =	sshrl.u32 @!p2 s24, $0x3;
	s26 =	rddreg [dreg:$0x5];
	[sflag:s30] =	ssyncset.done @!p2 $0x0  }
0x23e: {  	s24 =	sadd.s32 @!p2 s11, s24;
	[sflag:s30] =	ssyncadd.s32 @!p2 $0xFFFFFF80;
	s25 =	sadd.s32 @!p2 s21, s26  }
0x23f: {  	[hbm:s24@s31], [sflag:s29] =	dma.strided @!p2 [hbm:s25@s31], $0x100, s30, $0x10   }
0x240: {  	_ =	swait.ge @!p2 [sflag:s30], $0x100  }
0x241: {  	(v2sf) =	vpush v2, $0xB;
	_ =	sdelay $0xd  }
0x242: {  	s26 =	simm.s32 $0x1;
	s29 =	sadd.s32 $0xB, s22  }
0x243: {  	s25 =	smov.u32 s18;
	p3 =	sle.s32 s29, s17;
	s28 =	spop (v2sf)  }
0x244: {  	s25 =	simm.s32 @!p3 $0x0;
	p1 =	sgt.s32 s28, s16;
	p3 =	seq.s32 s28, s16  }
0x245: {  	s26 =	simm.s32 @!p1 $0x0;
	s25 =	simm.s32 @!p3 $0x0  }
0x246: {  	s24 =	sadd.s32 s26, s25  }
0x247: {  	s0 =	sadd.s32 s2, s0;
	p1 =	seq.s32 s24, $0x0  }
0x248: {  	[sflag:s30] =	ssyncset.done @!p2 $0x0;
	s2 =	sadd.s32 @!p1 s19, s0  }
0x249: {  	[sflag:s30] =	ssyncadd.s32 @!p2 $0xFFFFFF00;
	s25 =	sshrl.u32 @!p1 s2, $0x3;
	s2 =	sshll.u32 @!p1 s2, $0x7  }
0x24a: {  	s28 =	rddreg [dreg:$0x8];
	s26 =	sshll.u32 @!p1 s25, $0xD;
	s2 =	sand.u32 @!p1 $0x380, s2  }
0x24b: {  	s28 =	sadd.s32 @!p1 s20, s28;
	s29 =	sshll.u32 @!p1 s1, $0x6;
	s26 =	sor.u32 @!p1 s2, s26  }
0x24c: {  	s30 =	simm.s32 @!p1 $0x1;
	s31 =	simm.s32 @!p1 $0x80;
	s26 =	sshrl.u32 @!p1 s26, $0x3  }
0x24d: {  	s29 =	sor.u32 @!p1 $0x1C01, s29;
	s25 =	sshll.u32 @!p1 s25, $0xE;
	s26 =	sadd.s32 @!p1 s10, s26  }
0x24e: {  	[hbm:s26@s31], [sflag:s29] =	dma.strided @!p1 [hbm:s28@s31], $0x80, s30, $0x10   }
0x24f: {  	s2 =	sor.u32 @!p1 s2, s25;
	_ =	swait.ge @!p1 [sflag:s30], $0x80  }
0x250: {  	s2 =	sshrl.u32 @!p1 s2, $0x3;
	s26 =	rddreg [dreg:$0x7];
	[sflag:s30] =	ssyncset.done @!p1 $0x0  }
0x251: {  	s2 =	sadd.s32 @!p1 s11, s2;
	[sflag:s30] =	ssyncadd.s32 @!p1 $0xFFFFFF80;
	s25 =	sadd.s32 @!p1 s21, s26  }
0x252: {  	[hbm:s2@s31], [sflag:s29] =	dma.strided @!p1 [hbm:s25@s31], $0x100, s30, $0x10   }
0x253: {  	_ =	swait.ge @!p1 [sflag:s30], $0x100  }
0x254: {  	(v2sf) =	vpush v2, $0xC;
	_ =	sdelay $0xc  }
0x255: {  	s26 =	sadd.s32 $0xC, s22  }
0x256: {  	p3 =	sle.s32 s26, s17  }
0x257: {  	s25 =	smov.u32 s18;
	s26 =	simm.s32 $0x1;
	s31 =	spop (v2sf)  }
0x258: {  	s25 =	simm.s32 @!p3 $0x0;
	p2 =	sgt.s32 s31, s16;
	p3 =	seq.s32 s31, s16  }
0x259: {  	s26 =	simm.s32 @!p2 $0x0;
	s25 =	simm.s32 @!p3 $0x0  }
0x25a: {  	s2 =	sadd.s32 s26, s25  }
0x25b: {  	s0 =	sadd.s32 s24, s0;
	p2 =	seq.s32 s2, $0x0  }
0x25c: {  	s28 =	rddreg [dreg:$0xa];
	s24 =	sadd.s32 @!p2 s19, s0  }
0x25d: {  	[sflag:s30] =	ssyncset.done @!p1 $0x0;
	s25 =	sshrl.u32 @!p2 s24, $0x3;
	s24 =	sshll.u32 @!p2 s24, $0x7  }
0x25e: {  	[sflag:s30] =	ssyncadd.s32 @!p1 $0xFFFFFF00;
	s26 =	sshll.u32 @!p2 s25, $0xD;
	s24 =	sand.u32 @!p2 $0x380, s24  }
0x25f: {  	s28 =	sadd.s32 @!p2 s20, s28;
	s29 =	sshll.u32 @!p2 s1, $0x6;
	s26 =	sor.u32 @!p2 s24, s26  }
0x260: {  	s30 =	simm.s32 @!p2 $0x1;
	s31 =	simm.s32 @!p2 $0x80;
	s26 =	sshrl.u32 @!p2 s26, $0x3  }
0x261: {  	s29 =	sor.u32 @!p2 $0x1C01, s29;
	s25 =	sshll.u32 @!p2 s25, $0xE;
	s26 =	sadd.s32 @!p2 s10, s26  }
0x262: {  	[hbm:s26@s31], [sflag:s29] =	dma.strided @!p2 [hbm:s28@s31], $0x80, s30, $0x10   }
0x263: {  	s24 =	sor.u32 @!p2 s24, s25;
	_ =	swait.ge @!p2 [sflag:s30], $0x80  }
0x264: {  	s24 =	sshrl.u32 @!p2 s24, $0x3;
	s26 =	rddreg [dreg:$0x9];
	[sflag:s30] =	ssyncset.done @!p2 $0x0  }
0x265: {  	s24 =	sadd.s32 @!p2 s11, s24;
	[sflag:s30] =	ssyncadd.s32 @!p2 $0xFFFFFF80;
	s25 =	sadd.s32 @!p2 s21, s26  }
0x266: {  	[hbm:s24@s31], [sflag:s29] =	dma.strided @!p2 [hbm:s25@s31], $0x100, s30, $0x10   }
0x267: {  	_ =	swait.ge @!p2 [sflag:s30], $0x100  }
0x268: {  	(v2sf) =	vpush v2, $0xD;
	_ =	sdelay $0xd  }
0x269: {  	s26 =	simm.s32 $0x1;
	s29 =	sadd.s32 $0xD, s22  }
0x26a: {  	s25 =	smov.u32 s18;
	p3 =	sle.s32 s29, s17;
	s28 =	spop (v2sf)  }
0x26b: {  	s25 =	simm.s32 @!p3 $0x0;
	p1 =	sgt.s32 s28, s16;
	p3 =	seq.s32 s28, s16  }
0x26c: {  	s26 =	simm.s32 @!p1 $0x0;
	s25 =	simm.s32 @!p3 $0x0  }
0x26d: {  	s24 =	sadd.s32 s26, s25  }
0x26e: {  	s0 =	sadd.s32 s2, s0;
	p1 =	seq.s32 s24, $0x0  }
0x26f: {  	[sflag:s30] =	ssyncset.done @!p2 $0x0;
	s2 =	sadd.s32 @!p1 s19, s0  }
0x270: {  	[sflag:s30] =	ssyncadd.s32 @!p2 $0xFFFFFF00;
	s25 =	sshrl.u32 @!p1 s2, $0x3;
	s2 =	sshll.u32 @!p1 s2, $0x7  }
0x271: {  	s28 =	rddreg [dreg:$0xc];
	s26 =	sshll.u32 @!p1 s25, $0xD;
	s2 =	sand.u32 @!p1 $0x380, s2  }
0x272: {  	s28 =	sadd.s32 @!p1 s20, s28;
	s29 =	sshll.u32 @!p1 s1, $0x6;
	s26 =	sor.u32 @!p1 s2, s26  }
0x273: {  	s30 =	simm.s32 @!p1 $0x1;
	s31 =	simm.s32 @!p1 $0x80;
	s26 =	sshrl.u32 @!p1 s26, $0x3  }
0x274: {  	s29 =	sor.u32 @!p1 $0x1C01, s29;
	s25 =	sshll.u32 @!p1 s25, $0xE;
	s26 =	sadd.s32 @!p1 s10, s26  }
0x275: {  	[hbm:s26@s31], [sflag:s29] =	dma.strided @!p1 [hbm:s28@s31], $0x80, s30, $0x10   }
0x276: {  	s2 =	sor.u32 @!p1 s2, s25;
	_ =	swait.ge @!p1 [sflag:s30], $0x80  }
0x277: {  	s2 =	sshrl.u32 @!p1 s2, $0x3;
	s26 =	rddreg [dreg:$0xb];
	[sflag:s30] =	ssyncset.done @!p1 $0x0  }
0x278: {  	s2 =	sadd.s32 @!p1 s11, s2;
	[sflag:s30] =	ssyncadd.s32 @!p1 $0xFFFFFF80;
	s25 =	sadd.s32 @!p1 s21, s26  }
0x279: {  	[hbm:s2@s31], [sflag:s29] =	dma.strided @!p1 [hbm:s25@s31], $0x100, s30, $0x10   }
0x27a: {  	_ =	swait.ge @!p1 [sflag:s30], $0x100  }
0x27b: {  	(v2sf) =	vpush v2, $0xE;
	_ =	sdelay $0xc  }
0x27c: {  	s28 =	sadd.s32 $0xE, s22  }
0x27d: {  	p3 =	sle.s32 s28, s17  }
0x27e: {  	s26 =	simm.s32 $0x1;
	s25 =	smov.u32 s18;
	s31 =	spop (v2sf)  }
0x27f: {  	s25 =	simm.s32 @!p3 $0x0;
	p2 =	sgt.s32 s31, s16;
	p3 =	seq.s32 s31, s16  }
0x280: {  	s26 =	simm.s32 @!p2 $0x0;
	s25 =	simm.s32 @!p3 $0x0  }
0x281: {  	s2 =	sadd.s32 s26, s25  }
0x282: {  	s0 =	sadd.s32 s24, s0;
	p2 =	seq.s32 s2, $0x0  }
0x283: {  	s28 =	rddreg [dreg:$0xe];
	s24 =	sadd.s32 @!p2 s19, s0  }
0x284: {  	[sflag:s30] =	ssyncset.done @!p1 $0x0;
	s25 =	sshrl.u32 @!p2 s24, $0x3;
	s24 =	sshll.u32 @!p2 s24, $0x7  }
0x285: {  	[sflag:s30] =	ssyncadd.s32 @!p1 $0xFFFFFF00;
	s26 =	sshll.u32 @!p2 s25, $0xD;
	s24 =	sand.u32 @!p2 $0x380, s24  }
0x286: {  	s28 =	sadd.s32 @!p2 s20, s28;
	s29 =	sshll.u32 @!p2 s1, $0x6;
	s26 =	sor.u32 @!p2 s24, s26  }
0x287: {  	s30 =	simm.s32 @!p2 $0x1;
	s31 =	simm.s32 @!p2 $0x80;
	s26 =	sshrl.u32 @!p2 s26, $0x3  }
0x288: {  	s29 =	sor.u32 @!p2 $0x1C01, s29;
	s25 =	sshll.u32 @!p2 s25, $0xE;
	s26 =	sadd.s32 @!p2 s10, s26  }
0x289: {  	[hbm:s26@s31], [sflag:s29] =	dma.strided @!p2 [hbm:s28@s31], $0x80, s30, $0x10   }
0x28a: {  	s24 =	sor.u32 @!p2 s24, s25;
	_ =	swait.ge @!p2 [sflag:s30], $0x80  }
0x28b: {  	s24 =	sshrl.u32 @!p2 s24, $0x3;
	s26 =	rddreg [dreg:$0xd];
	[sflag:s30] =	ssyncset.done @!p2 $0x0  }
0x28c: {  	s24 =	sadd.s32 @!p2 s11, s24;
	[sflag:s30] =	ssyncadd.s32 @!p2 $0xFFFFFF80;
	s25 =	sadd.s32 @!p2 s21, s26  }
0x28d: {  	[hbm:s24@s31], [sflag:s29] =	dma.strided @!p2 [hbm:s25@s31], $0x100, s30, $0x10   }
0x28e: {  	_ =	swait.ge @!p2 [sflag:s30], $0x100  }
0x28f: {  	(v2sf) =	vpush v2, $0xF;
	_ =	sdelay $0xd  }
0x290: {  	s26 =	simm.s32 $0x1;
	s31 =	sadd.s32 $0xF, s22  }
0x291: {  	s25 =	smov.u32 s18;
	p3 =	sle.s32 s31, s17;
	s29 =	spop (v2sf)  }
0x292: {  	s25 =	simm.s32 @!p3 $0x0;
	p1 =	sgt.s32 s29, s16;
	p3 =	seq.s32 s29, s16  }
0x293: {  	s26 =	simm.s32 @!p1 $0x0;
	s25 =	simm.s32 @!p3 $0x0  }
0x294: {  	s24 =	sadd.s32 s26, s25  }
0x295: {  	s0 =	sadd.s32 s2, s0;
	p1 =	seq.s32 s24, $0x0  }
0x296: {  	s28 =	rddreg [dreg:$0x10];
	s2 =	sadd.s32 @!p1 s19, s0  }
0x297: {  	[sflag:s30] =	ssyncset.done @!p2 $0x0;
	s25 =	sshrl.u32 @!p1 s2, $0x3;
	s2 =	sshll.u32 @!p1 s2, $0x7  }
0x298: {  	[sflag:s30] =	ssyncadd.s32 @!p2 $0xFFFFFF00;
	s26 =	sshll.u32 @!p1 s25, $0xD;
	s2 =	sand.u32 @!p1 $0x380, s2  }
0x299: {  	s28 =	sadd.s32 @!p1 s20, s28;
	s29 =	sshll.u32 @!p1 s1, $0x6;
	s26 =	sor.u32 @!p1 s2, s26  }
0x29a: {  	s30 =	simm.s32 @!p1 $0x1;
	s31 =	simm.s32 @!p1 $0x80;
	s26 =	sshrl.u32 @!p1 s26, $0x3  }
0x29b: {  	s29 =	sor.u32 @!p1 $0x1C01, s29;
	s25 =	sshll.u32 @!p1 s25, $0xE;
	s26 =	sadd.s32 @!p1 s10, s26  }
0x29c: {  	[hbm:s26@s31], [sflag:s29] =	dma.strided @!p1 [hbm:s28@s31], $0x80, s30, $0x10   }
0x29d: {  	s2 =	sor.u32 @!p1 s2, s25;
	_ =	swait.ge @!p1 [sflag:s30], $0x80  }
0x29e: {  	s2 =	sshrl.u32 @!p1 s2, $0x3;
	s26 =	rddreg [dreg:$0xf];
	[sflag:s30] =	ssyncset.done @!p1 $0x0  }
0x29f: {  	s2 =	sadd.s32 @!p1 s11, s2;
	[sflag:s30] =	ssyncadd.s32 @!p1 $0xFFFFFF80;
	s25 =	sadd.s32 @!p1 s21, s26  }
0x2a0: {  	[hbm:s2@s31], [sflag:s29] =	dma.strided @!p1 [hbm:s25@s31], $0x100, s30, $0x10   }
0x2a1: {  	_ =	swait.ge @!p1 [sflag:s30], $0x100  }
0x2a2: {  	s20 =	sadd.s32 $0x800, s20;
	[sflag:s30] =	ssyncset.done @!p1 $0x0  }
0x2a3: {  	[sflag:s30] =	ssyncadd.s32 @!p1 $0xFFFFFF00;
	p1 =	sne.s32 s20, $0x4000  }
.Ltmp12:
0x2a4: {  	_ = 	snop;
	(pc) =	sbr.rel @p1 .LBB2_21-.Ltmp12, $3  }
0x2a5: {  	_ =	sdelay $0x1  }
0x2a6: {  	s23 =	sadd.s32 $0x10, s23  }
0x2a7: {  	s22 =	sadd.s32 $0x10, s22;
	s24 =	sadd.s32 s24, s0;
	s21 =	sadd.s32 $0x1000, s21  }
0x2a8: {  	s15 =	sadd.s32 $0x1, s15  }
0x2a9: {  	p1 =	sne.s32 s15, s12  }
.Ltmp13:
0x2aa: {  	_ = 	snop;
	(pc) =	sbr.rel @p1 .LBB2_1-.Ltmp13, $4  }
.Ltmp14:
0x2ab: {  	_ = 	snop;
	(pc) =	sbr.rel @!p1 .LBB2_23-.Ltmp14, $4  }
0x2ac: {  	_ = 	snop  }
0x2ad: {  	_ = 	snop  }
0x2ae: {  	_ = 	snop  }
0x2af: {  	_ = 	snop  }
.LBB2_2:
.Ltmp15:
0x2b0: {  	(pc) =	sbr.rel .LBB2_5-.Ltmp15, $2  }
0x2b1: {  	_ =	sdelay $0x2  }
0x2b2: {  	s16 =	simm.s32 $0x0  }
.LBB2_23:
0x2b3: {  	_ =	sfence.sel $0x180000  }
0x2b4: {  	[bflag:$0x0] =	sbarrier.arrive $0xFFFF  }
0x2b5: {  	_ =	strace $0x90000047  }
0x2b6: {  	[bflag:$0x2] =	sbarrier.arrive $0xFFFF  }
0x2b7: {  	p0 =	sne.s32 s1, $0x0;
	s0 =	rddreg [dreg:$0x2]  }
0x2b8: {  	s0 =	sadd.s32 @!p0 $0x100000, s0  }
0x2b9: {  	[sflag:s0] =	ssyncadd.tile.s32 @!p0 $0x1;
	_ =	shalt  }
.Lfunc_end2:
_tile_overlayer_lowered:
.L_overlay_start_2:
0x2ba: {  	(tag) =	ssettag $0x2  }
0x2bb: {  	s0 =	rddreg [dreg:$0x0];
	s2 =	stileid.u32  }
0x2bc: {  	s1 =	rddreg [dreg:$0x1];
	p0 =	sne.s32 s2, $0x0  }
0x2bd: {  	s3 =	rddreg [dreg:$0x2];
	[bflag:$0x3] =	sbarrier.arrive $0xFFFF;
	s2 =	simm.s32 @!p0 $0x1C01  }
0x2be: {  	[timem:s3], [sflag:s2] =	dma.local @!p0 [hbm:s0], s1  }
0x2bf: {  	s0 =	simm.s32 @!p0 $0x1  }
0x2c0: {  	_ =	swait.ge @!p0 [sflag:s0], s1  }
0x2c1: {  	s1 =	ssub.s32 @!p0 $0x0, s1;
	[sflag:s0] =	ssyncset.done @!p0 $0x0  }
0x2c2: {  	[sflag:s0] =	ssyncadd.s32 @!p0 s1  }
0x2c3: {  	[bflag:$0x3] =	sbarrier.arrive $0xFFFF  }
0x2c4: {  	_ =	shalt  }

</sc_bundles>
